<compile_context>
chip_gen: v7x
topology: tpu7x:2x2x1
jax: 0.10.2.dev20260603
libtpu: 0.0.44.dev20260713+nightly
codegen_flags: <defaults>
</compile_context>

<pallas_src>
import functools

import jax
import jax.numpy as jnp
from jax import lax
from jax.experimental import pallas as pl
from jax.experimental.pallas import tpu as pltpu
from jax.experimental.pallas import tpu_sc as plsc

T = 2048
D = 1024
DFF = 768
E = 8
K = 2
NPAIR = T * K
BT = 256
NBUF = NPAIR + E * BT
NT = NBUF // BT - 1

NC = 2
NS = 16
LANES = 16
PAIRS_PER_SUB = NPAIR // NS
ROWS_PER_TILE = NBUF // (NC * NS)
GCHUNK = 48
TOK_PER_TILE = T // (NC * NS)
CCHUNK = 32
RB = 128


def _router_body(x_ref, gw_ref, pos_ref, w_ref, texp_ref):
    x = x_ref[...]
    gw = gw_ref[...]
    logits = lax.dot_general(
        x, gw, (((1,), (1,)), ((), ())), preferred_element_type=jnp.float32
    )
    iota = lax.broadcasted_iota(jnp.int32, (T, E), 1)
    m1 = jnp.max(logits, axis=1, keepdims=True)
    i1 = jnp.min(jnp.where(logits == m1, iota, E), axis=1, keepdims=True)
    oh1 = (iota == i1).astype(jnp.float32)
    lm = jnp.where(iota == i1, -jnp.inf, logits)
    m2 = jnp.max(lm, axis=1, keepdims=True)
    i2 = jnp.min(jnp.where(lm == m2, iota, E), axis=1, keepdims=True)
    oh2 = (iota == i2).astype(jnp.float32)
    e2 = jnp.exp(m2 - m1)
    sden = 1.0 + e2
    w_ref[...] = jnp.concatenate([1.0 / sden, e2 / sden], axis=1)

    ohsum = oh1 + oh2

    r_i = lax.broadcasted_iota(jnp.int32, (RB, RB), 0)
    c_i = lax.broadcasted_iota(jnp.int32, (RB, RB), 1)
    ltri = (c_i < r_i).astype(jnp.float32)
    nblk = T // RB
    s_blocks = []
    bsums = []
    for b in range(nblk):
        blk = ohsum[b * RB:(b + 1) * RB, :]
        s_blocks.append(
            lax.dot_general(ltri, blk, (((1,), (0,)), ((), ())),
                            preferred_element_type=jnp.float32))
        bsums.append(jnp.sum(blk, axis=0, keepdims=True))
    bs = jnp.concatenate(bsums, axis=0)
    rb_i = lax.broadcasted_iota(jnp.int32, (nblk, nblk), 0)
    cb_i = lax.broadcasted_iota(jnp.int32, (nblk, nblk), 1)
    ltri_b = (cb_i < rb_i).astype(jnp.float32)
    bpre = lax.dot_general(ltri_b, bs, (((1,), (0,)), ((), ())),
                           preferred_element_type=jnp.float32)
    s_excl = jnp.concatenate(
        [s_blocks[b] + bpre[b:b + 1, :] for b in range(nblk)], axis=0)

    ones_t = jnp.ones((T, 1), jnp.float32)
    counts_col = lax.dot_general(ohsum, ones_t, (((0,), (0,)), ((), ())),
                                 preferred_element_type=jnp.float32)
    tiles_col = jnp.floor((counts_col + (BT - 1)) * (1.0 / BT))
    e_r = lax.broadcasted_iota(jnp.int32, (E, E), 0)
    e_c = lax.broadcasted_iota(jnp.int32, (E, E), 1)
    ltri_e = (e_c < e_r).astype(jnp.float32)
    base_col = lax.dot_general(ltri_e, tiles_col, (((1,), (0,)), ((), ())),
                               preferred_element_type=jnp.float32)
    base_row = lax.dot_general(tiles_col, ltri_e, (((0,), (1,)), ((), ())),
                               preferred_element_type=jnp.float32)
    base_slot_row = base_row * float(BT)

    pos1 = jnp.sum(oh1 * (base_slot_row + s_excl), axis=1, keepdims=True)
    pos2 = jnp.sum(oh2 * (base_slot_row + s_excl + oh1), axis=1, keepdims=True)
    pos_ref[...] = jnp.concatenate([pos1, pos2], axis=1).astype(jnp.int32)

    end_col = base_col + tiles_col
    t_iota = lax.broadcasted_iota(jnp.int32, (E, 2 * LANES), 1).astype(
        jnp.float32)
    ge = (t_iota >= end_col).astype(jnp.float32)
    texp = jnp.sum(ge, axis=0, keepdims=True)
    texp_ref[...] = jnp.minimum(texp, float(E - 1)).astype(jnp.int32)


def _scatter_body(pos_hbm, w_hbm, gidx_hbm, wslot_hbm, pos_v, w_v, tok_v,
                  sem_a, sem_b):
    c = lax.axis_index("c")
    s = lax.axis_index("s")
    wid = s * NC + c
    iota16 = lax.broadcasted_iota(jnp.int32, (LANES,), 0)

    def splat(v):
        return jnp.full((LANES,), v, jnp.int32)

    one_vec = splat(1)

    pltpu.sync_copy(pos_hbm.at[wid], pos_v)
    pltpu.sync_copy(w_hbm.at[wid], w_v)
    for v in range(8):
        base_pair = wid * 128 + v * LANES
        tok_v[0, pl.ds(v * LANES, LANES)] = (iota16 + splat(base_pair)) >> one_vec

    pltpu.sync_copy(tok_v.at[0], gidx_hbm.at[pos_v.at[0]])
    pltpu.sync_copy(w_v.at[0], wslot_hbm.at[pos_v.at[0]])


def _scatter(pos_r, w_r):
    mesh = plsc.VectorSubcoreMesh(core_axis_name="c", subcore_axis_name="s")
    return pl.kernel(
        _scatter_body,
        out_type=(
            jax.ShapeDtypeStruct((NBUF,), jnp.int32),
            jax.ShapeDtypeStruct((NBUF,), jnp.float32),
        ),
        mesh=mesh,
        scratch_types=[
            pltpu.VMEM((1, 128), jnp.int32),
            pltpu.VMEM((1, 128), jnp.float32),
            pltpu.VMEM((1, 128), jnp.int32),
            pltpu.SemaphoreType.DMA,
            pltpu.SemaphoreType.DMA,
        ],
    )(pos_r, w_r)


def _gather_body(gidx_hbm, x_hbm, xg_hbm, gidx_v, rows_a, rows_b,
                 sem_a, sem_b, sem_w):
    c = lax.axis_index("c")
    s = lax.axis_index("s")
    wid = s * NC + c

    def splat(v):
        return jnp.full((LANES,), v, jnp.int32)

    base = wid * ROWS_PER_TILE
    nch = ROWS_PER_TILE // GCHUNK
    for g in range(nch):
        pltpu.sync_copy(
            gidx_hbm.at[pl.ds(base + g * GCHUNK, GCHUNK)], gidx_v.at[g])
    for g in range(nch):
        for i in range(GCHUNK // LANES):
            v = gidx_v[g, pl.ds(i * LANES, LANES)]
            gidx_v[g, pl.ds(i * LANES, LANES)] = jnp.minimum(
                jnp.maximum(v, splat(0)), splat(T - 1)
            )

    bufs = [rows_a, rows_b]
    gsems = [sem_a, sem_b]
    writes = [None] * nch
    for g in range(nch):
        if g >= 2:
            writes[g - 2].wait()
        pltpu.async_copy(x_hbm.at[gidx_v.at[g]], bufs[g % 2], gsems[g % 2]).wait()
        writes[g] = pltpu.async_copy(
            bufs[g % 2], xg_hbm.at[pl.ds(base + g * GCHUNK, GCHUNK)], sem_w)
    writes[nch - 2].wait()
    writes[nch - 1].wait()


def _gather(gidx, x):
    mesh = plsc.VectorSubcoreMesh(core_axis_name="c", subcore_axis_name="s")
    return pl.kernel(
        _gather_body,
        out_type=jax.ShapeDtypeStruct((NBUF, D), jnp.float32),
        mesh=mesh,
        scratch_types=[
            pltpu.VMEM((ROWS_PER_TILE // GCHUNK, GCHUNK), jnp.int32),
            pltpu.VMEM((GCHUNK, D), jnp.float32),
            pltpu.VMEM((GCHUNK, D), jnp.float32),
            pltpu.SemaphoreType.DMA,
            pltpu.SemaphoreType.DMA,
            pltpu.SemaphoreType.DMA,
        ],
    )(gidx, x)


def _ffn_body(texp_ref, xg_ref, ws_ref, wg_ref, wu_ref, wd_ref, out_ref):
    x = xg_ref[...].astype(jnp.bfloat16)
    wg = wg_ref[0].astype(jnp.bfloat16)
    wu = wu_ref[0].astype(jnp.bfloat16)
    wd = wd_ref[0].astype(jnp.bfloat16)
    g = lax.dot_general(
        x, wg, (((1,), (1,)), ((), ())), preferred_element_type=jnp.float32
    )
    u = lax.dot_general(
        x, wu, (((1,), (1,)), ((), ())), preferred_element_type=jnp.float32
    )
    act = (g * (1.0 / (1.0 + jnp.exp(-g)))) * u * ws_ref[...]
    out_ref[...] = jnp.dot(
        act.astype(jnp.bfloat16), wd, preferred_element_type=jnp.float32
    )


def _ffn(texp, xg, wslot2d, w_gate, w_up, w_down):
    grid_spec = pltpu.PrefetchScalarGridSpec(
        num_scalar_prefetch=1,
        grid=(NT,),
        in_specs=[
            pl.BlockSpec((BT, D), lambda i, texp: (i, 0)),
            pl.BlockSpec((BT, 1), lambda i, texp: (i, 0)),
            pl.BlockSpec((1, DFF, D), lambda i, texp: (texp[i], 0, 0)),
            pl.BlockSpec((1, DFF, D), lambda i, texp: (texp[i], 0, 0)),
            pl.BlockSpec((1, DFF, D), lambda i, texp: (texp[i], 0, 0)),
        ],
        out_specs=pl.BlockSpec((BT, D), lambda i, texp: (i, 0)),
    )
    return pl.pallas_call(
        _ffn_body,
        grid_spec=grid_spec,
        out_shape=jax.ShapeDtypeStruct((NBUF, D), jnp.float32),
        compiler_params=pltpu.CompilerParams(
            dimension_semantics=("arbitrary",),
        ),
    )(texp, xg, wslot2d, w_gate, w_up, w_down)


def _combine_body(pos0_hbm, pos1_hbm, ob_hbm, out_hbm, idx0_v, idx1_v,
                  buf1, buf2, out_v, sem0, sem1):
    c = lax.axis_index("c")
    s = lax.axis_index("s")
    wid = s * NC + c
    for ch in range(TOK_PER_TILE // CCHUNK):
        tb = wid * TOK_PER_TILE + ch * CCHUNK
        pltpu.sync_copy(pos0_hbm.at[pl.ds(tb, CCHUNK)], idx0_v)
        pltpu.sync_copy(pos1_hbm.at[pl.ds(tb, CCHUNK)], idx1_v)
        cp0 = pltpu.async_copy(ob_hbm.at[idx0_v], buf1, sem0)
        cp1 = pltpu.async_copy(ob_hbm.at[idx1_v], buf2, sem1)
        cp0.wait()
        cp1.wait()

        def body(i, _):
            for j in range(D // LANES):
                sl = pl.ds(j * LANES, LANES)
                out_v[i, sl] = buf1[i, sl] + buf2[i, sl]
            return 0

        lax.fori_loop(0, CCHUNK, body, 0)
        pltpu.sync_copy(out_v, out_hbm.at[pl.ds(tb, CCHUNK)])


def _combine(pos0, pos1, ob):
    mesh = plsc.VectorSubcoreMesh(core_axis_name="c", subcore_axis_name="s")
    return pl.kernel(
        _combine_body,
        out_type=jax.ShapeDtypeStruct((T, D), jnp.float32),
        mesh=mesh,
        scratch_types=[
            pltpu.VMEM((CCHUNK,), jnp.int32),
            pltpu.VMEM((CCHUNK,), jnp.int32),
            pltpu.VMEM((CCHUNK, D), jnp.float32),
            pltpu.VMEM((CCHUNK, D), jnp.float32),
            pltpu.VMEM((CCHUNK, D), jnp.float32),
            pltpu.SemaphoreType.DMA,
            pltpu.SemaphoreType.DMA,
        ],
    )(pos0, pos1, ob)


@jax.jit
def kernel(hidden_states, gathered_experts_out_buf, gate_w, w_gate, w_up, w_down):
    x = hidden_states.reshape(T, D)
    pos2d, w2, texp2d = pl.pallas_call(
        _router_body,
        out_shape=(
            jax.ShapeDtypeStruct((T, K), jnp.int32),
            jax.ShapeDtypeStruct((T, K), jnp.float32),
            jax.ShapeDtypeStruct((1, 2 * LANES), jnp.int32),
        ),
    )(x, gate_w)

    pos_r = pos2d.reshape(NC * NS, 1, 128)
    w_r = w2.reshape(NC * NS, 1, 128)
    gidx, wslot = _scatter(pos_r, w_r)
    xg = _gather(gidx, x)

    texp = texp2d.reshape(2 * LANES)
    ob = _ffn(texp, xg, wslot.reshape(NBUF, 1), w_gate, w_up, w_down)

    final = _combine(pos2d[:, 0], pos2d[:, 1], ob)
    return final.reshape(hidden_states.shape)

# --- scband reference (transcript-rebuilt; emitter-appended) ---
"""Pipeline reference for scband-qwen3-moe-sparse-moe-block-50397146251458 (READ-ONLY COPY).

The authoritative reference and input builder live on the scoring server;
editing this copy changes nothing except your own understanding.
"""

import jax, jax.numpy as jnp
import numpy as np

T = 2048
D = 1024
DFF = 768
E = 8
K = 2


def setup_inputs(seed: int = 0) -> dict:
    key = jax.random.key(seed)
    ks = jax.random.split(key, 5)
    return {
        "hidden_states": jax.random.normal(ks[0], (T, D), dtype=jnp.float32),
        "gathered_experts_out_buf": jnp.zeros((T, K, D), dtype=jnp.float32),
        "gate_w": jax.random.normal(ks[1], (E, D), dtype=jnp.float32) * 0.02,
        "w_gate": jax.random.normal(ks[2], (E, DFF, D), dtype=jnp.float32) * 0.02,
        "w_up": jax.random.normal(ks[3], (E, DFF, D), dtype=jnp.float32) * 0.02,
        "w_down": jax.random.normal(ks[4], (E, DFF, D), dtype=jnp.float32) * 0.02,
    }


def reference(hidden_states, gathered_experts_out_buf, gate_w, w_gate, w_up, w_down):
    orig_shape = hidden_states.shape
    x = hidden_states.reshape(-1, D)
    # router: gate matmul + softmax (default_dtype = float32)
    router_logits = x @ gate_w.T
    probs = jax.nn.softmax(router_logits.astype(jnp.float32), axis=-1)
    # top-k routing (sorted order irrelevant for the weighted sum)
    routing_weights, selected_experts = jax.lax.top_k(probs, K)
    # norm_topk_prob = True
    routing_weights = routing_weights / jnp.sum(routing_weights, axis=-1, keepdims=True)
    # fused MoE experts: SwiGLU FFN per expert, computed densely then gathered
    h_g = jnp.einsum('td,efd->tef', x, w_gate)
    h_u = jnp.einsum('td,efd->tef', x, w_up)
    act = jax.nn.silu(h_g) * h_u
    out_all = jnp.einsum('tef,efd->ted', act, w_down)  # [T, E, D]
    gathered = jnp.take_along_axis(out_all, selected_experts[:, :, None], axis=1)  # [T, K, D]
    # gathered_experts_out_buf is a scratch output buffer in the torch module (overwritten)
    gathered = gathered + gathered_experts_out_buf * 0.0
    # combine: bmm(gathered^T, routing_weights) == weighted sum over top-k
    final = jnp.sum(gathered * routing_weights[:, :, None], axis=1)
    return final.reshape(orig_shape)

if __name__ == "__main__":
    import jax
    _d = setup_inputs()
    print(jax.jit(kernel)(*tuple(_d.values())))

</pallas_src>

<mosaic_0001>
#map = affine_map<(d0, d1) -> (0)>
#map1 = affine_map<(d0, d1) -> (0, 0)>
module attributes {stable_mosaic.version = 14 : i64} {
  func.func @_gather_body(%arg0: i32, %arg1: i32, %arg2: memref<6144xi32, #tpu.memory_space<hbm>>, %arg3: memref<2048x1024xf32, #tpu.memory_space<hbm>>, %arg4: memref<6144x1024xf32, #tpu.memory_space<hbm>>, %arg5: memref<4x48xi32, #tpu.memory_space<vmem>>, %arg6: memref<48x1024xf32, #tpu.memory_space<vmem>>, %arg7: memref<48x1024xf32, #tpu.memory_space<vmem>>, %arg8: memref<!tpu.dma_semaphore, #tpu.memory_space<semaphore_mem>>, %arg9: memref<!tpu.dma_semaphore, #tpu.memory_space<semaphore_mem>>, %arg10: memref<!tpu.dma_semaphore, #tpu.memory_space<semaphore_mem>>) attributes {dimension_semantics = [#tpu.dimension_semantics<core_parallel>, #tpu.dimension_semantics<subcore_parallel>], iteration_bounds = array<i64: 2, 16>, scalar_prefetch = 0 : i64, scratch_operands = 6 : i64, tpu.core_type = #tpu.core_type<sc_vector_subcore>, window_params = [{transform_indices = #map}, {transform_indices = #map1}, {transform_indices = #map1}]} {
    %mul3A = arith.constant 2 : i32
    %mul3A_0 = arith.muli %arg1, %mul3A : i32
    %add3A = arith.addi %mul3A_0, %arg0 : i32
    %mul3A_1 = arith.constant 192 : i32
    %mul3A_2 = arith.muli %add3A, %mul3A_1 : i32
    %add3A_3 = arith.constant 0 : i32
    %add3A_4 = arith.addi %mul3A_2, %add3A_3 : i32
    %run_scoped3A = arith.constant 0 : i32
    "tpu.region"() ({
      %run_scoped3A_307 = tpu.sem_alloc : memref<!tpu.dma_semaphore, #tpu.memory_space<semaphore_mem>>
      %dma_start3A_308 = arith.constant 0 : i32
      %dma_start3A_309 = tpu.memref_slice %arg5[%run_scoped3A, %dma_start3A_308] : memref<4x48xi32, #tpu.memory_space<vmem>> -> memref<1x48xi32, #tpu.memory_space<vmem>>
      %dma_start3A_310 = tpu.memref_squeeze %dma_start3A_309 : memref<1x48xi32, #tpu.memory_space<vmem>> -> memref<48xi32, #tpu.memory_space<vmem>>
      %dma_start3A_311 = tpu.memref_slice %arg2[%add3A_4] : memref<6144xi32, #tpu.memory_space<hbm>> -> memref<48xi32, #tpu.memory_space<hbm>>
      %dma_start3A_312 = arith.constant 0 : i32
      %dma_start3A_313 = tpu.memref_slice %arg5[%run_scoped3A, %dma_start3A_312] : memref<4x48xi32, #tpu.memory_space<vmem>> -> memref<1x48xi32, #tpu.memory_space<vmem>>
      %dma_start3A_314 = tpu.memref_squeeze %dma_start3A_313 : memref<1x48xi32, #tpu.memory_space<vmem>> -> memref<48xi32, #tpu.memory_space<vmem>>
      %dma_start3A_315 = tpu.memref_slice %arg2[%add3A_4] : memref<6144xi32, #tpu.memory_space<hbm>> -> memref<48xi32, #tpu.memory_space<hbm>>
      tpu.enqueue_dma source(%dma_start3A_315 : memref<48xi32, #tpu.memory_space<hbm>>) target(%dma_start3A_314 : memref<48xi32, #tpu.memory_space<vmem>>) target_semaphore(%run_scoped3A_307 : memref<!tpu.dma_semaphore, #tpu.memory_space<semaphore_mem>>)
      %dma_wait3A_316 = arith.constant 0 : i32
      %dma_wait3A_317 = tpu.memref_slice %arg5[%run_scoped3A, %dma_wait3A_316] : memref<4x48xi32, #tpu.memory_space<vmem>> -> memref<1x48xi32, #tpu.memory_space<vmem>>
      %dma_wait3A_318 = tpu.memref_squeeze %dma_wait3A_317 : memref<1x48xi32, #tpu.memory_space<vmem>> -> memref<48xi32, #tpu.memory_space<vmem>>
      %dma_wait3A_319 = tpu.memref_slice %arg2[%add3A_4] : memref<6144xi32, #tpu.memory_space<hbm>> -> memref<48xi32, #tpu.memory_space<hbm>>
      %dma_wait3A_320 = arith.constant 0 : i32
      %dma_wait3A_321 = tpu.memref_slice %arg5[%run_scoped3A, %dma_wait3A_320] : memref<4x48xi32, #tpu.memory_space<vmem>> -> memref<1x48xi32, #tpu.memory_space<vmem>>
      %dma_wait3A_322 = tpu.memref_squeeze %dma_wait3A_321 : memref<1x48xi32, #tpu.memory_space<vmem>> -> memref<48xi32, #tpu.memory_space<vmem>>
      %dma_wait3A_323 = tpu.memref_slice %arg2[%add3A_4] : memref<6144xi32, #tpu.memory_space<hbm>> -> memref<48xi32, #tpu.memory_space<hbm>>
      tpu.wait_dma2 semaphore(%run_scoped3A_307 : memref<!tpu.dma_semaphore, #tpu.memory_space<semaphore_mem>>) src(%dma_wait3A_323 : memref<48xi32, #tpu.memory_space<hbm>>) dst(%dma_wait3A_322 : memref<48xi32, #tpu.memory_space<vmem>>)
      tpu.yield
    }) : () -> ()
    %add3A_5 = arith.constant 48 : i32
    %add3A_6 = arith.addi %mul3A_2, %add3A_5 : i32
    %run_scoped3A_7 = arith.constant 1 : i32
    "tpu.region"() ({
      %run_scoped3A_307 = tpu.sem_alloc : memref<!tpu.dma_semaphore, #tpu.memory_space<semaphore_mem>>
      %dma_start3A_308 = arith.constant 0 : i32
      %dma_start3A_309 = tpu.memref_slice %arg5[%run_scoped3A_7, %dma_start3A_308] : memref<4x48xi32, #tpu.memory_space<vmem>> -> memref<1x48xi32, #tpu.memory_space<vmem>>
      %dma_start3A_310 = tpu.memref_squeeze %dma_start3A_309 : memref<1x48xi32, #tpu.memory_space<vmem>> -> memref<48xi32, #tpu.memory_space<vmem>>
      %dma_start3A_311 = tpu.memref_slice %arg2[%add3A_6] : memref<6144xi32, #tpu.memory_space<hbm>> -> memref<48xi32, #tpu.memory_space<hbm>>
      %dma_start3A_312 = arith.constant 0 : i32
      %dma_start3A_313 = tpu.memref_slice %arg5[%run_scoped3A_7, %dma_start3A_312] : memref<4x48xi32, #tpu.memory_space<vmem>> -> memref<1x48xi32, #tpu.memory_space<vmem>>
      %dma_start3A_314 = tpu.memref_squeeze %dma_start3A_313 : memref<1x48xi32, #tpu.memory_space<vmem>> -> memref<48xi32, #tpu.memory_space<vmem>>
      %dma_start3A_315 = tpu.memref_slice %arg2[%add3A_6] : memref<6144xi32, #tpu.memory_space<hbm>> -> memref<48xi32, #tpu.memory_space<hbm>>
      tpu.enqueue_dma source(%dma_start3A_315 : memref<48xi32, #tpu.memory_space<hbm>>) target(%dma_start3A_314 : memref<48xi32, #tpu.memory_space<vmem>>) target_semaphore(%run_scoped3A_307 : memref<!tpu.dma_semaphore, #tpu.memory_space<semaphore_mem>>)
      %dma_wait3A_316 = arith.constant 0 : i32
      %dma_wait3A_317 = tpu.memref_slice %arg5[%run_scoped3A_7, %dma_wait3A_316] : memref<4x48xi32, #tpu.memory_space<vmem>> -> memref<1x48xi32, #tpu.memory_space<vmem>>
      %dma_wait3A_318 = tpu.memref_squeeze %dma_wait3A_317 : memref<1x48xi32, #tpu.memory_space<vmem>> -> memref<48xi32, #tpu.memory_space<vmem>>
      %dma_wait3A_319 = tpu.memref_slice %arg2[%add3A_6] : memref<6144xi32, #tpu.memory_space<hbm>> -> memref<48xi32, #tpu.memory_space<hbm>>
      %dma_wait3A_320 = arith.constant 0 : i32
      %dma_wait3A_321 = tpu.memref_slice %arg5[%run_scoped3A_7, %dma_wait3A_320] : memref<4x48xi32, #tpu.memory_space<vmem>> -> memref<1x48xi32, #tpu.memory_space<vmem>>
      %dma_wait3A_322 = tpu.memref_squeeze %dma_wait3A_321 : memref<1x48xi32, #tpu.memory_space<vmem>> -> memref<48xi32, #tpu.memory_space<vmem>>
      %dma_wait3A_323 = tpu.memref_slice %arg2[%add3A_6] : memref<6144xi32, #tpu.memory_space<hbm>> -> memref<48xi32, #tpu.memory_space<hbm>>
      tpu.wait_dma2 semaphore(%run_scoped3A_307 : memref<!tpu.dma_semaphore, #tpu.memory_space<semaphore_mem>>) src(%dma_wait3A_323 : memref<48xi32, #tpu.memory_space<hbm>>) dst(%dma_wait3A_322 : memref<48xi32, #tpu.memory_space<vmem>>)
      tpu.yield
    }) : () -> ()
    %add3A_8 = arith.constant 96 : i32
    %add3A_9 = arith.addi %mul3A_2, %add3A_8 : i32
    %run_scoped3A_10 = arith.constant 2 : i32
    "tpu.region"() ({
      %run_scoped3A_307 = tpu.sem_alloc : memref<!tpu.dma_semaphore, #tpu.memory_space<semaphore_mem>>
      %dma_start3A_308 = arith.constant 0 : i32
      %dma_start3A_309 = tpu.memref_slice %arg5[%run_scoped3A_10, %dma_start3A_308] : memref<4x48xi32, #tpu.memory_space<vmem>> -> memref<1x48xi32, #tpu.memory_space<vmem>>
      %dma_start3A_310 = tpu.memref_squeeze %dma_start3A_309 : memref<1x48xi32, #tpu.memory_space<vmem>> -> memref<48xi32, #tpu.memory_space<vmem>>
      %dma_start3A_311 = tpu.memref_slice %arg2[%add3A_9] : memref<6144xi32, #tpu.memory_space<hbm>> -> memref<48xi32, #tpu.memory_space<hbm>>
      %dma_start3A_312 = arith.constant 0 : i32
      %dma_start3A_313 = tpu.memref_slice %arg5[%run_scoped3A_10, %dma_start3A_312] : memref<4x48xi32, #tpu.memory_space<vmem>> -> memref<1x48xi32, #tpu.memory_space<vmem>>
      %dma_start3A_314 = tpu.memref_squeeze %dma_start3A_313 : memref<1x48xi32, #tpu.memory_space<vmem>> -> memref<48xi32, #tpu.memory_space<vmem>>
      %dma_start3A_315 = tpu.memref_slice %arg2[%add3A_9] : memref<6144xi32, #tpu.memory_space<hbm>> -> memref<48xi32, #tpu.memory_space<hbm>>
      tpu.enqueue_dma source(%dma_start3A_315 : memref<48xi32, #tpu.memory_space<hbm>>) target(%dma_start3A_314 : memref<48xi32, #tpu.memory_space<vmem>>) target_semaphore(%run_scoped3A_307 : memref<!tpu.dma_semaphore, #tpu.memory_space<semaphore_mem>>)
      %dma_wait3A_316 = arith.constant 0 : i32
      %dma_wait3A_317 = tpu.memref_slice %arg5[%run_scoped3A_10, %dma_wait3A_316] : memref<4x48xi32, #tpu.memory_space<vmem>> -> memref<1x48xi32, #tpu.memory_space<vmem>>
      %dma_wait3A_318 = tpu.memref_squeeze %dma_wait3A_317 : memref<1x48xi32, #tpu.memory_space<vmem>> -> memref<48xi32, #tpu.memory_space<vmem>>
      %dma_wait3A_319 = tpu.memref_slice %arg2[%add3A_9] : memref<6144xi32, #tpu.memory_space<hbm>> -> memref<48xi32, #tpu.memory_space<hbm>>
      %dma_wait3A_320 = arith.constant 0 : i32
      %dma_wait3A_321 = tpu.memref_slice %arg5[%run_scoped3A_10, %dma_wait3A_320] : memref<4x48xi32, #tpu.memory_space<vmem>> -> memref<1x48xi32, #tpu.memory_space<vmem>>
      %dma_wait3A_322 = tpu.memref_squeeze %dma_wait3A_321 : memref<1x48xi32, #tpu.memory_space<vmem>> -> memref<48xi32, #tpu.memory_space<vmem>>
      %dma_wait3A_323 = tpu.memref_slice %arg2[%add3A_9] : memref<6144xi32, #tpu.memory_space<hbm>> -> memref<48xi32, #tpu.memory_space<hbm>>
      tpu.wait_dma2 semaphore(%run_scoped3A_307 : memref<!tpu.dma_semaphore, #tpu.memory_space<semaphore_mem>>) src(%dma_wait3A_323 : memref<48xi32, #tpu.memory_space<hbm>>) dst(%dma_wait3A_322 : memref<48xi32, #tpu.memory_space<vmem>>)
      tpu.yield
    }) : () -> ()
    %add3A_11 = arith.constant 144 : i32
    %add3A_12 = arith.addi %mul3A_2, %add3A_11 : i32
    %run_scoped3A_13 = arith.constant 3 : i32
    "tpu.region"() ({
      %run_scoped3A_307 = tpu.sem_alloc : memref<!tpu.dma_semaphore, #tpu.memory_space<semaphore_mem>>
      %dma_start3A_308 = arith.constant 0 : i32
      %dma_start3A_309 = tpu.memref_slice %arg5[%run_scoped3A_13, %dma_start3A_308] : memref<4x48xi32, #tpu.memory_space<vmem>> -> memref<1x48xi32, #tpu.memory_space<vmem>>
      %dma_start3A_310 = tpu.memref_squeeze %dma_start3A_309 : memref<1x48xi32, #tpu.memory_space<vmem>> -> memref<48xi32, #tpu.memory_space<vmem>>
      %dma_start3A_311 = tpu.memref_slice %arg2[%add3A_12] : memref<6144xi32, #tpu.memory_space<hbm>> -> memref<48xi32, #tpu.memory_space<hbm>>
      %dma_start3A_312 = arith.constant 0 : i32
      %dma_start3A_313 = tpu.memref_slice %arg5[%run_scoped3A_13, %dma_start3A_312] : memref<4x48xi32, #tpu.memory_space<vmem>> -> memref<1x48xi32, #tpu.memory_space<vmem>>
      %dma_start3A_314 = tpu.memref_squeeze %dma_start3A_313 : memref<1x48xi32, #tpu.memory_space<vmem>> -> memref<48xi32, #tpu.memory_space<vmem>>
      %dma_start3A_315 = tpu.memref_slice %arg2[%add3A_12] : memref<6144xi32, #tpu.memory_space<hbm>> -> memref<48xi32, #tpu.memory_space<hbm>>
      tpu.enqueue_dma source(%dma_start3A_315 : memref<48xi32, #tpu.memory_space<hbm>>) target(%dma_start3A_314 : memref<48xi32, #tpu.memory_space<vmem>>) target_semaphore(%run_scoped3A_307 : memref<!tpu.dma_semaphore, #tpu.memory_space<semaphore_mem>>)
      %dma_wait3A_316 = arith.constant 0 : i32
      %dma_wait3A_317 = tpu.memref_slice %arg5[%run_scoped3A_13, %dma_wait3A_316] : memref<4x48xi32, #tpu.memory_space<vmem>> -> memref<1x48xi32, #tpu.memory_space<vmem>>
      %dma_wait3A_318 = tpu.memref_squeeze %dma_wait3A_317 : memref<1x48xi32, #tpu.memory_space<vmem>> -> memref<48xi32, #tpu.memory_space<vmem>>
      %dma_wait3A_319 = tpu.memref_slice %arg2[%add3A_12] : memref<6144xi32, #tpu.memory_space<hbm>> -> memref<48xi32, #tpu.memory_space<hbm>>
      %dma_wait3A_320 = arith.constant 0 : i32
      %dma_wait3A_321 = tpu.memref_slice %arg5[%run_scoped3A_13, %dma_wait3A_320] : memref<4x48xi32, #tpu.memory_space<vmem>> -> memref<1x48xi32, #tpu.memory_space<vmem>>
      %dma_wait3A_322 = tpu.memref_squeeze %dma_wait3A_321 : memref<1x48xi32, #tpu.memory_space<vmem>> -> memref<48xi32, #tpu.memory_space<vmem>>
      %dma_wait3A_323 = tpu.memref_slice %arg2[%add3A_12] : memref<6144xi32, #tpu.memory_space<hbm>> -> memref<48xi32, #tpu.memory_space<hbm>>
      tpu.wait_dma2 semaphore(%run_scoped3A_307 : memref<!tpu.dma_semaphore, #tpu.memory_space<semaphore_mem>>) src(%dma_wait3A_323 : memref<48xi32, #tpu.memory_space<hbm>>) dst(%dma_wait3A_322 : memref<48xi32, #tpu.memory_space<vmem>>)
      tpu.yield
    }) : () -> ()
    %get3A = arith.constant 0 : i32
    %get3A_14 = arith.index_cast %get3A : i32 to index
    %get3A_15 = arith.constant 0 : index
    %get3A_16 = tpu.vector_load %arg5[%get3A_14, %get3A_15] {strides = array<i32>} : memref<4x48xi32, #tpu.memory_space<vmem>>, vector<1x16xi32>,
    %get3A_17 = vector.shape_cast %get3A_16 : vector<1x16xi32> to vector<16xi32>
    %broadcast_in_dim3A = arith.constant 0 : i32
    %broadcast_in_dim3A_18 = vector.broadcast %broadcast_in_dim3A : i32 to vector<16xi32>
    %max3A = arith.maxsi %get3A_17, %broadcast_in_dim3A_18 : vector<16xi32>
    %broadcast_in_dim3A_19 = arith.constant 2047 : i32
    %broadcast_in_dim3A_20 = vector.broadcast %broadcast_in_dim3A_19 : i32 to vector<16xi32>
    %min3A = arith.minsi %max3A, %broadcast_in_dim3A_20 : vector<16xi32>
    %swap3A = arith.constant 0 : i32
    %swap3A_21 = arith.index_cast %swap3A : i32 to index
    %swap3A_22 = arith.constant 0 : index
    %swap3A_23 = tpu.vector_load %arg5[%swap3A_21, %swap3A_22] {strides = array<i32>} : memref<4x48xi32, #tpu.memory_space<vmem>>, vector<1x16xi32>,
    %swap3A_24 = vector.shape_cast %swap3A_23 : vector<1x16xi32> to vector<16xi32>
    %swap3A_25 = vector.shape_cast %min3A : vector<16xi32> to vector<1x16xi32>
    tpu.vector_store %arg5[%swap3A_21, %swap3A_22], %swap3A_25 {strides = array<i32>} : memref<4x48xi32, #tpu.memory_space<vmem>>, vector<1x16xi32>,
    %get3A_26 = arith.constant 0 : i32
    %get3A_27 = arith.index_cast %get3A_26 : i32 to index
    %get3A_28 = arith.constant 16 : index
    %get3A_29 = tpu.vector_load %arg5[%get3A_27, %get3A_28] {strides = array<i32>} : memref<4x48xi32, #tpu.memory_space<vmem>>, vector<1x16xi32>,
    %get3A_30 = vector.shape_cast %get3A_29 : vector<1x16xi32> to vector<16xi32>
    %broadcast_in_dim3A_31 = arith.constant 0 : i32
    %broadcast_in_dim3A_32 = vector.broadcast %broadcast_in_dim3A_31 : i32 to vector<16xi32>
    %max3A_33 = arith.maxsi %get3A_30, %broadcast_in_dim3A_32 : vector<16xi32>
    %broadcast_in_dim3A_34 = arith.constant 2047 : i32
    %broadcast_in_dim3A_35 = vector.broadcast %broadcast_in_dim3A_34 : i32 to vector<16xi32>
    %min3A_36 = arith.minsi %max3A_33, %broadcast_in_dim3A_35 : vector<16xi32>
    %swap3A_37 = arith.constant 0 : i32
    %swap3A_38 = arith.index_cast %swap3A_37 : i32 to index
    %swap3A_39 = arith.constant 16 : index
    %swap3A_40 = tpu.vector_load %arg5[%swap3A_38, %swap3A_39] {strides = array<i32>} : memref<4x48xi32, #tpu.memory_space<vmem>>, vector<1x16xi32>,
    %swap3A_41 = vector.shape_cast %swap3A_40 : vector<1x16xi32> to vector<16xi32>
    %swap3A_42 = vector.shape_cast %min3A_36 : vector<16xi32> to vector<1x16xi32>
    tpu.vector_store %arg5[%swap3A_38, %swap3A_39], %swap3A_42 {strides = array<i32>} : memref<4x48xi32, #tpu.memory_space<vmem>>, vector<1x16xi32>,
    %get3A_43 = arith.constant 0 : i32
    %get3A_44 = arith.index_cast %get3A_43 : i32 to index
    %get3A_45 = arith.constant 32 : index
    %get3A_46 = tpu.vector_load %arg5[%get3A_44, %get3A_45] {strides = array<i32>} : memref<4x48xi32, #tpu.memory_space<vmem>>, vector<1x16xi32>,
    %get3A_47 = vector.shape_cast %get3A_46 : vector<1x16xi32> to vector<16xi32>
    %broadcast_in_dim3A_48 = arith.constant 0 : i32
    %broadcast_in_dim3A_49 = vector.broadcast %broadcast_in_dim3A_48 : i32 to vector<16xi32>
    %max3A_50 = arith.maxsi %get3A_47, %broadcast_in_dim3A_49 : vector<16xi32>
    %broadcast_in_dim3A_51 = arith.constant 2047 : i32
    %broadcast_in_dim3A_52 = vector.broadcast %broadcast_in_dim3A_51 : i32 to vector<16xi32>
    %min3A_53 = arith.minsi %max3A_50, %broadcast_in_dim3A_52 : vector<16xi32>
    %swap3A_54 = arith.constant 0 : i32
    %swap3A_55 = arith.index_cast %swap3A_54 : i32 to index
    %swap3A_56 = arith.constant 32 : index
    %swap3A_57 = tpu.vector_load %arg5[%swap3A_55, %swap3A_56] {strides = array<i32>} : memref<4x48xi32, #tpu.memory_space<vmem>>, vector<1x16xi32>,
    %swap3A_58 = vector.shape_cast %swap3A_57 : vector<1x16xi32> to vector<16xi32>
    %swap3A_59 = vector.shape_cast %min3A_53 : vector<16xi32> to vector<1x16xi32>
    tpu.vector_store %arg5[%swap3A_55, %swap3A_56], %swap3A_59 {strides = array<i32>} : memref<4x48xi32, #tpu.memory_space<vmem>>, vector<1x16xi32>,
    %get3A_60 = arith.constant 1 : i32
    %get3A_61 = arith.index_cast %get3A_60 : i32 to index
    %get3A_62 = arith.constant 0 : index
    %get3A_63 = tpu.vector_load %arg5[%get3A_61, %get3A_62] {strides = array<i32>} : memref<4x48xi32, #tpu.memory_space<vmem>>, vector<1x16xi32>,
    %get3A_64 = vector.shape_cast %get3A_63 : vector<1x16xi32> to vector<16xi32>
    %broadcast_in_dim3A_65 = arith.constant 0 : i32
    %broadcast_in_dim3A_66 = vector.broadcast %broadcast_in_dim3A_65 : i32 to vector<16xi32>
    %max3A_67 = arith.maxsi %get3A_64, %broadcast_in_dim3A_66 : vector<16xi32>
    %broadcast_in_dim3A_68 = arith.constant 2047 : i32
    %broadcast_in_dim3A_69 = vector.broadcast %broadcast_in_dim3A_68 : i32 to vector<16xi32>
    %min3A_70 = arith.minsi %max3A_67, %broadcast_in_dim3A_69 : vector<16xi32>
    %swap3A_71 = arith.constant 1 : i32
    %swap3A_72 = arith.index_cast %swap3A_71 : i32 to index
    %swap3A_73 = arith.constant 0 : index
    %swap3A_74 = tpu.vector_load %arg5[%swap3A_72, %swap3A_73] {strides = array<i32>} : memref<4x48xi32, #tpu.memory_space<vmem>>, vector<1x16xi32>,
    %swap3A_75 = vector.shape_cast %swap3A_74 : vector<1x16xi32> to vector<16xi32>
    %swap3A_76 = vector.shape_cast %min3A_70 : vector<16xi32> to vector<1x16xi32>
    tpu.vector_store %arg5[%swap3A_72, %swap3A_73], %swap3A_76 {strides = array<i32>} : memref<4x48xi32, #tpu.memory_space<vmem>>, vector<1x16xi32>,
    %get3A_77 = arith.constant 1 : i32
    %get3A_78 = arith.index_cast %get3A_77 : i32 to index
    %get3A_79 = arith.constant 16 : index
    %get3A_80 = tpu.vector_load %arg5[%get3A_78, %get3A_79] {strides = array<i32>} : memref<4x48xi32, #tpu.memory_space<vmem>>, vector<1x16xi32>,
    %get3A_81 = vector.shape_cast %get3A_80 : vector<1x16xi32> to vector<16xi32>
    %broadcast_in_dim3A_82 = arith.constant 0 : i32
    %broadcast_in_dim3A_83 = vector.broadcast %broadcast_in_dim3A_82 : i32 to vector<16xi32>
    %max3A_84 = arith.maxsi %get3A_81, %broadcast_in_dim3A_83 : vector<16xi32>
    %broadcast_in_dim3A_85 = arith.constant 2047 : i32
    %broadcast_in_dim3A_86 = vector.broadcast %broadcast_in_dim3A_85 : i32 to vector<16xi32>
    %min3A_87 = arith.minsi %max3A_84, %broadcast_in_dim3A_86 : vector<16xi32>
    %swap3A_88 = arith.constant 1 : i32
    %swap3A_89 = arith.index_cast %swap3A_88 : i32 to index
    %swap3A_90 = arith.constant 16 : index
    %swap3A_91 = tpu.vector_load %arg5[%swap3A_89, %swap3A_90] {strides = array<i32>} : memref<4x48xi32, #tpu.memory_space<vmem>>, vector<1x16xi32>,
    %swap3A_92 = vector.shape_cast %swap3A_91 : vector<1x16xi32> to vector<16xi32>
    %swap3A_93 = vector.shape_cast %min3A_87 : vector<16xi32> to vector<1x16xi32>
    tpu.vector_store %arg5[%swap3A_89, %swap3A_90], %swap3A_93 {strides = array<i32>} : memref<4x48xi32, #tpu.memory_space<vmem>>, vector<1x16xi32>,
    %get3A_94 = arith.constant 1 : i32
    %get3A_95 = arith.index_cast %get3A_94 : i32 to index
    %get3A_96 = arith.constant 32 : index
    %get3A_97 = tpu.vector_load %arg5[%get3A_95, %get3A_96] {strides = array<i32>} : memref<4x48xi32, #tpu.memory_space<vmem>>, vector<1x16xi32>,
    %get3A_98 = vector.shape_cast %get3A_97 : vector<1x16xi32> to vector<16xi32>
    %broadcast_in_dim3A_99 = arith.constant 0 : i32
    %broadcast_in_dim3A_100 = vector.broadcast %broadcast_in_dim3A_99 : i32 to vector<16xi32>
    %max3A_101 = arith.maxsi %get3A_98, %broadcast_in_dim3A_100 : vector<16xi32>
    %broadcast_in_dim3A_102 = arith.constant 2047 : i32
    %broadcast_in_dim3A_103 = vector.broadcast %broadcast_in_dim3A_102 : i32 to vector<16xi32>
    %min3A_104 = arith.minsi %max3A_101, %broadcast_in_dim3A_103 : vector<16xi32>
    %swap3A_105 = arith.constant 1 : i32
    %swap3A_106 = arith.index_cast %swap3A_105 : i32 to index
    %swap3A_107 = arith.constant 32 : index
    %swap3A_108 = tpu.vector_load %arg5[%swap3A_106, %swap3A_107] {strides = array<i32>} : memref<4x48xi32, #tpu.memory_space<vmem>>, vector<1x16xi32>,
    %swap3A_109 = vector.shape_cast %swap3A_108 : vector<1x16xi32> to vector<16xi32>
    %swap3A_110 = vector.shape_cast %min3A_104 : vector<16xi32> to vector<1x16xi32>
    tpu.vector_store %arg5[%swap3A_106, %swap3A_107], %swap3A_110 {strides = array<i32>} : memref<4x48xi32, #tpu.memory_space<vmem>>, vector<1x16xi32>,
    %get3A_111 = arith.constant 2 : i32
    %get3A_112 = arith.index_cast %get3A_111 : i32 to index
    %get3A_113 = arith.constant 0 : index
    %get3A_114 = tpu.vector_load %arg5[%get3A_112, %get3A_113] {strides = array<i32>} : memref<4x48xi32, #tpu.memory_space<vmem>>, vector<1x16xi32>,
    %get3A_115 = vector.shape_cast %get3A_114 : vector<1x16xi32> to vector<16xi32>
    %broadcast_in_dim3A_116 = arith.constant 0 : i32
    %broadcast_in_dim3A_117 = vector.broadcast %broadcast_in_dim3A_116 : i32 to vector<16xi32>
    %max3A_118 = arith.maxsi %get3A_115, %broadcast_in_dim3A_117 : vector<16xi32>
    %broadcast_in_dim3A_119 = arith.constant 2047 : i32
    %broadcast_in_dim3A_120 = vector.broadcast %broadcast_in_dim3A_119 : i32 to vector<16xi32>
    %min3A_121 = arith.minsi %max3A_118, %broadcast_in_dim3A_120 : vector<16xi32>
    %swap3A_122 = arith.constant 2 : i32
    %swap3A_123 = arith.index_cast %swap3A_122 : i32 to index
    %swap3A_124 = arith.constant 0 : index
    %swap3A_125 = tpu.vector_load %arg5[%swap3A_123, %swap3A_124] {strides = array<i32>} : memref<4x48xi32, #tpu.memory_space<vmem>>, vector<1x16xi32>,
    %swap3A_126 = vector.shape_cast %swap3A_125 : vector<1x16xi32> to vector<16xi32>
    %swap3A_127 = vector.shape_cast %min3A_121 : vector<16xi32> to vector<1x16xi32>
    tpu.vector_store %arg5[%swap3A_123, %swap3A_124], %swap3A_127 {strides = array<i32>} : memref<4x48xi32, #tpu.memory_space<vmem>>, vector<1x16xi32>,
    %get3A_128 = arith.constant 2 : i32
    %get3A_129 = arith.index_cast %get3A_128 : i32 to index
    %get3A_130 = arith.constant 16 : index
    %get3A_131 = tpu.vector_load %arg5[%get3A_129, %get3A_130] {strides = array<i32>} : memref<4x48xi32, #tpu.memory_space<vmem>>, vector<1x16xi32>,
    %get3A_132 = vector.shape_cast %get3A_131 : vector<1x16xi32> to vector<16xi32>
    %broadcast_in_dim3A_133 = arith.constant 0 : i32
    %broadcast_in_dim3A_134 = vector.broadcast %broadcast_in_dim3A_133 : i32 to vector<16xi32>
    %max3A_135 = arith.maxsi %get3A_132, %broadcast_in_dim3A_134 : vector<16xi32>
    %broadcast_in_dim3A_136 = arith.constant 2047 : i32
    %broadcast_in_dim3A_137 = vector.broadcast %broadcast_in_dim3A_136 : i32 to vector<16xi32>
    %min3A_138 = arith.minsi %max3A_135, %broadcast_in_dim3A_137 : vector<16xi32>
    %swap3A_139 = arith.constant 2 : i32
    %swap3A_140 = arith.index_cast %swap3A_139 : i32 to index
    %swap3A_141 = arith.constant 16 : index
    %swap3A_142 = tpu.vector_load %arg5[%swap3A_140, %swap3A_141] {strides = array<i32>} : memref<4x48xi32, #tpu.memory_space<vmem>>, vector<1x16xi32>,
    %swap3A_143 = vector.shape_cast %swap3A_142 : vector<1x16xi32> to vector<16xi32>
    %swap3A_144 = vector.shape_cast %min3A_138 : vector<16xi32> to vector<1x16xi32>
    tpu.vector_store %arg5[%swap3A_140, %swap3A_141], %swap3A_144 {strides = array<i32>} : memref<4x48xi32, #tpu.memory_space<vmem>>, vector<1x16xi32>,
    %get3A_145 = arith.constant 2 : i32
    %get3A_146 = arith.index_cast %get3A_145 : i32 to index
    %get3A_147 = arith.constant 32 : index
    %get3A_148 = tpu.vector_load %arg5[%get3A_146, %get3A_147] {strides = array<i32>} : memref<4x48xi32, #tpu.memory_space<vmem>>, vector<1x16xi32>,
    %get3A_149 = vector.shape_cast %get3A_148 : vector<1x16xi32> to vector<16xi32>
    %broadcast_in_dim3A_150 = arith.constant 0 : i32
    %broadcast_in_dim3A_151 = vector.broadcast %broadcast_in_dim3A_150 : i32 to vector<16xi32>
    %max3A_152 = arith.maxsi %get3A_149, %broadcast_in_dim3A_151 : vector<16xi32>
    %broadcast_in_dim3A_153 = arith.constant 2047 : i32
    %broadcast_in_dim3A_154 = vector.broadcast %broadcast_in_dim3A_153 : i32 to vector<16xi32>
    %min3A_155 = arith.minsi %max3A_152, %broadcast_in_dim3A_154 : vector<16xi32>
    %swap3A_156 = arith.constant 2 : i32
    %swap3A_157 = arith.index_cast %swap3A_156 : i32 to index
    %swap3A_158 = arith.constant 32 : index
    %swap3A_159 = tpu.vector_load %arg5[%swap3A_157, %swap3A_158] {strides = array<i32>} : memref<4x48xi32, #tpu.memory_space<vmem>>, vector<1x16xi32>,
    %swap3A_160 = vector.shape_cast %swap3A_159 : vector<1x16xi32> to vector<16xi32>
    %swap3A_161 = vector.shape_cast %min3A_155 : vector<16xi32> to vector<1x16xi32>
    tpu.vector_store %arg5[%swap3A_157, %swap3A_158], %swap3A_161 {strides = array<i32>} : memref<4x48xi32, #tpu.memory_space<vmem>>, vector<1x16xi32>,
    %get3A_162 = arith.constant 3 : i32
    %get3A_163 = arith.index_cast %get3A_162 : i32 to index
    %get3A_164 = arith.constant 0 : index
    %get3A_165 = tpu.vector_load %arg5[%get3A_163, %get3A_164] {strides = array<i32>} : memref<4x48xi32, #tpu.memory_space<vmem>>, vector<1x16xi32>,
    %get3A_166 = vector.shape_cast %get3A_165 : vector<1x16xi32> to vector<16xi32>
    %broadcast_in_dim3A_167 = arith.constant 0 : i32
    %broadcast_in_dim3A_168 = vector.broadcast %broadcast_in_dim3A_167 : i32 to vector<16xi32>
    %max3A_169 = arith.maxsi %get3A_166, %broadcast_in_dim3A_168 : vector<16xi32>
    %broadcast_in_dim3A_170 = arith.constant 2047 : i32
    %broadcast_in_dim3A_171 = vector.broadcast %broadcast_in_dim3A_170 : i32 to vector<16xi32>
    %min3A_172 = arith.minsi %max3A_169, %broadcast_in_dim3A_171 : vector<16xi32>
    %swap3A_173 = arith.constant 3 : i32
    %swap3A_174 = arith.index_cast %swap3A_173 : i32 to index
    %swap3A_175 = arith.constant 0 : index
    %swap3A_176 = tpu.vector_load %arg5[%swap3A_174, %swap3A_175] {strides = array<i32>} : memref<4x48xi32, #tpu.memory_space<vmem>>, vector<1x16xi32>,
    %swap3A_177 = vector.shape_cast %swap3A_176 : vector<1x16xi32> to vector<16xi32>
    %swap3A_178 = vector.shape_cast %min3A_172 : vector<16xi32> to vector<1x16xi32>
    tpu.vector_store %arg5[%swap3A_174, %swap3A_175], %swap3A_178 {strides = array<i32>} : memref<4x48xi32, #tpu.memory_space<vmem>>, vector<1x16xi32>,
    %get3A_179 = arith.constant 3 : i32
    %get3A_180 = arith.index_cast %get3A_179 : i32 to index
    %get3A_181 = arith.constant 16 : index
    %get3A_182 = tpu.vector_load %arg5[%get3A_180, %get3A_181] {strides = array<i32>} : memref<4x48xi32, #tpu.memory_space<vmem>>, vector<1x16xi32>,
    %get3A_183 = vector.shape_cast %get3A_182 : vector<1x16xi32> to vector<16xi32>
    %broadcast_in_dim3A_184 = arith.constant 0 : i32
    %broadcast_in_dim3A_185 = vector.broadcast %broadcast_in_dim3A_184 : i32 to vector<16xi32>
    %max3A_186 = arith.maxsi %get3A_183, %broadcast_in_dim3A_185 : vector<16xi32>
    %broadcast_in_dim3A_187 = arith.constant 2047 : i32
    %broadcast_in_dim3A_188 = vector.broadcast %broadcast_in_dim3A_187 : i32 to vector<16xi32>
    %min3A_189 = arith.minsi %max3A_186, %broadcast_in_dim3A_188 : vector<16xi32>
    %swap3A_190 = arith.constant 3 : i32
    %swap3A_191 = arith.index_cast %swap3A_190 : i32 to index
    %swap3A_192 = arith.constant 16 : index
    %swap3A_193 = tpu.vector_load %arg5[%swap3A_191, %swap3A_192] {strides = array<i32>} : memref<4x48xi32, #tpu.memory_space<vmem>>, vector<1x16xi32>,
    %swap3A_194 = vector.shape_cast %swap3A_193 : vector<1x16xi32> to vector<16xi32>
    %swap3A_195 = vector.shape_cast %min3A_189 : vector<16xi32> to vector<1x16xi32>
    tpu.vector_store %arg5[%swap3A_191, %swap3A_192], %swap3A_195 {strides = array<i32>} : memref<4x48xi32, #tpu.memory_space<vmem>>, vector<1x16xi32>,
    %get3A_196 = arith.constant 3 : i32
    %get3A_197 = arith.index_cast %get3A_196 : i32 to index
    %get3A_198 = arith.constant 32 : index
    %get3A_199 = tpu.vector_load %arg5[%get3A_197, %get3A_198] {strides = array<i32>} : memref<4x48xi32, #tpu.memory_space<vmem>>, vector<1x16xi32>,
    %get3A_200 = vector.shape_cast %get3A_199 : vector<1x16xi32> to vector<16xi32>
    %broadcast_in_dim3A_201 = arith.constant 0 : i32
    %broadcast_in_dim3A_202 = vector.broadcast %broadcast_in_dim3A_201 : i32 to vector<16xi32>
    %max3A_203 = arith.maxsi %get3A_200, %broadcast_in_dim3A_202 : vector<16xi32>
    %broadcast_in_dim3A_204 = arith.constant 2047 : i32
    %broadcast_in_dim3A_205 = vector.broadcast %broadcast_in_dim3A_204 : i32 to vector<16xi32>
    %min3A_206 = arith.minsi %max3A_203, %broadcast_in_dim3A_205 : vector<16xi32>
    %swap3A_207 = arith.constant 3 : i32
    %swap3A_208 = arith.index_cast %swap3A_207 : i32 to index
    %swap3A_209 = arith.constant 32 : index
    %swap3A_210 = tpu.vector_load %arg5[%swap3A_208, %swap3A_209] {strides = array<i32>} : memref<4x48xi32, #tpu.memory_space<vmem>>, vector<1x16xi32>,
    %swap3A_211 = vector.shape_cast %swap3A_210 : vector<1x16xi32> to vector<16xi32>
    %swap3A_212 = vector.shape_cast %min3A_206 : vector<16xi32> to vector<1x16xi32>
    tpu.vector_store %arg5[%swap3A_208, %swap3A_209], %swap3A_212 {strides = array<i32>} : memref<4x48xi32, #tpu.memory_space<vmem>>, vector<1x16xi32>,
    %dma_start3A = arith.constant 0 : i32
    %dma_start3A_213 = arith.constant 0 : i32
    %dma_start3A_214 = tpu.memref_slice %arg5[%dma_start3A, %dma_start3A_213] : memref<4x48xi32, #tpu.memory_space<vmem>> -> memref<1x48xi32, #tpu.memory_space<vmem>>
    %dma_start3A_215 = tpu.memref_squeeze %dma_start3A_214 : memref<1x48xi32, #tpu.memory_space<vmem>> -> memref<48xi32, #tpu.memory_space<vmem>>
    %dma_start3A_216 = arith.constant 0 : i32
    %dma_start3A_217 = arith.constant 0 : i32
    %dma_start3A_218 = tpu.memref_slice %arg3[%dma_start3A_216, %dma_start3A_217] : memref<2048x1024xf32, #tpu.memory_space<hbm>> -> memref<2048x1024xf32, #tpu.memory_space<hbm>>
    tpu.enqueue_indirect_dma source(%dma_start3A_218 : memref<2048x1024xf32, #tpu.memory_space<hbm>>) target(%arg6 : memref<48x1024xf32, #tpu.memory_space<vmem>>) offsets(%dma_start3A_215 : memref<48xi32, #tpu.memory_space<vmem>>) semaphore(%arg8 : memref<!tpu.dma_semaphore, #tpu.memory_space<semaphore_mem>>)
    %dma_wait3A = arith.constant 0 : i32
    %dma_wait3A_219 = arith.constant 0 : i32
    %dma_wait3A_220 = tpu.memref_slice %arg5[%dma_wait3A, %dma_wait3A_219] : memref<4x48xi32, #tpu.memory_space<vmem>> -> memref<1x48xi32, #tpu.memory_space<vmem>>
    %dma_wait3A_221 = tpu.memref_squeeze %dma_wait3A_220 : memref<1x48xi32, #tpu.memory_space<vmem>> -> memref<48xi32, #tpu.memory_space<vmem>>
    %dma_wait3A_222 = arith.constant 0 : i32
    %dma_wait3A_223 = arith.constant 0 : i32
    %dma_wait3A_224 = tpu.memref_slice %arg3[%dma_wait3A_222, %dma_wait3A_223] : memref<2048x1024xf32, #tpu.memory_space<hbm>> -> memref<2048x1024xf32, #tpu.memory_space<hbm>>
    tpu.wait_indirect_dma semaphore(%arg8 : memref<!tpu.dma_semaphore, #tpu.memory_space<semaphore_mem>>) src(%dma_wait3A_224 : memref<2048x1024xf32, #tpu.memory_space<hbm>>) dst(%arg6 : memref<48x1024xf32, #tpu.memory_space<vmem>>)
    %add3A_225 = arith.constant 0 : i32
    %add3A_226 = arith.addi %mul3A_2, %add3A_225 : i32
    %dma_start3A_227 = arith.constant 0 : i32
    %dma_start3A_228 = tpu.memref_slice %arg4[%add3A_226, %dma_start3A_227] : memref<6144x1024xf32, #tpu.memory_space<hbm>> -> memref<48x1024xf32, #tpu.memory_space<hbm>>
    %dma_start3A_229 = arith.constant 0 : i32
    %dma_start3A_230 = tpu.memref_slice %arg4[%add3A_226, %dma_start3A_229] : memref<6144x1024xf32, #tpu.memory_space<hbm>> -> memref<48x1024xf32, #tpu.memory_space<hbm>>
    tpu.enqueue_dma source(%arg6 : memref<48x1024xf32, #tpu.memory_space<vmem>>) target(%dma_start3A_230 : memref<48x1024xf32, #tpu.memory_space<hbm>>) target_semaphore(%arg10 : memref<!tpu.dma_semaphore, #tpu.memory_space<semaphore_mem>>)
    %dma_start3A_231 = arith.constant 1 : i32
    %dma_start3A_232 = arith.constant 0 : i32
    %dma_start3A_233 = tpu.memref_slice %arg5[%dma_start3A_231, %dma_start3A_232] : memref<4x48xi32, #tpu.memory_space<vmem>> -> memref<1x48xi32, #tpu.memory_space<vmem>>
    %dma_start3A_234 = tpu.memref_squeeze %dma_start3A_233 : memref<1x48xi32, #tpu.memory_space<vmem>> -> memref<48xi32, #tpu.memory_space<vmem>>
    %dma_start3A_235 = arith.constant 0 : i32
    %dma_start3A_236 = arith.constant 0 : i32
    %dma_start3A_237 = tpu.memref_slice %arg3[%dma_start3A_235, %dma_start3A_236] : memref<2048x1024xf32, #tpu.memory_space<hbm>> -> memref<2048x1024xf32, #tpu.memory_space<hbm>>
    tpu.enqueue_indirect_dma source(%dma_start3A_237 : memref<2048x1024xf32, #tpu.memory_space<hbm>>) target(%arg7 : memref<48x1024xf32, #tpu.memory_space<vmem>>) offsets(%dma_start3A_234 : memref<48xi32, #tpu.memory_space<vmem>>) semaphore(%arg9 : memref<!tpu.dma_semaphore, #tpu.memory_space<semaphore_mem>>)
    %dma_wait3A_238 = arith.constant 1 : i32
    %dma_wait3A_239 = arith.constant 0 : i32
    %dma_wait3A_240 = tpu.memref_slice %arg5[%dma_wait3A_238, %dma_wait3A_239] : memref<4x48xi32, #tpu.memory_space<vmem>> -> memref<1x48xi32, #tpu.memory_space<vmem>>
    %dma_wait3A_241 = tpu.memref_squeeze %dma_wait3A_240 : memref<1x48xi32, #tpu.memory_space<vmem>> -> memref<48xi32, #tpu.memory_space<vmem>>
    %dma_wait3A_242 = arith.constant 0 : i32
    %dma_wait3A_243 = arith.constant 0 : i32
    %dma_wait3A_244 = tpu.memref_slice %arg3[%dma_wait3A_242, %dma_wait3A_243] : memref<2048x1024xf32, #tpu.memory_space<hbm>> -> memref<2048x1024xf32, #tpu.memory_space<hbm>>
    tpu.wait_indirect_dma semaphore(%arg9 : memref<!tpu.dma_semaphore, #tpu.memory_space<semaphore_mem>>) src(%dma_wait3A_244 : memref<2048x1024xf32, #tpu.memory_space<hbm>>) dst(%arg7 : memref<48x1024xf32, #tpu.memory_space<vmem>>)
    %add3A_245 = arith.constant 48 : i32
    %add3A_246 = arith.addi %mul3A_2, %add3A_245 : i32
    %dma_start3A_247 = arith.constant 0 : i32
    %dma_start3A_248 = tpu.memref_slice %arg4[%add3A_246, %dma_start3A_247] : memref<6144x1024xf32, #tpu.memory_space<hbm>> -> memref<48x1024xf32, #tpu.memory_space<hbm>>
    %dma_start3A_249 = arith.constant 0 : i32
    %dma_start3A_250 = tpu.memref_slice %arg4[%add3A_246, %dma_start3A_249] : memref<6144x1024xf32, #tpu.memory_space<hbm>> -> memref<48x1024xf32, #tpu.memory_space<hbm>>
    tpu.enqueue_dma source(%arg7 : memref<48x1024xf32, #tpu.memory_space<vmem>>) target(%dma_start3A_250 : memref<48x1024xf32, #tpu.memory_space<hbm>>) target_semaphore(%arg10 : memref<!tpu.dma_semaphore, #tpu.memory_space<semaphore_mem>>)
    %dma_wait3A_251 = arith.constant 0 : i32
    %dma_wait3A_252 = tpu.memref_slice %arg4[%add3A_226, %dma_wait3A_251] : memref<6144x1024xf32, #tpu.memory_space<hbm>> -> memref<48x1024xf32, #tpu.memory_space<hbm>>
    %dma_wait3A_253 = arith.constant 0 : i32
    %dma_wait3A_254 = tpu.memref_slice %arg4[%add3A_226, %dma_wait3A_253] : memref<6144x1024xf32, #tpu.memory_space<hbm>> -> memref<48x1024xf32, #tpu.memory_space<hbm>>
    tpu.wait_dma2 semaphore(%arg10 : memref<!tpu.dma_semaphore, #tpu.memory_space<semaphore_mem>>) src(%arg6 : memref<48x1024xf32, #tpu.memory_space<vmem>>) dst(%dma_wait3A_254 : memref<48x1024xf32, #tpu.memory_space<hbm>>)
    %dma_start3A_255 = arith.constant 2 : i32
    %dma_start3A_256 = arith.constant 0 : i32
    %dma_start3A_257 = tpu.memref_slice %arg5[%dma_start3A_255, %dma_start3A_256] : memref<4x48xi32, #tpu.memory_space<vmem>> -> memref<1x48xi32, #tpu.memory_space<vmem>>
    %dma_start3A_258 = tpu.memref_squeeze %dma_start3A_257 : memref<1x48xi32, #tpu.memory_space<vmem>> -> memref<48xi32, #tpu.memory_space<vmem>>
    %dma_start3A_259 = arith.constant 0 : i32
    %dma_start3A_260 = arith.constant 0 : i32
    %dma_start3A_261 = tpu.memref_slice %arg3[%dma_start3A_259, %dma_start3A_260] : memref<2048x1024xf32, #tpu.memory_space<hbm>> -> memref<2048x1024xf32, #tpu.memory_space<hbm>>
    tpu.enqueue_indirect_dma source(%dma_start3A_261 : memref<2048x1024xf32, #tpu.memory_space<hbm>>) target(%arg6 : memref<48x1024xf32, #tpu.memory_space<vmem>>) offsets(%dma_start3A_258 : memref<48xi32, #tpu.memory_space<vmem>>) semaphore(%arg8 : memref<!tpu.dma_semaphore, #tpu.memory_space<semaphore_mem>>)
    %dma_wait3A_262 = arith.constant 2 : i32
    %dma_wait3A_263 = arith.constant 0 : i32
    %dma_wait3A_264 = tpu.memref_slice %arg5[%dma_wait3A_262, %dma_wait3A_263] : memref<4x48xi32, #tpu.memory_space<vmem>> -> memref<1x48xi32, #tpu.memory_space<vmem>>
    %dma_wait3A_265 = tpu.memref_squeeze %dma_wait3A_264 : memref<1x48xi32, #tpu.memory_space<vmem>> -> memref<48xi32, #tpu.memory_space<vmem>>
    %dma_wait3A_266 = arith.constant 0 : i32
    %dma_wait3A_267 = arith.constant 0 : i32
    %dma_wait3A_268 = tpu.memref_slice %arg3[%dma_wait3A_266, %dma_wait3A_267] : memref<2048x1024xf32, #tpu.memory_space<hbm>> -> memref<2048x1024xf32, #tpu.memory_space<hbm>>
    tpu.wait_indirect_dma semaphore(%arg8 : memref<!tpu.dma_semaphore, #tpu.memory_space<semaphore_mem>>) src(%dma_wait3A_268 : memref<2048x1024xf32, #tpu.memory_space<hbm>>) dst(%arg6 : memref<48x1024xf32, #tpu.memory_space<vmem>>)
    %add3A_269 = arith.constant 96 : i32
    %add3A_270 = arith.addi %mul3A_2, %add3A_269 : i32
    %dma_start3A_271 = arith.constant 0 : i32
    %dma_start3A_272 = tpu.memref_slice %arg4[%add3A_270, %dma_start3A_271] : memref<6144x1024xf32, #tpu.memory_space<hbm>> -> memref<48x1024xf32, #tpu.memory_space<hbm>>
    %dma_start3A_273 = arith.constant 0 : i32
    %dma_start3A_274 = tpu.memref_slice %arg4[%add3A_270, %dma_start3A_273] : memref<6144x1024xf32, #tpu.memory_space<hbm>> -> memref<48x1024xf32, #tpu.memory_space<hbm>>
    tpu.enqueue_dma source(%arg6 : memref<48x1024xf32, #tpu.memory_space<vmem>>) target(%dma_start3A_274 : memref<48x1024xf32, #tpu.memory_space<hbm>>) target_semaphore(%arg10 : memref<!tpu.dma_semaphore, #tpu.memory_space<semaphore_mem>>)
    %dma_wait3A_275 = arith.constant 0 : i32
    %dma_wait3A_276 = tpu.memref_slice %arg4[%add3A_246, %dma_wait3A_275] : memref<6144x1024xf32, #tpu.memory_space<hbm>> -> memref<48x1024xf32, #tpu.memory_space<hbm>>
    %dma_wait3A_277 = arith.constant 0 : i32
    %dma_wait3A_278 = tpu.memref_slice %arg4[%add3A_246, %dma_wait3A_277] : memref<6144x1024xf32, #tpu.memory_space<hbm>> -> memref<48x1024xf32, #tpu.memory_space<hbm>>
    tpu.wait_dma2 semaphore(%arg10 : memref<!tpu.dma_semaphore, #tpu.memory_space<semaphore_mem>>) src(%arg7 : memref<48x1024xf32, #tpu.memory_space<vmem>>) dst(%dma_wait3A_278 : memref<48x1024xf32, #tpu.memory_space<hbm>>)
    %dma_start3A_279 = arith.constant 3 : i32
    %dma_start3A_280 = arith.constant 0 : i32
    %dma_start3A_281 = tpu.memref_slice %arg5[%dma_start3A_279, %dma_start3A_280] : memref<4x48xi32, #tpu.memory_space<vmem>> -> memref<1x48xi32, #tpu.memory_space<vmem>>
    %dma_start3A_282 = tpu.memref_squeeze %dma_start3A_281 : memref<1x48xi32, #tpu.memory_space<vmem>> -> memref<48xi32, #tpu.memory_space<vmem>>
    %dma_start3A_283 = arith.constant 0 : i32
    %dma_start3A_284 = arith.constant 0 : i32
    %dma_start3A_285 = tpu.memref_slice %arg3[%dma_start3A_283, %dma_start3A_284] : memref<2048x1024xf32, #tpu.memory_space<hbm>> -> memref<2048x1024xf32, #tpu.memory_space<hbm>>
    tpu.enqueue_indirect_dma source(%dma_start3A_285 : memref<2048x1024xf32, #tpu.memory_space<hbm>>) target(%arg7 : memref<48x1024xf32, #tpu.memory_space<vmem>>) offsets(%dma_start3A_282 : memref<48xi32, #tpu.memory_space<vmem>>) semaphore(%arg9 : memref<!tpu.dma_semaphore, #tpu.memory_space<semaphore_mem>>)
    %dma_wait3A_286 = arith.constant 3 : i32
    %dma_wait3A_287 = arith.constant 0 : i32
    %dma_wait3A_288 = tpu.memref_slice %arg5[%dma_wait3A_286, %dma_wait3A_287] : memref<4x48xi32, #tpu.memory_space<vmem>> -> memref<1x48xi32, #tpu.memory_space<vmem>>
    %dma_wait3A_289 = tpu.memref_squeeze %dma_wait3A_288 : memref<1x48xi32, #tpu.memory_space<vmem>> -> memref<48xi32, #tpu.memory_space<vmem>>
    %dma_wait3A_290 = arith.constant 0 : i32
    %dma_wait3A_291 = arith.constant 0 : i32
    %dma_wait3A_292 = tpu.memref_slice %arg3[%dma_wait3A_290, %dma_wait3A_291] : memref<2048x1024xf32, #tpu.memory_space<hbm>> -> memref<2048x1024xf32, #tpu.memory_space<hbm>>
    tpu.wait_indirect_dma semaphore(%arg9 : memref<!tpu.dma_semaphore, #tpu.memory_space<semaphore_mem>>) src(%dma_wait3A_292 : memref<2048x1024xf32, #tpu.memory_space<hbm>>) dst(%arg7 : memref<48x1024xf32, #tpu.memory_space<vmem>>)
    %add3A_293 = arith.constant 144 : i32
    %add3A_294 = arith.addi %mul3A_2, %add3A_293 : i32
    %dma_start3A_295 = arith.constant 0 : i32
    %dma_start3A_296 = tpu.memref_slice %arg4[%add3A_294, %dma_start3A_295] : memref<6144x1024xf32, #tpu.memory_space<hbm>> -> memref<48x1024xf32, #tpu.memory_space<hbm>>
    %dma_start3A_297 = arith.constant 0 : i32
    %dma_start3A_298 = tpu.memref_slice %arg4[%add3A_294, %dma_start3A_297] : memref<6144x1024xf32, #tpu.memory_space<hbm>> -> memref<48x1024xf32, #tpu.memory_space<hbm>>
    tpu.enqueue_dma source(%arg7 : memref<48x1024xf32, #tpu.memory_space<vmem>>) target(%dma_start3A_298 : memref<48x1024xf32, #tpu.memory_space<hbm>>) target_semaphore(%arg10 : memref<!tpu.dma_semaphore, #tpu.memory_space<semaphore_mem>>)
    %dma_wait3A_299 = arith.constant 0 : i32
    %dma_wait3A_300 = tpu.memref_slice %arg4[%add3A_270, %dma_wait3A_299] : memref<6144x1024xf32, #tpu.memory_space<hbm>> -> memref<48x1024xf32, #tpu.memory_space<hbm>>
    %dma_wait3A_301 = arith.constant 0 : i32
    %dma_wait3A_302 = tpu.memref_slice %arg4[%add3A_270, %dma_wait3A_301] : memref<6144x1024xf32, #tpu.memory_space<hbm>> -> memref<48x1024xf32, #tpu.memory_space<hbm>>
    tpu.wait_dma2 semaphore(%arg10 : memref<!tpu.dma_semaphore, #tpu.memory_space<semaphore_mem>>) src(%arg6 : memref<48x1024xf32, #tpu.memory_space<vmem>>) dst(%dma_wait3A_302 : memref<48x1024xf32, #tpu.memory_space<hbm>>)
    %dma_wait3A_303 = arith.constant 0 : i32
    %dma_wait3A_304 = tpu.memref_slice %arg4[%add3A_294, %dma_wait3A_303] : memref<6144x1024xf32, #tpu.memory_space<hbm>> -> memref<48x1024xf32, #tpu.memory_space<hbm>>
    %dma_wait3A_305 = arith.constant 0 : i32
    %dma_wait3A_306 = tpu.memref_slice %arg4[%add3A_294, %dma_wait3A_305] : memref<6144x1024xf32, #tpu.memory_space<hbm>> -> memref<48x1024xf32, #tpu.memory_space<hbm>>
    tpu.wait_dma2 semaphore(%arg10 : memref<!tpu.dma_semaphore, #tpu.memory_space<semaphore_mem>>) src(%arg7 : memref<48x1024xf32, #tpu.memory_space<vmem>>) dst(%dma_wait3A_306 : memref<48x1024xf32, #tpu.memory_space<hbm>>)
    return
  }
}

#map = affine_map<(d0, d1) -> (0)>
#map1 = affine_map<(d0, d1) -> (0, 0)>
module attributes {stable_mosaic.version = 14 : i64} {
  func.func @_combine_body(%arg0: i32, %arg1: i32, %arg2: memref<2048xi32, #tpu.memory_space<hbm>>, %arg3: memref<2048xi32, #tpu.memory_space<hbm>>, %arg4: memref<6144x1024xf32, #tpu.memory_space<hbm>>, %arg5: memref<2048x1024xf32, #tpu.memory_space<hbm>>, %arg6: memref<32xi32, #tpu.memory_space<vmem>>, %arg7: memref<32xi32, #tpu.memory_space<vmem>>, %arg8: memref<32x1024xf32, #tpu.memory_space<vmem>>, %arg9: memref<32x1024xf32, #tpu.memory_space<vmem>>, %arg10: memref<32x1024xf32, #tpu.memory_space<vmem>>, %arg11: memref<!tpu.dma_semaphore, #tpu.memory_space<semaphore_mem>>, %arg12: memref<!tpu.dma_semaphore, #tpu.memory_space<semaphore_mem>>) attributes {dimension_semantics = [#tpu.dimension_semantics<core_parallel>, #tpu.dimension_semantics<subcore_parallel>], iteration_bounds = array<i64: 2, 16>, scalar_prefetch = 0 : i64, scratch_operands = 7 : i64, tpu.core_type = #tpu.core_type<sc_vector_subcore>, window_params = [{transform_indices = #map}, {transform_indices = #map}, {transform_indices = #map1}, {transform_indices = #map1}]} {
    %mul3A = arith.constant 2 : i32
    %mul3A_0 = arith.muli %arg1, %mul3A : i32
    %add3A = arith.addi %mul3A_0, %arg0 : i32
    %mul3A_1 = arith.constant 64 : i32
    %mul3A_2 = arith.muli %add3A, %mul3A_1 : i32
    %add3A_3 = arith.constant 0 : i32
    %add3A_4 = arith.addi %mul3A_2, %add3A_3 : i32
    "tpu.region"() ({
      %run_scoped3A = tpu.sem_alloc : memref<!tpu.dma_semaphore, #tpu.memory_space<semaphore_mem>>
      %dma_start3A_44 = tpu.memref_slice %arg2[%add3A_4] : memref<2048xi32, #tpu.memory_space<hbm>> -> memref<32xi32, #tpu.memory_space<hbm>>
      %dma_start3A_45 = tpu.memref_slice %arg2[%add3A_4] : memref<2048xi32, #tpu.memory_space<hbm>> -> memref<32xi32, #tpu.memory_space<hbm>>
      tpu.enqueue_dma source(%dma_start3A_45 : memref<32xi32, #tpu.memory_space<hbm>>) target(%arg6 : memref<32xi32, #tpu.memory_space<vmem>>) target_semaphore(%run_scoped3A : memref<!tpu.dma_semaphore, #tpu.memory_space<semaphore_mem>>)
      %dma_wait3A_46 = tpu.memref_slice %arg2[%add3A_4] : memref<2048xi32, #tpu.memory_space<hbm>> -> memref<32xi32, #tpu.memory_space<hbm>>
      %dma_wait3A_47 = tpu.memref_slice %arg2[%add3A_4] : memref<2048xi32, #tpu.memory_space<hbm>> -> memref<32xi32, #tpu.memory_space<hbm>>
      tpu.wait_dma2 semaphore(%run_scoped3A : memref<!tpu.dma_semaphore, #tpu.memory_space<semaphore_mem>>) src(%dma_wait3A_47 : memref<32xi32, #tpu.memory_space<hbm>>) dst(%arg6 : memref<32xi32, #tpu.memory_space<vmem>>)
      tpu.yield
    }) : () -> ()
    "tpu.region"() ({
      %run_scoped3A = tpu.sem_alloc : memref<!tpu.dma_semaphore, #tpu.memory_space<semaphore_mem>>
      %dma_start3A_44 = tpu.memref_slice %arg3[%add3A_4] : memref<2048xi32, #tpu.memory_space<hbm>> -> memref<32xi32, #tpu.memory_space<hbm>>
      %dma_start3A_45 = tpu.memref_slice %arg3[%add3A_4] : memref<2048xi32, #tpu.memory_space<hbm>> -> memref<32xi32, #tpu.memory_space<hbm>>
      tpu.enqueue_dma source(%dma_start3A_45 : memref<32xi32, #tpu.memory_space<hbm>>) target(%arg7 : memref<32xi32, #tpu.memory_space<vmem>>) target_semaphore(%run_scoped3A : memref<!tpu.dma_semaphore, #tpu.memory_space<semaphore_mem>>)
      %dma_wait3A_46 = tpu.memref_slice %arg3[%add3A_4] : memref<2048xi32, #tpu.memory_space<hbm>> -> memref<32xi32, #tpu.memory_space<hbm>>
      %dma_wait3A_47 = tpu.memref_slice %arg3[%add3A_4] : memref<2048xi32, #tpu.memory_space<hbm>> -> memref<32xi32, #tpu.memory_space<hbm>>
      tpu.wait_dma2 semaphore(%run_scoped3A : memref<!tpu.dma_semaphore, #tpu.memory_space<semaphore_mem>>) src(%dma_wait3A_47 : memref<32xi32, #tpu.memory_space<hbm>>) dst(%arg7 : memref<32xi32, #tpu.memory_space<vmem>>)
      tpu.yield
    }) : () -> ()
    %dma_start3A = arith.constant 0 : i32
    %dma_start3A_5 = arith.constant 0 : i32
    %dma_start3A_6 = tpu.memref_slice %arg4[%dma_start3A, %dma_start3A_5] : memref<6144x1024xf32, #tpu.memory_space<hbm>> -> memref<6144x1024xf32, #tpu.memory_space<hbm>>
    tpu.enqueue_indirect_dma source(%dma_start3A_6 : memref<6144x1024xf32, #tpu.memory_space<hbm>>) target(%arg8 : memref<32x1024xf32, #tpu.memory_space<vmem>>) offsets(%arg6 : memref<32xi32, #tpu.memory_space<vmem>>) semaphore(%arg11 : memref<!tpu.dma_semaphore, #tpu.memory_space<semaphore_mem>>)
    %dma_start3A_7 = arith.constant 0 : i32
    %dma_start3A_8 = arith.constant 0 : i32
    %dma_start3A_9 = tpu.memref_slice %arg4[%dma_start3A_7, %dma_start3A_8] : memref<6144x1024xf32, #tpu.memory_space<hbm>> -> memref<6144x1024xf32, #tpu.memory_space<hbm>>
    tpu.enqueue_indirect_dma source(%dma_start3A_9 : memref<6144x1024xf32, #tpu.memory_space<hbm>>) target(%arg9 : memref<32x1024xf32, #tpu.memory_space<vmem>>) offsets(%arg7 : memref<32xi32, #tpu.memory_space<vmem>>) semaphore(%arg12 : memref<!tpu.dma_semaphore, #tpu.memory_space<semaphore_mem>>)
    %dma_wait3A = arith.constant 0 : i32
    %dma_wait3A_10 = arith.constant 0 : i32
    %dma_wait3A_11 = tpu.memref_slice %arg4[%dma_wait3A, %dma_wait3A_10] : memref<6144x1024xf32, #tpu.memory_space<hbm>> -> memref<6144x1024xf32, #tpu.memory_space<hbm>>
    tpu.wait_indirect_dma semaphore(%arg11 : memref<!tpu.dma_semaphore, #tpu.memory_space<semaphore_mem>>) src(%dma_wait3A_11 : memref<6144x1024xf32, #tpu.memory_space<hbm>>) dst(%arg8 : memref<32x1024xf32, #tpu.memory_space<vmem>>)
    %dma_wait3A_12 = arith.constant 0 : i32
    %dma_wait3A_13 = arith.constant 0 : i32
    %dma_wait3A_14 = tpu.memref_slice %arg4[%dma_wait3A_12, %dma_wait3A_13] : memref<6144x1024xf32, #tpu.memory_space<hbm>> -> memref<6144x1024xf32, #tpu.memory_space<hbm>>
    tpu.wait_indirect_dma semaphore(%arg12 : memref<!tpu.dma_semaphore, #tpu.memory_space<semaphore_mem>>) src(%dma_wait3A_14 : memref<6144x1024xf32, #tpu.memory_space<hbm>>) dst(%arg9 : memref<32x1024xf32, #tpu.memory_space<vmem>>)
    %scan3A = arith.constant 0 : i32
    %scan3A_15 = arith.constant 0 : i32
    %scan3A_16 = arith.constant 32 : i32
    %scan3A_17 = arith.addi %scan3A_15, %scan3A_16 : i32
    %scan3A_18 = arith.constant 1 : i32
    %scan3A_19 = scf.for %scan3A_44 = %scan3A_15 to %scan3A_17 step %scan3A_18 iter_args(%scan3A_45 = %scan3A) -> (i32)  : i32 {
      %get3A = arith.index_cast %scan3A_44 : i32 to index
      %get3A_46 = arith.constant 0 : index
      %get3A_47 = tpu.vector_load %arg8[%get3A, %get3A_46] {strides = array<i32>} : memref<32x1024xf32, #tpu.memory_space<vmem>>, vector<1x16xf32>,
      %get3A_48 = vector.shape_cast %get3A_47 : vector<1x16xf32> to vector<16xf32>
      %get3A_49 = arith.index_cast %scan3A_44 : i32 to index
      %get3A_50 = arith.constant 0 : index
      %get3A_51 = tpu.vector_load %arg9[%get3A_49, %get3A_50] {strides = array<i32>} : memref<32x1024xf32, #tpu.memory_space<vmem>>, vector<1x16xf32>,
      %get3A_52 = vector.shape_cast %get3A_51 : vector<1x16xf32> to vector<16xf32>
      %add3A_53 = arith.addf %get3A_48, %get3A_52 : vector<16xf32>
      %swap3A = arith.index_cast %scan3A_44 : i32 to index
      %swap3A_54 = arith.constant 0 : index
      %swap3A_55 = tpu.vector_load %arg10[%swap3A, %swap3A_54] {strides = array<i32>} : memref<32x1024xf32, #tpu.memory_space<vmem>>, vector<1x16xf32>,
      %swap3A_56 = vector.shape_cast %swap3A_55 : vector<1x16xf32> to vector<16xf32>
      %swap3A_57 = vector.shape_cast %add3A_53 : vector<16xf32> to vector<1x16xf32>
      tpu.vector_store %arg10[%swap3A, %swap3A_54], %swap3A_57 {strides = array<i32>} : memref<32x1024xf32, #tpu.memory_space<vmem>>, vector<1x16xf32>,
      %get3A_58 = arith.index_cast %scan3A_44 : i32 to index
      %get3A_59 = arith.constant 16 : index
      %get3A_60 = tpu.vector_load %arg8[%get3A_58, %get3A_59] {strides = array<i32>} : memref<32x1024xf32, #tpu.memory_space<vmem>>, vector<1x16xf32>,
      %get3A_61 = vector.shape_cast %get3A_60 : vector<1x16xf32> to vector<16xf32>
      %get3A_62 = arith.index_cast %scan3A_44 : i32 to index
      %get3A_63 = arith.constant 16 : index
      %get3A_64 = tpu.vector_load %arg9[%get3A_62, %get3A_63] {strides = array<i32>} : memref<32x1024xf32, #tpu.memory_space<vmem>>, vector<1x16xf32>,
      %get3A_65 = vector.shape_cast %get3A_64 : vector<1x16xf32> to vector<16xf32>
      %add3A_66 = arith.addf %get3A_61, %get3A_65 : vector<16xf32>
      %swap3A_67 = arith.index_cast %scan3A_44 : i32 to index
      %swap3A_68 = arith.constant 16 : index
      %swap3A_69 = tpu.vector_load %arg10[%swap3A_67, %swap3A_68] {strides = array<i32>} : memref<32x1024xf32, #tpu.memory_space<vmem>>, vector<1x16xf32>,
      %swap3A_70 = vector.shape_cast %swap3A_69 : vector<1x16xf32> to vector<16xf32>
      %swap3A_71 = vector.shape_cast %add3A_66 : vector<16xf32> to vector<1x16xf32>
      tpu.vector_store %arg10[%swap3A_67, %swap3A_68], %swap3A_71 {strides = array<i32>} : memref<32x1024xf32, #tpu.memory_space<vmem>>, vector<1x16xf32>,
      %get3A_72 = arith.index_cast %scan3A_44 : i32 to index
      %get3A_73 = arith.constant 32 : index
      %get3A_74 = tpu.vector_load %arg8[%get3A_72, %get3A_73] {strides = array<i32>} : memref<32x1024xf32, #tpu.memory_space<vmem>>, vector<1x16xf32>,
      %get3A_75 = vector.shape_cast %get3A_74 : vector<1x16xf32> to vector<16xf32>
      %get3A_76 = arith.index_cast %scan3A_44 : i32 to index
      %get3A_77 = arith.constant 32 : index
      %get3A_78 = tpu.vector_load %arg9[%get3A_76, %get3A_77] {strides = array<i32>} : memref<32x1024xf32, #tpu.memory_space<vmem>>, vector<1x16xf32>,
      %get3A_79 = vector.shape_cast %get3A_78 : vector<1x16xf32> to vector<16xf32>
      %add3A_80 = arith.addf %get3A_75, %get3A_79 : vector<16xf32>
      %swap3A_81 = arith.index_cast %scan3A_44 : i32 to index
      %swap3A_82 = arith.constant 32 : index
      %swap3A_83 = tpu.vector_load %arg10[%swap3A_81, %swap3A_82] {strides = array<i32>} : memref<32x1024xf32, #tpu.memory_space<vmem>>, vector<1x16xf32>,
      %swap3A_84 = vector.shape_cast %swap3A_83 : vector<1x16xf32> to vector<16xf32>
      %swap3A_85 = vector.shape_cast %add3A_80 : vector<16xf32> to vector<1x16xf32>
      tpu.vector_store %arg10[%swap3A_81, %swap3A_82], %swap3A_85 {strides = array<i32>} : memref<32x1024xf32, #tpu.memory_space<vmem>>, vector<1x16xf32>,
      %get3A_86 = arith.index_cast %scan3A_44 : i32 to index
      %get3A_87 = arith.constant 48 : index
      %get3A_88 = tpu.vector_load %arg8[%get3A_86, %get3A_87] {strides = array<i32>} : memref<32x1024xf32, #tpu.memory_space<vmem>>, vector<1x16xf32>,
      %get3A_89 = vector.shape_cast %get3A_88 : vector<1x16xf32> to vector<16xf32>
      %get3A_90 = arith.index_cast %scan3A_44 : i32 to index
      %get3A_91 = arith.constant 48 : index
      %get3A_92 = tpu.vector_load %arg9[%get3A_90, %get3A_91] {strides = array<i32>} : memref<32x1024xf32, #tpu.memory_space<vmem>>, vector<1x16xf32>,
      %get3A_93 = vector.shape_cast %get3A_92 : vector<1x16xf32> to vector<16xf32>
      %add3A_94 = arith.addf %get3A_89, %get3A_93 : vector<16xf32>
      %swap3A_95 = arith.index_cast %scan3A_44 : i32 to index
      %swap3A_96 = arith.constant 48 : index
      %swap3A_97 = tpu.vector_load %arg10[%swap3A_95, %swap3A_96] {strides = array<i32>} : memref<32x1024xf32, #tpu.memory_space<vmem>>, vector<1x16xf32>,
      %swap3A_98 = vector.shape_cast %swap3A_97 : vector<1x16xf32> to vector<16xf32>
      %swap3A_99 = vector.shape_cast %add3A_94 : vector<16xf32> to vector<1x16xf32>
      tpu.vector_store %arg10[%swap3A_95, %swap3A_96], %swap3A_99 {strides = array<i32>} : memref<32x1024xf32, #tpu.memory_space<vmem>>, vector<1x16xf32>,
      %get3A_100 = arith.index_cast %scan3A_44 : i32 to index
      %get3A_101 = arith.constant 64 : index
      %get3A_102 = tpu.vector_load %arg8[%get3A_100, %get3A_101] {strides = array<i32>} : memref<32x1024xf32, #tpu.memory_space<vmem>>, vector<1x16xf32>,
      %get3A_103 = vector.shape_cast %get3A_102 : vector<1x16xf32> to vector<16xf32>
      %get3A_104 = arith.index_cast %scan3A_44 : i32 to index
      %get3A_105 = arith.constant 64 : index
      %get3A_106 = tpu.vector_load %arg9[%get3A_104, %get3A_105] {strides = array<i32>} : memref<32x1024xf32, #tpu.memory_space<vmem>>, vector<1x16xf32>,
      %get3A_107 = vector.shape_cast %get3A_106 : vector<1x16xf32> to vector<16xf32>
      %add3A_108 = arith.addf %get3A_103, %get3A_107 : vector<16xf32>
      %swap3A_109 = arith.index_cast %scan3A_44 : i32 to index
      %swap3A_110 = arith.constant 64 : index
      %swap3A_111 = tpu.vector_load %arg10[%swap3A_109, %swap3A_110] {strides = array<i32>} : memref<32x1024xf32, #tpu.memory_space<vmem>>, vector<1x16xf32>,
      %swap3A_112 = vector.shape_cast %swap3A_111 : vector<1x16xf32> to vector<16xf32>
      %swap3A_113 = vector.shape_cast %add3A_108 : vector<16xf32> to vector<1x16xf32>
      tpu.vector_store %arg10[%swap3A_109, %swap3A_110], %swap3A_113 {strides = array<i32>} : memref<32x1024xf32, #tpu.memory_space<vmem>>, vector<1x16xf32>,
      %get3A_114 = arith.index_cast %scan3A_44 : i32 to index
      %get3A_115 = arith.constant 80 : index
      %get3A_116 = tpu.vector_load %arg8[%get3A_114, %get3A_115] {strides = array<i32>} : memref<32x1024xf32, #tpu.memory_space<vmem>>, vector<1x16xf32>,
      %get3A_117 = vector.shape_cast %get3A_116 : vector<1x16xf32> to vector<16xf32>
      %get3A_118 = arith.index_cast %scan3A_44 : i32 to index
      %get3A_119 = arith.constant 80 : index
      %get3A_120 = tpu.vector_load %arg9[%get3A_118, %get3A_119] {strides = array<i32>} : memref<32x1024xf32, #tpu.memory_space<vmem>>, vector<1x16xf32>,
      %get3A_121 = vector.shape_cast %get3A_120 : vector<1x16xf32> to vector<16xf32>
      %add3A_122 = arith.addf %get3A_117, %get3A_121 : vector<16xf32>
      %swap3A_123 = arith.index_cast %scan3A_44 : i32 to index
      %swap3A_124 = arith.constant 80 : index
      %swap3A_125 = tpu.vector_load %arg10[%swap3A_123, %swap3A_124] {strides = array<i32>} : memref<32x1024xf32, #tpu.memory_space<vmem>>, vector<1x16xf32>,
      %swap3A_126 = vector.shape_cast %swap3A_125 : vector<1x16xf32> to vector<16xf32>
      %swap3A_127 = vector.shape_cast %add3A_122 : vector<16xf32> to vector<1x16xf32>
      tpu.vector_store %arg10[%swap3A_123, %swap3A_124], %swap3A_127 {strides = array<i32>} : memref<32x1024xf32, #tpu.memory_space<vmem>>, vector<1x16xf32>,
      %get3A_128 = arith.index_cast %scan3A_44 : i32 to index
      %get3A_129 = arith.constant 96 : index
      %get3A_130 = tpu.vector_load %arg8[%get3A_128, %get3A_129] {strides = array<i32>} : memref<32x1024xf32, #tpu.memory_space<vmem>>, vector<1x16xf32>,
      %get3A_131 = vector.shape_cast %get3A_130 : vector<1x16xf32> to vector<16xf32>
      %get3A_132 = arith.index_cast %scan3A_44 : i32 to index
      %get3A_133 = arith.constant 96 : index
      %get3A_134 = tpu.vector_load %arg9[%get3A_132, %get3A_133] {strides = array<i32>} : memref<32x1024xf32, #tpu.memory_space<vmem>>, vector<1x16xf32>,
      %get3A_135 = vector.shape_cast %get3A_134 : vector<1x16xf32> to vector<16xf32>
      %add3A_136 = arith.addf %get3A_131, %get3A_135 : vector<16xf32>
      %swap3A_137 = arith.index_cast %scan3A_44 : i32 to index
      %swap3A_138 = arith.constant 96 : index
      %swap3A_139 = tpu.vector_load %arg10[%swap3A_137, %swap3A_138] {strides = array<i32>} : memref<32x1024xf32, #tpu.memory_space<vmem>>, vector<1x16xf32>,
      %swap3A_140 = vector.shape_cast %swap3A_139 : vector<1x16xf32> to vector<16xf32>
      %swap3A_141 = vector.shape_cast %add3A_136 : vector<16xf32> to vector<1x16xf32>
      tpu.vector_store %arg10[%swap3A_137, %swap3A_138], %swap3A_141 {strides = array<i32>} : memref<32x1024xf32, #tpu.memory_space<vmem>>, vector<1x16xf32>,
      %get3A_142 = arith.index_cast %scan3A_44 : i32 to index
      %get3A_143 = arith.constant 112 : index
      %get3A_144 = tpu.vector_load %arg8[%get3A_142, %get3A_143] {strides = array<i32>} : memref<32x1024xf32, #tpu.memory_space<vmem>>, vector<1x16xf32>,
      %get3A_145 = vector.shape_cast %get3A_144 : vector<1x16xf32> to vector<16xf32>
      %get3A_146 = arith.index_cast %scan3A_44 : i32 to index
      %get3A_147 = arith.constant 112 : index
      %get3A_148 = tpu.vector_load %arg9[%get3A_146, %get3A_147] {strides = array<i32>} : memref<32x1024xf32, #tpu.memory_space<vmem>>, vector<1x16xf32>,
      %get3A_149 = vector.shape_cast %get3A_148 : vector<1x16xf32> to vector<16xf32>
      %add3A_150 = arith.addf %get3A_145, %get3A_149 : vector<16xf32>
      %swap3A_151 = arith.index_cast %scan3A_44 : i32 to index
      %swap3A_152 = arith.constant 112 : index
      %swap3A_153 = tpu.vector_load %arg10[%swap3A_151, %swap3A_152] {strides = array<i32>} : memref<32x1024xf32, #tpu.memory_space<vmem>>, vector<1x16xf32>,
      %swap3A_154 = vector.shape_cast %swap3A_153 : vector<1x16xf32> to vector<16xf32>
      %swap3A_155 = vector.shape_cast %add3A_150 : vector<16xf32> to vector<1x16xf32>
      tpu.vector_store %arg10[%swap3A_151, %swap3A_152], %swap3A_155 {strides = array<i32>} : memref<32x1024xf32, #tpu.memory_space<vmem>>, vector<1x16xf32>,
      %get3A_156 = arith.index_cast %scan3A_44 : i32 to index
      %get3A_157 = arith.constant 128 : index
      %get3A_158 = tpu.vector_load %arg8[%get3A_156, %get3A_157] {strides = array<i32>} : memref<32x1024xf32, #tpu.memory_space<vmem>>, vector<1x16xf32>,
      %get3A_159 = vector.shape_cast %get3A_158 : vector<1x16xf32> to vector<16xf32>
      %get3A_160 = arith.index_cast %scan3A_44 : i32 to index
      %get3A_161 = arith.constant 128 : index
      %get3A_162 = tpu.vector_load %arg9[%get3A_160, %get3A_161] {strides = array<i32>} : memref<32x1024xf32, #tpu.memory_space<vmem>>, vector<1x16xf32>,
      %get3A_163 = vector.shape_cast %get3A_162 : vector<1x16xf32> to vector<16xf32>
      %add3A_164 = arith.addf %get3A_159, %get3A_163 : vector<16xf32>
      %swap3A_165 = arith.index_cast %scan3A_44 : i32 to index
      %swap3A_166 = arith.constant 128 : index
      %swap3A_167 = tpu.vector_load %arg10[%swap3A_165, %swap3A_166] {strides = array<i32>} : memref<32x1024xf32, #tpu.memory_space<vmem>>, vector<1x16xf32>,
      %swap3A_168 = vector.shape_cast %swap3A_167 : vector<1x16xf32> to vector<16xf32>
      %swap3A_169 = vector.shape_cast %add3A_164 : vector<16xf32> to vector<1x16xf32>
      tpu.vector_store %arg10[%swap3A_165, %swap3A_166], %swap3A_169 {strides = array<i32>} : memref<32x1024xf32, #tpu.memory_space<vmem>>, vector<1x16xf32>,
      %get3A_170 = arith.index_cast %scan3A_44 : i32 to index
      %get3A_171 = arith.constant 144 : index
      %get3A_172 = tpu.vector_load %arg8[%get3A_170, %get3A_171] {strides = array<i32>} : memref<32x1024xf32, #tpu.memory_space<vmem>>, vector<1x16xf32>,
      %get3A_173 = vector.shape_cast %get3A_172 : vector<1x16xf32> to vector<16xf32>
      %get3A_174 = arith.index_cast %scan3A_44 : i32 to index
      %get3A_175 = arith.constant 144 : index
      %get3A_176 = tpu.vector_load %arg9[%get3A_174, %get3A_175] {strides = array<i32>} : memref<32x1024xf32, #tpu.memory_space<vmem>>, vector<1x16xf32>,
      %get3A_177 = vector.shape_cast %get3A_176 : vector<1x16xf32> to vector<16xf32>
      %add3A_178 = arith.addf %get3A_173, %get3A_177 : vector<16xf32>
      %swap3A_179 = arith.index_cast %scan3A_44 : i32 to index
      %swap3A_180 = arith.constant 144 : index
      %swap3A_181 = tpu.vector_load %arg10[%swap3A_179, %swap3A_180] {strides = array<i32>} : memref<32x1024xf32, #tpu.memory_space<vmem>>, vector<1x16xf32>,
      %swap3A_182 = vector.shape_cast %swap3A_181 : vector<1x16xf32> to vector<16xf32>
      %swap3A_183 = vector.shape_cast %add3A_178 : vector<16xf32> to vector<1x16xf32>
      tpu.vector_store %arg10[%swap3A_179, %swap3A_180], %swap3A_183 {strides = array<i32>} : memref<32x1024xf32, #tpu.memory_space<vmem>>, vector<1x16xf32>,
      %get3A_184 = arith.index_cast %scan3A_44 : i32 to index
      %get3A_185 = arith.constant 160 : index
      %get3A_186 = tpu.vector_load %arg8[%get3A_184, %get3A_185] {strides = array<i32>} : memref<32x1024xf32, #tpu.memory_space<vmem>>, vector<1x16xf32>,
      %get3A_187 = vector.shape_cast %get3A_186 : vector<1x16xf32> to vector<16xf32>
      %get3A_188 = arith.index_cast %scan3A_44 : i32 to index
      %get3A_189 = arith.constant 160 : index
      %get3A_190 = tpu.vector_load %arg9[%get3A_188, %get3A_189] {strides = array<i32>} : memref<32x1024xf32, #tpu.memory_space<vmem>>, vector<1x16xf32>,
      %get3A_191 = vector.shape_cast %get3A_190 : vector<1x16xf32> to vector<16xf32>
      %add3A_192 = arith.addf %get3A_187, %get3A_191 : vector<16xf32>
      %swap3A_193 = arith.index_cast %scan3A_44 : i32 to index
      %swap3A_194 = arith.constant 160 : index
      %swap3A_195 = tpu.vector_load %arg10[%swap3A_193, %swap3A_194] {strides = array<i32>} : memref<32x1024xf32, #tpu.memory_space<vmem>>, vector<1x16xf32>,
      %swap3A_196 = vector.shape_cast %swap3A_195 : vector<1x16xf32> to vector<16xf32>
      %swap3A_197 = vector.shape_cast %add3A_192 : vector<16xf32> to vector<1x16xf32>
      tpu.vector_store %arg10[%swap3A_193, %swap3A_194], %swap3A_197 {strides = array<i32>} : memref<32x1024xf32, #tpu.memory_space<vmem>>, vector<1x16xf32>,
      %get3A_198 = arith.index_cast %scan3A_44 : i32 to index
      %get3A_199 = arith.constant 176 : index
      %get3A_200 = tpu.vector_load %arg8[%get3A_198, %get3A_199] {strides = array<i32>} : memref<32x1024xf32, #tpu.memory_space<vmem>>, vector<1x16xf32>,
      %get3A_201 = vector.shape_cast %get3A_200 : vector<1x16xf32> to vector<16xf32>
      %get3A_202 = arith.index_cast %scan3A_44 : i32 to index
      %get3A_203 = arith.constant 176 : index
      %get3A_204 = tpu.vector_load %arg9[%get3A_202, %get3A_203] {strides = array<i32>} : memref<32x1024xf32, #tpu.memory_space<vmem>>, vector<1x16xf32>,
      %get3A_205 = vector.shape_cast %get3A_204 : vector<1x16xf32> to vector<16xf32>
      %add3A_206 = arith.addf %get3A_201, %get3A_205 : vector<16xf32>
      %swap3A_207 = arith.index_cast %scan3A_44 : i32 to index
      %swap3A_208 = arith.constant 176 : index
      %swap3A_209 = tpu.vector_load %arg10[%swap3A_207, %swap3A_208] {strides = array<i32>} : memref<32x1024xf32, #tpu.memory_space<vmem>>, vector<1x16xf32>,
      %swap3A_210 = vector.shape_cast %swap3A_209 : vector<1x16xf32> to vector<16xf32>
      %swap3A_211 = vector.shape_cast %add3A_206 : vector<16xf32> to vector<1x16xf32>
      tpu.vector_store %arg10[%swap3A_207, %swap3A_208], %swap3A_211 {strides = array<i32>} : memref<32x1024xf32, #tpu.memory_space<vmem>>, vector<1x16xf32>,
      %get3A_212 = arith.index_cast %scan3A_44 : i32 to index
      %get3A_213 = arith.constant 192 : index
      %get3A_214 = tpu.vector_load %arg8[%get3A_212, %get3A_213] {strides = array<i32>} : memref<32x1024xf32, #tpu.memory_space<vmem>>, vector<1x16xf32>,
      %get3A_215 = vector.shape_cast %get3A_214 : vector<1x16xf32> to vector<16xf32>
      %get3A_216 = arith.index_cast %scan3A_44 : i32 to index
      %get3A_217 = arith.constant 192 : index
      %get3A_218 = tpu.vector_load %arg9[%get3A_216, %get3A_217] {strides = array<i32>} : memref<32x1024xf32, #tpu.memory_space<vmem>>, vector<1x16xf32>,
      %get3A_219 = vector.shape_cast %get3A_218 : vector<1x16xf32> to vector<16xf32>
      %add3A_220 = arith.addf %get3A_215, %get3A_219 : vector<16xf32>
      %swap3A_221 = arith.index_cast %scan3A_44 : i32 to index
      %swap3A_222 = arith.constant 192 : index
      %swap3A_223 = tpu.vector_load %arg10[%swap3A_221, %swap3A_222] {strides = array<i32>} : memref<32x1024xf32, #tpu.memory_space<vmem>>, vector<1x16xf32>,
      %swap3A_224 = vector.shape_cast %swap3A_223 : vector<1x16xf32> to vector<16xf32>
      %swap3A_225 = vector.shape_cast %add3A_220 : vector<16xf32> to vector<1x16xf32>
      tpu.vector_store %arg10[%swap3A_221, %swap3A_222], %swap3A_225 {strides = array<i32>} : memref<32x1024xf32, #tpu.memory_space<vmem>>, vector<1x16xf32>,
      %get3A_226 = arith.index_cast %scan3A_44 : i32 to index
      %get3A_227 = arith.constant 208 : index
      %get3A_228 = tpu.vector_load %arg8[%get3A_226, %get3A_227] {strides = array<i32>} : memref<32x1024xf32, #tpu.memory_space<vmem>>, vector<1x16xf32>,
      %get3A_229 = vector.shape_cast %get3A_228 : vector<1x16xf32> to vector<16xf32>
      %get3A_230 = arith.index_cast %scan3A_44 : i32 to index
      %get3A_231 = arith.constant 208 : index
      %get3A_232 = tpu.vector_load %arg9[%get3A_230, %get3A_231] {strides = array<i32>} : memref<32x1024xf32, #tpu.memory_space<vmem>>, vector<1x16xf32>,
      %get3A_233 = vector.shape_cast %get3A_232 : vector<1x16xf32> to vector<16xf32>
      %add3A_234 = arith.addf %get3A_229, %get3A_233 : vector<16xf32>
      %swap3A_235 = arith.index_cast %scan3A_44 : i32 to index
      %swap3A_236 = arith.constant 208 : index
      %swap3A_237 = tpu.vector_load %arg10[%swap3A_235, %swap3A_236] {strides = array<i32>} : memref<32x1024xf32, #tpu.memory_space<vmem>>, vector<1x16xf32>,
      %swap3A_238 = vector.shape_cast %swap3A_237 : vector<1x16xf32> to vector<16xf32>
      %swap3A_239 = vector.shape_cast %add3A_234 : vector<16xf32> to vector<1x16xf32>
      tpu.vector_store %arg10[%swap3A_235, %swap3A_236], %swap3A_239 {strides = array<i32>} : memref<32x1024xf32, #tpu.memory_space<vmem>>, vector<1x16xf32>,
      %get3A_240 = arith.index_cast %scan3A_44 : i32 to index
      %get3A_241 = arith.constant 224 : index
      %get3A_242 = tpu.vector_load %arg8[%get3A_240, %get3A_241] {strides = array<i32>} : memref<32x1024xf32, #tpu.memory_space<vmem>>, vector<1x16xf32>,
      %get3A_243 = vector.shape_cast %get3A_242 : vector<1x16xf32> to vector<16xf32>
      %get3A_244 = arith.index_cast %scan3A_44 : i32 to index
      %get3A_245 = arith.constant 224 : index
      %get3A_246 = tpu.vector_load %arg9[%get3A_244, %get3A_245] {strides = array<i32>} : memref<32x1024xf32, #tpu.memory_space<vmem>>, vector<1x16xf32>,
      %get3A_247 = vector.shape_cast %get3A_246 : vector<1x16xf32> to vector<16xf32>
      %add3A_248 = arith.addf %get3A_243, %get3A_247 : vector<16xf32>
      %swap3A_249 = arith.index_cast %scan3A_44 : i32 to index
      %swap3A_250 = arith.constant 224 : index
      %swap3A_251 = tpu.vector_load %arg10[%swap3A_249, %swap3A_250] {strides = array<i32>} : memref<32x1024xf32, #tpu.memory_space<vmem>>, vector<1x16xf32>,
      %swap3A_252 = vector.shape_cast %swap3A_251 : vector<1x16xf32> to vector<16xf32>
      %swap3A_253 = vector.shape_cast %add3A_248 : vector<16xf32> to vector<1x16xf32>
      tpu.vector_store %arg10[%swap3A_249, %swap3A_250], %swap3A_253 {strides = array<i32>} : memref<32x1024xf32, #tpu.memory_space<vmem>>, vector<1x16xf32>,
      %get3A_254 = arith.index_cast %scan3A_44 : i32 to index
      %get3A_255 = arith.constant 240 : index
      %get3A_256 = tpu.vector_load %arg8[%get3A_254, %get3A_255] {strides = array<i32>} : memref<32x1024xf32, #tpu.memory_space<vmem>>, vector<1x16xf32>,
      %get3A_257 = vector.shape_cast %get3A_256 : vector<1x16xf32> to vector<16xf32>
      %get3A_258 = arith.index_cast %scan3A_44 : i32 to index
      %get3A_259 = arith.constant 240 : index
      %get3A_260 = tpu.vector_load %arg9[%get3A_258, %get3A_259] {strides = array<i32>} : memref<32x1024xf32, #tpu.memory_space<vmem>>, vector<1x16xf32>,
      %get3A_261 = vector.shape_cast %get3A_260 : vector<1x16xf32> to vector<16xf32>
      %add3A_262 = arith.addf %get3A_257, %get3A_261 : vector<16xf32>
      %swap3A_263 = arith.index_cast %scan3A_44 : i32 to index
      %swap3A_264 = arith.constant 240 : index
      %swap3A_265 = tpu.vector_load %arg10[%swap3A_263, %swap3A_264] {strides = array<i32>} : memref<32x1024xf32, #tpu.memory_space<vmem>>, vector<1x16xf32>,
      %swap3A_266 = vector.shape_cast %swap3A_265 : vector<1x16xf32> to vector<16xf32>
      %swap3A_267 = vector.shape_cast %add3A_262 : vector<16xf32> to vector<1x16xf32>
      tpu.vector_store %arg10[%swap3A_263, %swap3A_264], %swap3A_267 {strides = array<i32>} : memref<32x1024xf32, #tpu.memory_space<vmem>>, vector<1x16xf32>,
      %get3A_268 = arith.index_cast %scan3A_44 : i32 to index
      %get3A_269 = arith.constant 256 : index
      %get3A_270 = tpu.vector_load %arg8[%get3A_268, %get3A_269] {strides = array<i32>} : memref<32x1024xf32, #tpu.memory_space<vmem>>, vector<1x16xf32>,
      %get3A_271 = vector.shape_cast %get3A_270 : vector<1x16xf32> to vector<16xf32>
      %get3A_272 = arith.index_cast %scan3A_44 : i32 to index
      %get3A_273 = arith.constant 256 : index
      %get3A_274 = tpu.vector_load %arg9[%get3A_272, %get3A_273] {strides = array<i32>} : memref<32x1024xf32, #tpu.memory_space<vmem>>, vector<1x16xf32>,
      %get3A_275 = vector.shape_cast %get3A_274 : vector<1x16xf32> to vector<16xf32>
      %add3A_276 = arith.addf %get3A_271, %get3A_275 : vector<16xf32>
      %swap3A_277 = arith.index_cast %scan3A_44 : i32 to index
      %swap3A_278 = arith.constant 256 : index
      %swap3A_279 = tpu.vector_load %arg10[%swap3A_277, %swap3A_278] {strides = array<i32>} : memref<32x1024xf32, #tpu.memory_space<vmem>>, vector<1x16xf32>,
      %swap3A_280 = vector.shape_cast %swap3A_279 : vector<1x16xf32> to vector<16xf32>
      %swap3A_281 = vector.shape_cast %add3A_276 : vector<16xf32> to vector<1x16xf32>
      tpu.vector_store %arg10[%swap3A_277, %swap3A_278], %swap3A_281 {strides = array<i32>} : memref<32x1024xf32, #tpu.memory_space<vmem>>, vector<1x16xf32>,
      %get3A_282 = arith.index_cast %scan3A_44 : i32 to index
      %get3A_283 = arith.constant 272 : index
      %get3A_284 = tpu.vector_load %arg8[%get3A_282, %get3A_283] {strides = array<i32>} : memref<32x1024xf32, #tpu.memory_space<vmem>>, vector<1x16xf32>,
      %get3A_285 = vector.shape_cast %get3A_284 : vector<1x16xf32> to vector<16xf32>
      %get3A_286 = arith.index_cast %scan3A_44 : i32 to index
      %get3A_287 = arith.constant 272 : index
      %get3A_288 = tpu.vector_load %arg9[%get3A_286, %get3A_287] {strides = array<i32>} : memref<32x1024xf32, #tpu.memory_space<vmem>>, vector<1x16xf32>,
      %get3A_289 = vector.shape_cast %get3A_288 : vector<1x16xf32> to vector<16xf32>
      %add3A_290 = arith.addf %get3A_285, %get3A_289 : vector<16xf32>
      %swap3A_291 = arith.index_cast %scan3A_44 : i32 to index
      %swap3A_292 = arith.constant 272 : index
      %swap3A_293 = tpu.vector_load %arg10[%swap3A_291, %swap3A_292] {strides = array<i32>} : memref<32x1024xf32, #tpu.memory_space<vmem>>, vector<1x16xf32>,
      %swap3A_294 = vector.shape_cast %swap3A_293 : vector<1x16xf32> to vector<16xf32>
      %swap3A_295 = vector.shape_cast %add3A_290 : vector<16xf32> to vector<1x16xf32>
      tpu.vector_store %arg10[%swap3A_291, %swap3A_292], %swap3A_295 {strides = array<i32>} : memref<32x1024xf32, #tpu.memory_space<vmem>>, vector<1x16xf32>,
      %get3A_296 = arith.index_cast %scan3A_44 : i32 to index
      %get3A_297 = arith.constant 288 : index
      %get3A_298 = tpu.vector_load %arg8[%get3A_296, %get3A_297] {strides = array<i32>} : memref<32x1024xf32, #tpu.memory_space<vmem>>, vector<1x16xf32>,
      %get3A_299 = vector.shape_cast %get3A_298 : vector<1x16xf32> to vector<16xf32>
      %get3A_300 = arith.index_cast %scan3A_44 : i32 to index
      %get3A_301 = arith.constant 288 : index
      %get3A_302 = tpu.vector_load %arg9[%get3A_300, %get3A_301] {strides = array<i32>} : memref<32x1024xf32, #tpu.memory_space<vmem>>, vector<1x16xf32>,
      %get3A_303 = vector.shape_cast %get3A_302 : vector<1x16xf32> to vector<16xf32>
      %add3A_304 = arith.addf %get3A_299, %get3A_303 : vector<16xf32>
      %swap3A_305 = arith.index_cast %scan3A_44 : i32 to index
      %swap3A_306 = arith.constant 288 : index
      %swap3A_307 = tpu.vector_load %arg10[%swap3A_305, %swap3A_306] {strides = array<i32>} : memref<32x1024xf32, #tpu.memory_space<vmem>>, vector<1x16xf32>,
      %swap3A_308 = vector.shape_cast %swap3A_307 : vector<1x16xf32> to vector<16xf32>
      %swap3A_309 = vector.shape_cast %add3A_304 : vector<16xf32> to vector<1x16xf32>
      tpu.vector_store %arg10[%swap3A_305, %swap3A_306], %swap3A_309 {strides = array<i32>} : memref<32x1024xf32, #tpu.memory_space<vmem>>, vector<1x16xf32>,
      %get3A_310 = arith.index_cast %scan3A_44 : i32 to index
      %get3A_311 = arith.constant 304 : index
      %get3A_312 = tpu.vector_load %arg8[%get3A_310, %get3A_311] {strides = array<i32>} : memref<32x1024xf32, #tpu.memory_space<vmem>>, vector<1x16xf32>,
      %get3A_313 = vector.shape_cast %get3A_312 : vector<1x16xf32> to vector<16xf32>
      %get3A_314 = arith.index_cast %scan3A_44 : i32 to index
      %get3A_315 = arith.constant 304 : index
      %get3A_316 = tpu.vector_load %arg9[%get3A_314, %get3A_315] {strides = array<i32>} : memref<32x1024xf32, #tpu.memory_space<vmem>>, vector<1x16xf32>,
      %get3A_317 = vector.shape_cast %get3A_316 : vector<1x16xf32> to vector<16xf32>
      %add3A_318 = arith.addf %get3A_313, %get3A_317 : vector<16xf32>
      %swap3A_319 = arith.index_cast %scan3A_44 : i32 to index
      %swap3A_320 = arith.constant 304 : index
      %swap3A_321 = tpu.vector_load %arg10[%swap3A_319, %swap3A_320] {strides = array<i32>} : memref<32x1024xf32, #tpu.memory_space<vmem>>, vector<1x16xf32>,
      %swap3A_322 = vector.shape_cast %swap3A_321 : vector<1x16xf32> to vector<16xf32>
      %swap3A_323 = vector.shape_cast %add3A_318 : vector<16xf32> to vector<1x16xf32>
      tpu.vector_store %arg10[%swap3A_319, %swap3A_320], %swap3A_323 {strides = array<i32>} : memref<32x1024xf32, #tpu.memory_space<vmem>>, vector<1x16xf32>,
      %get3A_324 = arith.index_cast %scan3A_44 : i32 to index
      %get3A_325 = arith.constant 320 : index
      %get3A_326 = tpu.vector_load %arg8[%get3A_324, %get3A_325] {strides = array<i32>} : memref<32x1024xf32, #tpu.memory_space<vmem>>, vector<1x16xf32>,
      %get3A_327 = vector.shape_cast %get3A_326 : vector<1x16xf32> to vector<16xf32>
      %get3A_328 = arith.index_cast %scan3A_44 : i32 to index
      %get3A_329 = arith.constant 320 : index
      %get3A_330 = tpu.vector_load %arg9[%get3A_328, %get3A_329] {strides = array<i32>} : memref<32x1024xf32, #tpu.memory_space<vmem>>, vector<1x16xf32>,
      %get3A_331 = vector.shape_cast %get3A_330 : vector<1x16xf32> to vector<16xf32>
      %add3A_332 = arith.addf %get3A_327, %get3A_331 : vector<16xf32>
      %swap3A_333 = arith.index_cast %scan3A_44 : i32 to index
      %swap3A_334 = arith.constant 320 : index
      %swap3A_335 = tpu.vector_load %arg10[%swap3A_333, %swap3A_334] {strides = array<i32>} : memref<32x1024xf32, #tpu.memory_space<vmem>>, vector<1x16xf32>,
      %swap3A_336 = vector.shape_cast %swap3A_335 : vector<1x16xf32> to vector<16xf32>
      %swap3A_337 = vector.shape_cast %add3A_332 : vector<16xf32> to vector<1x16xf32>
      tpu.vector_store %arg10[%swap3A_333, %swap3A_334], %swap3A_337 {strides = array<i32>} : memref<32x1024xf32, #tpu.memory_space<vmem>>, vector<1x16xf32>,
      %get3A_338 = arith.index_cast %scan3A_44 : i32 to index
      %get3A_339 = arith.constant 336 : index
      %get3A_340 = tpu.vector_load %arg8[%get3A_338, %get3A_339] {strides = array<i32>} : memref<32x1024xf32, #tpu.memory_space<vmem>>, vector<1x16xf32>,
      %get3A_341 = vector.shape_cast %get3A_340 : vector<1x16xf32> to vector<16xf32>
      %get3A_342 = arith.index_cast %scan3A_44 : i32 to index
      %get3A_343 = arith.constant 336 : index
      %get3A_344 = tpu.vector_load %arg9[%get3A_342, %get3A_343] {strides = array<i32>} : memref<32x1024xf32, #tpu.memory_space<vmem>>, vector<1x16xf32>,
      %get3A_345 = vector.shape_cast %get3A_344 : vector<1x16xf32> to vector<16xf32>
      %add3A_346 = arith.addf %get3A_341, %get3A_345 : vector<16xf32>
      %swap3A_347 = arith.index_cast %scan3A_44 : i32 to index
      %swap3A_348 = arith.constant 336 : index
      %swap3A_349 = tpu.vector_load %arg10[%swap3A_347, %swap3A_348] {strides = array<i32>} : memref<32x1024xf32, #tpu.memory_space<vmem>>, vector<1x16xf32>,
      %swap3A_350 = vector.shape_cast %swap3A_349 : vector<1x16xf32> to vector<16xf32>
      %swap3A_351 = vector.shape_cast %add3A_346 : vector<16xf32> to vector<1x16xf32>
      tpu.vector_store %arg10[%swap3A_347, %swap3A_348], %swap3A_351 {strides = array<i32>} : memref<32x1024xf32, #tpu.memory_space<vmem>>, vector<1x16xf32>,
      %get3A_352 = arith.index_cast %scan3A_44 : i32 to index
      %get3A_353 = arith.constant 352 : index
      %get3A_354 = tpu.vector_load %arg8[%get3A_352, %get3A_353] {strides = array<i32>} : memref<32x1024xf32, #tpu.memory_space<vmem>>, vector<1x16xf32>,
      %get3A_355 = vector.shape_cast %get3A_354 : vector<1x16xf32> to vector<16xf32>
      %get3A_356 = arith.index_cast %scan3A_44 : i32 to index
      %get3A_357 = arith.constant 352 : index
      %get3A_358 = tpu.vector_load %arg9[%get3A_356, %get3A_357] {strides = array<i32>} : memref<32x1024xf32, #tpu.memory_space<vmem>>, vector<1x16xf32>,
      %get3A_359 = vector.shape_cast %get3A_358 : vector<1x16xf32> to vector<16xf32>
      %add3A_360 = arith.addf %get3A_355, %get3A_359 : vector<16xf32>
      %swap3A_361 = arith.index_cast %scan3A_44 : i32 to index
      %swap3A_362 = arith.constant 352 : index
      %swap3A_363 = tpu.vector_load %arg10[%swap3A_361, %swap3A_362] {strides = array<i32>} : memref<32x1024xf32, #tpu.memory_space<vmem>>, vector<1x16xf32>,
      %swap3A_364 = vector.shape_cast %swap3A_363 : vector<1x16xf32> to vector<16xf32>
      %swap3A_365 = vector.shape_cast %add3A_360 : vector<16xf32> to vector<1x16xf32>
      tpu.vector_store %arg10[%swap3A_361, %swap3A_362], %swap3A_365 {strides = array<i32>} : memref<32x1024xf32, #tpu.memory_space<vmem>>, vector<1x16xf32>,
      %get3A_366 = arith.index_cast %scan3A_44 : i32 to index
      %get3A_367 = arith.constant 368 : index
      %get3A_368 = tpu.vector_load %arg8[%get3A_366, %get3A_367] {strides = array<i32>} : memref<32x1024xf32, #tpu.memory_space<vmem>>, vector<1x16xf32>,
      %get3A_369 = vector.shape_cast %get3A_368 : vector<1x16xf32> to vector<16xf32>
      %get3A_370 = arith.index_cast %scan3A_44 : i32 to index
      %get3A_371 = arith.constant 368 : index
      %get3A_372 = tpu.vector_load %arg9[%get3A_370, %get3A_371] {strides = array<i32>} : memref<32x1024xf32, #tpu.memory_space<vmem>>, vector<1x16xf32>,
      %get3A_373 = vector.shape_cast %get3A_372 : vector<1x16xf32> to vector<16xf32>
      %add3A_374 = arith.addf %get3A_369, %get3A_373 : vector<16xf32>
      %swap3A_375 = arith.index_cast %scan3A_44 : i32 to index
      %swap3A_376 = arith.constant 368 : index
      %swap3A_377 = tpu.vector_load %arg10[%swap3A_375, %swap3A_376] {strides = array<i32>} : memref<32x1024xf32, #tpu.memory_space<vmem>>, vector<1x16xf32>,
      %swap3A_378 = vector.shape_cast %swap3A_377 : vector<1x16xf32> to vector<16xf32>
      %swap3A_379 = vector.shape_cast %add3A_374 : vector<16xf32> to vector<1x16xf32>
      tpu.vector_store %arg10[%swap3A_375, %swap3A_376], %swap3A_379 {strides = array<i32>} : memref<32x1024xf32, #tpu.memory_space<vmem>>, vector<1x16xf32>,
      %get3A_380 = arith.index_cast %scan3A_44 : i32 to index
      %get3A_381 = arith.constant 384 : index
      %get3A_382 = tpu.vector_load %arg8[%get3A_380, %get3A_381] {strides = array<i32>} : memref<32x1024xf32, #tpu.memory_space<vmem>>, vector<1x16xf32>,
      %get3A_383 = vector.shape_cast %get3A_382 : vector<1x16xf32> to vector<16xf32>
      %get3A_384 = arith.index_cast %scan3A_44 : i32 to index
      %get3A_385 = arith.constant 384 : index
      %get3A_386 = tpu.vector_load %arg9[%get3A_384, %get3A_385] {strides = array<i32>} : memref<32x1024xf32, #tpu.memory_space<vmem>>, vector<1x16xf32>,
      %get3A_387 = vector.shape_cast %get3A_386 : vector<1x16xf32> to vector<16xf32>
      %add3A_388 = arith.addf %get3A_383, %get3A_387 : vector<16xf32>
      %swap3A_389 = arith.index_cast %scan3A_44 : i32 to index
      %swap3A_390 = arith.constant 384 : index
      %swap3A_391 = tpu.vector_load %arg10[%swap3A_389, %swap3A_390] {strides = array<i32>} : memref<32x1024xf32, #tpu.memory_space<vmem>>, vector<1x16xf32>,
      %swap3A_392 = vector.shape_cast %swap3A_391 : vector<1x16xf32> to vector<16xf32>
      %swap3A_393 = vector.shape_cast %add3A_388 : vector<16xf32> to vector<1x16xf32>
      tpu.vector_store %arg10[%swap3A_389, %swap3A_390], %swap3A_393 {strides = array<i32>} : memref<32x1024xf32, #tpu.memory_space<vmem>>, vector<1x16xf32>,
      %get3A_394 = arith.index_cast %scan3A_44 : i32 to index
      %get3A_395 = arith.constant 400 : index
      %get3A_396 = tpu.vector_load %arg8[%get3A_394, %get3A_395] {strides = array<i32>} : memref<32x1024xf32, #tpu.memory_space<vmem>>, vector<1x16xf32>,
      %get3A_397 = vector.shape_cast %get3A_396 : vector<1x16xf32> to vector<16xf32>
      %get3A_398 = arith.index_cast %scan3A_44 : i32 to index
      %get3A_399 = arith.constant 400 : index
      %get3A_400 = tpu.vector_load %arg9[%get3A_398, %get3A_399] {strides = array<i32>} : memref<32x1024xf32, #tpu.memory_space<vmem>>, vector<1x16xf32>,
      %get3A_401 = vector.shape_cast %get3A_400 : vector<1x16xf32> to vector<16xf32>
      %add3A_402 = arith.addf %get3A_397, %get3A_401 : vector<16xf32>
      %swap3A_403 = arith.index_cast %scan3A_44 : i32 to index
      %swap3A_404 = arith.constant 400 : index
      %swap3A_405 = tpu.vector_load %arg10[%swap3A_403, %swap3A_404] {strides = array<i32>} : memref<32x1024xf32, #tpu.memory_space<vmem>>, vector<1x16xf32>,
      %swap3A_406 = vector.shape_cast %swap3A_405 : vector<1x16xf32> to vector<16xf32>
      %swap3A_407 = vector.shape_cast %add3A_402 : vector<16xf32> to vector<1x16xf32>
      tpu.vector_store %arg10[%swap3A_403, %swap3A_404], %swap3A_407 {strides = array<i32>} : memref<32x1024xf32, #tpu.memory_space<vmem>>, vector<1x16xf32>,
      %get3A_408 = arith.index_cast %scan3A_44 : i32 to index
      %get3A_409 = arith.constant 416 : index
      %get3A_410 = tpu.vector_load %arg8[%get3A_408, %get3A_409] {strides = array<i32>} : memref<32x1024xf32, #tpu.memory_space<vmem>>, vector<1x16xf32>,
      %get3A_411 = vector.shape_cast %get3A_410 : vector<1x16xf32> to vector<16xf32>
      %get3A_412 = arith.index_cast %scan3A_44 : i32 to index
      %get3A_413 = arith.constant 416 : index
      %get3A_414 = tpu.vector_load %arg9[%get3A_412, %get3A_413] {strides = array<i32>} : memref<32x1024xf32, #tpu.memory_space<vmem>>, vector<1x16xf32>,
      %get3A_415 = vector.shape_cast %get3A_414 : vector<1x16xf32> to vector<16xf32>
      %add3A_416 = arith.addf %get3A_411, %get3A_415 : vector<16xf32>
      %swap3A_417 = arith.index_cast %scan3A_44 : i32 to index
      %swap3A_418 = arith.constant 416 : index
      %swap3A_419 = tpu.vector_load %arg10[%swap3A_417, %swap3A_418] {strides = array<i32>} : memref<32x1024xf32, #tpu.memory_space<vmem>>, vector<1x16xf32>,
      %swap3A_420 = vector.shape_cast %swap3A_419 : vector<1x16xf32> to vector<16xf32>
      %swap3A_421 = vector.shape_cast %add3A_416 : vector<16xf32> to vector<1x16xf32>
      tpu.vector_store %arg10[%swap3A_417, %swap3A_418], %swap3A_421 {strides = array<i32>} : memref<32x1024xf32, #tpu.memory_space<vmem>>, vector<1x16xf32>,
      %get3A_422 = arith.index_cast %scan3A_44 : i32 to index
      %get3A_423 = arith.constant 432 : index
      %get3A_424 = tpu.vector_load %arg8[%get3A_422, %get3A_423] {strides = array<i32>} : memref<32x1024xf32, #tpu.memory_space<vmem>>, vector<1x16xf32>,
      %get3A_425 = vector.shape_cast %get3A_424 : vector<1x16xf32> to vector<16xf32>
      %get3A_426 = arith.index_cast %scan3A_44 : i32 to index
      %get3A_427 = arith.constant 432 : index
      %get3A_428 = tpu.vector_load %arg9[%get3A_426, %get3A_427] {strides = array<i32>} : memref<32x1024xf32, #tpu.memory_space<vmem>>, vector<1x16xf32>,
      %get3A_429 = vector.shape_cast %get3A_428 : vector<1x16xf32> to vector<16xf32>
      %add3A_430 = arith.addf %get3A_425, %get3A_429 : vector<16xf32>
      %swap3A_431 = arith.index_cast %scan3A_44 : i32 to index
      %swap3A_432 = arith.constant 432 : index
      %swap3A_433 = tpu.vector_load %arg10[%swap3A_431, %swap3A_432] {strides = array<i32>} : memref<32x1024xf32, #tpu.memory_space<vmem>>, vector<1x16xf32>,
      %swap3A_434 = vector.shape_cast %swap3A_433 : vector<1x16xf32> to vector<16xf32>
      %swap3A_435 = vector.shape_cast %add3A_430 : vector<16xf32> to vector<1x16xf32>
      tpu.vector_store %arg10[%swap3A_431, %swap3A_432], %swap3A_435 {strides = array<i32>} : memref<32x1024xf32, #tpu.memory_space<vmem>>, vector<1x16xf32>,
      %get3A_436 = arith.index_cast %scan3A_44 : i32 to index
      %get3A_437 = arith.constant 448 : index
      %get3A_438 = tpu.vector_load %arg8[%get3A_436, %get3A_437] {strides = array<i32>} : memref<32x1024xf32, #tpu.memory_space<vmem>>, vector<1x16xf32>,
      %get3A_439 = vector.shape_cast %get3A_438 : vector<1x16xf32> to vector<16xf32>
      %get3A_440 = arith.index_cast %scan3A_44 : i32 to index
      %get3A_441 = arith.constant 448 : index
      %get3A_442 = tpu.vector_load %arg9[%get3A_440, %get3A_441] {strides = array<i32>} : memref<32x1024xf32, #tpu.memory_space<vmem>>, vector<1x16xf32>,
      %get3A_443 = vector.shape_cast %get3A_442 : vector<1x16xf32> to vector<16xf32>
      %add3A_444 = arith.addf %get3A_439, %get3A_443 : vector<16xf32>
      %swap3A_445 = arith.index_cast %scan3A_44 : i32 to index
      %swap3A_446 = arith.constant 448 : index
      %swap3A_447 = tpu.vector_load %arg10[%swap3A_445, %swap3A_446] {strides = array<i32>} : memref<32x1024xf32, #tpu.memory_space<vmem>>, vector<1x16xf32>,
      %swap3A_448 = vector.shape_cast %swap3A_447 : vector<1x16xf32> to vector<16xf32>
      %swap3A_449 = vector.shape_cast %add3A_444 : vector<16xf32> to vector<1x16xf32>
      tpu.vector_store %arg10[%swap3A_445, %swap3A_446], %swap3A_449 {strides = array<i32>} : memref<32x1024xf32, #tpu.memory_space<vmem>>, vector<1x16xf32>,
      %get3A_450 = arith.index_cast %scan3A_44 : i32 to index
      %get3A_451 = arith.constant 464 : index
      %get3A_452 = tpu.vector_load %arg8[%get3A_450, %get3A_451] {strides = array<i32>} : memref<32x1024xf32, #tpu.memory_space<vmem>>, vector<1x16xf32>,
      %get3A_453 = vector.shape_cast %get3A_452 : vector<1x16xf32> to vector<16xf32>
      %get3A_454 = arith.index_cast %scan3A_44 : i32 to index
      %get3A_455 = arith.constant 464 : index
      %get3A_456 = tpu.vector_load %arg9[%get3A_454, %get3A_455] {strides = array<i32>} : memref<32x1024xf32, #tpu.memory_space<vmem>>, vector<1x16xf32>,
      %get3A_457 = vector.shape_cast %get3A_456 : vector<1x16xf32> to vector<16xf32>
      %add3A_458 = arith.addf %get3A_453, %get3A_457 : vector<16xf32>
      %swap3A_459 = arith.index_cast %scan3A_44 : i32 to index
      %swap3A_460 = arith.constant 464 : index
      %swap3A_461 = tpu.vector_load %arg10[%swap3A_459, %swap3A_460] {strides = array<i32>} : memref<32x1024xf32, #tpu.memory_space<vmem>>, vector<1x16xf32>,
      %swap3A_462 = vector.shape_cast %swap3A_461 : vector<1x16xf32> to vector<16xf32>
      %swap3A_463 = vector.shape_cast %add3A_458 : vector<16xf32> to vector<1x16xf32>
      tpu.vector_store %arg10[%swap3A_459, %swap3A_460], %swap3A_463 {strides = array<i32>} : memref<32x1024xf32, #tpu.memory_space<vmem>>, vector<1x16xf32>,
      %get3A_464 = arith.index_cast %scan3A_44 : i32 to index
      %get3A_465 = arith.constant 480 : index
      %get3A_466 = tpu.vector_load %arg8[%get3A_464, %get3A_465] {strides = array<i32>} : memref<32x1024xf32, #tpu.memory_space<vmem>>, vector<1x16xf32>,
      %get3A_467 = vector.shape_cast %get3A_466 : vector<1x16xf32> to vector<16xf32>
      %get3A_468 = arith.index_cast %scan3A_44 : i32 to index
      %get3A_469 = arith.constant 480 : index
      %get3A_470 = tpu.vector_load %arg9[%get3A_468, %get3A_469] {strides = array<i32>} : memref<32x1024xf32, #tpu.memory_space<vmem>>, vector<1x16xf32>,
      %get3A_471 = vector.shape_cast %get3A_470 : vector<1x16xf32> to vector<16xf32>
      %add3A_472 = arith.addf %get3A_467, %get3A_471 : vector<16xf32>
      %swap3A_473 = arith.index_cast %scan3A_44 : i32 to index
      %swap3A_474 = arith.constant 480 : index
      %swap3A_475 = tpu.vector_load %arg10[%swap3A_473, %swap3A_474] {strides = array<i32>} : memref<32x1024xf32, #tpu.memory_space<vmem>>, vector<1x16xf32>,
      %swap3A_476 = vector.shape_cast %swap3A_475 : vector<1x16xf32> to vector<16xf32>
      %swap3A_477 = vector.shape_cast %add3A_472 : vector<16xf32> to vector<1x16xf32>
      tpu.vector_store %arg10[%swap3A_473, %swap3A_474], %swap3A_477 {strides = array<i32>} : memref<32x1024xf32, #tpu.memory_space<vmem>>, vector<1x16xf32>,
      %get3A_478 = arith.index_cast %scan3A_44 : i32 to index
      %get3A_479 = arith.constant 496 : index
      %get3A_480 = tpu.vector_load %arg8[%get3A_478, %get3A_479] {strides = array<i32>} : memref<32x1024xf32, #tpu.memory_space<vmem>>, vector<1x16xf32>,
      %get3A_481 = vector.shape_cast %get3A_480 : vector<1x16xf32> to vector<16xf32>
      %get3A_482 = arith.index_cast %scan3A_44 : i32 to index
      %get3A_483 = arith.constant 496 : index
      %get3A_484 = tpu.vector_load %arg9[%get3A_482, %get3A_483] {strides = array<i32>} : memref<32x1024xf32, #tpu.memory_space<vmem>>, vector<1x16xf32>,
      %get3A_485 = vector.shape_cast %get3A_484 : vector<1x16xf32> to vector<16xf32>
      %add3A_486 = arith.addf %get3A_481, %get3A_485 : vector<16xf32>
      %swap3A_487 = arith.index_cast %scan3A_44 : i32 to index
      %swap3A_488 = arith.constant 496 : index
      %swap3A_489 = tpu.vector_load %arg10[%swap3A_487, %swap3A_488] {strides = array<i32>} : memref<32x1024xf32, #tpu.memory_space<vmem>>, vector<1x16xf32>,
      %swap3A_490 = vector.shape_cast %swap3A_489 : vector<1x16xf32> to vector<16xf32>
      %swap3A_491 = vector.shape_cast %add3A_486 : vector<16xf32> to vector<1x16xf32>
      tpu.vector_store %arg10[%swap3A_487, %swap3A_488], %swap3A_491 {strides = array<i32>} : memref<32x1024xf32, #tpu.memory_space<vmem>>, vector<1x16xf32>,
      %get3A_492 = arith.index_cast %scan3A_44 : i32 to index
      %get3A_493 = arith.constant 512 : index
      %get3A_494 = tpu.vector_load %arg8[%get3A_492, %get3A_493] {strides = array<i32>} : memref<32x1024xf32, #tpu.memory_space<vmem>>, vector<1x16xf32>,
      %get3A_495 = vector.shape_cast %get3A_494 : vector<1x16xf32> to vector<16xf32>
      %get3A_496 = arith.index_cast %scan3A_44 : i32 to index
      %get3A_497 = arith.constant 512 : index
      %get3A_498 = tpu.vector_load %arg9[%get3A_496, %get3A_497] {strides = array<i32>} : memref<32x1024xf32, #tpu.memory_space<vmem>>, vector<1x16xf32>,
      %get3A_499 = vector.shape_cast %get3A_498 : vector<1x16xf32> to vector<16xf32>
      %add3A_500 = arith.addf %get3A_495, %get3A_499 : vector<16xf32>
      %swap3A_501 = arith.index_cast %scan3A_44 : i32 to index
      %swap3A_502 = arith.constant 512 : index
      %swap3A_503 = tpu.vector_load %arg10[%swap3A_501, %swap3A_502] {strides = array<i32>} : memref<32x1024xf32, #tpu.memory_space<vmem>>, vector<1x16xf32>,
      %swap3A_504 = vector.shape_cast %swap3A_503 : vector<1x16xf32> to vector<16xf32>
      %swap3A_505 = vector.shape_cast %add3A_500 : vector<16xf32> to vector<1x16xf32>
      tpu.vector_store %arg10[%swap3A_501, %swap3A_502], %swap3A_505 {strides = array<i32>} : memref<32x1024xf32, #tpu.memory_space<vmem>>, vector<1x16xf32>,
      %get3A_506 = arith.index_cast %scan3A_44 : i32 to index
      %get3A_507 = arith.constant 528 : index
      %get3A_508 = tpu.vector_load %arg8[%get3A_506, %get3A_507] {strides = array<i32>} : memref<32x1024xf32, #tpu.memory_space<vmem>>, vector<1x16xf32>,
      %get3A_509 = vector.shape_cast %get3A_508 : vector<1x16xf32> to vector<16xf32>
      %get3A_510 = arith.index_cast %scan3A_44 : i32 to index
      %get3A_511 = arith.constant 528 : index
      %get3A_512 = tpu.vector_load %arg9[%get3A_510, %get3A_511] {strides = array<i32>} : memref<32x1024xf32, #tpu.memory_space<vmem>>, vector<1x16xf32>,
      %get3A_513 = vector.shape_cast %get3A_512 : vector<1x16xf32> to vector<16xf32>
      %add3A_514 = arith.addf %get3A_509, %get3A_513 : vector<16xf32>
      %swap3A_515 = arith.index_cast %scan3A_44 : i32 to index
      %swap3A_516 = arith.constant 528 : index
      %swap3A_517 = tpu.vector_load %arg10[%swap3A_515, %swap3A_516] {strides = array<i32>} : memref<32x1024xf32, #tpu.memory_space<vmem>>, vector<1x16xf32>,
      %swap3A_518 = vector.shape_cast %swap3A_517 : vector<1x16xf32> to vector<16xf32>
      %swap3A_519 = vector.shape_cast %add3A_514 : vector<16xf32> to vector<1x16xf32>
      tpu.vector_store %arg10[%swap3A_515, %swap3A_516], %swap3A_519 {strides = array<i32>} : memref<32x1024xf32, #tpu.memory_space<vmem>>, vector<1x16xf32>,
      %get3A_520 = arith.index_cast %scan3A_44 : i32 to index
      %get3A_521 = arith.constant 544 : index
      %get3A_522 = tpu.vector_load %arg8[%get3A_520, %get3A_521] {strides = array<i32>} : memref<32x1024xf32, #tpu.memory_space<vmem>>, vector<1x16xf32>,
      %get3A_523 = vector.shape_cast %get3A_522 : vector<1x16xf32> to vector<16xf32>
      %get3A_524 = arith.index_cast %scan3A_44 : i32 to index
      %get3A_525 = arith.constant 544 : index
      %get3A_526 = tpu.vector_load %arg9[%get3A_524, %get3A_525] {strides = array<i32>} : memref<32x1024xf32, #tpu.memory_space<vmem>>, vector<1x16xf32>,
      %get3A_527 = vector.shape_cast %get3A_526 : vector<1x16xf32> to vector<16xf32>
      %add3A_528 = arith.addf %get3A_523, %get3A_527 : vector<16xf32>
      %swap3A_529 = arith.index_cast %scan3A_44 : i32 to index
      %swap3A_530 = arith.constant 544 : index
      %swap3A_531 = tpu.vector_load %arg10[%swap3A_529, %swap3A_530] {strides = array<i32>} : memref<32x1024xf32, #tpu.memory_space<vmem>>, vector<1x16xf32>,
      %swap3A_532 = vector.shape_cast %swap3A_531 : vector<1x16xf32> to vector<16xf32>
      %swap3A_533 = vector.shape_cast %add3A_528 : vector<16xf32> to vector<1x16xf32>
      tpu.vector_store %arg10[%swap3A_529, %swap3A_530], %swap3A_533 {strides = array<i32>} : memref<32x1024xf32, #tpu.memory_space<vmem>>, vector<1x16xf32>,
      %get3A_534 = arith.index_cast %scan3A_44 : i32 to index
      %get3A_535 = arith.constant 560 : index
      %get3A_536 = tpu.vector_load %arg8[%get3A_534, %get3A_535] {strides = array<i32>} : memref<32x1024xf32, #tpu.memory_space<vmem>>, vector<1x16xf32>,
      %get3A_537 = vector.shape_cast %get3A_536 : vector<1x16xf32> to vector<16xf32>
      %get3A_538 = arith.index_cast %scan3A_44 : i32 to index
      %get3A_539 = arith.constant 560 : index
      %get3A_540 = tpu.vector_load %arg9[%get3A_538, %get3A_539] {strides = array<i32>} : memref<32x1024xf32, #tpu.memory_space<vmem>>, vector<1x16xf32>,
      %get3A_541 = vector.shape_cast %get3A_540 : vector<1x16xf32> to vector<16xf32>
      %add3A_542 = arith.addf %get3A_537, %get3A_541 : vector<16xf32>
      %swap3A_543 = arith.index_cast %scan3A_44 : i32 to index
      %swap3A_544 = arith.constant 560 : index
      %swap3A_545 = tpu.vector_load %arg10[%swap3A_543, %swap3A_544] {strides = array<i32>} : memref<32x1024xf32, #tpu.memory_space<vmem>>, vector<1x16xf32>,
      %swap3A_546 = vector.shape_cast %swap3A_545 : vector<1x16xf32> to vector<16xf32>
      %swap3A_547 = vector.shape_cast %add3A_542 : vector<16xf32> to vector<1x16xf32>
      tpu.vector_store %arg10[%swap3A_543, %swap3A_544], %swap3A_547 {strides = array<i32>} : memref<32x1024xf32, #tpu.memory_space<vmem>>, vector<1x16xf32>,
      %get3A_548 = arith.index_cast %scan3A_44 : i32 to index
      %get3A_549 = arith.constant 576 : index
      %get3A_550 = tpu.vector_load %arg8[%get3A_548, %get3A_549] {strides = array<i32>} : memref<32x1024xf32, #tpu.memory_space<vmem>>, vector<1x16xf32>,
      %get3A_551 = vector.shape_cast %get3A_550 : vector<1x16xf32> to vector<16xf32>
      %get3A_552 = arith.index_cast %scan3A_44 : i32 to index
      %get3A_553 = arith.constant 576 : index
      %get3A_554 = tpu.vector_load %arg9[%get3A_552, %get3A_553] {strides = array<i32>} : memref<32x1024xf32, #tpu.memory_space<vmem>>, vector<1x16xf32>,
      %get3A_555 = vector.shape_cast %get3A_554 : vector<1x16xf32> to vector<16xf32>
      %add3A_556 = arith.addf %get3A_551, %get3A_555 : vector<16xf32>
      %swap3A_557 = arith.index_cast %scan3A_44 : i32 to index
      %swap3A_558 = arith.constant 576 : index
      %swap3A_559 = tpu.vector_load %arg10[%swap3A_557, %swap3A_558] {strides = array<i32>} : memref<32x1024xf32, #tpu.memory_space<vmem>>, vector<1x16xf32>,
      %swap3A_560 = vector.shape_cast %swap3A_559 : vector<1x16xf32> to vector<16xf32>
      %swap3A_561 = vector.shape_cast %add3A_556 : vector<16xf32> to vector<1x16xf32>
      tpu.vector_store %arg10[%swap3A_557, %swap3A_558], %swap3A_561 {strides = array<i32>} : memref<32x1024xf32, #tpu.memory_space<vmem>>, vector<1x16xf32>,
      %get3A_562 = arith.index_cast %scan3A_44 : i32 to index
      %get3A_563 = arith.constant 592 : index
      %get3A_564 = tpu.vector_load %arg8[%get3A_562, %get3A_563] {strides = array<i32>} : memref<32x1024xf32, #tpu.memory_space<vmem>>, vector<1x16xf32>,
      %get3A_565 = vector.shape_cast %get3A_564 : vector<1x16xf32> to vector<16xf32>
      %get3A_566 = arith.index_cast %scan3A_44 : i32 to index
      %get3A_567 = arith.constant 592 : index
      %get3A_568 = tpu.vector_load %arg9[%get3A_566, %get3A_567] {strides = array<i32>} : memref<32x1024xf32, #tpu.memory_space<vmem>>, vector<1x16xf32>,
      %get3A_569 = vector.shape_cast %get3A_568 : vector<1x16xf32> to vector<16xf32>
      %add3A_570 = arith.addf %get3A_565, %get3A_569 : vector<16xf32>
      %swap3A_571 = arith.index_cast %scan3A_44 : i32 to index
      %swap3A_572 = arith.constant 592 : index
      %swap3A_573 = tpu.vector_load %arg10[%swap3A_571, %swap3A_572] {strides = array<i32>} : memref<32x1024xf32, #tpu.memory_space<vmem>>, vector<1x16xf32>,
      %swap3A_574 = vector.shape_cast %swap3A_573 : vector<1x16xf32> to vector<16xf32>
      %swap3A_575 = vector.shape_cast %add3A_570 : vector<16xf32> to vector<1x16xf32>
      tpu.vector_store %arg10[%swap3A_571, %swap3A_572], %swap3A_575 {strides = array<i32>} : memref<32x1024xf32, #tpu.memory_space<vmem>>, vector<1x16xf32>,
      %get3A_576 = arith.index_cast %scan3A_44 : i32 to index
      %get3A_577 = arith.constant 608 : index
      %get3A_578 = tpu.vector_load %arg8[%get3A_576, %get3A_577] {strides = array<i32>} : memref<32x1024xf32, #tpu.memory_space<vmem>>, vector<1x16xf32>,
      %get3A_579 = vector.shape_cast %get3A_578 : vector<1x16xf32> to vector<16xf32>
      %get3A_580 = arith.index_cast %scan3A_44 : i32 to index
      %get3A_581 = arith.constant 608 : index
      %get3A_582 = tpu.vector_load %arg9[%get3A_580, %get3A_581] {strides = array<i32>} : memref<32x1024xf32, #tpu.memory_space<vmem>>, vector<1x16xf32>,
      %get3A_583 = vector.shape_cast %get3A_582 : vector<1x16xf32> to vector<16xf32>
      %add3A_584 = arith.addf %get3A_579, %get3A_583 : vector<16xf32>
      %swap3A_585 = arith.index_cast %scan3A_44 : i32 to index
      %swap3A_586 = arith.constant 608 : index
      %swap3A_587 = tpu.vector_load %arg10[%swap3A_585, %swap3A_586] {strides = array<i32>} : memref<32x1024xf32, #tpu.memory_space<vmem>>, vector<1x16xf32>,
      %swap3A_588 = vector.shape_cast %swap3A_587 : vector<1x16xf32> to vector<16xf32>
      %swap3A_589 = vector.shape_cast %add3A_584 : vector<16xf32> to vector<1x16xf32>
      tpu.vector_store %arg10[%swap3A_585, %swap3A_586], %swap3A_589 {strides = array<i32>} : memref<32x1024xf32, #tpu.memory_space<vmem>>, vector<1x16xf32>,
      %get3A_590 = arith.index_cast %scan3A_44 : i32 to index
      %get3A_591 = arith.constant 624 : index
      %get3A_592 = tpu.vector_load %arg8[%get3A_590, %get3A_591] {strides = array<i32>} : memref<32x1024xf32, #tpu.memory_space<vmem>>, vector<1x16xf32>,
      %get3A_593 = vector.shape_cast %get3A_592 : vector<1x16xf32> to vector<16xf32>
      %get3A_594 = arith.index_cast %scan3A_44 : i32 to index
      %get3A_595 = arith.constant 624 : index
      %get3A_596 = tpu.vector_load %arg9[%get3A_594, %get3A_595] {strides = array<i32>} : memref<32x1024xf32, #tpu.memory_space<vmem>>, vector<1x16xf32>,
      %get3A_597 = vector.shape_cast %get3A_596 : vector<1x16xf32> to vector<16xf32>
      %add3A_598 = arith.addf %get3A_593, %get3A_597 : vector<16xf32>
      %swap3A_599 = arith.index_cast %scan3A_44 : i32 to index
      %swap3A_600 = arith.constant 624 : index
      %swap3A_601 = tpu.vector_load %arg10[%swap3A_599, %swap3A_600] {strides = array<i32>} : memref<32x1024xf32, #tpu.memory_space<vmem>>, vector<1x16xf32>,
      %swap3A_602 = vector.shape_cast %swap3A_601 : vector<1x16xf32> to vector<16xf32>
      %swap3A_603 = vector.shape_cast %add3A_598 : vector<16xf32> to vector<1x16xf32>
      tpu.vector_store %arg10[%swap3A_599, %swap3A_600], %swap3A_603 {strides = array<i32>} : memref<32x1024xf32, #tpu.memory_space<vmem>>, vector<1x16xf32>,
      %get3A_604 = arith.index_cast %scan3A_44 : i32 to index
      %get3A_605 = arith.constant 640 : index
      %get3A_606 = tpu.vector_load %arg8[%get3A_604, %get3A_605] {strides = array<i32>} : memref<32x1024xf32, #tpu.memory_space<vmem>>, vector<1x16xf32>,
      %get3A_607 = vector.shape_cast %get3A_606 : vector<1x16xf32> to vector<16xf32>
      %get3A_608 = arith.index_cast %scan3A_44 : i32 to index
      %get3A_609 = arith.constant 640 : index
      %get3A_610 = tpu.vector_load %arg9[%get3A_608, %get3A_609] {strides = array<i32>} : memref<32x1024xf32, #tpu.memory_space<vmem>>, vector<1x16xf32>,
      %get3A_611 = vector.shape_cast %get3A_610 : vector<1x16xf32> to vector<16xf32>
      %add3A_612 = arith.addf %get3A_607, %get3A_611 : vector<16xf32>
      %swap3A_613 = arith.index_cast %scan3A_44 : i32 to index
      %swap3A_614 = arith.constant 640 : index
      %swap3A_615 = tpu.vector_load %arg10[%swap3A_613, %swap3A_614] {strides = array<i32>} : memref<32x1024xf32, #tpu.memory_space<vmem>>, vector<1x16xf32>,
      %swap3A_616 = vector.shape_cast %swap3A_615 : vector<1x16xf32> to vector<16xf32>
      %swap3A_617 = vector.shape_cast %add3A_612 : vector<16xf32> to vector<1x16xf32>
      tpu.vector_store %arg10[%swap3A_613, %swap3A_614], %swap3A_617 {strides = array<i32>} : memref<32x1024xf32, #tpu.memory_space<vmem>>, vector<1x16xf32>,
      %get3A_618 = arith.index_cast %scan3A_44 : i32 to index
      %get3A_619 = arith.constant 656 : index
      %get3A_620 = tpu.vector_load %arg8[%get3A_618, %get3A_619] {strides = array<i32>} : memref<32x1024xf32, #tpu.memory_space<vmem>>, vector<1x16xf32>,
      %get3A_621 = vector.shape_cast %get3A_620 : vector<1x16xf32> to vector<16xf32>
      %get3A_622 = arith.index_cast %scan3A_44 : i32 to index
      %get3A_623 = arith.constant 656 : index
      %get3A_624 = tpu.vector_load %arg9[%get3A_622, %get3A_623] {strides = array<i32>} : memref<32x1024xf32, #tpu.memory_space<vmem>>, vector<1x16xf32>,
      %get3A_625 = vector.shape_cast %get3A_624 : vector<1x16xf32> to vector<16xf32>
      %add3A_626 = arith.addf %get3A_621, %get3A_625 : vector<16xf32>
      %swap3A_627 = arith.index_cast %scan3A_44 : i32 to index
      %swap3A_628 = arith.constant 656 : index
      %swap3A_629 = tpu.vector_load %arg10[%swap3A_627, %swap3A_628] {strides = array<i32>} : memref<32x1024xf32, #tpu.memory_space<vmem>>, vector<1x16xf32>,
      %swap3A_630 = vector.shape_cast %swap3A_629 : vector<1x16xf32> to vector<16xf32>
      %swap3A_631 = vector.shape_cast %add3A_626 : vector<16xf32> to vector<1x16xf32>
      tpu.vector_store %arg10[%swap3A_627, %swap3A_628], %swap3A_631 {strides = array<i32>} : memref<32x1024xf32, #tpu.memory_space<vmem>>, vector<1x16xf32>,
      %get3A_632 = arith.index_cast %scan3A_44 : i32 to index
      %get3A_633 = arith.constant 672 : index
      %get3A_634 = tpu.vector_load %arg8[%get3A_632, %get3A_633] {strides = array<i32>} : memref<32x1024xf32, #tpu.memory_space<vmem>>, vector<1x16xf32>,
      %get3A_635 = vector.shape_cast %get3A_634 : vector<1x16xf32> to vector<16xf32>
      %get3A_636 = arith.index_cast %scan3A_44 : i32 to index
      %get3A_637 = arith.constant 672 : index
      %get3A_638 = tpu.vector_load %arg9[%get3A_636, %get3A_637] {strides = array<i32>} : memref<32x1024xf32, #tpu.memory_space<vmem>>, vector<1x16xf32>,
      %get3A_639 = vector.shape_cast %get3A_638 : vector<1x16xf32> to vector<16xf32>
      %add3A_640 = arith.addf %get3A_635, %get3A_639 : vector<16xf32>
      %swap3A_641 = arith.index_cast %scan3A_44 : i32 to index
      %swap3A_642 = arith.constant 672 : index
      %swap3A_643 = tpu.vector_load %arg10[%swap3A_641, %swap3A_642] {strides = array<i32>} : memref<32x1024xf32, #tpu.memory_space<vmem>>, vector<1x16xf32>,
      %swap3A_644 = vector.shape_cast %swap3A_643 : vector<1x16xf32> to vector<16xf32>
      %swap3A_645 = vector.shape_cast %add3A_640 : vector<16xf32> to vector<1x16xf32>
      tpu.vector_store %arg10[%swap3A_641, %swap3A_642], %swap3A_645 {strides = array<i32>} : memref<32x1024xf32, #tpu.memory_space<vmem>>, vector<1x16xf32>,
      %get3A_646 = arith.index_cast %scan3A_44 : i32 to index
      %get3A_647 = arith.constant 688 : index
      %get3A_648 = tpu.vector_load %arg8[%get3A_646, %get3A_647] {strides = array<i32>} : memref<32x1024xf32, #tpu.memory_space<vmem>>, vector<1x16xf32>,
      %get3A_649 = vector.shape_cast %get3A_648 : vector<1x16xf32> to vector<16xf32>
      %get3A_650 = arith.index_cast %scan3A_44 : i32 to index
      %get3A_651 = arith.constant 688 : index
      %get3A_652 = tpu.vector_load %arg9[%get3A_650, %get3A_651] {strides = array<i32>} : memref<32x1024xf32, #tpu.memory_space<vmem>>, vector<1x16xf32>,
      %get3A_653 = vector.shape_cast %get3A_652 : vector<1x16xf32> to vector<16xf32>
      %add3A_654 = arith.addf %get3A_649, %get3A_653 : vector<16xf32>
      %swap3A_655 = arith.index_cast %scan3A_44 : i32 to index
      %swap3A_656 = arith.constant 688 : index
      %swap3A_657 = tpu.vector_load %arg10[%swap3A_655, %swap3A_656] {strides = array<i32>} : memref<32x1024xf32, #tpu.memory_space<vmem>>, vector<1x16xf32>,
      %swap3A_658 = vector.shape_cast %swap3A_657 : vector<1x16xf32> to vector<16xf32>
      %swap3A_659 = vector.shape_cast %add3A_654 : vector<16xf32> to vector<1x16xf32>
      tpu.vector_store %arg10[%swap3A_655, %swap3A_656], %swap3A_659 {strides = array<i32>} : memref<32x1024xf32, #tpu.memory_space<vmem>>, vector<1x16xf32>,
      %get3A_660 = arith.index_cast %scan3A_44 : i32 to index
      %get3A_661 = arith.constant 704 : index
      %get3A_662 = tpu.vector_load %arg8[%get3A_660, %get3A_661] {strides = array<i32>} : memref<32x1024xf32, #tpu.memory_space<vmem>>, vector<1x16xf32>,
      %get3A_663 = vector.shape_cast %get3A_662 : vector<1x16xf32> to vector<16xf32>
      %get3A_664 = arith.index_cast %scan3A_44 : i32 to index
      %get3A_665 = arith.constant 704 : index
      %get3A_666 = tpu.vector_load %arg9[%get3A_664, %get3A_665] {strides = array<i32>} : memref<32x1024xf32, #tpu.memory_space<vmem>>, vector<1x16xf32>,
      %get3A_667 = vector.shape_cast %get3A_666 : vector<1x16xf32> to vector<16xf32>
      %add3A_668 = arith.addf %get3A_663, %get3A_667 : vector<16xf32>
      %swap3A_669 = arith.index_cast %scan3A_44 : i32 to index
      %swap3A_670 = arith.constant 704 : index
      %swap3A_671 = tpu.vector_load %arg10[%swap3A_669, %swap3A_670] {strides = array<i32>} : memref<32x1024xf32, #tpu.memory_space<vmem>>, vector<1x16xf32>,
      %swap3A_672 = vector.shape_cast %swap3A_671 : vector<1x16xf32> to vector<16xf32>
      %swap3A_673 = vector.shape_cast %add3A_668 : vector<16xf32> to vector<1x16xf32>
      tpu.vector_store %arg10[%swap3A_669, %swap3A_670], %swap3A_673 {strides = array<i32>} : memref<32x1024xf32, #tpu.memory_space<vmem>>, vector<1x16xf32>,
      %get3A_674 = arith.index_cast %scan3A_44 : i32 to index
      %get3A_675 = arith.constant 720 : index
      %get3A_676 = tpu.vector_load %arg8[%get3A_674, %get3A_675] {strides = array<i32>} : memref<32x1024xf32, #tpu.memory_space<vmem>>, vector<1x16xf32>,
      %get3A_677 = vector.shape_cast %get3A_676 : vector<1x16xf32> to vector<16xf32>
      %get3A_678 = arith.index_cast %scan3A_44 : i32 to index
      %get3A_679 = arith.constant 720 : index
      %get3A_680 = tpu.vector_load %arg9[%get3A_678, %get3A_679] {strides = array<i32>} : memref<32x1024xf32, #tpu.memory_space<vmem>>, vector<1x16xf32>,
      %get3A_681 = vector.shape_cast %get3A_680 : vector<1x16xf32> to vector<16xf32>
      %add3A_682 = arith.addf %get3A_677, %get3A_681 : vector<16xf32>
      %swap3A_683 = arith.index_cast %scan3A_44 : i32 to index
      %swap3A_684 = arith.constant 720 : index
      %swap3A_685 = tpu.vector_load %arg10[%swap3A_683, %swap3A_684] {strides = array<i32>} : memref<32x1024xf32, #tpu.memory_space<vmem>>, vector<1x16xf32>,
      %swap3A_686 = vector.shape_cast %swap3A_685 : vector<1x16xf32> to vector<16xf32>
      %swap3A_687 = vector.shape_cast %add3A_682 : vector<16xf32> to vector<1x16xf32>
      tpu.vector_store %arg10[%swap3A_683, %swap3A_684], %swap3A_687 {strides = array<i32>} : memref<32x1024xf32, #tpu.memory_space<vmem>>, vector<1x16xf32>,
      %get3A_688 = arith.index_cast %scan3A_44 : i32 to index
      %get3A_689 = arith.constant 736 : index
      %get3A_690 = tpu.vector_load %arg8[%get3A_688, %get3A_689] {strides = array<i32>} : memref<32x1024xf32, #tpu.memory_space<vmem>>, vector<1x16xf32>,
      %get3A_691 = vector.shape_cast %get3A_690 : vector<1x16xf32> to vector<16xf32>
      %get3A_692 = arith.index_cast %scan3A_44 : i32 to index
      %get3A_693 = arith.constant 736 : index
      %get3A_694 = tpu.vector_load %arg9[%get3A_692, %get3A_693] {strides = array<i32>} : memref<32x1024xf32, #tpu.memory_space<vmem>>, vector<1x16xf32>,
      %get3A_695 = vector.shape_cast %get3A_694 : vector<1x16xf32> to vector<16xf32>
      %add3A_696 = arith.addf %get3A_691, %get3A_695 : vector<16xf32>
      %swap3A_697 = arith.index_cast %scan3A_44 : i32 to index
      %swap3A_698 = arith.constant 736 : index
      %swap3A_699 = tpu.vector_load %arg10[%swap3A_697, %swap3A_698] {strides = array<i32>} : memref<32x1024xf32, #tpu.memory_space<vmem>>, vector<1x16xf32>,
      %swap3A_700 = vector.shape_cast %swap3A_699 : vector<1x16xf32> to vector<16xf32>
      %swap3A_701 = vector.shape_cast %add3A_696 : vector<16xf32> to vector<1x16xf32>
      tpu.vector_store %arg10[%swap3A_697, %swap3A_698], %swap3A_701 {strides = array<i32>} : memref<32x1024xf32, #tpu.memory_space<vmem>>, vector<1x16xf32>,
      %get3A_702 = arith.index_cast %scan3A_44 : i32 to index
      %get3A_703 = arith.constant 752 : index
      %get3A_704 = tpu.vector_load %arg8[%get3A_702, %get3A_703] {strides = array<i32>} : memref<32x1024xf32, #tpu.memory_space<vmem>>, vector<1x16xf32>,
      %get3A_705 = vector.shape_cast %get3A_704 : vector<1x16xf32> to vector<16xf32>
      %get3A_706 = arith.index_cast %scan3A_44 : i32 to index
      %get3A_707 = arith.constant 752 : index
      %get3A_708 = tpu.vector_load %arg9[%get3A_706, %get3A_707] {strides = array<i32>} : memref<32x1024xf32, #tpu.memory_space<vmem>>, vector<1x16xf32>,
      %get3A_709 = vector.shape_cast %get3A_708 : vector<1x16xf32> to vector<16xf32>
      %add3A_710 = arith.addf %get3A_705, %get3A_709 : vector<16xf32>
      %swap3A_711 = arith.index_cast %scan3A_44 : i32 to index
      %swap3A_712 = arith.constant 752 : index
      %swap3A_713 = tpu.vector_load %arg10[%swap3A_711, %swap3A_712] {strides = array<i32>} : memref<32x1024xf32, #tpu.memory_space<vmem>>, vector<1x16xf32>,
      %swap3A_714 = vector.shape_cast %swap3A_713 : vector<1x16xf32> to vector<16xf32>
      %swap3A_715 = vector.shape_cast %add3A_710 : vector<16xf32> to vector<1x16xf32>
      tpu.vector_store %arg10[%swap3A_711, %swap3A_712], %swap3A_715 {strides = array<i32>} : memref<32x1024xf32, #tpu.memory_space<vmem>>, vector<1x16xf32>,
      %get3A_716 = arith.index_cast %scan3A_44 : i32 to index
      %get3A_717 = arith.constant 768 : index
      %get3A_718 = tpu.vector_load %arg8[%get3A_716, %get3A_717] {strides = array<i32>} : memref<32x1024xf32, #tpu.memory_space<vmem>>, vector<1x16xf32>,
      %get3A_719 = vector.shape_cast %get3A_718 : vector<1x16xf32> to vector<16xf32>
      %get3A_720 = arith.index_cast %scan3A_44 : i32 to index
      %get3A_721 = arith.constant 768 : index
      %get3A_722 = tpu.vector_load %arg9[%get3A_720, %get3A_721] {strides = array<i32>} : memref<32x1024xf32, #tpu.memory_space<vmem>>, vector<1x16xf32>,
      %get3A_723 = vector.shape_cast %get3A_722 : vector<1x16xf32> to vector<16xf32>
      %add3A_724 = arith.addf %get3A_719, %get3A_723 : vector<16xf32>
      %swap3A_725 = arith.index_cast %scan3A_44 : i32 to index
      %swap3A_726 = arith.constant 768 : index
      %swap3A_727 = tpu.vector_load %arg10[%swap3A_725, %swap3A_726] {strides = array<i32>} : memref<32x1024xf32, #tpu.memory_space<vmem>>, vector<1x16xf32>,
      %swap3A_728 = vector.shape_cast %swap3A_727 : vector<1x16xf32> to vector<16xf32>
      %swap3A_729 = vector.shape_cast %add3A_724 : vector<16xf32> to vector<1x16xf32>
      tpu.vector_store %arg10[%swap3A_725, %swap3A_726], %swap3A_729 {strides = array<i32>} : memref<32x1024xf32, #tpu.memory_space<vmem>>, vector<1x16xf32>,
      %get3A_730 = arith.index_cast %scan3A_44 : i32 to index
      %get3A_731 = arith.constant 784 : index
      %get3A_732 = tpu.vector_load %arg8[%get3A_730, %get3A_731] {strides = array<i32>} : memref<32x1024xf32, #tpu.memory_space<vmem>>, vector<1x16xf32>,
      %get3A_733 = vector.shape_cast %get3A_732 : vector<1x16xf32> to vector<16xf32>
      %get3A_734 = arith.index_cast %scan3A_44 : i32 to index
      %get3A_735 = arith.constant 784 : index
      %get3A_736 = tpu.vector_load %arg9[%get3A_734, %get3A_735] {strides = array<i32>} : memref<32x1024xf32, #tpu.memory_space<vmem>>, vector<1x16xf32>,
      %get3A_737 = vector.shape_cast %get3A_736 : vector<1x16xf32> to vector<16xf32>
      %add3A_738 = arith.addf %get3A_733, %get3A_737 : vector<16xf32>
      %swap3A_739 = arith.index_cast %scan3A_44 : i32 to index
      %swap3A_740 = arith.constant 784 : index
      %swap3A_741 = tpu.vector_load %arg10[%swap3A_739, %swap3A_740] {strides = array<i32>} : memref<32x1024xf32, #tpu.memory_space<vmem>>, vector<1x16xf32>,
      %swap3A_742 = vector.shape_cast %swap3A_741 : vector<1x16xf32> to vector<16xf32>
      %swap3A_743 = vector.shape_cast %add3A_738 : vector<16xf32> to vector<1x16xf32>
      tpu.vector_store %arg10[%swap3A_739, %swap3A_740], %swap3A_743 {strides = array<i32>} : memref<32x1024xf32, #tpu.memory_space<vmem>>, vector<1x16xf32>,
      %get3A_744 = arith.index_cast %scan3A_44 : i32 to index
      %get3A_745 = arith.constant 800 : index
      %get3A_746 = tpu.vector_load %arg8[%get3A_744, %get3A_745] {strides = array<i32>} : memref<32x1024xf32, #tpu.memory_space<vmem>>, vector<1x16xf32>,
      %get3A_747 = vector.shape_cast %get3A_746 : vector<1x16xf32> to vector<16xf32>
      %get3A_748 = arith.index_cast %scan3A_44 : i32 to index
      %get3A_749 = arith.constant 800 : index
      %get3A_750 = tpu.vector_load %arg9[%get3A_748, %get3A_749] {strides = array<i32>} : memref<32x1024xf32, #tpu.memory_space<vmem>>, vector<1x16xf32>,
      %get3A_751 = vector.shape_cast %get3A_750 : vector<1x16xf32> to vector<16xf32>
      %add3A_752 = arith.addf %get3A_747, %get3A_751 : vector<16xf32>
      %swap3A_753 = arith.index_cast %scan3A_44 : i32 to index
      %swap3A_754 = arith.constant 800 : index
      %swap3A_755 = tpu.vector_load %arg10[%swap3A_753, %swap3A_754] {strides = array<i32>} : memref<32x1024xf32, #tpu.memory_space<vmem>>, vector<1x16xf32>,
      %swap3A_756 = vector.shape_cast %swap3A_755 : vector<1x16xf32> to vector<16xf32>
      %swap3A_757 = vector.shape_cast %add3A_752 : vector<16xf32> to vector<1x16xf32>
      tpu.vector_store %arg10[%swap3A_753, %swap3A_754], %swap3A_757 {strides = array<i32>} : memref<32x1024xf32, #tpu.memory_space<vmem>>, vector<1x16xf32>,
      %get3A_758 = arith.index_cast %scan3A_44 : i32 to index
      %get3A_759 = arith.constant 816 : index
      %get3A_760 = tpu.vector_load %arg8[%get3A_758, %get3A_759] {strides = array<i32>} : memref<32x1024xf32, #tpu.memory_space<vmem>>, vector<1x16xf32>,
      %get3A_761 = vector.shape_cast %get3A_760 : vector<1x16xf32> to vector<16xf32>
      %get3A_762 = arith.index_cast %scan3A_44 : i32 to index
      %get3A_763 = arith.constant 816 : index
      %get3A_764 = tpu.vector_load %arg9[%get3A_762, %get3A_763] {strides = array<i32>} : memref<32x1024xf32, #tpu.memory_space<vmem>>, vector<1x16xf32>,
      %get3A_765 = vector.shape_cast %get3A_764 : vector<1x16xf32> to vector<16xf32>
      %add3A_766 = arith.addf %get3A_761, %get3A_765 : vector<16xf32>
      %swap3A_767 = arith.index_cast %scan3A_44 : i32 to index
      %swap3A_768 = arith.constant 816 : index
      %swap3A_769 = tpu.vector_load %arg10[%swap3A_767, %swap3A_768] {strides = array<i32>} : memref<32x1024xf32, #tpu.memory_space<vmem>>, vector<1x16xf32>,
      %swap3A_770 = vector.shape_cast %swap3A_769 : vector<1x16xf32> to vector<16xf32>
      %swap3A_771 = vector.shape_cast %add3A_766 : vector<16xf32> to vector<1x16xf32>
      tpu.vector_store %arg10[%swap3A_767, %swap3A_768], %swap3A_771 {strides = array<i32>} : memref<32x1024xf32, #tpu.memory_space<vmem>>, vector<1x16xf32>,
      %get3A_772 = arith.index_cast %scan3A_44 : i32 to index
      %get3A_773 = arith.constant 832 : index
      %get3A_774 = tpu.vector_load %arg8[%get3A_772, %get3A_773] {strides = array<i32>} : memref<32x1024xf32, #tpu.memory_space<vmem>>, vector<1x16xf32>,
      %get3A_775 = vector.shape_cast %get3A_774 : vector<1x16xf32> to vector<16xf32>
      %get3A_776 = arith.index_cast %scan3A_44 : i32 to index
      %get3A_777 = arith.constant 832 : index
      %get3A_778 = tpu.vector_load %arg9[%get3A_776, %get3A_777] {strides = array<i32>} : memref<32x1024xf32, #tpu.memory_space<vmem>>, vector<1x16xf32>,
      %get3A_779 = vector.shape_cast %get3A_778 : vector<1x16xf32> to vector<16xf32>
      %add3A_780 = arith.addf %get3A_775, %get3A_779 : vector<16xf32>
      %swap3A_781 = arith.index_cast %scan3A_44 : i32 to index
      %swap3A_782 = arith.constant 832 : index
      %swap3A_783 = tpu.vector_load %arg10[%swap3A_781, %swap3A_782] {strides = array<i32>} : memref<32x1024xf32, #tpu.memory_space<vmem>>, vector<1x16xf32>,
      %swap3A_784 = vector.shape_cast %swap3A_783 : vector<1x16xf32> to vector<16xf32>
      %swap3A_785 = vector.shape_cast %add3A_780 : vector<16xf32> to vector<1x16xf32>
      tpu.vector_store %arg10[%swap3A_781, %swap3A_782], %swap3A_785 {strides = array<i32>} : memref<32x1024xf32, #tpu.memory_space<vmem>>, vector<1x16xf32>,
      %get3A_786 = arith.index_cast %scan3A_44 : i32 to index
      %get3A_787 = arith.constant 848 : index
      %get3A_788 = tpu.vector_load %arg8[%get3A_786, %get3A_787] {strides = array<i32>} : memref<32x1024xf32, #tpu.memory_space<vmem>>, vector<1x16xf32>,
      %get3A_789 = vector.shape_cast %get3A_788 : vector<1x16xf32> to vector<16xf32>
      %get3A_790 = arith.index_cast %scan3A_44 : i32 to index
      %get3A_791 = arith.constant 848 : index
      %get3A_792 = tpu.vector_load %arg9[%get3A_790, %get3A_791] {strides = array<i32>} : memref<32x1024xf32, #tpu.memory_space<vmem>>, vector<1x16xf32>,
      %get3A_793 = vector.shape_cast %get3A_792 : vector<1x16xf32> to vector<16xf32>
      %add3A_794 = arith.addf %get3A_789, %get3A_793 : vector<16xf32>
      %swap3A_795 = arith.index_cast %scan3A_44 : i32 to index
      %swap3A_796 = arith.constant 848 : index
      %swap3A_797 = tpu.vector_load %arg10[%swap3A_795, %swap3A_796] {strides = array<i32>} : memref<32x1024xf32, #tpu.memory_space<vmem>>, vector<1x16xf32>,
      %swap3A_798 = vector.shape_cast %swap3A_797 : vector<1x16xf32> to vector<16xf32>
      %swap3A_799 = vector.shape_cast %add3A_794 : vector<16xf32> to vector<1x16xf32>
      tpu.vector_store %arg10[%swap3A_795, %swap3A_796], %swap3A_799 {strides = array<i32>} : memref<32x1024xf32, #tpu.memory_space<vmem>>, vector<1x16xf32>,
      %get3A_800 = arith.index_cast %scan3A_44 : i32 to index
      %get3A_801 = arith.constant 864 : index
      %get3A_802 = tpu.vector_load %arg8[%get3A_800, %get3A_801] {strides = array<i32>} : memref<32x1024xf32, #tpu.memory_space<vmem>>, vector<1x16xf32>,
      %get3A_803 = vector.shape_cast %get3A_802 : vector<1x16xf32> to vector<16xf32>
      %get3A_804 = arith.index_cast %scan3A_44 : i32 to index
      %get3A_805 = arith.constant 864 : index
      %get3A_806 = tpu.vector_load %arg9[%get3A_804, %get3A_805] {strides = array<i32>} : memref<32x1024xf32, #tpu.memory_space<vmem>>, vector<1x16xf32>,
      %get3A_807 = vector.shape_cast %get3A_806 : vector<1x16xf32> to vector<16xf32>
      %add3A_808 = arith.addf %get3A_803, %get3A_807 : vector<16xf32>
      %swap3A_809 = arith.index_cast %scan3A_44 : i32 to index
      %swap3A_810 = arith.constant 864 : index
      %swap3A_811 = tpu.vector_load %arg10[%swap3A_809, %swap3A_810] {strides = array<i32>} : memref<32x1024xf32, #tpu.memory_space<vmem>>, vector<1x16xf32>,
      %swap3A_812 = vector.shape_cast %swap3A_811 : vector<1x16xf32> to vector<16xf32>
      %swap3A_813 = vector.shape_cast %add3A_808 : vector<16xf32> to vector<1x16xf32>
      tpu.vector_store %arg10[%swap3A_809, %swap3A_810], %swap3A_813 {strides = array<i32>} : memref<32x1024xf32, #tpu.memory_space<vmem>>, vector<1x16xf32>,
      %get3A_814 = arith.index_cast %scan3A_44 : i32 to index
      %get3A_815 = arith.constant 880 : index
      %get3A_816 = tpu.vector_load %arg8[%get3A_814, %get3A_815] {strides = array<i32>} : memref<32x1024xf32, #tpu.memory_space<vmem>>, vector<1x16xf32>,
      %get3A_817 = vector.shape_cast %get3A_816 : vector<1x16xf32> to vector<16xf32>
      %get3A_818 = arith.index_cast %scan3A_44 : i32 to index
      %get3A_819 = arith.constant 880 : index
      %get3A_820 = tpu.vector_load %arg9[%get3A_818, %get3A_819] {strides = array<i32>} : memref<32x1024xf32, #tpu.memory_space<vmem>>, vector<1x16xf32>,
      %get3A_821 = vector.shape_cast %get3A_820 : vector<1x16xf32> to vector<16xf32>
      %add3A_822 = arith.addf %get3A_817, %get3A_821 : vector<16xf32>
      %swap3A_823 = arith.index_cast %scan3A_44 : i32 to index
      %swap3A_824 = arith.constant 880 : index
      %swap3A_825 = tpu.vector_load %arg10[%swap3A_823, %swap3A_824] {strides = array<i32>} : memref<32x1024xf32, #tpu.memory_space<vmem>>, vector<1x16xf32>,
      %swap3A_826 = vector.shape_cast %swap3A_825 : vector<1x16xf32> to vector<16xf32>
      %swap3A_827 = vector.shape_cast %add3A_822 : vector<16xf32> to vector<1x16xf32>
      tpu.vector_store %arg10[%swap3A_823, %swap3A_824], %swap3A_827 {strides = array<i32>} : memref<32x1024xf32, #tpu.memory_space<vmem>>, vector<1x16xf32>,
      %get3A_828 = arith.index_cast %scan3A_44 : i32 to index
      %get3A_829 = arith.constant 896 : index
      %get3A_830 = tpu.vector_load %arg8[%get3A_828, %get3A_829] {strides = array<i32>} : memref<32x1024xf32, #tpu.memory_space<vmem>>, vector<1x16xf32>,
      %get3A_831 = vector.shape_cast %get3A_830 : vector<1x16xf32> to vector<16xf32>
      %get3A_832 = arith.index_cast %scan3A_44 : i32 to index
      %get3A_833 = arith.constant 896 : index
      %get3A_834 = tpu.vector_load %arg9[%get3A_832, %get3A_833] {strides = array<i32>} : memref<32x1024xf32, #tpu.memory_space<vmem>>, vector<1x16xf32>,
      %get3A_835 = vector.shape_cast %get3A_834 : vector<1x16xf32> to vector<16xf32>
      %add3A_836 = arith.addf %get3A_831, %get3A_835 : vector<16xf32>
      %swap3A_837 = arith.index_cast %scan3A_44 : i32 to index
      %swap3A_838 = arith.constant 896 : index
      %swap3A_839 = tpu.vector_load %arg10[%swap3A_837, %swap3A_838] {strides = array<i32>} : memref<32x1024xf32, #tpu.memory_space<vmem>>, vector<1x16xf32>,
      %swap3A_840 = vector.shape_cast %swap3A_839 : vector<1x16xf32> to vector<16xf32>
      %swap3A_841 = vector.shape_cast %add3A_836 : vector<16xf32> to vector<1x16xf32>
      tpu.vector_store %arg10[%swap3A_837, %swap3A_838], %swap3A_841 {strides = array<i32>} : memref<32x1024xf32, #tpu.memory_space<vmem>>, vector<1x16xf32>,
      %get3A_842 = arith.index_cast %scan3A_44 : i32 to index
      %get3A_843 = arith.constant 912 : index
      %get3A_844 = tpu.vector_load %arg8[%get3A_842, %get3A_843] {strides = array<i32>} : memref<32x1024xf32, #tpu.memory_space<vmem>>, vector<1x16xf32>,
      %get3A_845 = vector.shape_cast %get3A_844 : vector<1x16xf32> to vector<16xf32>
      %get3A_846 = arith.index_cast %scan3A_44 : i32 to index
      %get3A_847 = arith.constant 912 : index
      %get3A_848 = tpu.vector_load %arg9[%get3A_846, %get3A_847] {strides = array<i32>} : memref<32x1024xf32, #tpu.memory_space<vmem>>, vector<1x16xf32>,
      %get3A_849 = vector.shape_cast %get3A_848 : vector<1x16xf32> to vector<16xf32>
      %add3A_850 = arith.addf %get3A_845, %get3A_849 : vector<16xf32>
      %swap3A_851 = arith.index_cast %scan3A_44 : i32 to index
      %swap3A_852 = arith.constant 912 : index
      %swap3A_853 = tpu.vector_load %arg10[%swap3A_851, %swap3A_852] {strides = array<i32>} : memref<32x1024xf32, #tpu.memory_space<vmem>>, vector<1x16xf32>,
      %swap3A_854 = vector.shape_cast %swap3A_853 : vector<1x16xf32> to vector<16xf32>
      %swap3A_855 = vector.shape_cast %add3A_850 : vector<16xf32> to vector<1x16xf32>
      tpu.vector_store %arg10[%swap3A_851, %swap3A_852], %swap3A_855 {strides = array<i32>} : memref<32x1024xf32, #tpu.memory_space<vmem>>, vector<1x16xf32>,
      %get3A_856 = arith.index_cast %scan3A_44 : i32 to index
      %get3A_857 = arith.constant 928 : index
      %get3A_858 = tpu.vector_load %arg8[%get3A_856, %get3A_857] {strides = array<i32>} : memref<32x1024xf32, #tpu.memory_space<vmem>>, vector<1x16xf32>,
      %get3A_859 = vector.shape_cast %get3A_858 : vector<1x16xf32> to vector<16xf32>
      %get3A_860 = arith.index_cast %scan3A_44 : i32 to index
      %get3A_861 = arith.constant 928 : index
      %get3A_862 = tpu.vector_load %arg9[%get3A_860, %get3A_861] {strides = array<i32>} : memref<32x1024xf32, #tpu.memory_space<vmem>>, vector<1x16xf32>,
      %get3A_863 = vector.shape_cast %get3A_862 : vector<1x16xf32> to vector<16xf32>
      %add3A_864 = arith.addf %get3A_859, %get3A_863 : vector<16xf32>
      %swap3A_865 = arith.index_cast %scan3A_44 : i32 to index
      %swap3A_866 = arith.constant 928 : index
      %swap3A_867 = tpu.vector_load %arg10[%swap3A_865, %swap3A_866] {strides = array<i32>} : memref<32x1024xf32, #tpu.memory_space<vmem>>, vector<1x16xf32>,
      %swap3A_868 = vector.shape_cast %swap3A_867 : vector<1x16xf32> to vector<16xf32>
      %swap3A_869 = vector.shape_cast %add3A_864 : vector<16xf32> to vector<1x16xf32>
      tpu.vector_store %arg10[%swap3A_865, %swap3A_866], %swap3A_869 {strides = array<i32>} : memref<32x1024xf32, #tpu.memory_space<vmem>>, vector<1x16xf32>,
      %get3A_870 = arith.index_cast %scan3A_44 : i32 to index
      %get3A_871 = arith.constant 944 : index
      %get3A_872 = tpu.vector_load %arg8[%get3A_870, %get3A_871] {strides = array<i32>} : memref<32x1024xf32, #tpu.memory_space<vmem>>, vector<1x16xf32>,
      %get3A_873 = vector.shape_cast %get3A_872 : vector<1x16xf32> to vector<16xf32>
      %get3A_874 = arith.index_cast %scan3A_44 : i32 to index
      %get3A_875 = arith.constant 944 : index
      %get3A_876 = tpu.vector_load %arg9[%get3A_874, %get3A_875] {strides = array<i32>} : memref<32x1024xf32, #tpu.memory_space<vmem>>, vector<1x16xf32>,
      %get3A_877 = vector.shape_cast %get3A_876 : vector<1x16xf32> to vector<16xf32>
      %add3A_878 = arith.addf %get3A_873, %get3A_877 : vector<16xf32>
      %swap3A_879 = arith.index_cast %scan3A_44 : i32 to index
      %swap3A_880 = arith.constant 944 : index
      %swap3A_881 = tpu.vector_load %arg10[%swap3A_879, %swap3A_880] {strides = array<i32>} : memref<32x1024xf32, #tpu.memory_space<vmem>>, vector<1x16xf32>,
      %swap3A_882 = vector.shape_cast %swap3A_881 : vector<1x16xf32> to vector<16xf32>
      %swap3A_883 = vector.shape_cast %add3A_878 : vector<16xf32> to vector<1x16xf32>
      tpu.vector_store %arg10[%swap3A_879, %swap3A_880], %swap3A_883 {strides = array<i32>} : memref<32x1024xf32, #tpu.memory_space<vmem>>, vector<1x16xf32>,
      %get3A_884 = arith.index_cast %scan3A_44 : i32 to index
      %get3A_885 = arith.constant 960 : index
      %get3A_886 = tpu.vector_load %arg8[%get3A_884, %get3A_885] {strides = array<i32>} : memref<32x1024xf32, #tpu.memory_space<vmem>>, vector<1x16xf32>,
      %get3A_887 = vector.shape_cast %get3A_886 : vector<1x16xf32> to vector<16xf32>
      %get3A_888 = arith.index_cast %scan3A_44 : i32 to index
      %get3A_889 = arith.constant 960 : index
      %get3A_890 = tpu.vector_load %arg9[%get3A_888, %get3A_889] {strides = array<i32>} : memref<32x1024xf32, #tpu.memory_space<vmem>>, vector<1x16xf32>,
      %get3A_891 = vector.shape_cast %get3A_890 : vector<1x16xf32> to vector<16xf32>
      %add3A_892 = arith.addf %get3A_887, %get3A_891 : vector<16xf32>
      %swap3A_893 = arith.index_cast %scan3A_44 : i32 to index
      %swap3A_894 = arith.constant 960 : index
      %swap3A_895 = tpu.vector_load %arg10[%swap3A_893, %swap3A_894] {strides = array<i32>} : memref<32x1024xf32, #tpu.memory_space<vmem>>, vector<1x16xf32>,
      %swap3A_896 = vector.shape_cast %swap3A_895 : vector<1x16xf32> to vector<16xf32>
      %swap3A_897 = vector.shape_cast %add3A_892 : vector<16xf32> to vector<1x16xf32>
      tpu.vector_store %arg10[%swap3A_893, %swap3A_894], %swap3A_897 {strides = array<i32>} : memref<32x1024xf32, #tpu.memory_space<vmem>>, vector<1x16xf32>,
      %get3A_898 = arith.index_cast %scan3A_44 : i32 to index
      %get3A_899 = arith.constant 976 : index
      %get3A_900 = tpu.vector_load %arg8[%get3A_898, %get3A_899] {strides = array<i32>} : memref<32x1024xf32, #tpu.memory_space<vmem>>, vector<1x16xf32>,
      %get3A_901 = vector.shape_cast %get3A_900 : vector<1x16xf32> to vector<16xf32>
      %get3A_902 = arith.index_cast %scan3A_44 : i32 to index
      %get3A_903 = arith.constant 976 : index
      %get3A_904 = tpu.vector_load %arg9[%get3A_902, %get3A_903] {strides = array<i32>} : memref<32x1024xf32, #tpu.memory_space<vmem>>, vector<1x16xf32>,
      %get3A_905 = vector.shape_cast %get3A_904 : vector<1x16xf32> to vector<16xf32>
      %add3A_906 = arith.addf %get3A_901, %get3A_905 : vector<16xf32>
      %swap3A_907 = arith.index_cast %scan3A_44 : i32 to index
      %swap3A_908 = arith.constant 976 : index
      %swap3A_909 = tpu.vector_load %arg10[%swap3A_907, %swap3A_908] {strides = array<i32>} : memref<32x1024xf32, #tpu.memory_space<vmem>>, vector<1x16xf32>,
      %swap3A_910 = vector.shape_cast %swap3A_909 : vector<1x16xf32> to vector<16xf32>
      %swap3A_911 = vector.shape_cast %add3A_906 : vector<16xf32> to vector<1x16xf32>
      tpu.vector_store %arg10[%swap3A_907, %swap3A_908], %swap3A_911 {strides = array<i32>} : memref<32x1024xf32, #tpu.memory_space<vmem>>, vector<1x16xf32>,
      %get3A_912 = arith.index_cast %scan3A_44 : i32 to index
      %get3A_913 = arith.constant 992 : index
      %get3A_914 = tpu.vector_load %arg8[%get3A_912, %get3A_913] {strides = array<i32>} : memref<32x1024xf32, #tpu.memory_space<vmem>>, vector<1x16xf32>,
      %get3A_915 = vector.shape_cast %get3A_914 : vector<1x16xf32> to vector<16xf32>
      %get3A_916 = arith.index_cast %scan3A_44 : i32 to index
      %get3A_917 = arith.constant 992 : index
      %get3A_918 = tpu.vector_load %arg9[%get3A_916, %get3A_917] {strides = array<i32>} : memref<32x1024xf32, #tpu.memory_space<vmem>>, vector<1x16xf32>,
      %get3A_919 = vector.shape_cast %get3A_918 : vector<1x16xf32> to vector<16xf32>
      %add3A_920 = arith.addf %get3A_915, %get3A_919 : vector<16xf32>
      %swap3A_921 = arith.index_cast %scan3A_44 : i32 to index
      %swap3A_922 = arith.constant 992 : index
      %swap3A_923 = tpu.vector_load %arg10[%swap3A_921, %swap3A_922] {strides = array<i32>} : memref<32x1024xf32, #tpu.memory_space<vmem>>, vector<1x16xf32>,
      %swap3A_924 = vector.shape_cast %swap3A_923 : vector<1x16xf32> to vector<16xf32>
      %swap3A_925 = vector.shape_cast %add3A_920 : vector<16xf32> to vector<1x16xf32>
      tpu.vector_store %arg10[%swap3A_921, %swap3A_922], %swap3A_925 {strides = array<i32>} : memref<32x1024xf32, #tpu.memory_space<vmem>>, vector<1x16xf32>,
      %get3A_926 = arith.index_cast %scan3A_44 : i32 to index
      %get3A_927 = arith.constant 1008 : index
      %get3A_928 = tpu.vector_load %arg8[%get3A_926, %get3A_927] {strides = array<i32>} : memref<32x1024xf32, #tpu.memory_space<vmem>>, vector<1x16xf32>,
      %get3A_929 = vector.shape_cast %get3A_928 : vector<1x16xf32> to vector<16xf32>
      %get3A_930 = arith.index_cast %scan3A_44 : i32 to index
      %get3A_931 = arith.constant 1008 : index
      %get3A_932 = tpu.vector_load %arg9[%get3A_930, %get3A_931] {strides = array<i32>} : memref<32x1024xf32, #tpu.memory_space<vmem>>, vector<1x16xf32>,
      %get3A_933 = vector.shape_cast %get3A_932 : vector<1x16xf32> to vector<16xf32>
      %add3A_934 = arith.addf %get3A_929, %get3A_933 : vector<16xf32>
      %swap3A_935 = arith.index_cast %scan3A_44 : i32 to index
      %swap3A_936 = arith.constant 1008 : index
      %swap3A_937 = tpu.vector_load %arg10[%swap3A_935, %swap3A_936] {strides = array<i32>} : memref<32x1024xf32, #tpu.memory_space<vmem>>, vector<1x16xf32>,
      %swap3A_938 = vector.shape_cast %swap3A_937 : vector<1x16xf32> to vector<16xf32>
      %swap3A_939 = vector.shape_cast %add3A_934 : vector<16xf32> to vector<1x16xf32>
      tpu.vector_store %arg10[%swap3A_935, %swap3A_936], %swap3A_939 {strides = array<i32>} : memref<32x1024xf32, #tpu.memory_space<vmem>>, vector<1x16xf32>,
      %scan3A_940 = arith.constant 0 : i32
      scf.yield %scan3A_940 : i32
    }
    %scan3A_20 = arith.constant 32 : i32
    "tpu.region"() ({
      %run_scoped3A = tpu.sem_alloc : memref<!tpu.dma_semaphore, #tpu.memory_space<semaphore_mem>>
      %dma_start3A_44 = arith.constant 0 : i32
      %dma_start3A_45 = tpu.memref_slice %arg5[%add3A_4, %dma_start3A_44] : memref<2048x1024xf32, #tpu.memory_space<hbm>> -> memref<32x1024xf32, #tpu.memory_space<hbm>>
      %dma_start3A_46 = arith.constant 0 : i32
      %dma_start3A_47 = tpu.memref_slice %arg5[%add3A_4, %dma_start3A_46] : memref<2048x1024xf32, #tpu.memory_space<hbm>> -> memref<32x1024xf32, #tpu.memory_space<hbm>>
      tpu.enqueue_dma source(%arg10 : memref<32x1024xf32, #tpu.memory_space<vmem>>) target(%dma_start3A_47 : memref<32x1024xf32, #tpu.memory_space<hbm>>) target_semaphore(%run_scoped3A : memref<!tpu.dma_semaphore, #tpu.memory_space<semaphore_mem>>)
      %dma_wait3A_48 = arith.constant 0 : i32
      %dma_wait3A_49 = tpu.memref_slice %arg5[%add3A_4, %dma_wait3A_48] : memref<2048x1024xf32, #tpu.memory_space<hbm>> -> memref<32x1024xf32, #tpu.memory_space<hbm>>
      %dma_wait3A_50 = arith.constant 0 : i32
      %dma_wait3A_51 = tpu.memref_slice %arg5[%add3A_4, %dma_wait3A_50] : memref<2048x1024xf32, #tpu.memory_space<hbm>> -> memref<32x1024xf32, #tpu.memory_space<hbm>>
      tpu.wait_dma2 semaphore(%run_scoped3A : memref<!tpu.dma_semaphore, #tpu.memory_space<semaphore_mem>>) src(%arg10 : memref<32x1024xf32, #tpu.memory_space<vmem>>) dst(%dma_wait3A_51 : memref<32x1024xf32, #tpu.memory_space<hbm>>)
      tpu.yield
    }) : () -> ()
    %mul3A_21 = arith.constant 64 : i32
    %mul3A_22 = arith.muli %add3A, %mul3A_21 : i32
    %add3A_23 = arith.constant 32 : i32
    %add3A_24 = arith.addi %mul3A_22, %add3A_23 : i32
    "tpu.region"() ({
      %run_scoped3A = tpu.sem_alloc : memref<!tpu.dma_semaphore, #tpu.memory_space<semaphore_mem>>
      %dma_start3A_44 = tpu.memref_slice %arg2[%add3A_24] : memref<2048xi32, #tpu.memory_space<hbm>> -> memref<32xi32, #tpu.memory_space<hbm>>
      %dma_start3A_45 = tpu.memref_slice %arg2[%add3A_24] : memref<2048xi32, #tpu.memory_space<hbm>> -> memref<32xi32, #tpu.memory_space<hbm>>
      tpu.enqueue_dma source(%dma_start3A_45 : memref<32xi32, #tpu.memory_space<hbm>>) target(%arg6 : memref<32xi32, #tpu.memory_space<vmem>>) target_semaphore(%run_scoped3A : memref<!tpu.dma_semaphore, #tpu.memory_space<semaphore_mem>>)
      %dma_wait3A_46 = tpu.memref_slice %arg2[%add3A_24] : memref<2048xi32, #tpu.memory_space<hbm>> -> memref<32xi32, #tpu.memory_space<hbm>>
      %dma_wait3A_47 = tpu.memref_slice %arg2[%add3A_24] : memref<2048xi32, #tpu.memory_space<hbm>> -> memref<32xi32, #tpu.memory_space<hbm>>
      tpu.wait_dma2 semaphore(%run_scoped3A : memref<!tpu.dma_semaphore, #tpu.memory_space<semaphore_mem>>) src(%dma_wait3A_47 : memref<32xi32, #tpu.memory_space<hbm>>) dst(%arg6 : memref<32xi32, #tpu.memory_space<vmem>>)
      tpu.yield
    }) : () -> ()
    "tpu.region"() ({
      %run_scoped3A = tpu.sem_alloc : memref<!tpu.dma_semaphore, #tpu.memory_space<semaphore_mem>>
      %dma_start3A_44 = tpu.memref_slice %arg3[%add3A_24] : memref<2048xi32, #tpu.memory_space<hbm>> -> memref<32xi32, #tpu.memory_space<hbm>>
      %dma_start3A_45 = tpu.memref_slice %arg3[%add3A_24] : memref<2048xi32, #tpu.memory_space<hbm>> -> memref<32xi32, #tpu.memory_space<hbm>>
      tpu.enqueue_dma source(%dma_start3A_45 : memref<32xi32, #tpu.memory_space<hbm>>) target(%arg7 : memref<32xi32, #tpu.memory_space<vmem>>) target_semaphore(%run_scoped3A : memref<!tpu.dma_semaphore, #tpu.memory_space<semaphore_mem>>)
      %dma_wait3A_46 = tpu.memref_slice %arg3[%add3A_24] : memref<2048xi32, #tpu.memory_space<hbm>> -> memref<32xi32, #tpu.memory_space<hbm>>
      %dma_wait3A_47 = tpu.memref_slice %arg3[%add3A_24] : memref<2048xi32, #tpu.memory_space<hbm>> -> memref<32xi32, #tpu.memory_space<hbm>>
      tpu.wait_dma2 semaphore(%run_scoped3A : memref<!tpu.dma_semaphore, #tpu.memory_space<semaphore_mem>>) src(%dma_wait3A_47 : memref<32xi32, #tpu.memory_space<hbm>>) dst(%arg7 : memref<32xi32, #tpu.memory_space<vmem>>)
      tpu.yield
    }) : () -> ()
    %dma_start3A_25 = arith.constant 0 : i32
    %dma_start3A_26 = arith.constant 0 : i32
    %dma_start3A_27 = tpu.memref_slice %arg4[%dma_start3A_25, %dma_start3A_26] : memref<6144x1024xf32, #tpu.memory_space<hbm>> -> memref<6144x1024xf32, #tpu.memory_space<hbm>>
    tpu.enqueue_indirect_dma source(%dma_start3A_27 : memref<6144x1024xf32, #tpu.memory_space<hbm>>) target(%arg8 : memref<32x1024xf32, #tpu.memory_space<vmem>>) offsets(%arg6 : memref<32xi32, #tpu.memory_space<vmem>>) semaphore(%arg11 : memref<!tpu.dma_semaphore, #tpu.memory_space<semaphore_mem>>)
    %dma_start3A_28 = arith.constant 0 : i32
    %dma_start3A_29 = arith.constant 0 : i32
    %dma_start3A_30 = tpu.memref_slice %arg4[%dma_start3A_28, %dma_start3A_29] : memref<6144x1024xf32, #tpu.memory_space<hbm>> -> memref<6144x1024xf32, #tpu.memory_space<hbm>>
    tpu.enqueue_indirect_dma source(%dma_start3A_30 : memref<6144x1024xf32, #tpu.memory_space<hbm>>) target(%arg9 : memref<32x1024xf32, #tpu.memory_space<vmem>>) offsets(%arg7 : memref<32xi32, #tpu.memory_space<vmem>>) semaphore(%arg12 : memref<!tpu.dma_semaphore, #tpu.memory_space<semaphore_mem>>)
    %dma_wait3A_31 = arith.constant 0 : i32
    %dma_wait3A_32 = arith.constant 0 : i32
    %dma_wait3A_33 = tpu.memref_slice %arg4[%dma_wait3A_31, %dma_wait3A_32] : memref<6144x1024xf32, #tpu.memory_space<hbm>> -> memref<6144x1024xf32, #tpu.memory_space<hbm>>
    tpu.wait_indirect_dma semaphore(%arg11 : memref<!tpu.dma_semaphore, #tpu.memory_space<semaphore_mem>>) src(%dma_wait3A_33 : memref<6144x1024xf32, #tpu.memory_space<hbm>>) dst(%arg8 : memref<32x1024xf32, #tpu.memory_space<vmem>>)
    %dma_wait3A_34 = arith.constant 0 : i32
    %dma_wait3A_35 = arith.constant 0 : i32
    %dma_wait3A_36 = tpu.memref_slice %arg4[%dma_wait3A_34, %dma_wait3A_35] : memref<6144x1024xf32, #tpu.memory_space<hbm>> -> memref<6144x1024xf32, #tpu.memory_space<hbm>>
    tpu.wait_indirect_dma semaphore(%arg12 : memref<!tpu.dma_semaphore, #tpu.memory_space<semaphore_mem>>) src(%dma_wait3A_36 : memref<6144x1024xf32, #tpu.memory_space<hbm>>) dst(%arg9 : memref<32x1024xf32, #tpu.memory_space<vmem>>)
    %scan3A_37 = arith.constant 0 : i32
    %scan3A_38 = arith.constant 0 : i32
    %scan3A_39 = arith.constant 32 : i32
    %scan3A_40 = arith.addi %scan3A_38, %scan3A_39 : i32
    %scan3A_41 = arith.constant 1 : i32
    %scan3A_42 = scf.for %scan3A_44 = %scan3A_38 to %scan3A_40 step %scan3A_41 iter_args(%scan3A_45 = %scan3A_37) -> (i32)  : i32 {
      %get3A = arith.index_cast %scan3A_44 : i32 to index
      %get3A_46 = arith.constant 0 : index
      %get3A_47 = tpu.vector_load %arg8[%get3A, %get3A_46] {strides = array<i32>} : memref<32x1024xf32, #tpu.memory_space<vmem>>, vector<1x16xf32>,
      %get3A_48 = vector.shape_cast %get3A_47 : vector<1x16xf32> to vector<16xf32>
      %get3A_49 = arith.index_cast %scan3A_44 : i32 to index
      %get3A_50 = arith.constant 0 : index
      %get3A_51 = tpu.vector_load %arg9[%get3A_49, %get3A_50] {strides = array<i32>} : memref<32x1024xf32, #tpu.memory_space<vmem>>, vector<1x16xf32>,
      %get3A_52 = vector.shape_cast %get3A_51 : vector<1x16xf32> to vector<16xf32>
      %add3A_53 = arith.addf %get3A_48, %get3A_52 : vector<16xf32>
      %swap3A = arith.index_cast %scan3A_44 : i32 to index
      %swap3A_54 = arith.constant 0 : index
      %swap3A_55 = tpu.vector_load %arg10[%swap3A, %swap3A_54] {strides = array<i32>} : memref<32x1024xf32, #tpu.memory_space<vmem>>, vector<1x16xf32>,
      %swap3A_56 = vector.shape_cast %swap3A_55 : vector<1x16xf32> to vector<16xf32>
      %swap3A_57 = vector.shape_cast %add3A_53 : vector<16xf32> to vector<1x16xf32>
      tpu.vector_store %arg10[%swap3A, %swap3A_54], %swap3A_57 {strides = array<i32>} : memref<32x1024xf32, #tpu.memory_space<vmem>>, vector<1x16xf32>,
      %get3A_58 = arith.index_cast %scan3A_44 : i32 to index
      %get3A_59 = arith.constant 16 : index
      %get3A_60 = tpu.vector_load %arg8[%get3A_58, %get3A_59] {strides = array<i32>} : memref<32x1024xf32, #tpu.memory_space<vmem>>, vector<1x16xf32>,
      %get3A_61 = vector.shape_cast %get3A_60 : vector<1x16xf32> to vector<16xf32>
      %get3A_62 = arith.index_cast %scan3A_44 : i32 to index
      %get3A_63 = arith.constant 16 : index
      %get3A_64 = tpu.vector_load %arg9[%get3A_62, %get3A_63] {strides = array<i32>} : memref<32x1024xf32, #tpu.memory_space<vmem>>, vector<1x16xf32>,
      %get3A_65 = vector.shape_cast %get3A_64 : vector<1x16xf32> to vector<16xf32>
      %add3A_66 = arith.addf %get3A_61, %get3A_65 : vector<16xf32>
      %swap3A_67 = arith.index_cast %scan3A_44 : i32 to index
      %swap3A_68 = arith.constant 16 : index
      %swap3A_69 = tpu.vector_load %arg10[%swap3A_67, %swap3A_68] {strides = array<i32>} : memref<32x1024xf32, #tpu.memory_space<vmem>>, vector<1x16xf32>,
      %swap3A_70 = vector.shape_cast %swap3A_69 : vector<1x16xf32> to vector<16xf32>
      %swap3A_71 = vector.shape_cast %add3A_66 : vector<16xf32> to vector<1x16xf32>
      tpu.vector_store %arg10[%swap3A_67, %swap3A_68], %swap3A_71 {strides = array<i32>} : memref<32x1024xf32, #tpu.memory_space<vmem>>, vector<1x16xf32>,
      %get3A_72 = arith.index_cast %scan3A_44 : i32 to index
      %get3A_73 = arith.constant 32 : index
      %get3A_74 = tpu.vector_load %arg8[%get3A_72, %get3A_73] {strides = array<i32>} : memref<32x1024xf32, #tpu.memory_space<vmem>>, vector<1x16xf32>,
      %get3A_75 = vector.shape_cast %get3A_74 : vector<1x16xf32> to vector<16xf32>
      %get3A_76 = arith.index_cast %scan3A_44 : i32 to index
      %get3A_77 = arith.constant 32 : index
      %get3A_78 = tpu.vector_load %arg9[%get3A_76, %get3A_77] {strides = array<i32>} : memref<32x1024xf32, #tpu.memory_space<vmem>>, vector<1x16xf32>,
      %get3A_79 = vector.shape_cast %get3A_78 : vector<1x16xf32> to vector<16xf32>
      %add3A_80 = arith.addf %get3A_75, %get3A_79 : vector<16xf32>
      %swap3A_81 = arith.index_cast %scan3A_44 : i32 to index
      %swap3A_82 = arith.constant 32 : index
      %swap3A_83 = tpu.vector_load %arg10[%swap3A_81, %swap3A_82] {strides = array<i32>} : memref<32x1024xf32, #tpu.memory_space<vmem>>, vector<1x16xf32>,
      %swap3A_84 = vector.shape_cast %swap3A_83 : vector<1x16xf32> to vector<16xf32>
      %swap3A_85 = vector.shape_cast %add3A_80 : vector<16xf32> to vector<1x16xf32>
      tpu.vector_store %arg10[%swap3A_81, %swap3A_82], %swap3A_85 {strides = array<i32>} : memref<32x1024xf32, #tpu.memory_space<vmem>>, vector<1x16xf32>,
      %get3A_86 = arith.index_cast %scan3A_44 : i32 to index
      %get3A_87 = arith.constant 48 : index
      %get3A_88 = tpu.vector_load %arg8[%get3A_86, %get3A_87] {strides = array<i32>} : memref<32x1024xf32, #tpu.memory_space<vmem>>, vector<1x16xf32>,
      %get3A_89 = vector.shape_cast %get3A_88 : vector<1x16xf32> to vector<16xf32>
      %get3A_90 = arith.index_cast %scan3A_44 : i32 to index
      %get3A_91 = arith.constant 48 : index
      %get3A_92 = tpu.vector_load %arg9[%get3A_90, %get3A_91] {strides = array<i32>} : memref<32x1024xf32, #tpu.memory_space<vmem>>, vector<1x16xf32>,
      %get3A_93 = vector.shape_cast %get3A_92 : vector<1x16xf32> to vector<16xf32>
      %add3A_94 = arith.addf %get3A_89, %get3A_93 : vector<16xf32>
      %swap3A_95 = arith.index_cast %scan3A_44 : i32 to index
      %swap3A_96 = arith.constant 48 : index
      %swap3A_97 = tpu.vector_load %arg10[%swap3A_95, %swap3A_96] {strides = array<i32>} : memref<32x1024xf32, #tpu.memory_space<vmem>>, vector<1x16xf32>,
      %swap3A_98 = vector.shape_cast %swap3A_97 : vector<1x16xf32> to vector<16xf32>
      %swap3A_99 = vector.shape_cast %add3A_94 : vector<16xf32> to vector<1x16xf32>
      tpu.vector_store %arg10[%swap3A_95, %swap3A_96], %swap3A_99 {strides = array<i32>} : memref<32x1024xf32, #tpu.memory_space<vmem>>, vector<1x16xf32>,
      %get3A_100 = arith.index_cast %scan3A_44 : i32 to index
      %get3A_101 = arith.constant 64 : index
      %get3A_102 = tpu.vector_load %arg8[%get3A_100, %get3A_101] {strides = array<i32>} : memref<32x1024xf32, #tpu.memory_space<vmem>>, vector<1x16xf32>,
      %get3A_103 = vector.shape_cast %get3A_102 : vector<1x16xf32> to vector<16xf32>
      %get3A_104 = arith.index_cast %scan3A_44 : i32 to index
      %get3A_105 = arith.constant 64 : index
      %get3A_106 = tpu.vector_load %arg9[%get3A_104, %get3A_105] {strides = array<i32>} : memref<32x1024xf32, #tpu.memory_space<vmem>>, vector<1x16xf32>,
      %get3A_107 = vector.shape_cast %get3A_106 : vector<1x16xf32> to vector<16xf32>
      %add3A_108 = arith.addf %get3A_103, %get3A_107 : vector<16xf32>
      %swap3A_109 = arith.index_cast %scan3A_44 : i32 to index
      %swap3A_110 = arith.constant 64 : index
      %swap3A_111 = tpu.vector_load %arg10[%swap3A_109, %swap3A_110] {strides = array<i32>} : memref<32x1024xf32, #tpu.memory_space<vmem>>, vector<1x16xf32>,
      %swap3A_112 = vector.shape_cast %swap3A_111 : vector<1x16xf32> to vector<16xf32>
      %swap3A_113 = vector.shape_cast %add3A_108 : vector<16xf32> to vector<1x16xf32>
      tpu.vector_store %arg10[%swap3A_109, %swap3A_110], %swap3A_113 {strides = array<i32>} : memref<32x1024xf32, #tpu.memory_space<vmem>>, vector<1x16xf32>,
      %get3A_114 = arith.index_cast %scan3A_44 : i32 to index
      %get3A_115 = arith.constant 80 : index
      %get3A_116 = tpu.vector_load %arg8[%get3A_114, %get3A_115] {strides = array<i32>} : memref<32x1024xf32, #tpu.memory_space<vmem>>, vector<1x16xf32>,
      %get3A_117 = vector.shape_cast %get3A_116 : vector<1x16xf32> to vector<16xf32>
      %get3A_118 = arith.index_cast %scan3A_44 : i32 to index
      %get3A_119 = arith.constant 80 : index
      %get3A_120 = tpu.vector_load %arg9[%get3A_118, %get3A_119] {strides = array<i32>} : memref<32x1024xf32, #tpu.memory_space<vmem>>, vector<1x16xf32>,
      %get3A_121 = vector.shape_cast %get3A_120 : vector<1x16xf32> to vector<16xf32>
      %add3A_122 = arith.addf %get3A_117, %get3A_121 : vector<16xf32>
      %swap3A_123 = arith.index_cast %scan3A_44 : i32 to index
      %swap3A_124 = arith.constant 80 : index
      %swap3A_125 = tpu.vector_load %arg10[%swap3A_123, %swap3A_124] {strides = array<i32>} : memref<32x1024xf32, #tpu.memory_space<vmem>>, vector<1x16xf32>,
      %swap3A_126 = vector.shape_cast %swap3A_125 : vector<1x16xf32> to vector<16xf32>
      %swap3A_127 = vector.shape_cast %add3A_122 : vector<16xf32> to vector<1x16xf32>
      tpu.vector_store %arg10[%swap3A_123, %swap3A_124], %swap3A_127 {strides = array<i32>} : memref<32x1024xf32, #tpu.memory_space<vmem>>, vector<1x16xf32>,
      %get3A_128 = arith.index_cast %scan3A_44 : i32 to index
      %get3A_129 = arith.constant 96 : index
      %get3A_130 = tpu.vector_load %arg8[%get3A_128, %get3A_129] {strides = array<i32>} : memref<32x1024xf32, #tpu.memory_space<vmem>>, vector<1x16xf32>,
      %get3A_131 = vector.shape_cast %get3A_130 : vector<1x16xf32> to vector<16xf32>
      %get3A_132 = arith.index_cast %scan3A_44 : i32 to index
      %get3A_133 = arith.constant 96 : index
      %get3A_134 = tpu.vector_load %arg9[%get3A_132, %get3A_133] {strides = array<i32>} : memref<32x1024xf32, #tpu.memory_space<vmem>>, vector<1x16xf32>,
      %get3A_135 = vector.shape_cast %get3A_134 : vector<1x16xf32> to vector<16xf32>
      %add3A_136 = arith.addf %get3A_131, %get3A_135 : vector<16xf32>
      %swap3A_137 = arith.index_cast %scan3A_44 : i32 to index
      %swap3A_138 = arith.constant 96 : index
      %swap3A_139 = tpu.vector_load %arg10[%swap3A_137, %swap3A_138] {strides = array<i32>} : memref<32x1024xf32, #tpu.memory_space<vmem>>, vector<1x16xf32>,
      %swap3A_140 = vector.shape_cast %swap3A_139 : vector<1x16xf32> to vector<16xf32>
      %swap3A_141 = vector.shape_cast %add3A_136 : vector<16xf32> to vector<1x16xf32>
      tpu.vector_store %arg10[%swap3A_137, %swap3A_138], %swap3A_141 {strides = array<i32>} : memref<32x1024xf32, #tpu.memory_space<vmem>>, vector<1x16xf32>,
      %get3A_142 = arith.index_cast %scan3A_44 : i32 to index
      %get3A_143 = arith.constant 112 : index
      %get3A_144 = tpu.vector_load %arg8[%get3A_142, %get3A_143] {strides = array<i32>} : memref<32x1024xf32, #tpu.memory_space<vmem>>, vector<1x16xf32>,
      %get3A_145 = vector.shape_cast %get3A_144 : vector<1x16xf32> to vector<16xf32>
      %get3A_146 = arith.index_cast %scan3A_44 : i32 to index
      %get3A_147 = arith.constant 112 : index
      %get3A_148 = tpu.vector_load %arg9[%get3A_146, %get3A_147] {strides = array<i32>} : memref<32x1024xf32, #tpu.memory_space<vmem>>, vector<1x16xf32>,
      %get3A_149 = vector.shape_cast %get3A_148 : vector<1x16xf32> to vector<16xf32>
      %add3A_150 = arith.addf %get3A_145, %get3A_149 : vector<16xf32>
      %swap3A_151 = arith.index_cast %scan3A_44 : i32 to index
      %swap3A_152 = arith.constant 112 : index
      %swap3A_153 = tpu.vector_load %arg10[%swap3A_151, %swap3A_152] {strides = array<i32>} : memref<32x1024xf32, #tpu.memory_space<vmem>>, vector<1x16xf32>,
      %swap3A_154 = vector.shape_cast %swap3A_153 : vector<1x16xf32> to vector<16xf32>
      %swap3A_155 = vector.shape_cast %add3A_150 : vector<16xf32> to vector<1x16xf32>
      tpu.vector_store %arg10[%swap3A_151, %swap3A_152], %swap3A_155 {strides = array<i32>} : memref<32x1024xf32, #tpu.memory_space<vmem>>, vector<1x16xf32>,
      %get3A_156 = arith.index_cast %scan3A_44 : i32 to index
      %get3A_157 = arith.constant 128 : index
      %get3A_158 = tpu.vector_load %arg8[%get3A_156, %get3A_157] {strides = array<i32>} : memref<32x1024xf32, #tpu.memory_space<vmem>>, vector<1x16xf32>,
      %get3A_159 = vector.shape_cast %get3A_158 : vector<1x16xf32> to vector<16xf32>
      %get3A_160 = arith.index_cast %scan3A_44 : i32 to index
      %get3A_161 = arith.constant 128 : index
      %get3A_162 = tpu.vector_load %arg9[%get3A_160, %get3A_161] {strides = array<i32>} : memref<32x1024xf32, #tpu.memory_space<vmem>>, vector<1x16xf32>,
      %get3A_163 = vector.shape_cast %get3A_162 : vector<1x16xf32> to vector<16xf32>
      %add3A_164 = arith.addf %get3A_159, %get3A_163 : vector<16xf32>
      %swap3A_165 = arith.index_cast %scan3A_44 : i32 to index
      %swap3A_166 = arith.constant 128 : index
      %swap3A_167 = tpu.vector_load %arg10[%swap3A_165, %swap3A_166] {strides = array<i32>} : memref<32x1024xf32, #tpu.memory_space<vmem>>, vector<1x16xf32>,
      %swap3A_168 = vector.shape_cast %swap3A_167 : vector<1x16xf32> to vector<16xf32>
      %swap3A_169 = vector.shape_cast %add3A_164 : vector<16xf32> to vector<1x16xf32>
      tpu.vector_store %arg10[%swap3A_165, %swap3A_166], %swap3A_169 {strides = array<i32>} : memref<32x1024xf32, #tpu.memory_space<vmem>>, vector<1x16xf32>,
      %get3A_170 = arith.index_cast %scan3A_44 : i32 to index
      %get3A_171 = arith.constant 144 : index
      %get3A_172 = tpu.vector_load %arg8[%get3A_170, %get3A_171] {strides = array<i32>} : memref<32x1024xf32, #tpu.memory_space<vmem>>, vector<1x16xf32>,
      %get3A_173 = vector.shape_cast %get3A_172 : vector<1x16xf32> to vector<16xf32>
      %get3A_174 = arith.index_cast %scan3A_44 : i32 to index
      %get3A_175 = arith.constant 144 : index
      %get3A_176 = tpu.vector_load %arg9[%get3A_174, %get3A_175] {strides = array<i32>} : memref<32x1024xf32, #tpu.memory_space<vmem>>, vector<1x16xf32>,
      %get3A_177 = vector.shape_cast %get3A_176 : vector<1x16xf32> to vector<16xf32>
      %add3A_178 = arith.addf %get3A_173, %get3A_177 : vector<16xf32>
      %swap3A_179 = arith.index_cast %scan3A_44 : i32 to index
      %swap3A_180 = arith.constant 144 : index
      %swap3A_181 = tpu.vector_load %arg10[%swap3A_179, %swap3A_180] {strides = array<i32>} : memref<32x1024xf32, #tpu.memory_space<vmem>>, vector<1x16xf32>,
      %swap3A_182 = vector.shape_cast %swap3A_181 : vector<1x16xf32> to vector<16xf32>
      %swap3A_183 = vector.shape_cast %add3A_178 : vector<16xf32> to vector<1x16xf32>
      tpu.vector_store %arg10[%swap3A_179, %swap3A_180], %swap3A_183 {strides = array<i32>} : memref<32x1024xf32, #tpu.memory_space<vmem>>, vector<1x16xf32>,
      %get3A_184 = arith.index_cast %scan3A_44 : i32 to index
      %get3A_185 = arith.constant 160 : index
      %get3A_186 = tpu.vector_load %arg8[%get3A_184, %get3A_185] {strides = array<i32>} : memref<32x1024xf32, #tpu.memory_space<vmem>>, vector<1x16xf32>,
      %get3A_187 = vector.shape_cast %get3A_186 : vector<1x16xf32> to vector<16xf32>
      %get3A_188 = arith.index_cast %scan3A_44 : i32 to index
      %get3A_189 = arith.constant 160 : index
      %get3A_190 = tpu.vector_load %arg9[%get3A_188, %get3A_189] {strides = array<i32>} : memref<32x1024xf32, #tpu.memory_space<vmem>>, vector<1x16xf32>,
      %get3A_191 = vector.shape_cast %get3A_190 : vector<1x16xf32> to vector<16xf32>
      %add3A_192 = arith.addf %get3A_187, %get3A_191 : vector<16xf32>
      %swap3A_193 = arith.index_cast %scan3A_44 : i32 to index
      %swap3A_194 = arith.constant 160 : index
      %swap3A_195 = tpu.vector_load %arg10[%swap3A_193, %swap3A_194] {strides = array<i32>} : memref<32x1024xf32, #tpu.memory_space<vmem>>, vector<1x16xf32>,
      %swap3A_196 = vector.shape_cast %swap3A_195 : vector<1x16xf32> to vector<16xf32>
      %swap3A_197 = vector.shape_cast %add3A_192 : vector<16xf32> to vector<1x16xf32>
      tpu.vector_store %arg10[%swap3A_193, %swap3A_194], %swap3A_197 {strides = array<i32>} : memref<32x1024xf32, #tpu.memory_space<vmem>>, vector<1x16xf32>,
      %get3A_198 = arith.index_cast %scan3A_44 : i32 to index
      %get3A_199 = arith.constant 176 : index
      %get3A_200 = tpu.vector_load %arg8[%get3A_198, %get3A_199] {strides = array<i32>} : memref<32x1024xf32, #tpu.memory_space<vmem>>, vector<1x16xf32>,
      %get3A_201 = vector.shape_cast %get3A_200 : vector<1x16xf32> to vector<16xf32>
      %get3A_202 = arith.index_cast %scan3A_44 : i32 to index
      %get3A_203 = arith.constant 176 : index
      %get3A_204 = tpu.vector_load %arg9[%get3A_202, %get3A_203] {strides = array<i32>} : memref<32x1024xf32, #tpu.memory_space<vmem>>, vector<1x16xf32>,
      %get3A_205 = vector.shape_cast %get3A_204 : vector<1x16xf32> to vector<16xf32>
      %add3A_206 = arith.addf %get3A_201, %get3A_205 : vector<16xf32>
      %swap3A_207 = arith.index_cast %scan3A_44 : i32 to index
      %swap3A_208 = arith.constant 176 : index
      %swap3A_209 = tpu.vector_load %arg10[%swap3A_207, %swap3A_208] {strides = array<i32>} : memref<32x1024xf32, #tpu.memory_space<vmem>>, vector<1x16xf32>,
      %swap3A_210 = vector.shape_cast %swap3A_209 : vector<1x16xf32> to vector<16xf32>
      %swap3A_211 = vector.shape_cast %add3A_206 : vector<16xf32> to vector<1x16xf32>
      tpu.vector_store %arg10[%swap3A_207, %swap3A_208], %swap3A_211 {strides = array<i32>} : memref<32x1024xf32, #tpu.memory_space<vmem>>, vector<1x16xf32>,
      %get3A_212 = arith.index_cast %scan3A_44 : i32 to index
      %get3A_213 = arith.constant 192 : index
      %get3A_214 = tpu.vector_load %arg8[%get3A_212, %get3A_213] {strides = array<i32>} : memref<32x1024xf32, #tpu.memory_space<vmem>>, vector<1x16xf32>,
      %get3A_215 = vector.shape_cast %get3A_214 : vector<1x16xf32> to vector<16xf32>
      %get3A_216 = arith.index_cast %scan3A_44 : i32 to index
      %get3A_217 = arith.constant 192 : index
      %get3A_218 = tpu.vector_load %arg9[%get3A_216, %get3A_217] {strides = array<i32>} : memref<32x1024xf32, #tpu.memory_space<vmem>>, vector<1x16xf32>,
      %get3A_219 = vector.shape_cast %get3A_218 : vector<1x16xf32> to vector<16xf32>
      %add3A_220 = arith.addf %get3A_215, %get3A_219 : vector<16xf32>
      %swap3A_221 = arith.index_cast %scan3A_44 : i32 to index
      %swap3A_222 = arith.constant 192 : index
      %swap3A_223 = tpu.vector_load %arg10[%swap3A_221, %swap3A_222] {strides = array<i32>} : memref<32x1024xf32, #tpu.memory_space<vmem>>, vector<1x16xf32>,
      %swap3A_224 = vector.shape_cast %swap3A_223 : vector<1x16xf32> to vector<16xf32>
      %swap3A_225 = vector.shape_cast %add3A_220 : vector<16xf32> to vector<1x16xf32>
      tpu.vector_store %arg10[%swap3A_221, %swap3A_222], %swap3A_225 {strides = array<i32>} : memref<32x1024xf32, #tpu.memory_space<vmem>>, vector<1x16xf32>,
      %get3A_226 = arith.index_cast %scan3A_44 : i32 to index
      %get3A_227 = arith.constant 208 : index
      %get3A_228 = tpu.vector_load %arg8[%get3A_226, %get3A_227] {strides = array<i32>} : memref<32x1024xf32, #tpu.memory_space<vmem>>, vector<1x16xf32>,
      %get3A_229 = vector.shape_cast %get3A_228 : vector<1x16xf32> to vector<16xf32>
      %get3A_230 = arith.index_cast %scan3A_44 : i32 to index
      %get3A_231 = arith.constant 208 : index
      %get3A_232 = tpu.vector_load %arg9[%get3A_230, %get3A_231] {strides = array<i32>} : memref<32x1024xf32, #tpu.memory_space<vmem>>, vector<1x16xf32>,
      %get3A_233 = vector.shape_cast %get3A_232 : vector<1x16xf32> to vector<16xf32>
      %add3A_234 = arith.addf %get3A_229, %get3A_233 : vector<16xf32>
      %swap3A_235 = arith.index_cast %scan3A_44 : i32 to index
      %swap3A_236 = arith.constant 208 : index
      %swap3A_237 = tpu.vector_load %arg10[%swap3A_235, %swap3A_236] {strides = array<i32>} : memref<32x1024xf32, #tpu.memory_space<vmem>>, vector<1x16xf32>,
      %swap3A_238 = vector.shape_cast %swap3A_237 : vector<1x16xf32> to vector<16xf32>
      %swap3A_239 = vector.shape_cast %add3A_234 : vector<16xf32> to vector<1x16xf32>
      tpu.vector_store %arg10[%swap3A_235, %swap3A_236], %swap3A_239 {strides = array<i32>} : memref<32x1024xf32, #tpu.memory_space<vmem>>, vector<1x16xf32>,
      %get3A_240 = arith.index_cast %scan3A_44 : i32 to index
      %get3A_241 = arith.constant 224 : index
      %get3A_242 = tpu.vector_load %arg8[%get3A_240, %get3A_241] {strides = array<i32>} : memref<32x1024xf32, #tpu.memory_space<vmem>>, vector<1x16xf32>,
      %get3A_243 = vector.shape_cast %get3A_242 : vector<1x16xf32> to vector<16xf32>
      %get3A_244 = arith.index_cast %scan3A_44 : i32 to index
      %get3A_245 = arith.constant 224 : index
      %get3A_246 = tpu.vector_load %arg9[%get3A_244, %get3A_245] {strides = array<i32>} : memref<32x1024xf32, #tpu.memory_space<vmem>>, vector<1x16xf32>,
      %get3A_247 = vector.shape_cast %get3A_246 : vector<1x16xf32> to vector<16xf32>
      %add3A_248 = arith.addf %get3A_243, %get3A_247 : vector<16xf32>
      %swap3A_249 = arith.index_cast %scan3A_44 : i32 to index
      %swap3A_250 = arith.constant 224 : index
      %swap3A_251 = tpu.vector_load %arg10[%swap3A_249, %swap3A_250] {strides = array<i32>} : memref<32x1024xf32, #tpu.memory_space<vmem>>, vector<1x16xf32>,
      %swap3A_252 = vector.shape_cast %swap3A_251 : vector<1x16xf32> to vector<16xf32>
      %swap3A_253 = vector.shape_cast %add3A_248 : vector<16xf32> to vector<1x16xf32>
      tpu.vector_store %arg10[%swap3A_249, %swap3A_250], %swap3A_253 {strides = array<i32>} : memref<32x1024xf32, #tpu.memory_space<vmem>>, vector<1x16xf32>,
      %get3A_254 = arith.index_cast %scan3A_44 : i32 to index
      %get3A_255 = arith.constant 240 : index
      %get3A_256 = tpu.vector_load %arg8[%get3A_254, %get3A_255] {strides = array<i32>} : memref<32x1024xf32, #tpu.memory_space<vmem>>, vector<1x16xf32>,
      %get3A_257 = vector.shape_cast %get3A_256 : vector<1x16xf32> to vector<16xf32>
      %get3A_258 = arith.index_cast %scan3A_44 : i32 to index
      %get3A_259 = arith.constant 240 : index
      %get3A_260 = tpu.vector_load %arg9[%get3A_258, %get3A_259] {strides = array<i32>} : memref<32x1024xf32, #tpu.memory_space<vmem>>, vector<1x16xf32>,
      %get3A_261 = vector.shape_cast %get3A_260 : vector<1x16xf32> to vector<16xf32>
      %add3A_262 = arith.addf %get3A_257, %get3A_261 : vector<16xf32>
      %swap3A_263 = arith.index_cast %scan3A_44 : i32 to index
      %swap3A_264 = arith.constant 240 : index
      %swap3A_265 = tpu.vector_load %arg10[%swap3A_263, %swap3A_264] {strides = array<i32>} : memref<32x1024xf32, #tpu.memory_space<vmem>>, vector<1x16xf32>,
      %swap3A_266 = vector.shape_cast %swap3A_265 : vector<1x16xf32> to vector<16xf32>
      %swap3A_267 = vector.shape_cast %add3A_262 : vector<16xf32> to vector<1x16xf32>
      tpu.vector_store %arg10[%swap3A_263, %swap3A_264], %swap3A_267 {strides = array<i32>} : memref<32x1024xf32, #tpu.memory_space<vmem>>, vector<1x16xf32>,
      %get3A_268 = arith.index_cast %scan3A_44 : i32 to index
      %get3A_269 = arith.constant 256 : index
      %get3A_270 = tpu.vector_load %arg8[%get3A_268, %get3A_269] {strides = array<i32>} : memref<32x1024xf32, #tpu.memory_space<vmem>>, vector<1x16xf32>,
      %get3A_271 = vector.shape_cast %get3A_270 : vector<1x16xf32> to vector<16xf32>
      %get3A_272 = arith.index_cast %scan3A_44 : i32 to index
      %get3A_273 = arith.constant 256 : index
      %get3A_274 = tpu.vector_load %arg9[%get3A_272, %get3A_273] {strides = array<i32>} : memref<32x1024xf32, #tpu.memory_space<vmem>>, vector<1x16xf32>,
      %get3A_275 = vector.shape_cast %get3A_274 : vector<1x16xf32> to vector<16xf32>
      %add3A_276 = arith.addf %get3A_271, %get3A_275 : vector<16xf32>
      %swap3A_277 = arith.index_cast %scan3A_44 : i32 to index
      %swap3A_278 = arith.constant 256 : index
      %swap3A_279 = tpu.vector_load %arg10[%swap3A_277, %swap3A_278] {strides = array<i32>} : memref<32x1024xf32, #tpu.memory_space<vmem>>, vector<1x16xf32>,
      %swap3A_280 = vector.shape_cast %swap3A_279 : vector<1x16xf32> to vector<16xf32>
      %swap3A_281 = vector.shape_cast %add3A_276 : vector<16xf32> to vector<1x16xf32>
      tpu.vector_store %arg10[%swap3A_277, %swap3A_278], %swap3A_281 {strides = array<i32>} : memref<32x1024xf32, #tpu.memory_space<vmem>>, vector<1x16xf32>,
      %get3A_282 = arith.index_cast %scan3A_44 : i32 to index
      %get3A_283 = arith.constant 272 : index
      %get3A_284 = tpu.vector_load %arg8[%get3A_282, %get3A_283] {strides = array<i32>} : memref<32x1024xf32, #tpu.memory_space<vmem>>, vector<1x16xf32>,
      %get3A_285 = vector.shape_cast %get3A_284 : vector<1x16xf32> to vector<16xf32>
      %get3A_286 = arith.index_cast %scan3A_44 : i32 to index
      %get3A_287 = arith.constant 272 : index
      %get3A_288 = tpu.vector_load %arg9[%get3A_286, %get3A_287] {strides = array<i32>} : memref<32x1024xf32, #tpu.memory_space<vmem>>, vector<1x16xf32>,
      %get3A_289 = vector.shape_cast %get3A_288 : vector<1x16xf32> to vector<16xf32>
      %add3A_290 = arith.addf %get3A_285, %get3A_289 : vector<16xf32>
      %swap3A_291 = arith.index_cast %scan3A_44 : i32 to index
      %swap3A_292 = arith.constant 272 : index
      %swap3A_293 = tpu.vector_load %arg10[%swap3A_291, %swap3A_292] {strides = array<i32>} : memref<32x1024xf32, #tpu.memory_space<vmem>>, vector<1x16xf32>,
      %swap3A_294 = vector.shape_cast %swap3A_293 : vector<1x16xf32> to vector<16xf32>
      %swap3A_295 = vector.shape_cast %add3A_290 : vector<16xf32> to vector<1x16xf32>
      tpu.vector_store %arg10[%swap3A_291, %swap3A_292], %swap3A_295 {strides = array<i32>} : memref<32x1024xf32, #tpu.memory_space<vmem>>, vector<1x16xf32>,
      %get3A_296 = arith.index_cast %scan3A_44 : i32 to index
      %get3A_297 = arith.constant 288 : index
      %get3A_298 = tpu.vector_load %arg8[%get3A_296, %get3A_297] {strides = array<i32>} : memref<32x1024xf32, #tpu.memory_space<vmem>>, vector<1x16xf32>,
      %get3A_299 = vector.shape_cast %get3A_298 : vector<1x16xf32> to vector<16xf32>
      %get3A_300 = arith.index_cast %scan3A_44 : i32 to index
      %get3A_301 = arith.constant 288 : index
      %get3A_302 = tpu.vector_load %arg9[%get3A_300, %get3A_301] {strides = array<i32>} : memref<32x1024xf32, #tpu.memory_space<vmem>>, vector<1x16xf32>,
      %get3A_303 = vector.shape_cast %get3A_302 : vector<1x16xf32> to vector<16xf32>
      %add3A_304 = arith.addf %get3A_299, %get3A_303 : vector<16xf32>
      %swap3A_305 = arith.index_cast %scan3A_44 : i32 to index
      %swap3A_306 = arith.constant 288 : index
      %swap3A_307 = tpu.vector_load %arg10[%swap3A_305, %swap3A_306] {strides = array<i32>} : memref<32x1024xf32, #tpu.memory_space<vmem>>, vector<1x16xf32>,
      %swap3A_308 = vector.shape_cast %swap3A_307 : vector<1x16xf32> to vector<16xf32>
      %swap3A_309 = vector.shape_cast %add3A_304 : vector<16xf32> to vector<1x16xf32>
      tpu.vector_store %arg10[%swap3A_305, %swap3A_306], %swap3A_309 {strides = array<i32>} : memref<32x1024xf32, #tpu.memory_space<vmem>>, vector<1x16xf32>,
      %get3A_310 = arith.index_cast %scan3A_44 : i32 to index
      %get3A_311 = arith.constant 304 : index
      %get3A_312 = tpu.vector_load %arg8[%get3A_310, %get3A_311] {strides = array<i32>} : memref<32x1024xf32, #tpu.memory_space<vmem>>, vector<1x16xf32>,
      %get3A_313 = vector.shape_cast %get3A_312 : vector<1x16xf32> to vector<16xf32>
      %get3A_314 = arith.index_cast %scan3A_44 : i32 to index
      %get3A_315 = arith.constant 304 : index
      %get3A_316 = tpu.vector_load %arg9[%get3A_314, %get3A_315] {strides = array<i32>} : memref<32x1024xf32, #tpu.memory_space<vmem>>, vector<1x16xf32>,
      %get3A_317 = vector.shape_cast %get3A_316 : vector<1x16xf32> to vector<16xf32>
      %add3A_318 = arith.addf %get3A_313, %get3A_317 : vector<16xf32>
      %swap3A_319 = arith.index_cast %scan3A_44 : i32 to index
      %swap3A_320 = arith.constant 304 : index
      %swap3A_321 = tpu.vector_load %arg10[%swap3A_319, %swap3A_320] {strides = array<i32>} : memref<32x1024xf32, #tpu.memory_space<vmem>>, vector<1x16xf32>,
      %swap3A_322 = vector.shape_cast %swap3A_321 : vector<1x16xf32> to vector<16xf32>
      %swap3A_323 = vector.shape_cast %add3A_318 : vector<16xf32> to vector<1x16xf32>
      tpu.vector_store %arg10[%swap3A_319, %swap3A_320], %swap3A_323 {strides = array<i32>} : memref<32x1024xf32, #tpu.memory_space<vmem>>, vector<1x16xf32>,
      %get3A_324 = arith.index_cast %scan3A_44 : i32 to index
      %get3A_325 = arith.constant 320 : index
      %get3A_326 = tpu.vector_load %arg8[%get3A_324, %get3A_325] {strides = array<i32>} : memref<32x1024xf32, #tpu.memory_space<vmem>>, vector<1x16xf32>,
      %get3A_327 = vector.shape_cast %get3A_326 : vector<1x16xf32> to vector<16xf32>
      %get3A_328 = arith.index_cast %scan3A_44 : i32 to index
      %get3A_329 = arith.constant 320 : index
      %get3A_330 = tpu.vector_load %arg9[%get3A_328, %get3A_329] {strides = array<i32>} : memref<32x1024xf32, #tpu.memory_space<vmem>>, vector<1x16xf32>,
      %get3A_331 = vector.shape_cast %get3A_330 : vector<1x16xf32> to vector<16xf32>
      %add3A_332 = arith.addf %get3A_327, %get3A_331 : vector<16xf32>
      %swap3A_333 = arith.index_cast %scan3A_44 : i32 to index
      %swap3A_334 = arith.constant 320 : index
      %swap3A_335 = tpu.vector_load %arg10[%swap3A_333, %swap3A_334] {strides = array<i32>} : memref<32x1024xf32, #tpu.memory_space<vmem>>, vector<1x16xf32>,
      %swap3A_336 = vector.shape_cast %swap3A_335 : vector<1x16xf32> to vector<16xf32>
      %swap3A_337 = vector.shape_cast %add3A_332 : vector<16xf32> to vector<1x16xf32>
      tpu.vector_store %arg10[%swap3A_333, %swap3A_334], %swap3A_337 {strides = array<i32>} : memref<32x1024xf32, #tpu.memory_space<vmem>>, vector<1x16xf32>,
      %get3A_338 = arith.index_cast %scan3A_44 : i32 to index
      %get3A_339 = arith.constant 336 : index
      %get3A_340 = tpu.vector_load %arg8[%get3A_338, %get3A_339] {strides = array<i32>} : memref<32x1024xf32, #tpu.memory_space<vmem>>, vector<1x16xf32>,
      %get3A_341 = vector.shape_cast %get3A_340 : vector<1x16xf32> to vector<16xf32>
      %get3A_342 = arith.index_cast %scan3A_44 : i32 to index
      %get3A_343 = arith.constant 336 : index
      %get3A_344 = tpu.vector_load %arg9[%get3A_342, %get3A_343] {strides = array<i32>} : memref<32x1024xf32, #tpu.memory_space<vmem>>, vector<1x16xf32>,
      %get3A_345 = vector.shape_cast %get3A_344 : vector<1x16xf32> to vector<16xf32>
      %add3A_346 = arith.addf %get3A_341, %get3A_345 : vector<16xf32>
      %swap3A_347 = arith.index_cast %scan3A_44 : i32 to index
      %swap3A_348 = arith.constant 336 : index
      %swap3A_349 = tpu.vector_load %arg10[%swap3A_347, %swap3A_348] {strides = array<i32>} : memref<32x1024xf32, #tpu.memory_space<vmem>>, vector<1x16xf32>,
      %swap3A_350 = vector.shape_cast %swap3A_349 : vector<1x16xf32> to vector<16xf32>
      %swap3A_351 = vector.shape_cast %add3A_346 : vector<16xf32> to vector<1x16xf32>
      tpu.vector_store %arg10[%swap3A_347, %swap3A_348], %swap3A_351 {strides = array<i32>} : memref<32x1024xf32, #tpu.memory_space<vmem>>, vector<1x16xf32>,
      %get3A_352 = arith.index_cast %scan3A_44 : i32 to index
      %get3A_353 = arith.constant 352 : index
      %get3A_354 = tpu.vector_load %arg8[%get3A_352, %get3A_353] {strides = array<i32>} : memref<32x1024xf32, #tpu.memory_space<vmem>>, vector<1x16xf32>,
      %get3A_355 = vector.shape_cast %get3A_354 : vector<1x16xf32> to vector<16xf32>
      %get3A_356 = arith.index_cast %scan3A_44 : i32 to index
      %get3A_357 = arith.constant 352 : index
      %get3A_358 = tpu.vector_load %arg9[%get3A_356, %get3A_357] {strides = array<i32>} : memref<32x1024xf32, #tpu.memory_space<vmem>>, vector<1x16xf32>,
      %get3A_359 = vector.shape_cast %get3A_358 : vector<1x16xf32> to vector<16xf32>
      %add3A_360 = arith.addf %get3A_355, %get3A_359 : vector<16xf32>
      %swap3A_361 = arith.index_cast %scan3A_44 : i32 to index
      %swap3A_362 = arith.constant 352 : index
      %swap3A_363 = tpu.vector_load %arg10[%swap3A_361, %swap3A_362] {strides = array<i32>} : memref<32x1024xf32, #tpu.memory_space<vmem>>, vector<1x16xf32>,
      %swap3A_364 = vector.shape_cast %swap3A_363 : vector<1x16xf32> to vector<16xf32>
      %swap3A_365 = vector.shape_cast %add3A_360 : vector<16xf32> to vector<1x16xf32>
      tpu.vector_store %arg10[%swap3A_361, %swap3A_362], %swap3A_365 {strides = array<i32>} : memref<32x1024xf32, #tpu.memory_space<vmem>>, vector<1x16xf32>,
      %get3A_366 = arith.index_cast %scan3A_44 : i32 to index
      %get3A_367 = arith.constant 368 : index
      %get3A_368 = tpu.vector_load %arg8[%get3A_366, %get3A_367] {strides = array<i32>} : memref<32x1024xf32, #tpu.memory_space<vmem>>, vector<1x16xf32>,
      %get3A_369 = vector.shape_cast %get3A_368 : vector<1x16xf32> to vector<16xf32>
      %get3A_370 = arith.index_cast %scan3A_44 : i32 to index
      %get3A_371 = arith.constant 368 : index
      %get3A_372 = tpu.vector_load %arg9[%get3A_370, %get3A_371] {strides = array<i32>} : memref<32x1024xf32, #tpu.memory_space<vmem>>, vector<1x16xf32>,
      %get3A_373 = vector.shape_cast %get3A_372 : vector<1x16xf32> to vector<16xf32>
      %add3A_374 = arith.addf %get3A_369, %get3A_373 : vector<16xf32>
      %swap3A_375 = arith.index_cast %scan3A_44 : i32 to index
      %swap3A_376 = arith.constant 368 : index
      %swap3A_377 = tpu.vector_load %arg10[%swap3A_375, %swap3A_376] {strides = array<i32>} : memref<32x1024xf32, #tpu.memory_space<vmem>>, vector<1x16xf32>,
      %swap3A_378 = vector.shape_cast %swap3A_377 : vector<1x16xf32> to vector<16xf32>
      %swap3A_379 = vector.shape_cast %add3A_374 : vector<16xf32> to vector<1x16xf32>
      tpu.vector_store %arg10[%swap3A_375, %swap3A_376], %swap3A_379 {strides = array<i32>} : memref<32x1024xf32, #tpu.memory_space<vmem>>, vector<1x16xf32>,
      %get3A_380 = arith.index_cast %scan3A_44 : i32 to index
      %get3A_381 = arith.constant 384 : index
      %get3A_382 = tpu.vector_load %arg8[%get3A_380, %get3A_381] {strides = array<i32>} : memref<32x1024xf32, #tpu.memory_space<vmem>>, vector<1x16xf32>,
      %get3A_383 = vector.shape_cast %get3A_382 : vector<1x16xf32> to vector<16xf32>
      %get3A_384 = arith.index_cast %scan3A_44 : i32 to index
      %get3A_385 = arith.constant 384 : index
      %get3A_386 = tpu.vector_load %arg9[%get3A_384, %get3A_385] {strides = array<i32>} : memref<32x1024xf32, #tpu.memory_space<vmem>>, vector<1x16xf32>,
      %get3A_387 = vector.shape_cast %get3A_386 : vector<1x16xf32> to vector<16xf32>
      %add3A_388 = arith.addf %get3A_383, %get3A_387 : vector<16xf32>
      %swap3A_389 = arith.index_cast %scan3A_44 : i32 to index
      %swap3A_390 = arith.constant 384 : index
      %swap3A_391 = tpu.vector_load %arg10[%swap3A_389, %swap3A_390] {strides = array<i32>} : memref<32x1024xf32, #tpu.memory_space<vmem>>, vector<1x16xf32>,
      %swap3A_392 = vector.shape_cast %swap3A_391 : vector<1x16xf32> to vector<16xf32>
      %swap3A_393 = vector.shape_cast %add3A_388 : vector<16xf32> to vector<1x16xf32>
      tpu.vector_store %arg10[%swap3A_389, %swap3A_390], %swap3A_393 {strides = array<i32>} : memref<32x1024xf32, #tpu.memory_space<vmem>>, vector<1x16xf32>,
      %get3A_394 = arith.index_cast %scan3A_44 : i32 to index
      %get3A_395 = arith.constant 400 : index
      %get3A_396 = tpu.vector_load %arg8[%get3A_394, %get3A_395] {strides = array<i32>} : memref<32x1024xf32, #tpu.memory_space<vmem>>, vector<1x16xf32>,
      %get3A_397 = vector.shape_cast %get3A_396 : vector<1x16xf32> to vector<16xf32>
      %get3A_398 = arith.index_cast %scan3A_44 : i32 to index
      %get3A_399 = arith.constant 400 : index
      %get3A_400 = tpu.vector_load %arg9[%get3A_398, %get3A_399] {strides = array<i32>} : memref<32x1024xf32, #tpu.memory_space<vmem>>, vector<1x16xf32>,
      %get3A_401 = vector.shape_cast %get3A_400 : vector<1x16xf32> to vector<16xf32>
      %add3A_402 = arith.addf %get3A_397, %get3A_401 : vector<16xf32>
      %swap3A_403 = arith.index_cast %scan3A_44 : i32 to index
      %swap3A_404 = arith.constant 400 : index
      %swap3A_405 = tpu.vector_load %arg10[%swap3A_403, %swap3A_404] {strides = array<i32>} : memref<32x1024xf32, #tpu.memory_space<vmem>>, vector<1x16xf32>,
      %swap3A_406 = vector.shape_cast %swap3A_405 : vector<1x16xf32> to vector<16xf32>
      %swap3A_407 = vector.shape_cast %add3A_402 : vector<16xf32> to vector<1x16xf32>
      tpu.vector_store %arg10[%swap3A_403, %swap3A_404], %swap3A_407 {strides = array<i32>} : memref<32x1024xf32, #tpu.memory_space<vmem>>, vector<1x16xf32>,
      %get3A_408 = arith.index_cast %scan3A_44 : i32 to index
      %get3A_409 = arith.constant 416 : index
      %get3A_410 = tpu.vector_load %arg8[%get3A_408, %get3A_409] {strides = array<i32>} : memref<32x1024xf32, #tpu.memory_space<vmem>>, vector<1x16xf32>,
      %get3A_411 = vector.shape_cast %get3A_410 : vector<1x16xf32> to vector<16xf32>
      %get3A_412 = arith.index_cast %scan3A_44 : i32 to index
      %get3A_413 = arith.constant 416 : index
      %get3A_414 = tpu.vector_load %arg9[%get3A_412, %get3A_413] {strides = array<i32>} : memref<32x1024xf32, #tpu.memory_space<vmem>>, vector<1x16xf32>,
      %get3A_415 = vector.shape_cast %get3A_414 : vector<1x16xf32> to vector<16xf32>
      %add3A_416 = arith.addf %get3A_411, %get3A_415 : vector<16xf32>
      %swap3A_417 = arith.index_cast %scan3A_44 : i32 to index
      %swap3A_418 = arith.constant 416 : index
      %swap3A_419 = tpu.vector_load %arg10[%swap3A_417, %swap3A_418] {strides = array<i32>} : memref<32x1024xf32, #tpu.memory_space<vmem>>, vector<1x16xf32>,
      %swap3A_420 = vector.shape_cast %swap3A_419 : vector<1x16xf32> to vector<16xf32>
      %swap3A_421 = vector.shape_cast %add3A_416 : vector<16xf32> to vector<1x16xf32>
      tpu.vector_store %arg10[%swap3A_417, %swap3A_418], %swap3A_421 {strides = array<i32>} : memref<32x1024xf32, #tpu.memory_space<vmem>>, vector<1x16xf32>,
      %get3A_422 = arith.index_cast %scan3A_44 : i32 to index
      %get3A_423 = arith.constant 432 : index
      %get3A_424 = tpu.vector_load %arg8[%get3A_422, %get3A_423] {strides = array<i32>} : memref<32x1024xf32, #tpu.memory_space<vmem>>, vector<1x16xf32>,
      %get3A_425 = vector.shape_cast %get3A_424 : vector<1x16xf32> to vector<16xf32>
      %get3A_426 = arith.index_cast %scan3A_44 : i32 to index
      %get3A_427 = arith.constant 432 : index
      %get3A_428 = tpu.vector_load %arg9[%get3A_426, %get3A_427] {strides = array<i32>} : memref<32x1024xf32, #tpu.memory_space<vmem>>, vector<1x16xf32>,
      %get3A_429 = vector.shape_cast %get3A_428 : vector<1x16xf32> to vector<16xf32>
      %add3A_430 = arith.addf %get3A_425, %get3A_429 : vector<16xf32>
      %swap3A_431 = arith.index_cast %scan3A_44 : i32 to index
      %swap3A_432 = arith.constant 432 : index
      %swap3A_433 = tpu.vector_load %arg10[%swap3A_431, %swap3A_432] {strides = array<i32>} : memref<32x1024xf32, #tpu.memory_space<vmem>>, vector<1x16xf32>,
      %swap3A_434 = vector.shape_cast %swap3A_433 : vector<1x16xf32> to vector<16xf32>
      %swap3A_435 = vector.shape_cast %add3A_430 : vector<16xf32> to vector<1x16xf32>
      tpu.vector_store %arg10[%swap3A_431, %swap3A_432], %swap3A_435 {strides = array<i32>} : memref<32x1024xf32, #tpu.memory_space<vmem>>, vector<1x16xf32>,
      %get3A_436 = arith.index_cast %scan3A_44 : i32 to index
      %get3A_437 = arith.constant 448 : index
      %get3A_438 = tpu.vector_load %arg8[%get3A_436, %get3A_437] {strides = array<i32>} : memref<32x1024xf32, #tpu.memory_space<vmem>>, vector<1x16xf32>,
      %get3A_439 = vector.shape_cast %get3A_438 : vector<1x16xf32> to vector<16xf32>
      %get3A_440 = arith.index_cast %scan3A_44 : i32 to index
      %get3A_441 = arith.constant 448 : index
      %get3A_442 = tpu.vector_load %arg9[%get3A_440, %get3A_441] {strides = array<i32>} : memref<32x1024xf32, #tpu.memory_space<vmem>>, vector<1x16xf32>,
      %get3A_443 = vector.shape_cast %get3A_442 : vector<1x16xf32> to vector<16xf32>
      %add3A_444 = arith.addf %get3A_439, %get3A_443 : vector<16xf32>
      %swap3A_445 = arith.index_cast %scan3A_44 : i32 to index
      %swap3A_446 = arith.constant 448 : index
      %swap3A_447 = tpu.vector_load %arg10[%swap3A_445, %swap3A_446] {strides = array<i32>} : memref<32x1024xf32, #tpu.memory_space<vmem>>, vector<1x16xf32>,
      %swap3A_448 = vector.shape_cast %swap3A_447 : vector<1x16xf32> to vector<16xf32>
      %swap3A_449 = vector.shape_cast %add3A_444 : vector<16xf32> to vector<1x16xf32>
      tpu.vector_store %arg10[%swap3A_445, %swap3A_446], %swap3A_449 {strides = array<i32>} : memref<32x1024xf32, #tpu.memory_space<vmem>>, vector<1x16xf32>,
      %get3A_450 = arith.index_cast %scan3A_44 : i32 to index
      %get3A_451 = arith.constant 464 : index
      %get3A_452 = tpu.vector_load %arg8[%get3A_450, %get3A_451] {strides = array<i32>} : memref<32x1024xf32, #tpu.memory_space<vmem>>, vector<1x16xf32>,
      %get3A_453 = vector.shape_cast %get3A_452 : vector<1x16xf32> to vector<16xf32>
      %get3A_454 = arith.index_cast %scan3A_44 : i32 to index
      %get3A_455 = arith.constant 464 : index
      %get3A_456 = tpu.vector_load %arg9[%get3A_454, %get3A_455] {strides = array<i32>} : memref<32x1024xf32, #tpu.memory_space<vmem>>, vector<1x16xf32>,
      %get3A_457 = vector.shape_cast %get3A_456 : vector<1x16xf32> to vector<16xf32>
      %add3A_458 = arith.addf %get3A_453, %get3A_457 : vector<16xf32>
      %swap3A_459 = arith.index_cast %scan3A_44 : i32 to index
      %swap3A_460 = arith.constant 464 : index
      %swap3A_461 = tpu.vector_load %arg10[%swap3A_459, %swap3A_460] {strides = array<i32>} : memref<32x1024xf32, #tpu.memory_space<vmem>>, vector<1x16xf32>,
      %swap3A_462 = vector.shape_cast %swap3A_461 : vector<1x16xf32> to vector<16xf32>
      %swap3A_463 = vector.shape_cast %add3A_458 : vector<16xf32> to vector<1x16xf32>
      tpu.vector_store %arg10[%swap3A_459, %swap3A_460], %swap3A_463 {strides = array<i32>} : memref<32x1024xf32, #tpu.memory_space<vmem>>, vector<1x16xf32>,
      %get3A_464 = arith.index_cast %scan3A_44 : i32 to index
      %get3A_465 = arith.constant 480 : index
      %get3A_466 = tpu.vector_load %arg8[%get3A_464, %get3A_465] {strides = array<i32>} : memref<32x1024xf32, #tpu.memory_space<vmem>>, vector<1x16xf32>,
      %get3A_467 = vector.shape_cast %get3A_466 : vector<1x16xf32> to vector<16xf32>
      %get3A_468 = arith.index_cast %scan3A_44 : i32 to index
      %get3A_469 = arith.constant 480 : index
      %get3A_470 = tpu.vector_load %arg9[%get3A_468, %get3A_469] {strides = array<i32>} : memref<32x1024xf32, #tpu.memory_space<vmem>>, vector<1x16xf32>,
      %get3A_471 = vector.shape_cast %get3A_470 : vector<1x16xf32> to vector<16xf32>
      %add3A_472 = arith.addf %get3A_467, %get3A_471 : vector<16xf32>
      %swap3A_473 = arith.index_cast %scan3A_44 : i32 to index
      %swap3A_474 = arith.constant 480 : index
      %swap3A_475 = tpu.vector_load %arg10[%swap3A_473, %swap3A_474] {strides = array<i32>} : memref<32x1024xf32, #tpu.memory_space<vmem>>, vector<1x16xf32>,
      %swap3A_476 = vector.shape_cast %swap3A_475 : vector<1x16xf32> to vector<16xf32>
      %swap3A_477 = vector.shape_cast %add3A_472 : vector<16xf32> to vector<1x16xf32>
      tpu.vector_store %arg10[%swap3A_473, %swap3A_474], %swap3A_477 {strides = array<i32>} : memref<32x1024xf32, #tpu.memory_space<vmem>>, vector<1x16xf32>,
      %get3A_478 = arith.index_cast %scan3A_44 : i32 to index
      %get3A_479 = arith.constant 496 : index
      %get3A_480 = tpu.vector_load %arg8[%get3A_478, %get3A_479] {strides = array<i32>} : memref<32x1024xf32, #tpu.memory_space<vmem>>, vector<1x16xf32>,
      %get3A_481 = vector.shape_cast %get3A_480 : vector<1x16xf32> to vector<16xf32>
      %get3A_482 = arith.index_cast %scan3A_44 : i32 to index
      %get3A_483 = arith.constant 496 : index
      %get3A_484 = tpu.vector_load %arg9[%get3A_482, %get3A_483] {strides = array<i32>} : memref<32x1024xf32, #tpu.memory_space<vmem>>, vector<1x16xf32>,
      %get3A_485 = vector.shape_cast %get3A_484 : vector<1x16xf32> to vector<16xf32>
      %add3A_486 = arith.addf %get3A_481, %get3A_485 : vector<16xf32>
      %swap3A_487 = arith.index_cast %scan3A_44 : i32 to index
      %swap3A_488 = arith.constant 496 : index
      %swap3A_489 = tpu.vector_load %arg10[%swap3A_487, %swap3A_488] {strides = array<i32>} : memref<32x1024xf32, #tpu.memory_space<vmem>>, vector<1x16xf32>,
      %swap3A_490 = vector.shape_cast %swap3A_489 : vector<1x16xf32> to vector<16xf32>
      %swap3A_491 = vector.shape_cast %add3A_486 : vector<16xf32> to vector<1x16xf32>
      tpu.vector_store %arg10[%swap3A_487, %swap3A_488], %swap3A_491 {strides = array<i32>} : memref<32x1024xf32, #tpu.memory_space<vmem>>, vector<1x16xf32>,
      %get3A_492 = arith.index_cast %scan3A_44 : i32 to index
      %get3A_493 = arith.constant 512 : index
      %get3A_494 = tpu.vector_load %arg8[%get3A_492, %get3A_493] {strides = array<i32>} : memref<32x1024xf32, #tpu.memory_space<vmem>>, vector<1x16xf32>,
      %get3A_495 = vector.shape_cast %get3A_494 : vector<1x16xf32> to vector<16xf32>
      %get3A_496 = arith.index_cast %scan3A_44 : i32 to index
      %get3A_497 = arith.constant 512 : index
      %get3A_498 = tpu.vector_load %arg9[%get3A_496, %get3A_497] {strides = array<i32>} : memref<32x1024xf32, #tpu.memory_space<vmem>>, vector<1x16xf32>,
      %get3A_499 = vector.shape_cast %get3A_498 : vector<1x16xf32> to vector<16xf32>
      %add3A_500 = arith.addf %get3A_495, %get3A_499 : vector<16xf32>
      %swap3A_501 = arith.index_cast %scan3A_44 : i32 to index
      %swap3A_502 = arith.constant 512 : index
      %swap3A_503 = tpu.vector_load %arg10[%swap3A_501, %swap3A_502] {strides = array<i32>} : memref<32x1024xf32, #tpu.memory_space<vmem>>, vector<1x16xf32>,
      %swap3A_504 = vector.shape_cast %swap3A_503 : vector<1x16xf32> to vector<16xf32>
      %swap3A_505 = vector.shape_cast %add3A_500 : vector<16xf32> to vector<1x16xf32>
      tpu.vector_store %arg10[%swap3A_501, %swap3A_502], %swap3A_505 {strides = array<i32>} : memref<32x1024xf32, #tpu.memory_space<vmem>>, vector<1x16xf32>,
      %get3A_506 = arith.index_cast %scan3A_44 : i32 to index
      %get3A_507 = arith.constant 528 : index
      %get3A_508 = tpu.vector_load %arg8[%get3A_506, %get3A_507] {strides = array<i32>} : memref<32x1024xf32, #tpu.memory_space<vmem>>, vector<1x16xf32>,
      %get3A_509 = vector.shape_cast %get3A_508 : vector<1x16xf32> to vector<16xf32>
      %get3A_510 = arith.index_cast %scan3A_44 : i32 to index
      %get3A_511 = arith.constant 528 : index
      %get3A_512 = tpu.vector_load %arg9[%get3A_510, %get3A_511] {strides = array<i32>} : memref<32x1024xf32, #tpu.memory_space<vmem>>, vector<1x16xf32>,
      %get3A_513 = vector.shape_cast %get3A_512 : vector<1x16xf32> to vector<16xf32>
      %add3A_514 = arith.addf %get3A_509, %get3A_513 : vector<16xf32>
      %swap3A_515 = arith.index_cast %scan3A_44 : i32 to index
      %swap3A_516 = arith.constant 528 : index
      %swap3A_517 = tpu.vector_load %arg10[%swap3A_515, %swap3A_516] {strides = array<i32>} : memref<32x1024xf32, #tpu.memory_space<vmem>>, vector<1x16xf32>,
      %swap3A_518 = vector.shape_cast %swap3A_517 : vector<1x16xf32> to vector<16xf32>
      %swap3A_519 = vector.shape_cast %add3A_514 : vector<16xf32> to vector<1x16xf32>
      tpu.vector_store %arg10[%swap3A_515, %swap3A_516], %swap3A_519 {strides = array<i32>} : memref<32x1024xf32, #tpu.memory_space<vmem>>, vector<1x16xf32>,
      %get3A_520 = arith.index_cast %scan3A_44 : i32 to index
      %get3A_521 = arith.constant 544 : index
      %get3A_522 = tpu.vector_load %arg8[%get3A_520, %get3A_521] {strides = array<i32>} : memref<32x1024xf32, #tpu.memory_space<vmem>>, vector<1x16xf32>,
      %get3A_523 = vector.shape_cast %get3A_522 : vector<1x16xf32> to vector<16xf32>
      %get3A_524 = arith.index_cast %scan3A_44 : i32 to index
      %get3A_525 = arith.constant 544 : index
      %get3A_526 = tpu.vector_load %arg9[%get3A_524, %get3A_525] {strides = array<i32>} : memref<32x1024xf32, #tpu.memory_space<vmem>>, vector<1x16xf32>,
      %get3A_527 = vector.shape_cast %get3A_526 : vector<1x16xf32> to vector<16xf32>
      %add3A_528 = arith.addf %get3A_523, %get3A_527 : vector<16xf32>
      %swap3A_529 = arith.index_cast %scan3A_44 : i32 to index
      %swap3A_530 = arith.constant 544 : index
      %swap3A_531 = tpu.vector_load %arg10[%swap3A_529, %swap3A_530] {strides = array<i32>} : memref<32x1024xf32, #tpu.memory_space<vmem>>, vector<1x16xf32>,
      %swap3A_532 = vector.shape_cast %swap3A_531 : vector<1x16xf32> to vector<16xf32>
      %swap3A_533 = vector.shape_cast %add3A_528 : vector<16xf32> to vector<1x16xf32>
      tpu.vector_store %arg10[%swap3A_529, %swap3A_530], %swap3A_533 {strides = array<i32>} : memref<32x1024xf32, #tpu.memory_space<vmem>>, vector<1x16xf32>,
      %get3A_534 = arith.index_cast %scan3A_44 : i32 to index
      %get3A_535 = arith.constant 560 : index
      %get3A_536 = tpu.vector_load %arg8[%get3A_534, %get3A_535] {strides = array<i32>} : memref<32x1024xf32, #tpu.memory_space<vmem>>, vector<1x16xf32>,
      %get3A_537 = vector.shape_cast %get3A_536 : vector<1x16xf32> to vector<16xf32>
      %get3A_538 = arith.index_cast %scan3A_44 : i32 to index
      %get3A_539 = arith.constant 560 : index
      %get3A_540 = tpu.vector_load %arg9[%get3A_538, %get3A_539] {strides = array<i32>} : memref<32x1024xf32, #tpu.memory_space<vmem>>, vector<1x16xf32>,
      %get3A_541 = vector.shape_cast %get3A_540 : vector<1x16xf32> to vector<16xf32>
      %add3A_542 = arith.addf %get3A_537, %get3A_541 : vector<16xf32>
      %swap3A_543 = arith.index_cast %scan3A_44 : i32 to index
      %swap3A_544 = arith.constant 560 : index
      %swap3A_545 = tpu.vector_load %arg10[%swap3A_543, %swap3A_544] {strides = array<i32>} : memref<32x1024xf32, #tpu.memory_space<vmem>>, vector<1x16xf32>,
      %swap3A_546 = vector.shape_cast %swap3A_545 : vector<1x16xf32> to vector<16xf32>
      %swap3A_547 = vector.shape_cast %add3A_542 : vector<16xf32> to vector<1x16xf32>
      tpu.vector_store %arg10[%swap3A_543, %swap3A_544], %swap3A_547 {strides = array<i32>} : memref<32x1024xf32, #tpu.memory_space<vmem>>, vector<1x16xf32>,
      %get3A_548 = arith.index_cast %scan3A_44 : i32 to index
      %get3A_549 = arith.constant 576 : index
      %get3A_550 = tpu.vector_load %arg8[%get3A_548, %get3A_549] {strides = array<i32>} : memref<32x1024xf32, #tpu.memory_space<vmem>>, vector<1x16xf32>,
      %get3A_551 = vector.shape_cast %get3A_550 : vector<1x16xf32> to vector<16xf32>
      %get3A_552 = arith.index_cast %scan3A_44 : i32 to index
      %get3A_553 = arith.constant 576 : index
      %get3A_554 = tpu.vector_load %arg9[%get3A_552, %get3A_553] {strides = array<i32>} : memref<32x1024xf32, #tpu.memory_space<vmem>>, vector<1x16xf32>,
      %get3A_555 = vector.shape_cast %get3A_554 : vector<1x16xf32> to vector<16xf32>
      %add3A_556 = arith.addf %get3A_551, %get3A_555 : vector<16xf32>
      %swap3A_557 = arith.index_cast %scan3A_44 : i32 to index
      %swap3A_558 = arith.constant 576 : index
      %swap3A_559 = tpu.vector_load %arg10[%swap3A_557, %swap3A_558] {strides = array<i32>} : memref<32x1024xf32, #tpu.memory_space<vmem>>, vector<1x16xf32>,
      %swap3A_560 = vector.shape_cast %swap3A_559 : vector<1x16xf32> to vector<16xf32>
      %swap3A_561 = vector.shape_cast %add3A_556 : vector<16xf32> to vector<1x16xf32>
      tpu.vector_store %arg10[%swap3A_557, %swap3A_558], %swap3A_561 {strides = array<i32>} : memref<32x1024xf32, #tpu.memory_space<vmem>>, vector<1x16xf32>,
      %get3A_562 = arith.index_cast %scan3A_44 : i32 to index
      %get3A_563 = arith.constant 592 : index
      %get3A_564 = tpu.vector_load %arg8[%get3A_562, %get3A_563] {strides = array<i32>} : memref<32x1024xf32, #tpu.memory_space<vmem>>, vector<1x16xf32>,
      %get3A_565 = vector.shape_cast %get3A_564 : vector<1x16xf32> to vector<16xf32>
      %get3A_566 = arith.index_cast %scan3A_44 : i32 to index
      %get3A_567 = arith.constant 592 : index
      %get3A_568 = tpu.vector_load %arg9[%get3A_566, %get3A_567] {strides = array<i32>} : memref<32x1024xf32, #tpu.memory_space<vmem>>, vector<1x16xf32>,
      %get3A_569 = vector.shape_cast %get3A_568 : vector<1x16xf32> to vector<16xf32>
      %add3A_570 = arith.addf %get3A_565, %get3A_569 : vector<16xf32>
      %swap3A_571 = arith.index_cast %scan3A_44 : i32 to index
      %swap3A_572 = arith.constant 592 : index
      %swap3A_573 = tpu.vector_load %arg10[%swap3A_571, %swap3A_572] {strides = array<i32>} : memref<32x1024xf32, #tpu.memory_space<vmem>>, vector<1x16xf32>,
      %swap3A_574 = vector.shape_cast %swap3A_573 : vector<1x16xf32> to vector<16xf32>
      %swap3A_575 = vector.shape_cast %add3A_570 : vector<16xf32> to vector<1x16xf32>
      tpu.vector_store %arg10[%swap3A_571, %swap3A_572], %swap3A_575 {strides = array<i32>} : memref<32x1024xf32, #tpu.memory_space<vmem>>, vector<1x16xf32>,
      %get3A_576 = arith.index_cast %scan3A_44 : i32 to index
      %get3A_577 = arith.constant 608 : index
      %get3A_578 = tpu.vector_load %arg8[%get3A_576, %get3A_577] {strides = array<i32>} : memref<32x1024xf32, #tpu.memory_space<vmem>>, vector<1x16xf32>,
      %get3A_579 = vector.shape_cast %get3A_578 : vector<1x16xf32> to vector<16xf32>
      %get3A_580 = arith.index_cast %scan3A_44 : i32 to index
      %get3A_581 = arith.constant 608 : index
      %get3A_582 = tpu.vector_load %arg9[%get3A_580, %get3A_581] {strides = array<i32>} : memref<32x1024xf32, #tpu.memory_space<vmem>>, vector<1x16xf32>,
      %get3A_583 = vector.shape_cast %get3A_582 : vector<1x16xf32> to vector<16xf32>
      %add3A_584 = arith.addf %get3A_579, %get3A_583 : vector<16xf32>
      %swap3A_585 = arith.index_cast %scan3A_44 : i32 to index
      %swap3A_586 = arith.constant 608 : index
      %swap3A_587 = tpu.vector_load %arg10[%swap3A_585, %swap3A_586] {strides = array<i32>} : memref<32x1024xf32, #tpu.memory_space<vmem>>, vector<1x16xf32>,
      %swap3A_588 = vector.shape_cast %swap3A_587 : vector<1x16xf32> to vector<16xf32>
      %swap3A_589 = vector.shape_cast %add3A_584 : vector<16xf32> to vector<1x16xf32>
      tpu.vector_store %arg10[%swap3A_585, %swap3A_586], %swap3A_589 {strides = array<i32>} : memref<32x1024xf32, #tpu.memory_space<vmem>>, vector<1x16xf32>,
      %get3A_590 = arith.index_cast %scan3A_44 : i32 to index
      %get3A_591 = arith.constant 624 : index
      %get3A_592 = tpu.vector_load %arg8[%get3A_590, %get3A_591] {strides = array<i32>} : memref<32x1024xf32, #tpu.memory_space<vmem>>, vector<1x16xf32>,
      %get3A_593 = vector.shape_cast %get3A_592 : vector<1x16xf32> to vector<16xf32>
      %get3A_594 = arith.index_cast %scan3A_44 : i32 to index
      %get3A_595 = arith.constant 624 : index
      %get3A_596 = tpu.vector_load %arg9[%get3A_594, %get3A_595] {strides = array<i32>} : memref<32x1024xf32, #tpu.memory_space<vmem>>, vector<1x16xf32>,
      %get3A_597 = vector.shape_cast %get3A_596 : vector<1x16xf32> to vector<16xf32>
      %add3A_598 = arith.addf %get3A_593, %get3A_597 : vector<16xf32>
      %swap3A_599 = arith.index_cast %scan3A_44 : i32 to index
      %swap3A_600 = arith.constant 624 : index
      %swap3A_601 = tpu.vector_load %arg10[%swap3A_599, %swap3A_600] {strides = array<i32>} : memref<32x1024xf32, #tpu.memory_space<vmem>>, vector<1x16xf32>,
      %swap3A_602 = vector.shape_cast %swap3A_601 : vector<1x16xf32> to vector<16xf32>
      %swap3A_603 = vector.shape_cast %add3A_598 : vector<16xf32> to vector<1x16xf32>
      tpu.vector_store %arg10[%swap3A_599, %swap3A_600], %swap3A_603 {strides = array<i32>} : memref<32x1024xf32, #tpu.memory_space<vmem>>, vector<1x16xf32>,
      %get3A_604 = arith.index_cast %scan3A_44 : i32 to index
      %get3A_605 = arith.constant 640 : index
      %get3A_606 = tpu.vector_load %arg8[%get3A_604, %get3A_605] {strides = array<i32>} : memref<32x1024xf32, #tpu.memory_space<vmem>>, vector<1x16xf32>,
      %get3A_607 = vector.shape_cast %get3A_606 : vector<1x16xf32> to vector<16xf32>
      %get3A_608 = arith.index_cast %scan3A_44 : i32 to index
      %get3A_609 = arith.constant 640 : index
      %get3A_610 = tpu.vector_load %arg9[%get3A_608, %get3A_609] {strides = array<i32>} : memref<32x1024xf32, #tpu.memory_space<vmem>>, vector<1x16xf32>,
      %get3A_611 = vector.shape_cast %get3A_610 : vector<1x16xf32> to vector<16xf32>
      %add3A_612 = arith.addf %get3A_607, %get3A_611 : vector<16xf32>
      %swap3A_613 = arith.index_cast %scan3A_44 : i32 to index
      %swap3A_614 = arith.constant 640 : index
      %swap3A_615 = tpu.vector_load %arg10[%swap3A_613, %swap3A_614] {strides = array<i32>} : memref<32x1024xf32, #tpu.memory_space<vmem>>, vector<1x16xf32>,
      %swap3A_616 = vector.shape_cast %swap3A_615 : vector<1x16xf32> to vector<16xf32>
      %swap3A_617 = vector.shape_cast %add3A_612 : vector<16xf32> to vector<1x16xf32>
      tpu.vector_store %arg10[%swap3A_613, %swap3A_614], %swap3A_617 {strides = array<i32>} : memref<32x1024xf32, #tpu.memory_space<vmem>>, vector<1x16xf32>,
      %get3A_618 = arith.index_cast %scan3A_44 : i32 to index
      %get3A_619 = arith.constant 656 : index
      %get3A_620 = tpu.vector_load %arg8[%get3A_618, %get3A_619] {strides = array<i32>} : memref<32x1024xf32, #tpu.memory_space<vmem>>, vector<1x16xf32>,
      %get3A_621 = vector.shape_cast %get3A_620 : vector<1x16xf32> to vector<16xf32>
      %get3A_622 = arith.index_cast %scan3A_44 : i32 to index
      %get3A_623 = arith.constant 656 : index
      %get3A_624 = tpu.vector_load %arg9[%get3A_622, %get3A_623] {strides = array<i32>} : memref<32x1024xf32, #tpu.memory_space<vmem>>, vector<1x16xf32>,
      %get3A_625 = vector.shape_cast %get3A_624 : vector<1x16xf32> to vector<16xf32>
      %add3A_626 = arith.addf %get3A_621, %get3A_625 : vector<16xf32>
      %swap3A_627 = arith.index_cast %scan3A_44 : i32 to index
      %swap3A_628 = arith.constant 656 : index
      %swap3A_629 = tpu.vector_load %arg10[%swap3A_627, %swap3A_628] {strides = array<i32>} : memref<32x1024xf32, #tpu.memory_space<vmem>>, vector<1x16xf32>,
      %swap3A_630 = vector.shape_cast %swap3A_629 : vector<1x16xf32> to vector<16xf32>
      %swap3A_631 = vector.shape_cast %add3A_626 : vector<16xf32> to vector<1x16xf32>
      tpu.vector_store %arg10[%swap3A_627, %swap3A_628], %swap3A_631 {strides = array<i32>} : memref<32x1024xf32, #tpu.memory_space<vmem>>, vector<1x16xf32>,
      %get3A_632 = arith.index_cast %scan3A_44 : i32 to index
      %get3A_633 = arith.constant 672 : index
      %get3A_634 = tpu.vector_load %arg8[%get3A_632, %get3A_633] {strides = array<i32>} : memref<32x1024xf32, #tpu.memory_space<vmem>>, vector<1x16xf32>,
      %get3A_635 = vector.shape_cast %get3A_634 : vector<1x16xf32> to vector<16xf32>
      %get3A_636 = arith.index_cast %scan3A_44 : i32 to index
      %get3A_637 = arith.constant 672 : index
      %get3A_638 = tpu.vector_load %arg9[%get3A_636, %get3A_637] {strides = array<i32>} : memref<32x1024xf32, #tpu.memory_space<vmem>>, vector<1x16xf32>,
      %get3A_639 = vector.shape_cast %get3A_638 : vector<1x16xf32> to vector<16xf32>
      %add3A_640 = arith.addf %get3A_635, %get3A_639 : vector<16xf32>
      %swap3A_641 = arith.index_cast %scan3A_44 : i32 to index
      %swap3A_642 = arith.constant 672 : index
      %swap3A_643 = tpu.vector_load %arg10[%swap3A_641, %swap3A_642] {strides = array<i32>} : memref<32x1024xf32, #tpu.memory_space<vmem>>, vector<1x16xf32>,
      %swap3A_644 = vector.shape_cast %swap3A_643 : vector<1x16xf32> to vector<16xf32>
      %swap3A_645 = vector.shape_cast %add3A_640 : vector<16xf32> to vector<1x16xf32>
      tpu.vector_store %arg10[%swap3A_641, %swap3A_642], %swap3A_645 {strides = array<i32>} : memref<32x1024xf32, #tpu.memory_space<vmem>>, vector<1x16xf32>,
      %get3A_646 = arith.index_cast %scan3A_44 : i32 to index
      %get3A_647 = arith.constant 688 : index
      %get3A_648 = tpu.vector_load %arg8[%get3A_646, %get3A_647] {strides = array<i32>} : memref<32x1024xf32, #tpu.memory_space<vmem>>, vector<1x16xf32>,
      %get3A_649 = vector.shape_cast %get3A_648 : vector<1x16xf32> to vector<16xf32>
      %get3A_650 = arith.index_cast %scan3A_44 : i32 to index
      %get3A_651 = arith.constant 688 : index
      %get3A_652 = tpu.vector_load %arg9[%get3A_650, %get3A_651] {strides = array<i32>} : memref<32x1024xf32, #tpu.memory_space<vmem>>, vector<1x16xf32>,
      %get3A_653 = vector.shape_cast %get3A_652 : vector<1x16xf32> to vector<16xf32>
      %add3A_654 = arith.addf %get3A_649, %get3A_653 : vector<16xf32>
      %swap3A_655 = arith.index_cast %scan3A_44 : i32 to index
      %swap3A_656 = arith.constant 688 : index
      %swap3A_657 = tpu.vector_load %arg10[%swap3A_655, %swap3A_656] {strides = array<i32>} : memref<32x1024xf32, #tpu.memory_space<vmem>>, vector<1x16xf32>,
      %swap3A_658 = vector.shape_cast %swap3A_657 : vector<1x16xf32> to vector<16xf32>
      %swap3A_659 = vector.shape_cast %add3A_654 : vector<16xf32> to vector<1x16xf32>
      tpu.vector_store %arg10[%swap3A_655, %swap3A_656], %swap3A_659 {strides = array<i32>} : memref<32x1024xf32, #tpu.memory_space<vmem>>, vector<1x16xf32>,
      %get3A_660 = arith.index_cast %scan3A_44 : i32 to index
      %get3A_661 = arith.constant 704 : index
      %get3A_662 = tpu.vector_load %arg8[%get3A_660, %get3A_661] {strides = array<i32>} : memref<32x1024xf32, #tpu.memory_space<vmem>>, vector<1x16xf32>,
      %get3A_663 = vector.shape_cast %get3A_662 : vector<1x16xf32> to vector<16xf32>
      %get3A_664 = arith.index_cast %scan3A_44 : i32 to index
      %get3A_665 = arith.constant 704 : index
      %get3A_666 = tpu.vector_load %arg9[%get3A_664, %get3A_665] {strides = array<i32>} : memref<32x1024xf32, #tpu.memory_space<vmem>>, vector<1x16xf32>,
      %get3A_667 = vector.shape_cast %get3A_666 : vector<1x16xf32> to vector<16xf32>
      %add3A_668 = arith.addf %get3A_663, %get3A_667 : vector<16xf32>
      %swap3A_669 = arith.index_cast %scan3A_44 : i32 to index
      %swap3A_670 = arith.constant 704 : index
      %swap3A_671 = tpu.vector_load %arg10[%swap3A_669, %swap3A_670] {strides = array<i32>} : memref<32x1024xf32, #tpu.memory_space<vmem>>, vector<1x16xf32>,
      %swap3A_672 = vector.shape_cast %swap3A_671 : vector<1x16xf32> to vector<16xf32>
      %swap3A_673 = vector.shape_cast %add3A_668 : vector<16xf32> to vector<1x16xf32>
      tpu.vector_store %arg10[%swap3A_669, %swap3A_670], %swap3A_673 {strides = array<i32>} : memref<32x1024xf32, #tpu.memory_space<vmem>>, vector<1x16xf32>,
      %get3A_674 = arith.index_cast %scan3A_44 : i32 to index
      %get3A_675 = arith.constant 720 : index
      %get3A_676 = tpu.vector_load %arg8[%get3A_674, %get3A_675] {strides = array<i32>} : memref<32x1024xf32, #tpu.memory_space<vmem>>, vector<1x16xf32>,
      %get3A_677 = vector.shape_cast %get3A_676 : vector<1x16xf32> to vector<16xf32>
      %get3A_678 = arith.index_cast %scan3A_44 : i32 to index
      %get3A_679 = arith.constant 720 : index
      %get3A_680 = tpu.vector_load %arg9[%get3A_678, %get3A_679] {strides = array<i32>} : memref<32x1024xf32, #tpu.memory_space<vmem>>, vector<1x16xf32>,
      %get3A_681 = vector.shape_cast %get3A_680 : vector<1x16xf32> to vector<16xf32>
      %add3A_682 = arith.addf %get3A_677, %get3A_681 : vector<16xf32>
      %swap3A_683 = arith.index_cast %scan3A_44 : i32 to index
      %swap3A_684 = arith.constant 720 : index
      %swap3A_685 = tpu.vector_load %arg10[%swap3A_683, %swap3A_684] {strides = array<i32>} : memref<32x1024xf32, #tpu.memory_space<vmem>>, vector<1x16xf32>,
      %swap3A_686 = vector.shape_cast %swap3A_685 : vector<1x16xf32> to vector<16xf32>
      %swap3A_687 = vector.shape_cast %add3A_682 : vector<16xf32> to vector<1x16xf32>
      tpu.vector_store %arg10[%swap3A_683, %swap3A_684], %swap3A_687 {strides = array<i32>} : memref<32x1024xf32, #tpu.memory_space<vmem>>, vector<1x16xf32>,
      %get3A_688 = arith.index_cast %scan3A_44 : i32 to index
      %get3A_689 = arith.constant 736 : index
      %get3A_690 = tpu.vector_load %arg8[%get3A_688, %get3A_689] {strides = array<i32>} : memref<32x1024xf32, #tpu.memory_space<vmem>>, vector<1x16xf32>,
      %get3A_691 = vector.shape_cast %get3A_690 : vector<1x16xf32> to vector<16xf32>
      %get3A_692 = arith.index_cast %scan3A_44 : i32 to index
      %get3A_693 = arith.constant 736 : index
      %get3A_694 = tpu.vector_load %arg9[%get3A_692, %get3A_693] {strides = array<i32>} : memref<32x1024xf32, #tpu.memory_space<vmem>>, vector<1x16xf32>,
      %get3A_695 = vector.shape_cast %get3A_694 : vector<1x16xf32> to vector<16xf32>
      %add3A_696 = arith.addf %get3A_691, %get3A_695 : vector<16xf32>
      %swap3A_697 = arith.index_cast %scan3A_44 : i32 to index
      %swap3A_698 = arith.constant 736 : index
      %swap3A_699 = tpu.vector_load %arg10[%swap3A_697, %swap3A_698] {strides = array<i32>} : memref<32x1024xf32, #tpu.memory_space<vmem>>, vector<1x16xf32>,
      %swap3A_700 = vector.shape_cast %swap3A_699 : vector<1x16xf32> to vector<16xf32>
      %swap3A_701 = vector.shape_cast %add3A_696 : vector<16xf32> to vector<1x16xf32>
      tpu.vector_store %arg10[%swap3A_697, %swap3A_698], %swap3A_701 {strides = array<i32>} : memref<32x1024xf32, #tpu.memory_space<vmem>>, vector<1x16xf32>,
      %get3A_702 = arith.index_cast %scan3A_44 : i32 to index
      %get3A_703 = arith.constant 752 : index
      %get3A_704 = tpu.vector_load %arg8[%get3A_702, %get3A_703] {strides = array<i32>} : memref<32x1024xf32, #tpu.memory_space<vmem>>, vector<1x16xf32>,
      %get3A_705 = vector.shape_cast %get3A_704 : vector<1x16xf32> to vector<16xf32>
      %get3A_706 = arith.index_cast %scan3A_44 : i32 to index
      %get3A_707 = arith.constant 752 : index
      %get3A_708 = tpu.vector_load %arg9[%get3A_706, %get3A_707] {strides = array<i32>} : memref<32x1024xf32, #tpu.memory_space<vmem>>, vector<1x16xf32>,
      %get3A_709 = vector.shape_cast %get3A_708 : vector<1x16xf32> to vector<16xf32>
      %add3A_710 = arith.addf %get3A_705, %get3A_709 : vector<16xf32>
      %swap3A_711 = arith.index_cast %scan3A_44 : i32 to index
      %swap3A_712 = arith.constant 752 : index
      %swap3A_713 = tpu.vector_load %arg10[%swap3A_711, %swap3A_712] {strides = array<i32>} : memref<32x1024xf32, #tpu.memory_space<vmem>>, vector<1x16xf32>,
      %swap3A_714 = vector.shape_cast %swap3A_713 : vector<1x16xf32> to vector<16xf32>
      %swap3A_715 = vector.shape_cast %add3A_710 : vector<16xf32> to vector<1x16xf32>
      tpu.vector_store %arg10[%swap3A_711, %swap3A_712], %swap3A_715 {strides = array<i32>} : memref<32x1024xf32, #tpu.memory_space<vmem>>, vector<1x16xf32>,
      %get3A_716 = arith.index_cast %scan3A_44 : i32 to index
      %get3A_717 = arith.constant 768 : index
      %get3A_718 = tpu.vector_load %arg8[%get3A_716, %get3A_717] {strides = array<i32>} : memref<32x1024xf32, #tpu.memory_space<vmem>>, vector<1x16xf32>,
      %get3A_719 = vector.shape_cast %get3A_718 : vector<1x16xf32> to vector<16xf32>
      %get3A_720 = arith.index_cast %scan3A_44 : i32 to index
      %get3A_721 = arith.constant 768 : index
      %get3A_722 = tpu.vector_load %arg9[%get3A_720, %get3A_721] {strides = array<i32>} : memref<32x1024xf32, #tpu.memory_space<vmem>>, vector<1x16xf32>,
      %get3A_723 = vector.shape_cast %get3A_722 : vector<1x16xf32> to vector<16xf32>
      %add3A_724 = arith.addf %get3A_719, %get3A_723 : vector<16xf32>
      %swap3A_725 = arith.index_cast %scan3A_44 : i32 to index
      %swap3A_726 = arith.constant 768 : index
      %swap3A_727 = tpu.vector_load %arg10[%swap3A_725, %swap3A_726] {strides = array<i32>} : memref<32x1024xf32, #tpu.memory_space<vmem>>, vector<1x16xf32>,
      %swap3A_728 = vector.shape_cast %swap3A_727 : vector<1x16xf32> to vector<16xf32>
      %swap3A_729 = vector.shape_cast %add3A_724 : vector<16xf32> to vector<1x16xf32>
      tpu.vector_store %arg10[%swap3A_725, %swap3A_726], %swap3A_729 {strides = array<i32>} : memref<32x1024xf32, #tpu.memory_space<vmem>>, vector<1x16xf32>,
      %get3A_730 = arith.index_cast %scan3A_44 : i32 to index
      %get3A_731 = arith.constant 784 : index
      %get3A_732 = tpu.vector_load %arg8[%get3A_730, %get3A_731] {strides = array<i32>} : memref<32x1024xf32, #tpu.memory_space<vmem>>, vector<1x16xf32>,
      %get3A_733 = vector.shape_cast %get3A_732 : vector<1x16xf32> to vector<16xf32>
      %get3A_734 = arith.index_cast %scan3A_44 : i32 to index
      %get3A_735 = arith.constant 784 : index
      %get3A_736 = tpu.vector_load %arg9[%get3A_734, %get3A_735] {strides = array<i32>} : memref<32x1024xf32, #tpu.memory_space<vmem>>, vector<1x16xf32>,
      %get3A_737 = vector.shape_cast %get3A_736 : vector<1x16xf32> to vector<16xf32>
      %add3A_738 = arith.addf %get3A_733, %get3A_737 : vector<16xf32>
      %swap3A_739 = arith.index_cast %scan3A_44 : i32 to index
      %swap3A_740 = arith.constant 784 : index
      %swap3A_741 = tpu.vector_load %arg10[%swap3A_739, %swap3A_740] {strides = array<i32>} : memref<32x1024xf32, #tpu.memory_space<vmem>>, vector<1x16xf32>,
      %swap3A_742 = vector.shape_cast %swap3A_741 : vector<1x16xf32> to vector<16xf32>
      %swap3A_743 = vector.shape_cast %add3A_738 : vector<16xf32> to vector<1x16xf32>
      tpu.vector_store %arg10[%swap3A_739, %swap3A_740], %swap3A_743 {strides = array<i32>} : memref<32x1024xf32, #tpu.memory_space<vmem>>, vector<1x16xf32>,
      %get3A_744 = arith.index_cast %scan3A_44 : i32 to index
      %get3A_745 = arith.constant 800 : index
      %get3A_746 = tpu.vector_load %arg8[%get3A_744, %get3A_745] {strides = array<i32>} : memref<32x1024xf32, #tpu.memory_space<vmem>>, vector<1x16xf32>,
      %get3A_747 = vector.shape_cast %get3A_746 : vector<1x16xf32> to vector<16xf32>
      %get3A_748 = arith.index_cast %scan3A_44 : i32 to index
      %get3A_749 = arith.constant 800 : index
      %get3A_750 = tpu.vector_load %arg9[%get3A_748, %get3A_749] {strides = array<i32>} : memref<32x1024xf32, #tpu.memory_space<vmem>>, vector<1x16xf32>,
      %get3A_751 = vector.shape_cast %get3A_750 : vector<1x16xf32> to vector<16xf32>
      %add3A_752 = arith.addf %get3A_747, %get3A_751 : vector<16xf32>
      %swap3A_753 = arith.index_cast %scan3A_44 : i32 to index
      %swap3A_754 = arith.constant 800 : index
      %swap3A_755 = tpu.vector_load %arg10[%swap3A_753, %swap3A_754] {strides = array<i32>} : memref<32x1024xf32, #tpu.memory_space<vmem>>, vector<1x16xf32>,
      %swap3A_756 = vector.shape_cast %swap3A_755 : vector<1x16xf32> to vector<16xf32>
      %swap3A_757 = vector.shape_cast %add3A_752 : vector<16xf32> to vector<1x16xf32>
      tpu.vector_store %arg10[%swap3A_753, %swap3A_754], %swap3A_757 {strides = array<i32>} : memref<32x1024xf32, #tpu.memory_space<vmem>>, vector<1x16xf32>,
      %get3A_758 = arith.index_cast %scan3A_44 : i32 to index
      %get3A_759 = arith.constant 816 : index
      %get3A_760 = tpu.vector_load %arg8[%get3A_758, %get3A_759] {strides = array<i32>} : memref<32x1024xf32, #tpu.memory_space<vmem>>, vector<1x16xf32>,
      %get3A_761 = vector.shape_cast %get3A_760 : vector<1x16xf32> to vector<16xf32>
      %get3A_762 = arith.index_cast %scan3A_44 : i32 to index
      %get3A_763 = arith.constant 816 : index
      %get3A_764 = tpu.vector_load %arg9[%get3A_762, %get3A_763] {strides = array<i32>} : memref<32x1024xf32, #tpu.memory_space<vmem>>, vector<1x16xf32>,
      %get3A_765 = vector.shape_cast %get3A_764 : vector<1x16xf32> to vector<16xf32>
      %add3A_766 = arith.addf %get3A_761, %get3A_765 : vector<16xf32>
      %swap3A_767 = arith.index_cast %scan3A_44 : i32 to index
      %swap3A_768 = arith.constant 816 : index
      %swap3A_769 = tpu.vector_load %arg10[%swap3A_767, %swap3A_768] {strides = array<i32>} : memref<32x1024xf32, #tpu.memory_space<vmem>>, vector<1x16xf32>,
      %swap3A_770 = vector.shape_cast %swap3A_769 : vector<1x16xf32> to vector<16xf32>
      %swap3A_771 = vector.shape_cast %add3A_766 : vector<16xf32> to vector<1x16xf32>
      tpu.vector_store %arg10[%swap3A_767, %swap3A_768], %swap3A_771 {strides = array<i32>} : memref<32x1024xf32, #tpu.memory_space<vmem>>, vector<1x16xf32>,
      %get3A_772 = arith.index_cast %scan3A_44 : i32 to index
      %get3A_773 = arith.constant 832 : index
      %get3A_774 = tpu.vector_load %arg8[%get3A_772, %get3A_773] {strides = array<i32>} : memref<32x1024xf32, #tpu.memory_space<vmem>>, vector<1x16xf32>,
      %get3A_775 = vector.shape_cast %get3A_774 : vector<1x16xf32> to vector<16xf32>
      %get3A_776 = arith.index_cast %scan3A_44 : i32 to index
      %get3A_777 = arith.constant 832 : index
      %get3A_778 = tpu.vector_load %arg9[%get3A_776, %get3A_777] {strides = array<i32>} : memref<32x1024xf32, #tpu.memory_space<vmem>>, vector<1x16xf32>,
      %get3A_779 = vector.shape_cast %get3A_778 : vector<1x16xf32> to vector<16xf32>
      %add3A_780 = arith.addf %get3A_775, %get3A_779 : vector<16xf32>
      %swap3A_781 = arith.index_cast %scan3A_44 : i32 to index
      %swap3A_782 = arith.constant 832 : index
      %swap3A_783 = tpu.vector_load %arg10[%swap3A_781, %swap3A_782] {strides = array<i32>} : memref<32x1024xf32, #tpu.memory_space<vmem>>, vector<1x16xf32>,
      %swap3A_784 = vector.shape_cast %swap3A_783 : vector<1x16xf32> to vector<16xf32>
      %swap3A_785 = vector.shape_cast %add3A_780 : vector<16xf32> to vector<1x16xf32>
      tpu.vector_store %arg10[%swap3A_781, %swap3A_782], %swap3A_785 {strides = array<i32>} : memref<32x1024xf32, #tpu.memory_space<vmem>>, vector<1x16xf32>,
      %get3A_786 = arith.index_cast %scan3A_44 : i32 to index
      %get3A_787 = arith.constant 848 : index
      %get3A_788 = tpu.vector_load %arg8[%get3A_786, %get3A_787] {strides = array<i32>} : memref<32x1024xf32, #tpu.memory_space<vmem>>, vector<1x16xf32>,
      %get3A_789 = vector.shape_cast %get3A_788 : vector<1x16xf32> to vector<16xf32>
      %get3A_790 = arith.index_cast %scan3A_44 : i32 to index
      %get3A_791 = arith.constant 848 : index
      %get3A_792 = tpu.vector_load %arg9[%get3A_790, %get3A_791] {strides = array<i32>} : memref<32x1024xf32, #tpu.memory_space<vmem>>, vector<1x16xf32>,
      %get3A_793 = vector.shape_cast %get3A_792 : vector<1x16xf32> to vector<16xf32>
      %add3A_794 = arith.addf %get3A_789, %get3A_793 : vector<16xf32>
      %swap3A_795 = arith.index_cast %scan3A_44 : i32 to index
      %swap3A_796 = arith.constant 848 : index
      %swap3A_797 = tpu.vector_load %arg10[%swap3A_795, %swap3A_796] {strides = array<i32>} : memref<32x1024xf32, #tpu.memory_space<vmem>>, vector<1x16xf32>,
      %swap3A_798 = vector.shape_cast %swap3A_797 : vector<1x16xf32> to vector<16xf32>
      %swap3A_799 = vector.shape_cast %add3A_794 : vector<16xf32> to vector<1x16xf32>
      tpu.vector_store %arg10[%swap3A_795, %swap3A_796], %swap3A_799 {strides = array<i32>} : memref<32x1024xf32, #tpu.memory_space<vmem>>, vector<1x16xf32>,
      %get3A_800 = arith.index_cast %scan3A_44 : i32 to index
      %get3A_801 = arith.constant 864 : index
      %get3A_802 = tpu.vector_load %arg8[%get3A_800, %get3A_801] {strides = array<i32>} : memref<32x1024xf32, #tpu.memory_space<vmem>>, vector<1x16xf32>,
      %get3A_803 = vector.shape_cast %get3A_802 : vector<1x16xf32> to vector<16xf32>
      %get3A_804 = arith.index_cast %scan3A_44 : i32 to index
      %get3A_805 = arith.constant 864 : index
      %get3A_806 = tpu.vector_load %arg9[%get3A_804, %get3A_805] {strides = array<i32>} : memref<32x1024xf32, #tpu.memory_space<vmem>>, vector<1x16xf32>,
      %get3A_807 = vector.shape_cast %get3A_806 : vector<1x16xf32> to vector<16xf32>
      %add3A_808 = arith.addf %get3A_803, %get3A_807 : vector<16xf32>
      %swap3A_809 = arith.index_cast %scan3A_44 : i32 to index
      %swap3A_810 = arith.constant 864 : index
      %swap3A_811 = tpu.vector_load %arg10[%swap3A_809, %swap3A_810] {strides = array<i32>} : memref<32x1024xf32, #tpu.memory_space<vmem>>, vector<1x16xf32>,
      %swap3A_812 = vector.shape_cast %swap3A_811 : vector<1x16xf32> to vector<16xf32>
      %swap3A_813 = vector.shape_cast %add3A_808 : vector<16xf32> to vector<1x16xf32>
      tpu.vector_store %arg10[%swap3A_809, %swap3A_810], %swap3A_813 {strides = array<i32>} : memref<32x1024xf32, #tpu.memory_space<vmem>>, vector<1x16xf32>,
      %get3A_814 = arith.index_cast %scan3A_44 : i32 to index
      %get3A_815 = arith.constant 880 : index
      %get3A_816 = tpu.vector_load %arg8[%get3A_814, %get3A_815] {strides = array<i32>} : memref<32x1024xf32, #tpu.memory_space<vmem>>, vector<1x16xf32>,
      %get3A_817 = vector.shape_cast %get3A_816 : vector<1x16xf32> to vector<16xf32>
      %get3A_818 = arith.index_cast %scan3A_44 : i32 to index
      %get3A_819 = arith.constant 880 : index
      %get3A_820 = tpu.vector_load %arg9[%get3A_818, %get3A_819] {strides = array<i32>} : memref<32x1024xf32, #tpu.memory_space<vmem>>, vector<1x16xf32>,
      %get3A_821 = vector.shape_cast %get3A_820 : vector<1x16xf32> to vector<16xf32>
      %add3A_822 = arith.addf %get3A_817, %get3A_821 : vector<16xf32>
      %swap3A_823 = arith.index_cast %scan3A_44 : i32 to index
      %swap3A_824 = arith.constant 880 : index
      %swap3A_825 = tpu.vector_load %arg10[%swap3A_823, %swap3A_824] {strides = array<i32>} : memref<32x1024xf32, #tpu.memory_space<vmem>>, vector<1x16xf32>,
      %swap3A_826 = vector.shape_cast %swap3A_825 : vector<1x16xf32> to vector<16xf32>
      %swap3A_827 = vector.shape_cast %add3A_822 : vector<16xf32> to vector<1x16xf32>
      tpu.vector_store %arg10[%swap3A_823, %swap3A_824], %swap3A_827 {strides = array<i32>} : memref<32x1024xf32, #tpu.memory_space<vmem>>, vector<1x16xf32>,
      %get3A_828 = arith.index_cast %scan3A_44 : i32 to index
      %get3A_829 = arith.constant 896 : index
      %get3A_830 = tpu.vector_load %arg8[%get3A_828, %get3A_829] {strides = array<i32>} : memref<32x1024xf32, #tpu.memory_space<vmem>>, vector<1x16xf32>,
      %get3A_831 = vector.shape_cast %get3A_830 : vector<1x16xf32> to vector<16xf32>
      %get3A_832 = arith.index_cast %scan3A_44 : i32 to index
      %get3A_833 = arith.constant 896 : index
      %get3A_834 = tpu.vector_load %arg9[%get3A_832, %get3A_833] {strides = array<i32>} : memref<32x1024xf32, #tpu.memory_space<vmem>>, vector<1x16xf32>,
      %get3A_835 = vector.shape_cast %get3A_834 : vector<1x16xf32> to vector<16xf32>
      %add3A_836 = arith.addf %get3A_831, %get3A_835 : vector<16xf32>
      %swap3A_837 = arith.index_cast %scan3A_44 : i32 to index
      %swap3A_838 = arith.constant 896 : index
      %swap3A_839 = tpu.vector_load %arg10[%swap3A_837, %swap3A_838] {strides = array<i32>} : memref<32x1024xf32, #tpu.memory_space<vmem>>, vector<1x16xf32>,
      %swap3A_840 = vector.shape_cast %swap3A_839 : vector<1x16xf32> to vector<16xf32>
      %swap3A_841 = vector.shape_cast %add3A_836 : vector<16xf32> to vector<1x16xf32>
      tpu.vector_store %arg10[%swap3A_837, %swap3A_838], %swap3A_841 {strides = array<i32>} : memref<32x1024xf32, #tpu.memory_space<vmem>>, vector<1x16xf32>,
      %get3A_842 = arith.index_cast %scan3A_44 : i32 to index
      %get3A_843 = arith.constant 912 : index
      %get3A_844 = tpu.vector_load %arg8[%get3A_842, %get3A_843] {strides = array<i32>} : memref<32x1024xf32, #tpu.memory_space<vmem>>, vector<1x16xf32>,
      %get3A_845 = vector.shape_cast %get3A_844 : vector<1x16xf32> to vector<16xf32>
      %get3A_846 = arith.index_cast %scan3A_44 : i32 to index
      %get3A_847 = arith.constant 912 : index
      %get3A_848 = tpu.vector_load %arg9[%get3A_846, %get3A_847] {strides = array<i32>} : memref<32x1024xf32, #tpu.memory_space<vmem>>, vector<1x16xf32>,
      %get3A_849 = vector.shape_cast %get3A_848 : vector<1x16xf32> to vector<16xf32>
      %add3A_850 = arith.addf %get3A_845, %get3A_849 : vector<16xf32>
      %swap3A_851 = arith.index_cast %scan3A_44 : i32 to index
      %swap3A_852 = arith.constant 912 : index
      %swap3A_853 = tpu.vector_load %arg10[%swap3A_851, %swap3A_852] {strides = array<i32>} : memref<32x1024xf32, #tpu.memory_space<vmem>>, vector<1x16xf32>,
      %swap3A_854 = vector.shape_cast %swap3A_853 : vector<1x16xf32> to vector<16xf32>
      %swap3A_855 = vector.shape_cast %add3A_850 : vector<16xf32> to vector<1x16xf32>
      tpu.vector_store %arg10[%swap3A_851, %swap3A_852], %swap3A_855 {strides = array<i32>} : memref<32x1024xf32, #tpu.memory_space<vmem>>, vector<1x16xf32>,
      %get3A_856 = arith.index_cast %scan3A_44 : i32 to index
      %get3A_857 = arith.constant 928 : index
      %get3A_858 = tpu.vector_load %arg8[%get3A_856, %get3A_857] {strides = array<i32>} : memref<32x1024xf32, #tpu.memory_space<vmem>>, vector<1x16xf32>,
      %get3A_859 = vector.shape_cast %get3A_858 : vector<1x16xf32> to vector<16xf32>
      %get3A_860 = arith.index_cast %scan3A_44 : i32 to index
      %get3A_861 = arith.constant 928 : index
      %get3A_862 = tpu.vector_load %arg9[%get3A_860, %get3A_861] {strides = array<i32>} : memref<32x1024xf32, #tpu.memory_space<vmem>>, vector<1x16xf32>,
      %get3A_863 = vector.shape_cast %get3A_862 : vector<1x16xf32> to vector<16xf32>
      %add3A_864 = arith.addf %get3A_859, %get3A_863 : vector<16xf32>
      %swap3A_865 = arith.index_cast %scan3A_44 : i32 to index
      %swap3A_866 = arith.constant 928 : index
      %swap3A_867 = tpu.vector_load %arg10[%swap3A_865, %swap3A_866] {strides = array<i32>} : memref<32x1024xf32, #tpu.memory_space<vmem>>, vector<1x16xf32>,
      %swap3A_868 = vector.shape_cast %swap3A_867 : vector<1x16xf32> to vector<16xf32>
      %swap3A_869 = vector.shape_cast %add3A_864 : vector<16xf32> to vector<1x16xf32>
      tpu.vector_store %arg10[%swap3A_865, %swap3A_866], %swap3A_869 {strides = array<i32>} : memref<32x1024xf32, #tpu.memory_space<vmem>>, vector<1x16xf32>,
      %get3A_870 = arith.index_cast %scan3A_44 : i32 to index
      %get3A_871 = arith.constant 944 : index
      %get3A_872 = tpu.vector_load %arg8[%get3A_870, %get3A_871] {strides = array<i32>} : memref<32x1024xf32, #tpu.memory_space<vmem>>, vector<1x16xf32>,
      %get3A_873 = vector.shape_cast %get3A_872 : vector<1x16xf32> to vector<16xf32>
      %get3A_874 = arith.index_cast %scan3A_44 : i32 to index
      %get3A_875 = arith.constant 944 : index
      %get3A_876 = tpu.vector_load %arg9[%get3A_874, %get3A_875] {strides = array<i32>} : memref<32x1024xf32, #tpu.memory_space<vmem>>, vector<1x16xf32>,
      %get3A_877 = vector.shape_cast %get3A_876 : vector<1x16xf32> to vector<16xf32>
      %add3A_878 = arith.addf %get3A_873, %get3A_877 : vector<16xf32>
      %swap3A_879 = arith.index_cast %scan3A_44 : i32 to index
      %swap3A_880 = arith.constant 944 : index
      %swap3A_881 = tpu.vector_load %arg10[%swap3A_879, %swap3A_880] {strides = array<i32>} : memref<32x1024xf32, #tpu.memory_space<vmem>>, vector<1x16xf32>,
      %swap3A_882 = vector.shape_cast %swap3A_881 : vector<1x16xf32> to vector<16xf32>
      %swap3A_883 = vector.shape_cast %add3A_878 : vector<16xf32> to vector<1x16xf32>
      tpu.vector_store %arg10[%swap3A_879, %swap3A_880], %swap3A_883 {strides = array<i32>} : memref<32x1024xf32, #tpu.memory_space<vmem>>, vector<1x16xf32>,
      %get3A_884 = arith.index_cast %scan3A_44 : i32 to index
      %get3A_885 = arith.constant 960 : index
      %get3A_886 = tpu.vector_load %arg8[%get3A_884, %get3A_885] {strides = array<i32>} : memref<32x1024xf32, #tpu.memory_space<vmem>>, vector<1x16xf32>,
      %get3A_887 = vector.shape_cast %get3A_886 : vector<1x16xf32> to vector<16xf32>
      %get3A_888 = arith.index_cast %scan3A_44 : i32 to index
      %get3A_889 = arith.constant 960 : index
      %get3A_890 = tpu.vector_load %arg9[%get3A_888, %get3A_889] {strides = array<i32>} : memref<32x1024xf32, #tpu.memory_space<vmem>>, vector<1x16xf32>,
      %get3A_891 = vector.shape_cast %get3A_890 : vector<1x16xf32> to vector<16xf32>
      %add3A_892 = arith.addf %get3A_887, %get3A_891 : vector<16xf32>
      %swap3A_893 = arith.index_cast %scan3A_44 : i32 to index
      %swap3A_894 = arith.constant 960 : index
      %swap3A_895 = tpu.vector_load %arg10[%swap3A_893, %swap3A_894] {strides = array<i32>} : memref<32x1024xf32, #tpu.memory_space<vmem>>, vector<1x16xf32>,
      %swap3A_896 = vector.shape_cast %swap3A_895 : vector<1x16xf32> to vector<16xf32>
      %swap3A_897 = vector.shape_cast %add3A_892 : vector<16xf32> to vector<1x16xf32>
      tpu.vector_store %arg10[%swap3A_893, %swap3A_894], %swap3A_897 {strides = array<i32>} : memref<32x1024xf32, #tpu.memory_space<vmem>>, vector<1x16xf32>,
      %get3A_898 = arith.index_cast %scan3A_44 : i32 to index
      %get3A_899 = arith.constant 976 : index
      %get3A_900 = tpu.vector_load %arg8[%get3A_898, %get3A_899] {strides = array<i32>} : memref<32x1024xf32, #tpu.memory_space<vmem>>, vector<1x16xf32>,
      %get3A_901 = vector.shape_cast %get3A_900 : vector<1x16xf32> to vector<16xf32>
      %get3A_902 = arith.index_cast %scan3A_44 : i32 to index
      %get3A_903 = arith.constant 976 : index
      %get3A_904 = tpu.vector_load %arg9[%get3A_902, %get3A_903] {strides = array<i32>} : memref<32x1024xf32, #tpu.memory_space<vmem>>, vector<1x16xf32>,
      %get3A_905 = vector.shape_cast %get3A_904 : vector<1x16xf32> to vector<16xf32>
      %add3A_906 = arith.addf %get3A_901, %get3A_905 : vector<16xf32>
      %swap3A_907 = arith.index_cast %scan3A_44 : i32 to index
      %swap3A_908 = arith.constant 976 : index
      %swap3A_909 = tpu.vector_load %arg10[%swap3A_907, %swap3A_908] {strides = array<i32>} : memref<32x1024xf32, #tpu.memory_space<vmem>>, vector<1x16xf32>,
      %swap3A_910 = vector.shape_cast %swap3A_909 : vector<1x16xf32> to vector<16xf32>
      %swap3A_911 = vector.shape_cast %add3A_906 : vector<16xf32> to vector<1x16xf32>
      tpu.vector_store %arg10[%swap3A_907, %swap3A_908], %swap3A_911 {strides = array<i32>} : memref<32x1024xf32, #tpu.memory_space<vmem>>, vector<1x16xf32>,
      %get3A_912 = arith.index_cast %scan3A_44 : i32 to index
      %get3A_913 = arith.constant 992 : index
      %get3A_914 = tpu.vector_load %arg8[%get3A_912, %get3A_913] {strides = array<i32>} : memref<32x1024xf32, #tpu.memory_space<vmem>>, vector<1x16xf32>,
      %get3A_915 = vector.shape_cast %get3A_914 : vector<1x16xf32> to vector<16xf32>
      %get3A_916 = arith.index_cast %scan3A_44 : i32 to index
      %get3A_917 = arith.constant 992 : index
      %get3A_918 = tpu.vector_load %arg9[%get3A_916, %get3A_917] {strides = array<i32>} : memref<32x1024xf32, #tpu.memory_space<vmem>>, vector<1x16xf32>,
      %get3A_919 = vector.shape_cast %get3A_918 : vector<1x16xf32> to vector<16xf32>
      %add3A_920 = arith.addf %get3A_915, %get3A_919 : vector<16xf32>
      %swap3A_921 = arith.index_cast %scan3A_44 : i32 to index
      %swap3A_922 = arith.constant 992 : index
      %swap3A_923 = tpu.vector_load %arg10[%swap3A_921, %swap3A_922] {strides = array<i32>} : memref<32x1024xf32, #tpu.memory_space<vmem>>, vector<1x16xf32>,
      %swap3A_924 = vector.shape_cast %swap3A_923 : vector<1x16xf32> to vector<16xf32>
      %swap3A_925 = vector.shape_cast %add3A_920 : vector<16xf32> to vector<1x16xf32>
      tpu.vector_store %arg10[%swap3A_921, %swap3A_922], %swap3A_925 {strides = array<i32>} : memref<32x1024xf32, #tpu.memory_space<vmem>>, vector<1x16xf32>,
      %get3A_926 = arith.index_cast %scan3A_44 : i32 to index
      %get3A_927 = arith.constant 1008 : index
      %get3A_928 = tpu.vector_load %arg8[%get3A_926, %get3A_927] {strides = array<i32>} : memref<32x1024xf32, #tpu.memory_space<vmem>>, vector<1x16xf32>,
      %get3A_929 = vector.shape_cast %get3A_928 : vector<1x16xf32> to vector<16xf32>
      %get3A_930 = arith.index_cast %scan3A_44 : i32 to index
      %get3A_931 = arith.constant 1008 : index
      %get3A_932 = tpu.vector_load %arg9[%get3A_930, %get3A_931] {strides = array<i32>} : memref<32x1024xf32, #tpu.memory_space<vmem>>, vector<1x16xf32>,
      %get3A_933 = vector.shape_cast %get3A_932 : vector<1x16xf32> to vector<16xf32>
      %add3A_934 = arith.addf %get3A_929, %get3A_933 : vector<16xf32>
      %swap3A_935 = arith.index_cast %scan3A_44 : i32 to index
      %swap3A_936 = arith.constant 1008 : index
      %swap3A_937 = tpu.vector_load %arg10[%swap3A_935, %swap3A_936] {strides = array<i32>} : memref<32x1024xf32, #tpu.memory_space<vmem>>, vector<1x16xf32>,
      %swap3A_938 = vector.shape_cast %swap3A_937 : vector<1x16xf32> to vector<16xf32>
      %swap3A_939 = vector.shape_cast %add3A_934 : vector<16xf32> to vector<1x16xf32>
      tpu.vector_store %arg10[%swap3A_935, %swap3A_936], %swap3A_939 {strides = array<i32>} : memref<32x1024xf32, #tpu.memory_space<vmem>>, vector<1x16xf32>,
      %scan3A_940 = arith.constant 0 : i32
      scf.yield %scan3A_940 : i32
    }
    %scan3A_43 = arith.constant 32 : i32
    "tpu.region"() ({
      %run_scoped3A = tpu.sem_alloc : memref<!tpu.dma_semaphore, #tpu.memory_space<semaphore_mem>>
      %dma_start3A_44 = arith.constant 0 : i32
      %dma_start3A_45 = tpu.memref_slice %arg5[%add3A_24, %dma_start3A_44] : memref<2048x1024xf32, #tpu.memory_space<hbm>> -> memref<32x1024xf32, #tpu.memory_space<hbm>>
      %dma_start3A_46 = arith.constant 0 : i32
      %dma_start3A_47 = tpu.memref_slice %arg5[%add3A_24, %dma_start3A_46] : memref<2048x1024xf32, #tpu.memory_space<hbm>> -> memref<32x1024xf32, #tpu.memory_space<hbm>>
      tpu.enqueue_dma source(%arg10 : memref<32x1024xf32, #tpu.memory_space<vmem>>) target(%dma_start3A_47 : memref<32x1024xf32, #tpu.memory_space<hbm>>) target_semaphore(%run_scoped3A : memref<!tpu.dma_semaphore, #tpu.memory_space<semaphore_mem>>)
      %dma_wait3A_48 = arith.constant 0 : i32
      %dma_wait3A_49 = tpu.memref_slice %arg5[%add3A_24, %dma_wait3A_48] : memref<2048x1024xf32, #tpu.memory_space<hbm>> -> memref<32x1024xf32, #tpu.memory_space<hbm>>
      %dma_wait3A_50 = arith.constant 0 : i32
      %dma_wait3A_51 = tpu.memref_slice %arg5[%add3A_24, %dma_wait3A_50] : memref<2048x1024xf32, #tpu.memory_space<hbm>> -> memref<32x1024xf32, #tpu.memory_space<hbm>>
      tpu.wait_dma2 semaphore(%run_scoped3A : memref<!tpu.dma_semaphore, #tpu.memory_space<semaphore_mem>>) src(%arg10 : memref<32x1024xf32, #tpu.memory_space<vmem>>) dst(%dma_wait3A_51 : memref<32x1024xf32, #tpu.memory_space<hbm>>)
      tpu.yield
    }) : () -> ()
    return
  }
}

#map = affine_map<(d0, d1) -> (0, 0, 0)>
#map1 = affine_map<(d0, d1) -> (0)>
module attributes {stable_mosaic.version = 14 : i64} {
  func.func @_scatter_body(%arg0: i32, %arg1: i32, %arg2: memref<32x1x128xi32, #tpu.memory_space<hbm>>, %arg3: memref<32x1x128xf32, #tpu.memory_space<hbm>>, %arg4: memref<6144xi32, #tpu.memory_space<hbm>>, %arg5: memref<6144xf32, #tpu.memory_space<hbm>>, %arg6: memref<1x128xi32, #tpu.memory_space<vmem>>, %arg7: memref<1x128xf32, #tpu.memory_space<vmem>>, %arg8: memref<1x128xi32, #tpu.memory_space<vmem>>, %arg9: memref<!tpu.dma_semaphore, #tpu.memory_space<semaphore_mem>>, %arg10: memref<!tpu.dma_semaphore, #tpu.memory_space<semaphore_mem>>) attributes {dimension_semantics = [#tpu.dimension_semantics<core_parallel>, #tpu.dimension_semantics<subcore_parallel>], iteration_bounds = array<i64: 2, 16>, scalar_prefetch = 0 : i64, scratch_operands = 5 : i64, tpu.core_type = #tpu.core_type<sc_vector_subcore>, window_params = [{transform_indices = #map}, {transform_indices = #map}, {transform_indices = #map1}, {transform_indices = #map1}]} {
    %mul3A = arith.constant 2 : i32
    %mul3A_0 = arith.muli %arg1, %mul3A : i32
    %add3A = arith.addi %mul3A_0, %arg0 : i32
    %iota3A = tpu.iota {dimensions = array<i32: 0>} : vector<16xi32>
    %broadcast_in_dim3A = arith.constant 1 : i32
    %broadcast_in_dim3A_1 = vector.broadcast %broadcast_in_dim3A : i32 to vector<16xi32>
    "tpu.region"() ({
      %run_scoped3A_107 = tpu.sem_alloc : memref<!tpu.dma_semaphore, #tpu.memory_space<semaphore_mem>>
      %dma_start3A = arith.constant 0 : i32
      %dma_start3A_108 = arith.constant 0 : i32
      %dma_start3A_109 = tpu.memref_slice %arg2[%add3A, %dma_start3A, %dma_start3A_108] : memref<32x1x128xi32, #tpu.memory_space<hbm>> -> memref<1x1x128xi32, #tpu.memory_space<hbm>>
      %dma_start3A_110 = tpu.memref_squeeze %dma_start3A_109 : memref<1x1x128xi32, #tpu.memory_space<hbm>> -> memref<1x128xi32, #tpu.memory_space<hbm>>
      %dma_start3A_111 = arith.constant 0 : i32
      %dma_start3A_112 = arith.constant 0 : i32
      %dma_start3A_113 = tpu.memref_slice %arg2[%add3A, %dma_start3A_111, %dma_start3A_112] : memref<32x1x128xi32, #tpu.memory_space<hbm>> -> memref<1x1x128xi32, #tpu.memory_space<hbm>>
      %dma_start3A_114 = tpu.memref_squeeze %dma_start3A_113 : memref<1x1x128xi32, #tpu.memory_space<hbm>> -> memref<1x128xi32, #tpu.memory_space<hbm>>
      tpu.enqueue_dma source(%dma_start3A_114 : memref<1x128xi32, #tpu.memory_space<hbm>>) target(%arg6 : memref<1x128xi32, #tpu.memory_space<vmem>>) target_semaphore(%run_scoped3A_107 : memref<!tpu.dma_semaphore, #tpu.memory_space<semaphore_mem>>)
      %dma_wait3A = arith.constant 0 : i32
      %dma_wait3A_115 = arith.constant 0 : i32
      %dma_wait3A_116 = tpu.memref_slice %arg2[%add3A, %dma_wait3A, %dma_wait3A_115] : memref<32x1x128xi32, #tpu.memory_space<hbm>> -> memref<1x1x128xi32, #tpu.memory_space<hbm>>
      %dma_wait3A_117 = tpu.memref_squeeze %dma_wait3A_116 : memref<1x1x128xi32, #tpu.memory_space<hbm>> -> memref<1x128xi32, #tpu.memory_space<hbm>>
      %dma_wait3A_118 = arith.constant 0 : i32
      %dma_wait3A_119 = arith.constant 0 : i32
      %dma_wait3A_120 = tpu.memref_slice %arg2[%add3A, %dma_wait3A_118, %dma_wait3A_119] : memref<32x1x128xi32, #tpu.memory_space<hbm>> -> memref<1x1x128xi32, #tpu.memory_space<hbm>>
      %dma_wait3A_121 = tpu.memref_squeeze %dma_wait3A_120 : memref<1x1x128xi32, #tpu.memory_space<hbm>> -> memref<1x128xi32, #tpu.memory_space<hbm>>
      tpu.wait_dma2 semaphore(%run_scoped3A_107 : memref<!tpu.dma_semaphore, #tpu.memory_space<semaphore_mem>>) src(%dma_wait3A_121 : memref<1x128xi32, #tpu.memory_space<hbm>>) dst(%arg6 : memref<1x128xi32, #tpu.memory_space<vmem>>)
      tpu.yield
    }) : () -> ()
    "tpu.region"() ({
      %run_scoped3A_107 = tpu.sem_alloc : memref<!tpu.dma_semaphore, #tpu.memory_space<semaphore_mem>>
      %dma_start3A = arith.constant 0 : i32
      %dma_start3A_108 = arith.constant 0 : i32
      %dma_start3A_109 = tpu.memref_slice %arg3[%add3A, %dma_start3A, %dma_start3A_108] : memref<32x1x128xf32, #tpu.memory_space<hbm>> -> memref<1x1x128xf32, #tpu.memory_space<hbm>>
      %dma_start3A_110 = tpu.memref_squeeze %dma_start3A_109 : memref<1x1x128xf32, #tpu.memory_space<hbm>> -> memref<1x128xf32, #tpu.memory_space<hbm>>
      %dma_start3A_111 = arith.constant 0 : i32
      %dma_start3A_112 = arith.constant 0 : i32
      %dma_start3A_113 = tpu.memref_slice %arg3[%add3A, %dma_start3A_111, %dma_start3A_112] : memref<32x1x128xf32, #tpu.memory_space<hbm>> -> memref<1x1x128xf32, #tpu.memory_space<hbm>>
      %dma_start3A_114 = tpu.memref_squeeze %dma_start3A_113 : memref<1x1x128xf32, #tpu.memory_space<hbm>> -> memref<1x128xf32, #tpu.memory_space<hbm>>
      tpu.enqueue_dma source(%dma_start3A_114 : memref<1x128xf32, #tpu.memory_space<hbm>>) target(%arg7 : memref<1x128xf32, #tpu.memory_space<vmem>>) target_semaphore(%run_scoped3A_107 : memref<!tpu.dma_semaphore, #tpu.memory_space<semaphore_mem>>)
      %dma_wait3A = arith.constant 0 : i32
      %dma_wait3A_115 = arith.constant 0 : i32
      %dma_wait3A_116 = tpu.memref_slice %arg3[%add3A, %dma_wait3A, %dma_wait3A_115] : memref<32x1x128xf32, #tpu.memory_space<hbm>> -> memref<1x1x128xf32, #tpu.memory_space<hbm>>
      %dma_wait3A_117 = tpu.memref_squeeze %dma_wait3A_116 : memref<1x1x128xf32, #tpu.memory_space<hbm>> -> memref<1x128xf32, #tpu.memory_space<hbm>>
      %dma_wait3A_118 = arith.constant 0 : i32
      %dma_wait3A_119 = arith.constant 0 : i32
      %dma_wait3A_120 = tpu.memref_slice %arg3[%add3A, %dma_wait3A_118, %dma_wait3A_119] : memref<32x1x128xf32, #tpu.memory_space<hbm>> -> memref<1x1x128xf32, #tpu.memory_space<hbm>>
      %dma_wait3A_121 = tpu.memref_squeeze %dma_wait3A_120 : memref<1x1x128xf32, #tpu.memory_space<hbm>> -> memref<1x128xf32, #tpu.memory_space<hbm>>
      tpu.wait_dma2 semaphore(%run_scoped3A_107 : memref<!tpu.dma_semaphore, #tpu.memory_space<semaphore_mem>>) src(%dma_wait3A_121 : memref<1x128xf32, #tpu.memory_space<hbm>>) dst(%arg7 : memref<1x128xf32, #tpu.memory_space<vmem>>)
      tpu.yield
    }) : () -> ()
    %mul3A_2 = arith.constant 128 : i32
    %mul3A_3 = arith.muli %add3A, %mul3A_2 : i32
    %add3A_4 = arith.constant 0 : i32
    %add3A_5 = arith.addi %mul3A_3, %add3A_4 : i32
    %broadcast_in_dim3A_6 = vector.broadcast %add3A_5 : i32 to vector<16xi32>
    %add3A_7 = arith.addi %iota3A, %broadcast_in_dim3A_6 : vector<16xi32>
    %shift_right_arithmetic3A = arith.shrsi %add3A_7, %broadcast_in_dim3A_1 : vector<16xi32>
    %swap3A = arith.constant 0 : i32
    %swap3A_8 = arith.index_cast %swap3A : i32 to index
    %swap3A_9 = arith.constant 0 : index
    %swap3A_10 = tpu.vector_load %arg8[%swap3A_8, %swap3A_9] {strides = array<i32>} : memref<1x128xi32, #tpu.memory_space<vmem>>, vector<1x16xi32>,
    %swap3A_11 = vector.shape_cast %swap3A_10 : vector<1x16xi32> to vector<16xi32>
    %swap3A_12 = vector.shape_cast %shift_right_arithmetic3A : vector<16xi32> to vector<1x16xi32>
    tpu.vector_store %arg8[%swap3A_8, %swap3A_9], %swap3A_12 {strides = array<i32>} : memref<1x128xi32, #tpu.memory_space<vmem>>, vector<1x16xi32>,
    %mul3A_13 = arith.constant 128 : i32
    %mul3A_14 = arith.muli %add3A, %mul3A_13 : i32
    %add3A_15 = arith.constant 16 : i32
    %add3A_16 = arith.addi %mul3A_14, %add3A_15 : i32
    %broadcast_in_dim3A_17 = vector.broadcast %add3A_16 : i32 to vector<16xi32>
    %add3A_18 = arith.addi %iota3A, %broadcast_in_dim3A_17 : vector<16xi32>
    %shift_right_arithmetic3A_19 = arith.shrsi %add3A_18, %broadcast_in_dim3A_1 : vector<16xi32>
    %swap3A_20 = arith.constant 0 : i32
    %swap3A_21 = arith.index_cast %swap3A_20 : i32 to index
    %swap3A_22 = arith.constant 16 : index
    %swap3A_23 = tpu.vector_load %arg8[%swap3A_21, %swap3A_22] {strides = array<i32>} : memref<1x128xi32, #tpu.memory_space<vmem>>, vector<1x16xi32>,
    %swap3A_24 = vector.shape_cast %swap3A_23 : vector<1x16xi32> to vector<16xi32>
    %swap3A_25 = vector.shape_cast %shift_right_arithmetic3A_19 : vector<16xi32> to vector<1x16xi32>
    tpu.vector_store %arg8[%swap3A_21, %swap3A_22], %swap3A_25 {strides = array<i32>} : memref<1x128xi32, #tpu.memory_space<vmem>>, vector<1x16xi32>,
    %mul3A_26 = arith.constant 128 : i32
    %mul3A_27 = arith.muli %add3A, %mul3A_26 : i32
    %add3A_28 = arith.constant 32 : i32
    %add3A_29 = arith.addi %mul3A_27, %add3A_28 : i32
    %broadcast_in_dim3A_30 = vector.broadcast %add3A_29 : i32 to vector<16xi32>
    %add3A_31 = arith.addi %iota3A, %broadcast_in_dim3A_30 : vector<16xi32>
    %shift_right_arithmetic3A_32 = arith.shrsi %add3A_31, %broadcast_in_dim3A_1 : vector<16xi32>
    %swap3A_33 = arith.constant 0 : i32
    %swap3A_34 = arith.index_cast %swap3A_33 : i32 to index
    %swap3A_35 = arith.constant 32 : index
    %swap3A_36 = tpu.vector_load %arg8[%swap3A_34, %swap3A_35] {strides = array<i32>} : memref<1x128xi32, #tpu.memory_space<vmem>>, vector<1x16xi32>,
    %swap3A_37 = vector.shape_cast %swap3A_36 : vector<1x16xi32> to vector<16xi32>
    %swap3A_38 = vector.shape_cast %shift_right_arithmetic3A_32 : vector<16xi32> to vector<1x16xi32>
    tpu.vector_store %arg8[%swap3A_34, %swap3A_35], %swap3A_38 {strides = array<i32>} : memref<1x128xi32, #tpu.memory_space<vmem>>, vector<1x16xi32>,
    %mul3A_39 = arith.constant 128 : i32
    %mul3A_40 = arith.muli %add3A, %mul3A_39 : i32
    %add3A_41 = arith.constant 48 : i32
    %add3A_42 = arith.addi %mul3A_40, %add3A_41 : i32
    %broadcast_in_dim3A_43 = vector.broadcast %add3A_42 : i32 to vector<16xi32>
    %add3A_44 = arith.addi %iota3A, %broadcast_in_dim3A_43 : vector<16xi32>
    %shift_right_arithmetic3A_45 = arith.shrsi %add3A_44, %broadcast_in_dim3A_1 : vector<16xi32>
    %swap3A_46 = arith.constant 0 : i32
    %swap3A_47 = arith.index_cast %swap3A_46 : i32 to index
    %swap3A_48 = arith.constant 48 : index
    %swap3A_49 = tpu.vector_load %arg8[%swap3A_47, %swap3A_48] {strides = array<i32>} : memref<1x128xi32, #tpu.memory_space<vmem>>, vector<1x16xi32>,
    %swap3A_50 = vector.shape_cast %swap3A_49 : vector<1x16xi32> to vector<16xi32>
    %swap3A_51 = vector.shape_cast %shift_right_arithmetic3A_45 : vector<16xi32> to vector<1x16xi32>
    tpu.vector_store %arg8[%swap3A_47, %swap3A_48], %swap3A_51 {strides = array<i32>} : memref<1x128xi32, #tpu.memory_space<vmem>>, vector<1x16xi32>,
    %mul3A_52 = arith.constant 128 : i32
    %mul3A_53 = arith.muli %add3A, %mul3A_52 : i32
    %add3A_54 = arith.constant 64 : i32
    %add3A_55 = arith.addi %mul3A_53, %add3A_54 : i32
    %broadcast_in_dim3A_56 = vector.broadcast %add3A_55 : i32 to vector<16xi32>
    %add3A_57 = arith.addi %iota3A, %broadcast_in_dim3A_56 : vector<16xi32>
    %shift_right_arithmetic3A_58 = arith.shrsi %add3A_57, %broadcast_in_dim3A_1 : vector<16xi32>
    %swap3A_59 = arith.constant 0 : i32
    %swap3A_60 = arith.index_cast %swap3A_59 : i32 to index
    %swap3A_61 = arith.constant 64 : index
    %swap3A_62 = tpu.vector_load %arg8[%swap3A_60, %swap3A_61] {strides = array<i32>} : memref<1x128xi32, #tpu.memory_space<vmem>>, vector<1x16xi32>,
    %swap3A_63 = vector.shape_cast %swap3A_62 : vector<1x16xi32> to vector<16xi32>
    %swap3A_64 = vector.shape_cast %shift_right_arithmetic3A_58 : vector<16xi32> to vector<1x16xi32>
    tpu.vector_store %arg8[%swap3A_60, %swap3A_61], %swap3A_64 {strides = array<i32>} : memref<1x128xi32, #tpu.memory_space<vmem>>, vector<1x16xi32>,
    %mul3A_65 = arith.constant 128 : i32
    %mul3A_66 = arith.muli %add3A, %mul3A_65 : i32
    %add3A_67 = arith.constant 80 : i32
    %add3A_68 = arith.addi %mul3A_66, %add3A_67 : i32
    %broadcast_in_dim3A_69 = vector.broadcast %add3A_68 : i32 to vector<16xi32>
    %add3A_70 = arith.addi %iota3A, %broadcast_in_dim3A_69 : vector<16xi32>
    %shift_right_arithmetic3A_71 = arith.shrsi %add3A_70, %broadcast_in_dim3A_1 : vector<16xi32>
    %swap3A_72 = arith.constant 0 : i32
    %swap3A_73 = arith.index_cast %swap3A_72 : i32 to index
    %swap3A_74 = arith.constant 80 : index
    %swap3A_75 = tpu.vector_load %arg8[%swap3A_73, %swap3A_74] {strides = array<i32>} : memref<1x128xi32, #tpu.memory_space<vmem>>, vector<1x16xi32>,
    %swap3A_76 = vector.shape_cast %swap3A_75 : vector<1x16xi32> to vector<16xi32>
    %swap3A_77 = vector.shape_cast %shift_right_arithmetic3A_71 : vector<16xi32> to vector<1x16xi32>
    tpu.vector_store %arg8[%swap3A_73, %swap3A_74], %swap3A_77 {strides = array<i32>} : memref<1x128xi32, #tpu.memory_space<vmem>>, vector<1x16xi32>,
    %mul3A_78 = arith.constant 128 : i32
    %mul3A_79 = arith.muli %add3A, %mul3A_78 : i32
    %add3A_80 = arith.constant 96 : i32
    %add3A_81 = arith.addi %mul3A_79, %add3A_80 : i32
    %broadcast_in_dim3A_82 = vector.broadcast %add3A_81 : i32 to vector<16xi32>
    %add3A_83 = arith.addi %iota3A, %broadcast_in_dim3A_82 : vector<16xi32>
    %shift_right_arithmetic3A_84 = arith.shrsi %add3A_83, %broadcast_in_dim3A_1 : vector<16xi32>
    %swap3A_85 = arith.constant 0 : i32
    %swap3A_86 = arith.index_cast %swap3A_85 : i32 to index
    %swap3A_87 = arith.constant 96 : index
    %swap3A_88 = tpu.vector_load %arg8[%swap3A_86, %swap3A_87] {strides = array<i32>} : memref<1x128xi32, #tpu.memory_space<vmem>>, vector<1x16xi32>,
    %swap3A_89 = vector.shape_cast %swap3A_88 : vector<1x16xi32> to vector<16xi32>
    %swap3A_90 = vector.shape_cast %shift_right_arithmetic3A_84 : vector<16xi32> to vector<1x16xi32>
    tpu.vector_store %arg8[%swap3A_86, %swap3A_87], %swap3A_90 {strides = array<i32>} : memref<1x128xi32, #tpu.memory_space<vmem>>, vector<1x16xi32>,
    %mul3A_91 = arith.constant 128 : i32
    %mul3A_92 = arith.muli %add3A, %mul3A_91 : i32
    %add3A_93 = arith.constant 112 : i32
    %add3A_94 = arith.addi %mul3A_92, %add3A_93 : i32
    %broadcast_in_dim3A_95 = vector.broadcast %add3A_94 : i32 to vector<16xi32>
    %add3A_96 = arith.addi %iota3A, %broadcast_in_dim3A_95 : vector<16xi32>
    %shift_right_arithmetic3A_97 = arith.shrsi %add3A_96, %broadcast_in_dim3A_1 : vector<16xi32>
    %swap3A_98 = arith.constant 0 : i32
    %swap3A_99 = arith.index_cast %swap3A_98 : i32 to index
    %swap3A_100 = arith.constant 112 : index
    %swap3A_101 = tpu.vector_load %arg8[%swap3A_99, %swap3A_100] {strides = array<i32>} : memref<1x128xi32, #tpu.memory_space<vmem>>, vector<1x16xi32>,
    %swap3A_102 = vector.shape_cast %swap3A_101 : vector<1x16xi32> to vector<16xi32>
    %swap3A_103 = vector.shape_cast %shift_right_arithmetic3A_97 : vector<16xi32> to vector<1x16xi32>
    tpu.vector_store %arg8[%swap3A_99, %swap3A_100], %swap3A_103 {strides = array<i32>} : memref<1x128xi32, #tpu.memory_space<vmem>>, vector<1x16xi32>,
    %run_scoped3A = arith.constant 0 : i32
    %run_scoped3A_104 = arith.constant 0 : i32
    "tpu.region"() ({
      %run_scoped3A_107 = tpu.sem_alloc : memref<!tpu.dma_semaphore, #tpu.memory_space<semaphore_mem>>
      %dma_start3A = arith.constant 0 : i32
      %dma_start3A_108 = tpu.memref_slice %arg8[%run_scoped3A, %dma_start3A] : memref<1x128xi32, #tpu.memory_space<vmem>> -> memref<1x128xi32, #tpu.memory_space<vmem>>
      %dma_start3A_109 = tpu.memref_squeeze %dma_start3A_108 : memref<1x128xi32, #tpu.memory_space<vmem>> -> memref<128xi32, #tpu.memory_space<vmem>>
      %dma_start3A_110 = arith.constant 0 : i32
      %dma_start3A_111 = tpu.memref_slice %arg6[%run_scoped3A_104, %dma_start3A_110] : memref<1x128xi32, #tpu.memory_space<vmem>> -> memref<1x128xi32, #tpu.memory_space<vmem>>
      %dma_start3A_112 = tpu.memref_squeeze %dma_start3A_111 : memref<1x128xi32, #tpu.memory_space<vmem>> -> memref<128xi32, #tpu.memory_space<vmem>>
      %dma_start3A_113 = arith.constant 0 : i32
      %dma_start3A_114 = tpu.memref_slice %arg4[%dma_start3A_113] : memref<6144xi32, #tpu.memory_space<hbm>> -> memref<6144xi32, #tpu.memory_space<hbm>>
      tpu.enqueue_indirect_dma source(%dma_start3A_109 : memref<128xi32, #tpu.memory_space<vmem>>) target(%dma_start3A_114 : memref<6144xi32, #tpu.memory_space<hbm>>) offsets(%dma_start3A_112 : memref<128xi32, #tpu.memory_space<vmem>>) semaphore(%run_scoped3A_107 : memref<!tpu.dma_semaphore, #tpu.memory_space<semaphore_mem>>)
      %dma_wait3A = arith.constant 0 : i32
      %dma_wait3A_115 = tpu.memref_slice %arg8[%run_scoped3A, %dma_wait3A] : memref<1x128xi32, #tpu.memory_space<vmem>> -> memref<1x128xi32, #tpu.memory_space<vmem>>
      %dma_wait3A_116 = tpu.memref_squeeze %dma_wait3A_115 : memref<1x128xi32, #tpu.memory_space<vmem>> -> memref<128xi32, #tpu.memory_space<vmem>>
      %dma_wait3A_117 = arith.constant 0 : i32
      %dma_wait3A_118 = tpu.memref_slice %arg6[%run_scoped3A_104, %dma_wait3A_117] : memref<1x128xi32, #tpu.memory_space<vmem>> -> memref<1x128xi32, #tpu.memory_space<vmem>>
      %dma_wait3A_119 = tpu.memref_squeeze %dma_wait3A_118 : memref<1x128xi32, #tpu.memory_space<vmem>> -> memref<128xi32, #tpu.memory_space<vmem>>
      %dma_wait3A_120 = arith.constant 0 : i32
      %dma_wait3A_121 = tpu.memref_slice %arg4[%dma_wait3A_120] : memref<6144xi32, #tpu.memory_space<hbm>> -> memref<6144xi32, #tpu.memory_space<hbm>>
      tpu.wait_indirect_dma semaphore(%run_scoped3A_107 : memref<!tpu.dma_semaphore, #tpu.memory_space<semaphore_mem>>) src(%dma_wait3A_116 : memref<128xi32, #tpu.memory_space<vmem>>) dst(%dma_wait3A_121 : memref<6144xi32, #tpu.memory_space<hbm>>)
      tpu.yield
    }) : () -> ()
    %run_scoped3A_105 = arith.constant 0 : i32
    %run_scoped3A_106 = arith.constant 0 : i32
    "tpu.region"() ({
      %run_scoped3A_107 = tpu.sem_alloc : memref<!tpu.dma_semaphore, #tpu.memory_space<semaphore_mem>>
      %dma_start3A = arith.constant 0 : i32
      %dma_start3A_108 = tpu.memref_slice %arg7[%run_scoped3A_105, %dma_start3A] : memref<1x128xf32, #tpu.memory_space<vmem>> -> memref<1x128xf32, #tpu.memory_space<vmem>>
      %dma_start3A_109 = tpu.memref_squeeze %dma_start3A_108 : memref<1x128xf32, #tpu.memory_space<vmem>> -> memref<128xf32, #tpu.memory_space<vmem>>
      %dma_start3A_110 = arith.constant 0 : i32
      %dma_start3A_111 = tpu.memref_slice %arg6[%run_scoped3A_106, %dma_start3A_110] : memref<1x128xi32, #tpu.memory_space<vmem>> -> memref<1x128xi32, #tpu.memory_space<vmem>>
      %dma_start3A_112 = tpu.memref_squeeze %dma_start3A_111 : memref<1x128xi32, #tpu.memory_space<vmem>> -> memref<128xi32, #tpu.memory_space<vmem>>
      %dma_start3A_113 = arith.constant 0 : i32
      %dma_start3A_114 = tpu.memref_slice %arg5[%dma_start3A_113] : memref<6144xf32, #tpu.memory_space<hbm>> -> memref<6144xf32, #tpu.memory_space<hbm>>
      tpu.enqueue_indirect_dma source(%dma_start3A_109 : memref<128xf32, #tpu.memory_space<vmem>>) target(%dma_start3A_114 : memref<6144xf32, #tpu.memory_space<hbm>>) offsets(%dma_start3A_112 : memref<128xi32, #tpu.memory_space<vmem>>) semaphore(%run_scoped3A_107 : memref<!tpu.dma_semaphore, #tpu.memory_space<semaphore_mem>>)
      %dma_wait3A = arith.constant 0 : i32
      %dma_wait3A_115 = tpu.memref_slice %arg7[%run_scoped3A_105, %dma_wait3A] : memref<1x128xf32, #tpu.memory_space<vmem>> -> memref<1x128xf32, #tpu.memory_space<vmem>>
      %dma_wait3A_116 = tpu.memref_squeeze %dma_wait3A_115 : memref<1x128xf32, #tpu.memory_space<vmem>> -> memref<128xf32, #tpu.memory_space<vmem>>
      %dma_wait3A_117 = arith.constant 0 : i32
      %dma_wait3A_118 = tpu.memref_slice %arg6[%run_scoped3A_106, %dma_wait3A_117] : memref<1x128xi32, #tpu.memory_space<vmem>> -> memref<1x128xi32, #tpu.memory_space<vmem>>
      %dma_wait3A_119 = tpu.memref_squeeze %dma_wait3A_118 : memref<1x128xi32, #tpu.memory_space<vmem>> -> memref<128xi32, #tpu.memory_space<vmem>>
      %dma_wait3A_120 = arith.constant 0 : i32
      %dma_wait3A_121 = tpu.memref_slice %arg5[%dma_wait3A_120] : memref<6144xf32, #tpu.memory_space<hbm>> -> memref<6144xf32, #tpu.memory_space<hbm>>
      tpu.wait_indirect_dma semaphore(%run_scoped3A_107 : memref<!tpu.dma_semaphore, #tpu.memory_space<semaphore_mem>>) src(%dma_wait3A_116 : memref<128xf32, #tpu.memory_space<vmem>>) dst(%dma_wait3A_121 : memref<6144xf32, #tpu.memory_space<hbm>>)
      tpu.yield
    }) : () -> ()
    return
  }
}

module attributes {stable_mosaic.version = 14 : i64} {
  func.func @_router_body(%arg0: memref<2048x1024xf32, #tpu.memory_space<vmem>>, %arg1: memref<8x1024xf32, #tpu.memory_space<vmem>>, %arg2: memref<2048x2xi32, #tpu.memory_space<vmem>>, %arg3: memref<2048x2xf32, #tpu.memory_space<vmem>>, %arg4: memref<1x32xi32, #tpu.memory_space<vmem>>) attributes {dimension_semantics = [], scalar_prefetch = 0 : i64, scratch_operands = 0 : i64, tpu.core_type = #tpu.core_type<tc>} {
    %get3A = arith.constant 0 : index
    %get3A_0 = arith.constant 0 : index
    %get3A_1 = vector.load %arg0[%get3A, %get3A_0] : memref<2048x1024xf32, #tpu.memory_space<vmem>>, vector<2048x1024xf32>
    %get3A_2 = arith.constant 0 : index
    %get3A_3 = arith.constant 0 : index
    %get3A_4 = vector.load %arg1[%get3A_2, %get3A_3] : memref<8x1024xf32, #tpu.memory_space<vmem>>, vector<8x1024xf32>
    %dot_general3A = arith.constant dense<0.000000e+00> : vector<2048x8xf32>
    %dot_general3A_5 = tpu.matmul %get3A_1, %get3A_4, %dot_general3A {dimension_numbers = #tpu.dot_dimension_numbers<[1], [1], [0], [0], [0, 0, 1, 0], [], []>, transpose_lhs_hint = false} : vector<2048x1024xf32>, vector<8x1024xf32>, vector<2048x8xf32> -> vector<2048x8xf32>
    %iota3A = tpu.iota {dimensions = array<i32: 1>} : vector<2048x8xi32>
    %reduce_max3A = arith.constant dense<0xFF800000> : vector<2048xf32>
    %reduce_max3A_6 = vector.multi_reduction <maximumf>, %dot_general3A_5, %reduce_max3A [1] : vector<2048x8xf32> to vector<2048xf32>
    %broadcast_in_dim3A = vector.shape_cast %reduce_max3A_6 : vector<2048xf32> to vector<2048x1xf32>
    %eq3A = vector.broadcast %broadcast_in_dim3A : vector<2048x1xf32> to vector<2048x8xf32>
    %eq3A_7 = arith.cmpf oeq, %dot_general3A_5, %eq3A : vector<2048x8xf32>
    %jit3A = arith.constant 8 : i32
    %broadcast_in_dim3A_8 = vector.broadcast %jit3A : i32 to vector<2048x8xi32>
    %select_n3A = arith.select %eq3A_7, %iota3A, %broadcast_in_dim3A_8 : vector<2048x8xi1>, vector<2048x8xi32>
    %reduce_min3A = arith.constant dense<2147483647> : vector<2048xi32>
    %reduce_min3A_9 = vector.multi_reduction <minsi>, %select_n3A, %reduce_min3A [1] : vector<2048x8xi32> to vector<2048xi32>
    %broadcast_in_dim3A_10 = vector.shape_cast %reduce_min3A_9 : vector<2048xi32> to vector<2048x1xi32>
    %eq3A_11 = vector.broadcast %broadcast_in_dim3A_10 : vector<2048x1xi32> to vector<2048x8xi32>
    %eq3A_12 = arith.cmpi eq, %iota3A, %eq3A_11 : vector<2048x8xi32>
    %convert_element_type3A = arith.extui %eq3A_12 : vector<2048x8xi1> to vector<2048x8xi32>
    %convert_element_type3A_13 = arith.sitofp %convert_element_type3A : vector<2048x8xi32> to vector<2048x8xf32>
    %eq3A_14 = vector.broadcast %broadcast_in_dim3A_10 : vector<2048x1xi32> to vector<2048x8xi32>
    %eq3A_15 = arith.cmpi eq, %iota3A, %eq3A_14 : vector<2048x8xi32>
    %jit3A_16 = arith.constant 0xFF800000 : f32
    %broadcast_in_dim3A_17 = vector.broadcast %jit3A_16 : f32 to vector<2048x8xf32>
    %select_n3A_18 = arith.select %eq3A_15, %broadcast_in_dim3A_17, %dot_general3A_5 : vector<2048x8xi1>, vector<2048x8xf32>
    %reduce_max3A_19 = arith.constant dense<0xFF800000> : vector<2048xf32>
    %reduce_max3A_20 = vector.multi_reduction <maximumf>, %select_n3A_18, %reduce_max3A_19 [1] : vector<2048x8xf32> to vector<2048xf32>
    %broadcast_in_dim3A_21 = vector.shape_cast %reduce_max3A_20 : vector<2048xf32> to vector<2048x1xf32>
    %eq3A_22 = vector.broadcast %broadcast_in_dim3A_21 : vector<2048x1xf32> to vector<2048x8xf32>
    %eq3A_23 = arith.cmpf oeq, %select_n3A_18, %eq3A_22 : vector<2048x8xf32>
    %jit3A_24 = arith.constant 8 : i32
    %broadcast_in_dim3A_25 = vector.broadcast %jit3A_24 : i32 to vector<2048x8xi32>
    %select_n3A_26 = arith.select %eq3A_23, %iota3A, %broadcast_in_dim3A_25 : vector<2048x8xi1>, vector<2048x8xi32>
    %reduce_min3A_27 = arith.constant dense<2147483647> : vector<2048xi32>
    %reduce_min3A_28 = vector.multi_reduction <minsi>, %select_n3A_26, %reduce_min3A_27 [1] : vector<2048x8xi32> to vector<2048xi32>
    %broadcast_in_dim3A_29 = vector.shape_cast %reduce_min3A_28 : vector<2048xi32> to vector<2048x1xi32>
    %eq3A_30 = vector.broadcast %broadcast_in_dim3A_29 : vector<2048x1xi32> to vector<2048x8xi32>
    %eq3A_31 = arith.cmpi eq, %iota3A, %eq3A_30 : vector<2048x8xi32>
    %convert_element_type3A_32 = arith.extui %eq3A_31 : vector<2048x8xi1> to vector<2048x8xi32>
    %convert_element_type3A_33 = arith.sitofp %convert_element_type3A_32 : vector<2048x8xi32> to vector<2048x8xf32>
    %sub3A = arith.subf %broadcast_in_dim3A_21, %broadcast_in_dim3A : vector<2048x1xf32>
    %exp3A = math.exp %sub3A : vector<2048x1xf32>
    %add3A = arith.constant 1.000000e+00 : f32
    %add3A_34 = vector.broadcast %add3A : f32 to vector<2048x1xf32>
    %add3A_35 = arith.addf %add3A_34, %exp3A : vector<2048x1xf32>
    %div3A = arith.constant 1.000000e+00 : f32
    %div3A_36 = vector.broadcast %div3A : f32 to vector<2048x1xf32>
    %div3A_37 = arith.divf %div3A_36, %add3A_35 : vector<2048x1xf32>
    %div3A_38 = arith.divf %exp3A, %add3A_35 : vector<2048x1xf32>
    %concatenate3A = tpu.concatenate %div3A_37, %div3A_38 in 1 : vector<2048x1xf32>, vector<2048x1xf32> -> vector<2048x2xf32>
    %swap3A = arith.constant 0 : index
    %swap3A_39 = arith.constant 0 : index
    %swap3A_40 = vector.load %arg3[%swap3A, %swap3A_39] : memref<2048x2xf32, #tpu.memory_space<vmem>>, vector<2048x2xf32>
    tpu.vector_store %arg3[%swap3A, %swap3A_39], %concatenate3A {strides = array<i32>} : memref<2048x2xf32, #tpu.memory_space<vmem>>, vector<2048x2xf32>,
    %add3A_41 = arith.addf %convert_element_type3A_13, %convert_element_type3A_33 : vector<2048x8xf32>
    %iota3A_42 = tpu.iota {dimensions = array<i32: 0>} : vector<128x128xi32>
    %iota3A_43 = tpu.iota {dimensions = array<i32: 1>} : vector<128x128xi32>
    %lt3A = arith.cmpi slt, %iota3A_43, %iota3A_42 : vector<128x128xi32>
    %convert_element_type3A_44 = arith.extui %lt3A : vector<128x128xi1> to vector<128x128xi32>
    %convert_element_type3A_45 = arith.sitofp %convert_element_type3A_44 : vector<128x128xi32> to vector<128x128xf32>
    %slice3A = vector.extract_strided_slice %add3A_41 {offsets = [0, 0], sizes = [128, 8], strides = [1, 1]} : vector<2048x8xf32> to vector<128x8xf32>
    %dot_general3A_46 = arith.constant dense<0.000000e+00> : vector<128x8xf32>
    %dot_general3A_47 = tpu.matmul %convert_element_type3A_45, %slice3A, %dot_general3A_46 {dimension_numbers = #tpu.dot_dimension_numbers<[1], [0], [0], [1], [0, 0, 1, 1], [], []>, transpose_lhs_hint = false} : vector<128x128xf32>, vector<128x8xf32>, vector<128x8xf32> -> vector<128x8xf32>
    %reduce_sum3A = arith.constant dense<0.000000e+00> : vector<8xf32>
    %reduce_sum3A_48 = vector.multi_reduction <add>, %slice3A, %reduce_sum3A [0] : vector<128x8xf32> to vector<8xf32>
    %broadcast_in_dim3A_49 = vector.shape_cast %reduce_sum3A_48 : vector<8xf32> to vector<1x8xf32>
    %slice3A_50 = vector.extract_strided_slice %add3A_41 {offsets = [128, 0], sizes = [128, 8], strides = [1, 1]} : vector<2048x8xf32> to vector<128x8xf32>
    %dot_general3A_51 = arith.constant dense<0.000000e+00> : vector<128x8xf32>
    %dot_general3A_52 = tpu.matmul %convert_element_type3A_45, %slice3A_50, %dot_general3A_51 {dimension_numbers = #tpu.dot_dimension_numbers<[1], [0], [0], [1], [0, 0, 1, 1], [], []>, transpose_lhs_hint = false} : vector<128x128xf32>, vector<128x8xf32>, vector<128x8xf32> -> vector<128x8xf32>
    %reduce_sum3A_53 = arith.constant dense<0.000000e+00> : vector<8xf32>
    %reduce_sum3A_54 = vector.multi_reduction <add>, %slice3A_50, %reduce_sum3A_53 [0] : vector<128x8xf32> to vector<8xf32>
    %broadcast_in_dim3A_55 = vector.shape_cast %reduce_sum3A_54 : vector<8xf32> to vector<1x8xf32>
    %slice3A_56 = vector.extract_strided_slice %add3A_41 {offsets = [256, 0], sizes = [128, 8], strides = [1, 1]} : vector<2048x8xf32> to vector<128x8xf32>
    %dot_general3A_57 = arith.constant dense<0.000000e+00> : vector<128x8xf32>
    %dot_general3A_58 = tpu.matmul %convert_element_type3A_45, %slice3A_56, %dot_general3A_57 {dimension_numbers = #tpu.dot_dimension_numbers<[1], [0], [0], [1], [0, 0, 1, 1], [], []>, transpose_lhs_hint = false} : vector<128x128xf32>, vector<128x8xf32>, vector<128x8xf32> -> vector<128x8xf32>
    %reduce_sum3A_59 = arith.constant dense<0.000000e+00> : vector<8xf32>
    %reduce_sum3A_60 = vector.multi_reduction <add>, %slice3A_56, %reduce_sum3A_59 [0] : vector<128x8xf32> to vector<8xf32>
    %broadcast_in_dim3A_61 = vector.shape_cast %reduce_sum3A_60 : vector<8xf32> to vector<1x8xf32>
    %slice3A_62 = vector.extract_strided_slice %add3A_41 {offsets = [384, 0], sizes = [128, 8], strides = [1, 1]} : vector<2048x8xf32> to vector<128x8xf32>
    %dot_general3A_63 = arith.constant dense<0.000000e+00> : vector<128x8xf32>
    %dot_general3A_64 = tpu.matmul %convert_element_type3A_45, %slice3A_62, %dot_general3A_63 {dimension_numbers = #tpu.dot_dimension_numbers<[1], [0], [0], [1], [0, 0, 1, 1], [], []>, transpose_lhs_hint = false} : vector<128x128xf32>, vector<128x8xf32>, vector<128x8xf32> -> vector<128x8xf32>
    %reduce_sum3A_65 = arith.constant dense<0.000000e+00> : vector<8xf32>
    %reduce_sum3A_66 = vector.multi_reduction <add>, %slice3A_62, %reduce_sum3A_65 [0] : vector<128x8xf32> to vector<8xf32>
    %broadcast_in_dim3A_67 = vector.shape_cast %reduce_sum3A_66 : vector<8xf32> to vector<1x8xf32>
    %slice3A_68 = vector.extract_strided_slice %add3A_41 {offsets = [512, 0], sizes = [128, 8], strides = [1, 1]} : vector<2048x8xf32> to vector<128x8xf32>
    %dot_general3A_69 = arith.constant dense<0.000000e+00> : vector<128x8xf32>
    %dot_general3A_70 = tpu.matmul %convert_element_type3A_45, %slice3A_68, %dot_general3A_69 {dimension_numbers = #tpu.dot_dimension_numbers<[1], [0], [0], [1], [0, 0, 1, 1], [], []>, transpose_lhs_hint = false} : vector<128x128xf32>, vector<128x8xf32>, vector<128x8xf32> -> vector<128x8xf32>
    %reduce_sum3A_71 = arith.constant dense<0.000000e+00> : vector<8xf32>
    %reduce_sum3A_72 = vector.multi_reduction <add>, %slice3A_68, %reduce_sum3A_71 [0] : vector<128x8xf32> to vector<8xf32>
    %broadcast_in_dim3A_73 = vector.shape_cast %reduce_sum3A_72 : vector<8xf32> to vector<1x8xf32>
    %slice3A_74 = vector.extract_strided_slice %add3A_41 {offsets = [640, 0], sizes = [128, 8], strides = [1, 1]} : vector<2048x8xf32> to vector<128x8xf32>
    %dot_general3A_75 = arith.constant dense<0.000000e+00> : vector<128x8xf32>
    %dot_general3A_76 = tpu.matmul %convert_element_type3A_45, %slice3A_74, %dot_general3A_75 {dimension_numbers = #tpu.dot_dimension_numbers<[1], [0], [0], [1], [0, 0, 1, 1], [], []>, transpose_lhs_hint = false} : vector<128x128xf32>, vector<128x8xf32>, vector<128x8xf32> -> vector<128x8xf32>
    %reduce_sum3A_77 = arith.constant dense<0.000000e+00> : vector<8xf32>
    %reduce_sum3A_78 = vector.multi_reduction <add>, %slice3A_74, %reduce_sum3A_77 [0] : vector<128x8xf32> to vector<8xf32>
    %broadcast_in_dim3A_79 = vector.shape_cast %reduce_sum3A_78 : vector<8xf32> to vector<1x8xf32>
    %slice3A_80 = vector.extract_strided_slice %add3A_41 {offsets = [768, 0], sizes = [128, 8], strides = [1, 1]} : vector<2048x8xf32> to vector<128x8xf32>
    %dot_general3A_81 = arith.constant dense<0.000000e+00> : vector<128x8xf32>
    %dot_general3A_82 = tpu.matmul %convert_element_type3A_45, %slice3A_80, %dot_general3A_81 {dimension_numbers = #tpu.dot_dimension_numbers<[1], [0], [0], [1], [0, 0, 1, 1], [], []>, transpose_lhs_hint = false} : vector<128x128xf32>, vector<128x8xf32>, vector<128x8xf32> -> vector<128x8xf32>
    %reduce_sum3A_83 = arith.constant dense<0.000000e+00> : vector<8xf32>
    %reduce_sum3A_84 = vector.multi_reduction <add>, %slice3A_80, %reduce_sum3A_83 [0] : vector<128x8xf32> to vector<8xf32>
    %broadcast_in_dim3A_85 = vector.shape_cast %reduce_sum3A_84 : vector<8xf32> to vector<1x8xf32>
    %slice3A_86 = vector.extract_strided_slice %add3A_41 {offsets = [896, 0], sizes = [128, 8], strides = [1, 1]} : vector<2048x8xf32> to vector<128x8xf32>
    %dot_general3A_87 = arith.constant dense<0.000000e+00> : vector<128x8xf32>
    %dot_general3A_88 = tpu.matmul %convert_element_type3A_45, %slice3A_86, %dot_general3A_87 {dimension_numbers = #tpu.dot_dimension_numbers<[1], [0], [0], [1], [0, 0, 1, 1], [], []>, transpose_lhs_hint = false} : vector<128x128xf32>, vector<128x8xf32>, vector<128x8xf32> -> vector<128x8xf32>
    %reduce_sum3A_89 = arith.constant dense<0.000000e+00> : vector<8xf32>
    %reduce_sum3A_90 = vector.multi_reduction <add>, %slice3A_86, %reduce_sum3A_89 [0] : vector<128x8xf32> to vector<8xf32>
    %broadcast_in_dim3A_91 = vector.shape_cast %reduce_sum3A_90 : vector<8xf32> to vector<1x8xf32>
    %slice3A_92 = vector.extract_strided_slice %add3A_41 {offsets = [1024, 0], sizes = [128, 8], strides = [1, 1]} : vector<2048x8xf32> to vector<128x8xf32>
    %dot_general3A_93 = arith.constant dense<0.000000e+00> : vector<128x8xf32>
    %dot_general3A_94 = tpu.matmul %convert_element_type3A_45, %slice3A_92, %dot_general3A_93 {dimension_numbers = #tpu.dot_dimension_numbers<[1], [0], [0], [1], [0, 0, 1, 1], [], []>, transpose_lhs_hint = false} : vector<128x128xf32>, vector<128x8xf32>, vector<128x8xf32> -> vector<128x8xf32>
    %reduce_sum3A_95 = arith.constant dense<0.000000e+00> : vector<8xf32>
    %reduce_sum3A_96 = vector.multi_reduction <add>, %slice3A_92, %reduce_sum3A_95 [0] : vector<128x8xf32> to vector<8xf32>
    %broadcast_in_dim3A_97 = vector.shape_cast %reduce_sum3A_96 : vector<8xf32> to vector<1x8xf32>
    %slice3A_98 = vector.extract_strided_slice %add3A_41 {offsets = [1152, 0], sizes = [128, 8], strides = [1, 1]} : vector<2048x8xf32> to vector<128x8xf32>
    %dot_general3A_99 = arith.constant dense<0.000000e+00> : vector<128x8xf32>
    %dot_general3A_100 = tpu.matmul %convert_element_type3A_45, %slice3A_98, %dot_general3A_99 {dimension_numbers = #tpu.dot_dimension_numbers<[1], [0], [0], [1], [0, 0, 1, 1], [], []>, transpose_lhs_hint = false} : vector<128x128xf32>, vector<128x8xf32>, vector<128x8xf32> -> vector<128x8xf32>
    %reduce_sum3A_101 = arith.constant dense<0.000000e+00> : vector<8xf32>
    %reduce_sum3A_102 = vector.multi_reduction <add>, %slice3A_98, %reduce_sum3A_101 [0] : vector<128x8xf32> to vector<8xf32>
    %broadcast_in_dim3A_103 = vector.shape_cast %reduce_sum3A_102 : vector<8xf32> to vector<1x8xf32>
    %slice3A_104 = vector.extract_strided_slice %add3A_41 {offsets = [1280, 0], sizes = [128, 8], strides = [1, 1]} : vector<2048x8xf32> to vector<128x8xf32>
    %dot_general3A_105 = arith.constant dense<0.000000e+00> : vector<128x8xf32>
    %dot_general3A_106 = tpu.matmul %convert_element_type3A_45, %slice3A_104, %dot_general3A_105 {dimension_numbers = #tpu.dot_dimension_numbers<[1], [0], [0], [1], [0, 0, 1, 1], [], []>, transpose_lhs_hint = false} : vector<128x128xf32>, vector<128x8xf32>, vector<128x8xf32> -> vector<128x8xf32>
    %reduce_sum3A_107 = arith.constant dense<0.000000e+00> : vector<8xf32>
    %reduce_sum3A_108 = vector.multi_reduction <add>, %slice3A_104, %reduce_sum3A_107 [0] : vector<128x8xf32> to vector<8xf32>
    %broadcast_in_dim3A_109 = vector.shape_cast %reduce_sum3A_108 : vector<8xf32> to vector<1x8xf32>
    %slice3A_110 = vector.extract_strided_slice %add3A_41 {offsets = [1408, 0], sizes = [128, 8], strides = [1, 1]} : vector<2048x8xf32> to vector<128x8xf32>
    %dot_general3A_111 = arith.constant dense<0.000000e+00> : vector<128x8xf32>
    %dot_general3A_112 = tpu.matmul %convert_element_type3A_45, %slice3A_110, %dot_general3A_111 {dimension_numbers = #tpu.dot_dimension_numbers<[1], [0], [0], [1], [0, 0, 1, 1], [], []>, transpose_lhs_hint = false} : vector<128x128xf32>, vector<128x8xf32>, vector<128x8xf32> -> vector<128x8xf32>
    %reduce_sum3A_113 = arith.constant dense<0.000000e+00> : vector<8xf32>
    %reduce_sum3A_114 = vector.multi_reduction <add>, %slice3A_110, %reduce_sum3A_113 [0] : vector<128x8xf32> to vector<8xf32>
    %broadcast_in_dim3A_115 = vector.shape_cast %reduce_sum3A_114 : vector<8xf32> to vector<1x8xf32>
    %slice3A_116 = vector.extract_strided_slice %add3A_41 {offsets = [1536, 0], sizes = [128, 8], strides = [1, 1]} : vector<2048x8xf32> to vector<128x8xf32>
    %dot_general3A_117 = arith.constant dense<0.000000e+00> : vector<128x8xf32>
    %dot_general3A_118 = tpu.matmul %convert_element_type3A_45, %slice3A_116, %dot_general3A_117 {dimension_numbers = #tpu.dot_dimension_numbers<[1], [0], [0], [1], [0, 0, 1, 1], [], []>, transpose_lhs_hint = false} : vector<128x128xf32>, vector<128x8xf32>, vector<128x8xf32> -> vector<128x8xf32>
    %reduce_sum3A_119 = arith.constant dense<0.000000e+00> : vector<8xf32>
    %reduce_sum3A_120 = vector.multi_reduction <add>, %slice3A_116, %reduce_sum3A_119 [0] : vector<128x8xf32> to vector<8xf32>
    %broadcast_in_dim3A_121 = vector.shape_cast %reduce_sum3A_120 : vector<8xf32> to vector<1x8xf32>
    %slice3A_122 = vector.extract_strided_slice %add3A_41 {offsets = [1664, 0], sizes = [128, 8], strides = [1, 1]} : vector<2048x8xf32> to vector<128x8xf32>
    %dot_general3A_123 = arith.constant dense<0.000000e+00> : vector<128x8xf32>
    %dot_general3A_124 = tpu.matmul %convert_element_type3A_45, %slice3A_122, %dot_general3A_123 {dimension_numbers = #tpu.dot_dimension_numbers<[1], [0], [0], [1], [0, 0, 1, 1], [], []>, transpose_lhs_hint = false} : vector<128x128xf32>, vector<128x8xf32>, vector<128x8xf32> -> vector<128x8xf32>
    %reduce_sum3A_125 = arith.constant dense<0.000000e+00> : vector<8xf32>
    %reduce_sum3A_126 = vector.multi_reduction <add>, %slice3A_122, %reduce_sum3A_125 [0] : vector<128x8xf32> to vector<8xf32>
    %broadcast_in_dim3A_127 = vector.shape_cast %reduce_sum3A_126 : vector<8xf32> to vector<1x8xf32>
    %slice3A_128 = vector.extract_strided_slice %add3A_41 {offsets = [1792, 0], sizes = [128, 8], strides = [1, 1]} : vector<2048x8xf32> to vector<128x8xf32>
    %dot_general3A_129 = arith.constant dense<0.000000e+00> : vector<128x8xf32>
    %dot_general3A_130 = tpu.matmul %convert_element_type3A_45, %slice3A_128, %dot_general3A_129 {dimension_numbers = #tpu.dot_dimension_numbers<[1], [0], [0], [1], [0, 0, 1, 1], [], []>, transpose_lhs_hint = false} : vector<128x128xf32>, vector<128x8xf32>, vector<128x8xf32> -> vector<128x8xf32>
    %reduce_sum3A_131 = arith.constant dense<0.000000e+00> : vector<8xf32>
    %reduce_sum3A_132 = vector.multi_reduction <add>, %slice3A_128, %reduce_sum3A_131 [0] : vector<128x8xf32> to vector<8xf32>
    %broadcast_in_dim3A_133 = vector.shape_cast %reduce_sum3A_132 : vector<8xf32> to vector<1x8xf32>
    %slice3A_134 = vector.extract_strided_slice %add3A_41 {offsets = [1920, 0], sizes = [128, 8], strides = [1, 1]} : vector<2048x8xf32> to vector<128x8xf32>
    %dot_general3A_135 = arith.constant dense<0.000000e+00> : vector<128x8xf32>
    %dot_general3A_136 = tpu.matmul %convert_element_type3A_45, %slice3A_134, %dot_general3A_135 {dimension_numbers = #tpu.dot_dimension_numbers<[1], [0], [0], [1], [0, 0, 1, 1], [], []>, transpose_lhs_hint = false} : vector<128x128xf32>, vector<128x8xf32>, vector<128x8xf32> -> vector<128x8xf32>
    %reduce_sum3A_137 = arith.constant dense<0.000000e+00> : vector<8xf32>
    %reduce_sum3A_138 = vector.multi_reduction <add>, %slice3A_134, %reduce_sum3A_137 [0] : vector<128x8xf32> to vector<8xf32>
    %broadcast_in_dim3A_139 = vector.shape_cast %reduce_sum3A_138 : vector<8xf32> to vector<1x8xf32>
    %concatenate3A_140 = tpu.concatenate %broadcast_in_dim3A_49, %broadcast_in_dim3A_55, %broadcast_in_dim3A_61, %broadcast_in_dim3A_67, %broadcast_in_dim3A_73, %broadcast_in_dim3A_79, %broadcast_in_dim3A_85, %broadcast_in_dim3A_91, %broadcast_in_dim3A_97, %broadcast_in_dim3A_103, %broadcast_in_dim3A_109, %broadcast_in_dim3A_115, %broadcast_in_dim3A_121, %broadcast_in_dim3A_127, %broadcast_in_dim3A_133, %broadcast_in_dim3A_139 in 0 : vector<1x8xf32>, vector<1x8xf32>, vector<1x8xf32>, vector<1x8xf32>, vector<1x8xf32>, vector<1x8xf32>, vector<1x8xf32>, vector<1x8xf32>, vector<1x8xf32>, vector<1x8xf32>, vector<1x8xf32>, vector<1x8xf32>, vector<1x8xf32>, vector<1x8xf32>, vector<1x8xf32>, vector<1x8xf32> -> vector<16x8xf32>
    %iota3A_141 = tpu.iota {dimensions = array<i32: 0>} : vector<16x16xi32>
    %iota3A_142 = tpu.iota {dimensions = array<i32: 1>} : vector<16x16xi32>
    %lt3A_143 = arith.cmpi slt, %iota3A_142, %iota3A_141 : vector<16x16xi32>
    %convert_element_type3A_144 = arith.extui %lt3A_143 : vector<16x16xi1> to vector<16x16xi32>
    %convert_element_type3A_145 = arith.sitofp %convert_element_type3A_144 : vector<16x16xi32> to vector<16x16xf32>
    %dot_general3A_146 = arith.constant dense<0.000000e+00> : vector<16x8xf32>
    %dot_general3A_147 = tpu.matmul %convert_element_type3A_145, %concatenate3A_140, %dot_general3A_146 {dimension_numbers = #tpu.dot_dimension_numbers<[1], [0], [0], [1], [0, 0, 1, 1], [], []>, transpose_lhs_hint = false} : vector<16x16xf32>, vector<16x8xf32>, vector<16x8xf32> -> vector<16x8xf32>
    %slice3A_148 = vector.extract_strided_slice %dot_general3A_147 {offsets = [0, 0], sizes = [1, 8], strides = [1, 1]} : vector<16x8xf32> to vector<1x8xf32>
    %add3A_149 = vector.broadcast %slice3A_148 : vector<1x8xf32> to vector<128x8xf32>
    %add3A_150 = arith.addf %dot_general3A_47, %add3A_149 : vector<128x8xf32>
    %slice3A_151 = vector.extract_strided_slice %dot_general3A_147 {offsets = [1, 0], sizes = [1, 8], strides = [1, 1]} : vector<16x8xf32> to vector<1x8xf32>
    %add3A_152 = vector.broadcast %slice3A_151 : vector<1x8xf32> to vector<128x8xf32>
    %add3A_153 = arith.addf %dot_general3A_52, %add3A_152 : vector<128x8xf32>
    %slice3A_154 = vector.extract_strided_slice %dot_general3A_147 {offsets = [2, 0], sizes = [1, 8], strides = [1, 1]} : vector<16x8xf32> to vector<1x8xf32>
    %add3A_155 = vector.broadcast %slice3A_154 : vector<1x8xf32> to vector<128x8xf32>
    %add3A_156 = arith.addf %dot_general3A_58, %add3A_155 : vector<128x8xf32>
    %slice3A_157 = vector.extract_strided_slice %dot_general3A_147 {offsets = [3, 0], sizes = [1, 8], strides = [1, 1]} : vector<16x8xf32> to vector<1x8xf32>
    %add3A_158 = vector.broadcast %slice3A_157 : vector<1x8xf32> to vector<128x8xf32>
    %add3A_159 = arith.addf %dot_general3A_64, %add3A_158 : vector<128x8xf32>
    %slice3A_160 = vector.extract_strided_slice %dot_general3A_147 {offsets = [4, 0], sizes = [1, 8], strides = [1, 1]} : vector<16x8xf32> to vector<1x8xf32>
    %add3A_161 = vector.broadcast %slice3A_160 : vector<1x8xf32> to vector<128x8xf32>
    %add3A_162 = arith.addf %dot_general3A_70, %add3A_161 : vector<128x8xf32>
    %slice3A_163 = vector.extract_strided_slice %dot_general3A_147 {offsets = [5, 0], sizes = [1, 8], strides = [1, 1]} : vector<16x8xf32> to vector<1x8xf32>
    %add3A_164 = vector.broadcast %slice3A_163 : vector<1x8xf32> to vector<128x8xf32>
    %add3A_165 = arith.addf %dot_general3A_76, %add3A_164 : vector<128x8xf32>
    %slice3A_166 = vector.extract_strided_slice %dot_general3A_147 {offsets = [6, 0], sizes = [1, 8], strides = [1, 1]} : vector<16x8xf32> to vector<1x8xf32>
    %add3A_167 = vector.broadcast %slice3A_166 : vector<1x8xf32> to vector<128x8xf32>
    %add3A_168 = arith.addf %dot_general3A_82, %add3A_167 : vector<128x8xf32>
    %slice3A_169 = vector.extract_strided_slice %dot_general3A_147 {offsets = [7, 0], sizes = [1, 8], strides = [1, 1]} : vector<16x8xf32> to vector<1x8xf32>
    %add3A_170 = vector.broadcast %slice3A_169 : vector<1x8xf32> to vector<128x8xf32>
    %add3A_171 = arith.addf %dot_general3A_88, %add3A_170 : vector<128x8xf32>
    %slice3A_172 = vector.extract_strided_slice %dot_general3A_147 {offsets = [8, 0], sizes = [1, 8], strides = [1, 1]} : vector<16x8xf32> to vector<1x8xf32>
    %add3A_173 = vector.broadcast %slice3A_172 : vector<1x8xf32> to vector<128x8xf32>
    %add3A_174 = arith.addf %dot_general3A_94, %add3A_173 : vector<128x8xf32>
    %slice3A_175 = vector.extract_strided_slice %dot_general3A_147 {offsets = [9, 0], sizes = [1, 8], strides = [1, 1]} : vector<16x8xf32> to vector<1x8xf32>
    %add3A_176 = vector.broadcast %slice3A_175 : vector<1x8xf32> to vector<128x8xf32>
    %add3A_177 = arith.addf %dot_general3A_100, %add3A_176 : vector<128x8xf32>
    %slice3A_178 = vector.extract_strided_slice %dot_general3A_147 {offsets = [10, 0], sizes = [1, 8], strides = [1, 1]} : vector<16x8xf32> to vector<1x8xf32>
    %add3A_179 = vector.broadcast %slice3A_178 : vector<1x8xf32> to vector<128x8xf32>
    %add3A_180 = arith.addf %dot_general3A_106, %add3A_179 : vector<128x8xf32>
    %slice3A_181 = vector.extract_strided_slice %dot_general3A_147 {offsets = [11, 0], sizes = [1, 8], strides = [1, 1]} : vector<16x8xf32> to vector<1x8xf32>
    %add3A_182 = vector.broadcast %slice3A_181 : vector<1x8xf32> to vector<128x8xf32>
    %add3A_183 = arith.addf %dot_general3A_112, %add3A_182 : vector<128x8xf32>
    %slice3A_184 = vector.extract_strided_slice %dot_general3A_147 {offsets = [12, 0], sizes = [1, 8], strides = [1, 1]} : vector<16x8xf32> to vector<1x8xf32>
    %add3A_185 = vector.broadcast %slice3A_184 : vector<1x8xf32> to vector<128x8xf32>
    %add3A_186 = arith.addf %dot_general3A_118, %add3A_185 : vector<128x8xf32>
    %slice3A_187 = vector.extract_strided_slice %dot_general3A_147 {offsets = [13, 0], sizes = [1, 8], strides = [1, 1]} : vector<16x8xf32> to vector<1x8xf32>
    %add3A_188 = vector.broadcast %slice3A_187 : vector<1x8xf32> to vector<128x8xf32>
    %add3A_189 = arith.addf %dot_general3A_124, %add3A_188 : vector<128x8xf32>
    %slice3A_190 = vector.extract_strided_slice %dot_general3A_147 {offsets = [14, 0], sizes = [1, 8], strides = [1, 1]} : vector<16x8xf32> to vector<1x8xf32>
    %add3A_191 = vector.broadcast %slice3A_190 : vector<1x8xf32> to vector<128x8xf32>
    %add3A_192 = arith.addf %dot_general3A_130, %add3A_191 : vector<128x8xf32>
    %slice3A_193 = vector.extract_strided_slice %dot_general3A_147 {offsets = [15, 0], sizes = [1, 8], strides = [1, 1]} : vector<16x8xf32> to vector<1x8xf32>
    %add3A_194 = vector.broadcast %slice3A_193 : vector<1x8xf32> to vector<128x8xf32>
    %add3A_195 = arith.addf %dot_general3A_136, %add3A_194 : vector<128x8xf32>
    %concatenate3A_196 = tpu.concatenate %add3A_150, %add3A_153, %add3A_156, %add3A_159, %add3A_162, %add3A_165, %add3A_168, %add3A_171, %add3A_174, %add3A_177, %add3A_180, %add3A_183, %add3A_186, %add3A_189, %add3A_192, %add3A_195 in 0 : vector<128x8xf32>, vector<128x8xf32>, vector<128x8xf32>, vector<128x8xf32>, vector<128x8xf32>, vector<128x8xf32>, vector<128x8xf32>, vector<128x8xf32>, vector<128x8xf32>, vector<128x8xf32>, vector<128x8xf32>, vector<128x8xf32>, vector<128x8xf32>, vector<128x8xf32>, vector<128x8xf32>, vector<128x8xf32> -> vector<2048x8xf32>
    %broadcast_in_dim3A_197 = arith.constant 1.000000e+00 : f32
    %broadcast_in_dim3A_198 = vector.broadcast %broadcast_in_dim3A_197 : f32 to vector<2048x1xf32>
    %dot_general3A_199 = arith.constant dense<0.000000e+00> : vector<8x1xf32>
    %dot_general3A_200 = tpu.matmul %add3A_41, %broadcast_in_dim3A_198, %dot_general3A_199 {dimension_numbers = #tpu.dot_dimension_numbers<[0], [0], [1], [1], [0, 1, 1, 1], [], []>, transpose_lhs_hint = false} : vector<2048x8xf32>, vector<2048x1xf32>, vector<8x1xf32> -> vector<8x1xf32>
    %add3A_201 = arith.constant 2.550000e+02 : f32
    %add3A_202 = vector.broadcast %add3A_201 : f32 to vector<8x1xf32>
    %add3A_203 = arith.addf %dot_general3A_200, %add3A_202 : vector<8x1xf32>
    %mul3A = arith.constant 3.906250e-03 : f32
    %mul3A_204 = vector.broadcast %mul3A : f32 to vector<8x1xf32>
    %mul3A_205 = arith.mulf %add3A_203, %mul3A_204 : vector<8x1xf32>
    %floor3A = math.floor %mul3A_205 : vector<8x1xf32>
    %iota3A_206 = tpu.iota {dimensions = array<i32: 0>} : vector<8x8xi32>
    %iota3A_207 = tpu.iota {dimensions = array<i32: 1>} : vector<8x8xi32>
    %lt3A_208 = arith.cmpi slt, %iota3A_207, %iota3A_206 : vector<8x8xi32>
    %convert_element_type3A_209 = arith.extui %lt3A_208 : vector<8x8xi1> to vector<8x8xi32>
    %convert_element_type3A_210 = arith.sitofp %convert_element_type3A_209 : vector<8x8xi32> to vector<8x8xf32>
    %dot_general3A_211 = arith.constant dense<0.000000e+00> : vector<8x1xf32>
    %dot_general3A_212 = tpu.matmul %convert_element_type3A_210, %floor3A, %dot_general3A_211 {dimension_numbers = #tpu.dot_dimension_numbers<[1], [0], [0], [1], [0, 0, 1, 1], [], []>, transpose_lhs_hint = false} : vector<8x8xf32>, vector<8x1xf32>, vector<8x1xf32> -> vector<8x1xf32>
    %dot_general3A_213 = arith.constant dense<0.000000e+00> : vector<1x8xf32>
    %dot_general3A_214 = tpu.matmul %floor3A, %convert_element_type3A_210, %dot_general3A_213 {dimension_numbers = #tpu.dot_dimension_numbers<[0], [1], [1], [0], [0, 1, 1, 0], [], []>, transpose_lhs_hint = false} : vector<8x1xf32>, vector<8x8xf32>, vector<1x8xf32> -> vector<1x8xf32>
    %mul3A_215 = arith.constant 2.560000e+02 : f32
    %mul3A_216 = vector.broadcast %mul3A_215 : f32 to vector<1x8xf32>
    %mul3A_217 = arith.mulf %dot_general3A_214, %mul3A_216 : vector<1x8xf32>
    %add3A_218 = vector.broadcast %mul3A_217 : vector<1x8xf32> to vector<2048x8xf32>
    %add3A_219 = arith.addf %add3A_218, %concatenate3A_196 : vector<2048x8xf32>
    %mul3A_220 = arith.mulf %convert_element_type3A_13, %add3A_219 : vector<2048x8xf32>
    %reduce_sum3A_221 = arith.constant dense<0.000000e+00> : vector<2048xf32>
    %reduce_sum3A_222 = vector.multi_reduction <add>, %mul3A_220, %reduce_sum3A_221 [1] : vector<2048x8xf32> to vector<2048xf32>
    %broadcast_in_dim3A_223 = vector.shape_cast %reduce_sum3A_222 : vector<2048xf32> to vector<2048x1xf32>
    %add3A_224 = vector.broadcast %mul3A_217 : vector<1x8xf32> to vector<2048x8xf32>
    %add3A_225 = arith.addf %add3A_224, %concatenate3A_196 : vector<2048x8xf32>
    %add3A_226 = arith.addf %add3A_225, %convert_element_type3A_13 : vector<2048x8xf32>
    %mul3A_227 = arith.mulf %convert_element_type3A_33, %add3A_226 : vector<2048x8xf32>
    %reduce_sum3A_228 = arith.constant dense<0.000000e+00> : vector<2048xf32>
    %reduce_sum3A_229 = vector.multi_reduction <add>, %mul3A_227, %reduce_sum3A_228 [1] : vector<2048x8xf32> to vector<2048xf32>
    %broadcast_in_dim3A_230 = vector.shape_cast %reduce_sum3A_229 : vector<2048xf32> to vector<2048x1xf32>
    %concatenate3A_231 = tpu.concatenate %broadcast_in_dim3A_223, %broadcast_in_dim3A_230 in 1 : vector<2048x1xf32>, vector<2048x1xf32> -> vector<2048x2xf32>
    %convert_element_type3A_232 = arith.fptosi %concatenate3A_231 : vector<2048x2xf32> to vector<2048x2xi32>
    %swap3A_233 = arith.constant 0 : index
    %swap3A_234 = arith.constant 0 : index
    %swap3A_235 = vector.load %arg2[%swap3A_233, %swap3A_234] : memref<2048x2xi32, #tpu.memory_space<vmem>>, vector<2048x2xi32>
    tpu.vector_store %arg2[%swap3A_233, %swap3A_234], %convert_element_type3A_232 {strides = array<i32>} : memref<2048x2xi32, #tpu.memory_space<vmem>>, vector<2048x2xi32>,
    %add3A_236 = arith.addf %dot_general3A_212, %floor3A : vector<8x1xf32>
    %iota3A_237 = tpu.iota {dimensions = array<i32: 1>} : vector<8x32xi32>
    %convert_element_type3A_238 = arith.sitofp %iota3A_237 : vector<8x32xi32> to vector<8x32xf32>
    %ge3A = vector.broadcast %add3A_236 : vector<8x1xf32> to vector<8x32xf32>
    %ge3A_239 = arith.cmpf oge, %convert_element_type3A_238, %ge3A : vector<8x32xf32>
    %convert_element_type3A_240 = arith.extui %ge3A_239 : vector<8x32xi1> to vector<8x32xi32>
    %convert_element_type3A_241 = arith.sitofp %convert_element_type3A_240 : vector<8x32xi32> to vector<8x32xf32>
    %reduce_sum3A_242 = arith.constant dense<0.000000e+00> : vector<32xf32>
    %reduce_sum3A_243 = vector.multi_reduction <add>, %convert_element_type3A_241, %reduce_sum3A_242 [0] : vector<8x32xf32> to vector<32xf32>
    %broadcast_in_dim3A_244 = vector.shape_cast %reduce_sum3A_243 : vector<32xf32> to vector<1x32xf32>
    %min3A = arith.constant 7.000000e+00 : f32
    %min3A_245 = vector.broadcast %min3A : f32 to vector<1x32xf32>
    %min3A_246 = arith.minimumf %broadcast_in_dim3A_244, %min3A_245 : vector<1x32xf32>
    %convert_element_type3A_247 = arith.fptosi %min3A_246 : vector<1x32xf32> to vector<1x32xi32>
    %swap3A_248 = arith.constant 0 : index
    %swap3A_249 = arith.constant 0 : index
    %swap3A_250 = vector.load %arg4[%swap3A_248, %swap3A_249] : memref<1x32xi32, #tpu.memory_space<vmem>>, vector<1x32xi32>
    tpu.vector_store %arg4[%swap3A_248, %swap3A_249], %convert_element_type3A_247 {strides = array<i32>} : memref<1x32xi32, #tpu.memory_space<vmem>>, vector<1x32xi32>,
    return
  }
}

module attributes {stable_mosaic.version = 14 : i64} {
  func.func @_ffn_body(%arg0: i32, %arg1: memref<32xi32, #tpu.memory_space<smem>>, %arg2: memref<256x1024xf32, #tpu.memory_space<vmem>>, %arg3: memref<256x1xf32, #tpu.memory_space<vmem>>, %arg4: memref<1x768x1024xf32, #tpu.memory_space<vmem>>, %arg5: memref<1x768x1024xf32, #tpu.memory_space<vmem>>, %arg6: memref<1x768x1024xf32, #tpu.memory_space<vmem>>, %arg7: memref<256x1024xf32, #tpu.memory_space<vmem>>) attributes {dimension_semantics = [#tpu.dimension_semantics<arbitrary>], iteration_bounds = array<i64: 23>, scalar_prefetch = 1 : i64, scratch_operands = 0 : i64, tpu.core_type = #tpu.core_type<tc>, window_params = [{transform_indices = @transform_0, window_bounds = array<i64: 256, 1024>}, {transform_indices = @transform_1, window_bounds = array<i64: 256, 1>}, {transform_indices = @transform_2, window_bounds = array<i64: 1, 768, 1024>}, {transform_indices = @transform_3, window_bounds = array<i64: 1, 768, 1024>}, {transform_indices = @transform_4, window_bounds = array<i64: 1, 768, 1024>}, {transform_indices = @transform_5, window_bounds = array<i64: 256, 1024>}]} {
    %get3A = arith.constant 0 : index
    %get3A_0 = arith.constant 0 : index
    %get3A_1 = vector.load %arg2[%get3A, %get3A_0] : memref<256x1024xf32, #tpu.memory_space<vmem>>, vector<256x1024xf32>
    %convert_element_type3A = arith.truncf %get3A_1 : vector<256x1024xf32> to vector<256x1024xbf16>
    %get3A_2 = arith.constant 0 : index
    %get3A_3 = arith.constant 0 : index
    %get3A_4 = arith.constant 0 : index
    %get3A_5 = vector.load %arg4[%get3A_2, %get3A_3, %get3A_4] : memref<1x768x1024xf32, #tpu.memory_space<vmem>>, vector<1x768x1024xf32>
    %get3A_6 = vector.shape_cast %get3A_5 : vector<1x768x1024xf32> to vector<768x1024xf32>
    %convert_element_type3A_7 = arith.truncf %get3A_6 : vector<768x1024xf32> to vector<768x1024xbf16>
    %get3A_8 = arith.constant 0 : index
    %get3A_9 = arith.constant 0 : index
    %get3A_10 = arith.constant 0 : index
    %get3A_11 = vector.load %arg5[%get3A_8, %get3A_9, %get3A_10] : memref<1x768x1024xf32, #tpu.memory_space<vmem>>, vector<1x768x1024xf32>
    %get3A_12 = vector.shape_cast %get3A_11 : vector<1x768x1024xf32> to vector<768x1024xf32>
    %convert_element_type3A_13 = arith.truncf %get3A_12 : vector<768x1024xf32> to vector<768x1024xbf16>
    %get3A_14 = arith.constant 0 : index
    %get3A_15 = arith.constant 0 : index
    %get3A_16 = arith.constant 0 : index
    %get3A_17 = vector.load %arg6[%get3A_14, %get3A_15, %get3A_16] : memref<1x768x1024xf32, #tpu.memory_space<vmem>>, vector<1x768x1024xf32>
    %get3A_18 = vector.shape_cast %get3A_17 : vector<1x768x1024xf32> to vector<768x1024xf32>
    %convert_element_type3A_19 = arith.truncf %get3A_18 : vector<768x1024xf32> to vector<768x1024xbf16>
    %dot_general3A = arith.constant dense<0.000000e+00> : vector<256x768xf32>
    %dot_general3A_20 = tpu.matmul %convert_element_type3A, %convert_element_type3A_7, %dot_general3A {dimension_numbers = #tpu.dot_dimension_numbers<[1], [1], [0], [0], [0, 0, 1, 0], [], []>, transpose_lhs_hint = false} : vector<256x1024xbf16>, vector<768x1024xbf16>, vector<256x768xf32> -> vector<256x768xf32>
    %dot_general3A_21 = arith.constant dense<0.000000e+00> : vector<256x768xf32>
    %dot_general3A_22 = tpu.matmul %convert_element_type3A, %convert_element_type3A_13, %dot_general3A_21 {dimension_numbers = #tpu.dot_dimension_numbers<[1], [1], [0], [0], [0, 0, 1, 0], [], []>, transpose_lhs_hint = false} : vector<256x1024xbf16>, vector<768x1024xbf16>, vector<256x768xf32> -> vector<256x768xf32>
    %neg3A = arith.constant 0.000000e+00 : f32
    %neg3A_23 = vector.broadcast %neg3A : f32 to vector<256x768xf32>
    %neg3A_24 = arith.subf %neg3A_23, %dot_general3A_20 : vector<256x768xf32>
    %exp3A = math.exp %neg3A_24 : vector<256x768xf32>
    %add3A = arith.constant 1.000000e+00 : f32
    %add3A_25 = vector.broadcast %add3A : f32 to vector<256x768xf32>
    %add3A_26 = arith.addf %add3A_25, %exp3A : vector<256x768xf32>
    %div3A = arith.constant 1.000000e+00 : f32
    %div3A_27 = vector.broadcast %div3A : f32 to vector<256x768xf32>
    %div3A_28 = arith.divf %div3A_27, %add3A_26 : vector<256x768xf32>
    %mul3A = arith.mulf %dot_general3A_20, %div3A_28 : vector<256x768xf32>
    %mul3A_29 = arith.mulf %mul3A, %dot_general3A_22 : vector<256x768xf32>
    %get3A_30 = arith.constant 0 : index
    %get3A_31 = arith.constant 0 : index
    %get3A_32 = vector.load %arg3[%get3A_30, %get3A_31] : memref<256x1xf32, #tpu.memory_space<vmem>>, vector<256x1xf32>
    %mul3A_33 = vector.broadcast %get3A_32 : vector<256x1xf32> to vector<256x768xf32>
    %mul3A_34 = arith.mulf %mul3A_29, %mul3A_33 : vector<256x768xf32>
    %convert_element_type3A_35 = arith.truncf %mul3A_34 : vector<256x768xf32> to vector<256x768xbf16>
    %dot_general3A_36 = arith.constant dense<0.000000e+00> : vector<256x1024xf32>
    %dot_general3A_37 = tpu.matmul %convert_element_type3A_35, %convert_element_type3A_19, %dot_general3A_36 {dimension_numbers = #tpu.dot_dimension_numbers<[1], [0], [0], [1], [0, 0, 1, 1], [], []>, transpose_lhs_hint = false} : vector<256x768xbf16>, vector<768x1024xbf16>, vector<256x1024xf32> -> vector<256x1024xf32>
    %swap3A = arith.constant 0 : index
    %swap3A_38 = arith.constant 0 : index
    %swap3A_39 = vector.load %arg7[%swap3A, %swap3A_38] : memref<256x1024xf32, #tpu.memory_space<vmem>>, vector<256x1024xf32>
    tpu.vector_store %arg7[%swap3A, %swap3A_38], %dot_general3A_37 {strides = array<i32>} : memref<256x1024xf32, #tpu.memory_space<vmem>>, vector<256x1024xf32>,
    return
  }
  func.func @transform_0(%arg0: i32, %arg1: memref<32xi32, #tpu.memory_space<smem>>) -> (i32, i32) {
    %c0_i32 = arith.constant 0 : i32
    %c0_i32_0 = arith.constant 0 : i32
    return %arg0, %c0_i32 : i32, i32
  }
  func.func @transform_1(%arg0: i32, %arg1: memref<32xi32, #tpu.memory_space<smem>>) -> (i32, i32) {
    %c0_i32 = arith.constant 0 : i32
    %c0_i32_0 = arith.constant 0 : i32
    return %arg0, %c0_i32 : i32, i32
  }
  func.func @transform_2(%arg0: i32, %arg1: memref<32xi32, #tpu.memory_space<smem>>) -> (i32, i32, i32) {
    %get3A = arith.index_cast %arg0 : i32 to index
    %get3A_0 = memref.load %arg1[%get3A] : memref<32xi32, #tpu.memory_space<smem>>
    %c0_i32 = arith.constant 0 : i32
    %c0_i32_1 = arith.constant 0 : i32
    %c0_i32_2 = arith.constant 0 : i32
    return %get3A_0, %c0_i32, %c0_i32_1 : i32, i32, i32
  }
  func.func @transform_3(%arg0: i32, %arg1: memref<32xi32, #tpu.memory_space<smem>>) -> (i32, i32, i32) {
    %get3A = arith.index_cast %arg0 : i32 to index
    %get3A_0 = memref.load %arg1[%get3A] : memref<32xi32, #tpu.memory_space<smem>>
    %c0_i32 = arith.constant 0 : i32
    %c0_i32_1 = arith.constant 0 : i32
    %c0_i32_2 = arith.constant 0 : i32
    return %get3A_0, %c0_i32, %c0_i32_1 : i32, i32, i32
  }
  func.func @transform_4(%arg0: i32, %arg1: memref<32xi32, #tpu.memory_space<smem>>) -> (i32, i32, i32) {
    %get3A = arith.index_cast %arg0 : i32 to index
    %get3A_0 = memref.load %arg1[%get3A] : memref<32xi32, #tpu.memory_space<smem>>
    %c0_i32 = arith.constant 0 : i32
    %c0_i32_1 = arith.constant 0 : i32
    %c0_i32_2 = arith.constant 0 : i32
    return %get3A_0, %c0_i32, %c0_i32_1 : i32, i32, i32
  }
  func.func @transform_5(%arg0: i32, %arg1: memref<32xi32, #tpu.memory_space<smem>>) -> (i32, i32) {
    %c0_i32 = arith.constant 0 : i32
    %c0_i32_0 = arith.constant 0 : i32
    return %arg0, %c0_i32 : i32, i32
  }
}

</mosaic_0001>

<sc_bundles>
// kernel: kernel.10.cloned.1.call-start
scs
__scs_entry_jumppad:
0x0: {  	(pc) =	sbr.rel $0x88, $3  }
0x1: {  	(tag) =	ssettag $0x0;
	lr =	simm.s32 $0x1  }
0x2: {  	[smem:$0x3F9C] =	sst lr;
	_ =	strace $0xD0000000  }
0x3: {  	_ = 	snop  }
0x4: {  	_ = 	snop  }
0x5: {  	_ = 	snop  }
0x6: {  	_ = 	snop  }
0x7: {  	_ = 	snop  }
__scs_overlays_trampoline_lowered:
0x8: {  	[smem:$0x3FAB] =	sst s0  }
0x9: {  	[smem:$0x3FAC] =	sst s1  }
0xa: {  	[smem:$0x3FAD] =	sst s2  }
0xb: {  	[smem:$0x3FAE] =	sst s3  }
0xc: {  	[smem:$0x3FAF] =	sst s4  }
0xd: {  	[smem:$0x3FB0] =	sst s5  }
0xe: {  	[smem:$0x3FB1] =	sst s6  }
0xf: {  	[smem:$0x3FB2] =	sst s7  }
0x10: {  	[smem:$0x3FB3] =	sst s8  }
0x11: {  	[smem:$0x3FB4] =	sst s9;
	s0 =	simm.s32 @!p0 $0x0  }
0x12: {  	s1 =	sld [smem:$0x3F9A];
	s0 =	simm.s32 @p0 $0x1  }
0x13: {  	[smem:$0x3FB5] =	sst s0;
	s0 =	simm.s32 @!p1 $0x0  }
0x14: {  	s2 =	sld [smem:$0x3F99];
	s0 =	simm.s32 @p1 $0x1  }
0x15: {  	[smem:$0x3FB6] =	sst s0;
	s0 =	simm.s32 @!p2 $0x0  }
0x16: {  	s3 =	sld [smem:$0x3FDB];
	s0 =	simm.s32 @p2 $0x1  }
0x17: {  	s4 =	simm.s32 $0x1BF5;
	[smem:$0x3FB8] =	sst s0  }
0x18: {  	s0 =	sld [smem:$0x3F9B];
	_ =	swait.ge [sflag:s4], $0x0  }
0x19: {  	s7 =	sld [smem:$0x3F9C]  }
0x1a: {  	s8 =	sadd.s32 $0xFFFFE003, lr  }
0x1b: {  	s9 =	sadd.s32 $0xFFFFFEF7, lr;
	s5 =	simm.s32 $0xFFFFFFFF;
	p2 =	slt.u32 s8, $0xFFFFF086  }
0x1c: {  	p1 =	slt.u32 s9, $0xF7A;
	s5 =	simm.s32 @!p2 $0x0  }
0x1d: {  	s5 =	simm.s32 @p1 $0x1;
	p0 =	seq.s32 s7, s2  }
0x1e: {  	s7 =	smul.u32 @!p0 $0xF7A, s2;
	p2 =	seq.s32 @!p0 s5, $0x0  }
0x1f: {  	s9 =	smul.u32 $0xF7A, s1;
	s8 =	simm.s32 @!p0 $0x1BF5;
	p2 =	por !p2, p0  }
0x20: {  	[sflag:s8] =	ssyncset.s32 @!p0 $0xFFFFF086;
	s6 =	sadd.s32 @!p0 s3, s7;
	s7 =	simm.s32 @!p0 $0x108  }
0x21: {  	s3 =	sadd.s32 s3, s9;
	s6 =	sadd.s32 @!p0 $0x88, s6;
	s7 =	simm.s32 @p2 $0x1082  }
0x22: {  	[simem:s7], [sflag:s8] =	dma.local @!p0 [hbm:s6], $0xF7A  }
0x23: {  	s9 =	sor.u32 $0xD0000000, s2;
	s6 =	simm.s32 $0x108;
	_ =	swait.ge @!p0 [sflag:s8], $0x0  }
0x24: {  	s3 =	sadd.s32 $0x88, s3;
	s6 =	simm.s32 @!p1 $0x1082;
	[sflag:s4] =	ssyncset.s32 $0xFFFFF086  }
0x25: {  	[simem:s6], [sflag:s4] =	dma.local [hbm:s3], $0xF7A  }
0x26: {  	[smem:$0x3F9C] =	sst s1;
	(tag) =	ssettag s2;
	_ =	strace s9  }
0x27: {  	s1 =	sld [smem:$0x3FAC]  }
0x28: {  	s2 =	sld [smem:$0x3FAD]  }
0x29: {  	s4 =	sld [smem:$0x3FAF]  }
0x2a: {  	p0 =	seq.s32 s5, $0x0;
	s5 =	sld [smem:$0x3FB0]  }
0x2b: {  	s6 =	sld [smem:$0x3FB1]  }
0x2c: {  	s7 =	sld [smem:$0x3FB2]  }
0x2d: {  	s3 =	simm.s32 $0x108;
	s8 =	sld [smem:$0x3FB3]  }
0x2e: {  	s3 =	simm.s32 @!p0 $0x1082;
	s9 =	sld [smem:$0x3FB4]  }
0x2f: {  	lr =	sadd.s32 s0, s3;
	s0 =	sld [smem:$0x3FAB]  }
0x30: {  	s3 =	sld [smem:$0x3FAE]  }
0x31: {  	[smem:$0x3FB7] =	sst s10  }
0x32: {  	s10 =	sld [smem:$0x3FB5];
	_ =	sdelay $0x3  }
0x33: {  	p0 =	seq.s32 s10, $0x1;
	s10 =	sld [smem:$0x3FB7];
	_ =	sdelay $0x3  }
0x34: {  	[smem:$0x3FB7] =	sst s10  }
0x35: {  	s10 =	sld [smem:$0x3FB6];
	_ =	sdelay $0x3  }
0x36: {  	p1 =	seq.s32 s10, $0x1;
	s10 =	sld [smem:$0x3FB7];
	_ =	sdelay $0x3  }
0x37: {  	[smem:$0x3FB7] =	sst s10  }
0x38: {  	s10 =	sld [smem:$0x3FB8]  }
0x39: {  	_ = 	snop;
	(pc) =	sbr.ind lr, $3  }
0x3a: {  	_ = 	snop  }
0x3b: {  	_ = 	snop  }
0x3c: {  	p2 =	seq.s32 s10, $0x1;
	s10 =	sld [smem:$0x3FB7]  }
0x3d: {  	_ =	shalt  }
0x3e: {  	_ =	shalt  }
0x3f: {  	_ =	shalt  }
0x40: {  	_ =	shalt  }
0x41: {  	_ =	shalt  }
0x42: {  	_ =	shalt  }
0x43: {  	_ =	shalt  }
0x44: {  	_ =	shalt  }
0x45: {  	_ =	shalt  }
0x46: {  	_ =	shalt  }
0x47: {  	_ =	shalt  }
0x48: {  	_ =	shalt  }
0x49: {  	_ =	shalt  }
0x4a: {  	_ =	shalt  }
0x4b: {  	_ =	shalt  }
0x4c: {  	_ =	shalt  }
0x4d: {  	_ =	shalt  }
0x4e: {  	_ =	shalt  }
0x4f: {  	_ =	shalt  }
0x50: {  	_ =	shalt  }
0x51: {  	_ =	shalt  }
0x52: {  	_ =	shalt  }
0x53: {  	_ =	shalt  }
0x54: {  	_ =	shalt  }
0x55: {  	_ =	shalt  }
0x56: {  	_ =	shalt  }
0x57: {  	_ =	shalt  }
0x58: {  	_ =	shalt  }
0x59: {  	_ =	shalt  }
0x5a: {  	_ =	shalt  }
0x5b: {  	_ =	shalt  }
0x5c: {  	_ =	shalt  }
0x5d: {  	_ =	shalt  }
0x5e: {  	_ =	shalt  }
0x5f: {  	_ =	shalt  }
0x60: {  	_ =	shalt  }
0x61: {  	_ =	shalt  }
0x62: {  	_ =	shalt  }
0x63: {  	_ =	shalt  }
0x64: {  	_ =	shalt  }
0x65: {  	_ =	shalt  }
0x66: {  	_ =	shalt  }
0x67: {  	_ =	shalt  }
0x68: {  	_ =	shalt  }
0x69: {  	_ =	shalt  }
0x6a: {  	_ =	shalt  }
0x6b: {  	_ =	shalt  }
0x6c: {  	_ =	shalt  }
0x6d: {  	_ =	shalt  }
0x6e: {  	_ =	shalt  }
0x6f: {  	_ =	shalt  }
0x70: {  	_ =	shalt  }
0x71: {  	_ =	shalt  }
0x72: {  	_ =	shalt  }
0x73: {  	_ =	shalt  }
0x74: {  	_ =	shalt  }
0x75: {  	_ =	shalt  }
0x76: {  	_ =	shalt  }
0x77: {  	_ =	shalt  }
0x78: {  	_ =	shalt  }
0x79: {  	_ =	shalt  }
0x7a: {  	_ =	shalt  }
0x7b: {  	_ =	shalt  }
0x7c: {  	_ =	shalt  }
0x7d: {  	_ =	shalt  }
0x7e: {  	_ =	shalt  }
0x7f: {  	_ =	shalt  }
0x80: {  	_ =	shalt  }
0x81: {  	_ =	shalt  }
0x82: {  	_ =	shalt  }
0x83: {  	_ =	shalt  }
0x84: {  	_ =	shalt  }
0x85: {  	_ =	shalt  }
0x86: {  	_ =	shalt  }
0x87: {  	_ =	shalt  }
.Lfunc_end0:
.L_simem_size_0:
called_computation.1_lowered:
.L_overlay_start_0:
0x88: {  	s2 =	sld [smem:$0x3FD9]  }
0x89: {  	s3 =	sld [smem:$0x3FFE];
	_ =	sdelay $0x1  }
0x8a: {  	s1 =	srdreg.scid  }
0x8b: {  	s0 =	sand.u32 $0x1, s1  }
0x8c: {  	s17 =	sshll.u32 s0, $0xA;
	s2 =	sadd.s32 s3, s2  }
0x8d: {  	s2 =	sadd.s32 s2, s17  }
0x8e: {  	[smem:$0x3FC3] =	sst s2  }
0x8f: {  	_ = 	snop  }
0x90: {  	s2 =	sld [smem:$0x3FC9]  }
0x91: {  	s18 =	sld [smem:$0x3FD0];
	(tm) =	ssettm $0x1  }
0x92: {  	s4 =	sld [smem:$0x3FFB];
	_ =	sdelay $0x3  }
0x93: {  	_ =	strace s4  }
0x94: {  	s4 =	sld [smem:$0x3FFC];
	_ =	sdelay $0x3  }
0x95: {  	_ =	strace s4  }
0x96: {  	s4 =	sld [smem:$0x3FFD];
	_ =	sdelay $0x3  }
0x97: {  	_ =	strace s4  }
0x98: {  	_ =	strace $0x8FFFFFFF  }
0x99: {  	s19 =	sld [smem:$0x3FDB];
	_ =	sdelay $0x1  }
0x9a: {  	s5 =	simm.s32 $_scs_section_size  }
0x9b: {  	s6 =	simm.s32 $_size__tile_overlayer_lowered;
	s7 =	simm.s32 $_tile_overlayer_lowered  }
0x9c: {  	s22 =	simm.s32 $0x1BFF;
	s21 =	sshll.u32 s7, $0x1;
	s4 =	sadd.s32 s5, s19  }
0x9d: {  	s8 =	simm.s32 $0x0;
	s20 =	sshll.u32 s6, $0x1;
	s6 =	sadd.s32 s21, s4  }
0x9e: {  	[timem:s8], [sflag:s22] =	dma.local [hbm:s6], s20  }
0x9f: {  	_ =	swait.ge [sflag:s22], s20  }
0xa0: {  	s5 =	ssub.s32 $0x0, s20;
	[sflag:s22] =	ssyncset.done $0x0  }
0xa1: {  	[sflag:s22] =	ssyncadd.s32 s5;
	_ =	sdelay $0x1  }
0xa2: {  	s23 =	simm.s32 $0x1B8B  }
0xa3: {  	_ =	swait.ge [sflag:s23], $0x1  }
0xa4: {  	[sflag:s23] =	ssyncset.done $0x0  }
0xa5: {  	s25 =	simm.s32 $0x1B8E;
	s24 =	sld [smem:$0x3FFE];
	[sflag:s23] =	ssyncadd.s32 $0xFFFFFFFF  }
0xa6: {  	s26 =	simm.s32 $execute0_lowered;
	[smem:$0x3FD2] =	sst s25  }
0xa7: {  	s6 =	sshll.u32 s26, $0x1;
	_ =	strace $0x80000049;
	[dreg:$0x1] =	wrdreg $0xFFFFFFFF  }
0xa8: {  	s28 =	simm.s32 $_size_execute0_lowered;
	s4 =	sadd.s32 s4, s6;
	[dreg:$0x0] =	wrdreg $0x0  }
0xa9: {  	s6 =	sshll.u32 s28, $0x1;
	[dreg:$0x2] =	wrdreg s4  }
0xaa: {  	[dreg:$0x3] =	wrdreg s6  }
0xab: {  	[dreg:$0x4] =	wrdreg $0xC0  }
0xac: {  	_ =	task [dreg:s8], $0x5FFFF  }
0xad: {  	[dreg:$0x1] =	wrdreg $0xFFFFFFFF  }
0xae: {  	[dreg:$0x0] =	wrdreg $0x60  }
0xaf: {  	[dreg:$0x2] =	wrdreg s18  }
0xb0: {  	[dreg:$0x3] =	wrdreg s2  }
0xb1: {  	[dreg:$0x4] =	wrdreg s24  }
0xb2: {  	[dreg:$0x5] =	wrdreg $0x9  }
0xb3: {  	_ =	task.clear_ibuf [dreg:s8], $0x6FFFF;
	_ =	strace $0x90000049  }
0xb4: {  	s29 =	simm.s32 $0x9;
	_ =	strace $0x8000004B  }
0xb5: {  	_ =	swait.ge [sflag:s29], $0x1  }
0xb6: {  	[sflag:s29] =	ssyncadd.s32 $0xFFFFFFFF  }
0xb7: {  	_ =	strace $0x9000004B  }
0xb8: {  	_ =	sfence  }
0xb9: {  	s30 =	sld [smem:$0x0];
	_ =	sdelay $0x2  }
0xba: {  	s31 =	sshll.u32 s1, $0xD;
	s1 =	sshrl.u32 s1, $0x2  }
0xbb: {  	s3 =	sand.u32 $0x4000, s31;
	s1 =	sadd.s32 s1, s30  }
0xbc: {  	s0 =	sor.u32 s3, s0;
	s1 =	sshll.u32 s1, $0x11  }
0xbd: {  	s0 =	sor.u32 s1, s0  }
0xbe: {  	s0 =	sadd.s32 $0x8F2B, s0  }
0xbf: {  	[sflag:s0] =	ssyncadd.remote.s32 $0x1  }
0xc0: {  	_ =	sfence.sel $0xFFFF  }
0xc1: {  	[dreg:$0x0] =	wrdreg $0xFFFFFFFF;
	(pc) =	sbr.abs _section_cstart, $3  }
0xc2: {  	[dreg:$0x1] =	wrdreg $0xFFFFFFFF  }
0xc3: {  	_ =	task.clear_ibuf [dreg:s8], $0x2FFFF;
	_ =	strace $0x9FFFFFFF  }
0xc4: {  	(tm) =	ssettm $0x7FFFFFFF  }
0xc5: {  	_ =	shalt  }
tec
execute0_lowered:
.L_overlay_start_1:
0x0: {  	(tag) =	ssettag $0x1  }
0x1: {  	s0 =	rddreg [dreg:$0x0]  }
0x2: {  	s2 =	rddreg [dreg:$0x1];
	s1 =	srdreg.scid  }
0x3: {  	s3 =	stileid.u32;
	s4 =	rddreg [dreg:$0x2];
	s24 =	simm.s32 $0x80  }
0x4: {  	s25 =	simm.s32 $0x100;
	s26 =	simm.s32 $0x180;
	s28 =	simm.s32 $0x5A00  }
0x5: {  	s29 =	simm.s32 $0x6200;
	s30 =	simm.s32 $0x6A00;
	s31 =	simm.s32 $0x7200  }
0x6: {  	s13 =	simm.s32 $0x9200;
	s5 =	sshll.u32 s3, $0x1;
	s3 =	simm.s32 $0x0  }
0x7: {  	s1 =	sand.u32 $0x1, s1;
	s4 =	sadd.s32 $0x1800, s4;
	[smem:$0x7FF] =	sst s3  }
0x8: {  	s5 =	sor.u32 s1, s5;
	_ =	strace $0x8000004A;
	[dreg:$0xc] =	wrdreg s24  }
0x9: {  	s1 =	ssub.s32 $0x2, s1;
	s6 =	smul.u32 $0xC0, s5;
	[dreg:$0xd] =	wrdreg s25  }
0xa: {  	s5 =	smul.u32 $0x6000, s5;
	s11 =	sshrl.u32 s1, $0x1;
	[dreg:$0xe] =	wrdreg s26  }
0xb: {  	s24 =	simm.s32 $0x4200;
	s25 =	simm.s32 $0x4A00;
	s26 =	simm.s32 $0x5200  }
0xc: {  	s1 =	ssub.s32 s1, s11;
	s11 =	simm.s32 $0x200;
	s7 =	sshrl.u32 s6, $0x3  }
0xd: {  	s8 =	sor.u32 $0x30, s6;
	s15 =	sadd.s32 $0x60, s6;
	s6 =	sadd.s32 $0x90, s6  }
0xe: {  	s17 =	sadd.s32 s4, s5;
	s5 =	sadd.s32 $0x200, s2;
	s7 =	sadd.s32 s0, s7  }
0xf: {  	s9 =	sshrl.u32 s8, $0x3;
	s16 =	sshrl.u32 s15, $0x3;
	s10 =	sshrl.u32 s6, $0x3  }
0x10: {  	s18 =	sshll.u32 s8, $0x7;
	[dreg:$0x8] =	wrdreg s17;
	s20 =	sshll.u32 s15, $0x7  }
0x11: {  	s22 =	sshll.u32 s6, $0x7;
	s6 =	sadd.s32 $0x300, s2;
	s8 =	simm.s32 $0x4  }
0x12: {  	s15 =	simm.s32 $0x3;
	[dreg:$0x4] =	wrdreg s7;
	s14 =	sadd.s32 s0, s9  }
0x13: {  	s7 =	sadd.s32 s0, s16;
	s0 =	sadd.s32 s0, s10;
	[dreg:$0x5] =	wrdreg s14  }
0x14: {  	s19 =	sadd.s32 s4, s18;
	s21 =	sadd.s32 s4, s20;
	[dreg:$0x6] =	wrdreg s7  }
0x15: {  	s23 =	sadd.s32 s4, s22;
	s4 =	sadd.s32 $0x100, s2;
	[dreg:$0x7] =	wrdreg s0  }
0x16: {  	s18 =	simm.s32 $0x1200;
	s20 =	simm.s32 $0x2200;
	[dreg:$0x9] =	wrdreg s19  }
0x17: {  	v2 =	vlaneseq.u32;
	s22 =	simm.s32 $0x3200;
	s9 =	simm.s32 $0xC200;
	[dreg:$0xa] =	wrdreg s21  }
0x18: {  	vm0 =	vmmov $0xffff;
	v1 =	vshrl.u32 v2, $0x3;
	[dreg:$0xb] =	wrdreg s23;
	s7 =	smax.u32 s1, $0x1;
	s19 =	simm.s32 $0x1A00  }
0x19: {  	v0 =	vand.u32 $0x7, v2;
	v2 =	vor.u32 $0x8, v2;
	v1 =	vmul.u32 $0x8, v1;
	s21 =	simm.s32 $0x2A00;
	s23 =	simm.s32 $0x3A00;
	s14 =	simm.s32 $0xAA00  }
.LBB2_1:
0x1a: {  	s16 =	rddreg [dreg:$0x4]  }
0x1b: {  	[tilespmem:s3], [sflag:$0x4] =	stream.linear.gather [hbm4b:s16+s3], $0x30, $0x38;
	[tilespmem:$0x18200] =	vst v63  }
0x1c: {  	_ =	swait.ge [sflag:s8], $0x30  }
0x1d: {  	s12 =	rddreg [dreg:$0x5];
	[sflag:s8] =	ssyncset.done $0x0  }
0x1e: {  	s17 =	rddreg [dreg:$0xc];
	[sflag:s8] =	ssyncadd.s32 $0xFFFFFFD0  }
0x1f: {  	[tilespmem:s17], [sflag:$0x4] =	stream.linear.gather [hbm4b:s12+s3], $0x30, $0x38;
	[tilespmem:$0x18200] =	vst v63  }
0x20: {  	_ =	swait.ge [sflag:s8], $0x30  }
0x21: {  	s17 =	rddreg [dreg:$0x6];
	[sflag:s8] =	ssyncset.done $0x0  }
0x22: {  	s0 =	rddreg [dreg:$0xd];
	[sflag:s8] =	ssyncadd.s32 $0xFFFFFFD0  }
0x23: {  	[tilespmem:s0], [sflag:$0x4] =	stream.linear.gather [hbm4b:s17+s3], $0x30, $0x38;
	[tilespmem:$0x18200] =	vst v63  }
0x24: {  	_ =	swait.ge [sflag:s8], $0x30  }
0x25: {  	s1 =	rddreg [dreg:$0x7];
	[sflag:s8] =	ssyncset.done $0x0  }
0x26: {  	s10 =	rddreg [dreg:$0xe];
	[sflag:s8] =	ssyncadd.s32 $0xFFFFFFD0  }
0x27: {  	[tilespmem:s10], [sflag:$0x4] =	stream.linear.gather [hbm4b:s1+s3], $0x30, $0x38;
	[tilespmem:$0x18200] =	vst v63  }
0x28: {  	_ =	swait.ge [sflag:s8], $0x30  }
0x29: {  	[sflag:s8] =	ssyncset.done $0x0  }
0x2a: {  	[sflag:s8] =	ssyncadd.s32 $0xFFFFFFD0  }
0x2b: {  	v3 =	vld [tilespmem:$0x0]  }
0x2c: {  	v4 =	vld [tilespmem:$0x10];
	_ =	sdelay $0x1  }
0x2d: {  	v5 =	vld [tilespmem:$0x20]  }
0x2e: {  	v6 =	vld [tilespmem:$0x80]  }
0x2f: {  	vm1 =	vgt.s32 v3, $0x0  }
0x30: {  	v7 =	vld [tilespmem:$0x90];
	v3 =	vnsel vm1, $0x0, v3;
	vm1 =	vgt.s32 v4, $0x0  }
0x31: {  	v8 =	vld [tilespmem:$0xA0];
	v4 =	vnsel vm1, $0x0, v4  }
0x32: {  	v9 =	vld [tilespmem:$0x100];
	v3 =	vmin.u32 v3, $0x7FF;
	vm1 =	vgt.s32 v5, $0x0;
	v4 =	vmin.u32 v4, $0x7FF  }
0x33: {  	v10 =	vld [tilespmem:$0x110];
	v5 =	vnsel vm1, $0x0, v5;
	vm1 =	vgt.s32 v6, $0x0;
	v12 =	vshll.u32 v3, $0x3  }
0x34: {  	[tilespmem:$0x0] =	vst v3;
	v3 =	vand.u32 $0x7, v3;
	v5 =	vmin.u32 v5, $0x7FF;
	v6 =	vnsel vm1, $0x0, v6  }
0x35: {  	v11 =	vld [tilespmem:$0x120];
	vm1 =	vgt.s32 v7, $0x0;
	v12 =	vand.u32 $0x3FC0, v12;
	v6 =	vmin.u32 v6, $0x7FF  }
0x36: {  	v40 =	vld [tilespmem:$0x180];
	[tilespmem:$0x10] =	vst v4;
	v7 =	vnsel vm1, $0x0, v7;
	vm1 =	vgt.s32 v8, $0x0;
	v3 =	vor.u32 v3, v12  }
0x37: {  	v41 =	vld [tilespmem:$0x190];
	[tilespmem:$0x20] =	vst v5;
	v38 =	vmin.u32 v7, $0x7FF;
	v39 =	vnsel vm1, $0x0, v8;
	vm1 =	vgt.s32 v9, $0x0  }
0x38: {  	v43 =	vld [tilespmem:$0x1A0];
	[tilespmem:$0x80] =	vst v6;
	v48 =	vperm.xlane v3, v0;
	v42 =	vnsel vm1, $0x0, v9;
	vm1 =	vgt.s32 v10, $0x0  }
0x39: {  	[tilespmem:$0x90] =	vst v38;
	v44 =	vmin.u32 v39, $0x7FF;
	v45 =	vnsel vm1, $0x0, v10  }
0x3a: {  	vm1 =	vgt.s32 v11, $0x0;
	[tilespmem:$0xA0] =	vst v44;
	v46 =	vmin.u32 v42, $0x7FF;
	v51 =	vadd.s32 v1, v48  }
0x3b: {  	v47 =	vnsel vm1, $0x0, v11;
	[tilespmem:$0x100] =	vst v46;
	v49 =	vmin.u32 v45, $0x7FF;
	vm1 =	vgt.s32 v40, $0x0  }
0x3c: {  	v6 =	vmin.u32 v47, $0x7FF;
	[tilespmem:$0x110] =	vst v49;
	v50 =	vnsel vm1, $0x0, v40;
	vm1 =	vgt.s32 v41, $0x0  }
0x3d: {  	[tilespmem:$0x120] =	vst v6;
	v4 =	vmin.u32 v50, $0x7FF;
	v5 =	vnsel vm1, $0x0, v41;
	vm1 =	vgt.s32 v43, $0x0  }
0x3e: {  	[tilespmem:$0x180] =	vst v4;
	v52 =	vnsel vm1, $0x0, v43;
	v5 =	vmin.u32 v5, $0x7FF  }
0x3f: {  	[tilespmem:$0x190] =	vst v5;
	v4 =	vmin.u32 v52, $0x7FF  }
0x40: {  	[tilespmem:$0x1A0] =	vst v4  }
0x41: {  	[tilespmem:s11], [sflag:$0x1] =	stream.indirect_vreg.gather [hbm4b:s2+s3], $0x80, v51, vm0, $0xb8;
	[tilespmem:$0x18200] =	vst v63  }
0x42: {  	s17 =	simm.s32 $0xA00;
	v3 =	vperm.xlane v3, v2  }
0x43: {  	[tilespmem:s17], [sflag:$0x1] =	stream.indirect_vreg.gather [hbm4b:s4+s3], $0x80, v51, vm0, $0xb8;
	[tilespmem:$0x18200] =	vst v63  }
0x44: {  	v3 =	vadd.s32 v1, v3  }
0x45: {  	[tilespmem:s18], [sflag:$0x1] =	stream.indirect_vreg.gather [hbm4b:s5+s3], $0x80, v51, vm0, $0xb8;
	[tilespmem:$0x18200] =	vst v63  }
0x46: {  	_ = 	snop  }
0x47: {  	[tilespmem:s19], [sflag:$0x1] =	stream.indirect_vreg.gather [hbm4b:s6+s3], $0x80, v51, vm0, $0xb8;
	[tilespmem:$0x18200] =	vst v63  }
0x48: {  	_ = 	snop  }
0x49: {  	[tilespmem:s20], [sflag:$0x1] =	stream.indirect_vreg.gather [hbm4b:s2+s3], $0x80, v3, vm0, $0xb8;
	[tilespmem:$0x18200] =	vst v63  }
0x4a: {  	_ = 	snop  }
0x4b: {  	[tilespmem:s21], [sflag:$0x1] =	stream.indirect_vreg.gather [hbm4b:s4+s3], $0x80, v3, vm0, $0xb8;
	[tilespmem:$0x18200] =	vst v63  }
0x4c: {  	_ = 	snop  }
0x4d: {  	[tilespmem:s22], [sflag:$0x1] =	stream.indirect_vreg.gather [hbm4b:s5+s3], $0x80, v3, vm0, $0xb8;
	[tilespmem:$0x18200] =	vst v63  }
0x4e: {  	_ = 	snop  }
0x4f: {  	[tilespmem:s23], [sflag:$0x1] =	stream.indirect_vreg.gather [hbm4b:s6+s3], $0x80, v3, vm0, $0xb8;
	[tilespmem:$0x18200] =	vst v63  }
0x50: {  	v3 =	vld [tilespmem:$0x10];
	_ =	sdelay $0x4  }
0x51: {  	v53 =	vshll.u32 v3, $0x3  }
0x52: {  	v3 =	vand.u32 $0x7, v3;
	v4 =	vand.u32 $0xFFFFFFC0, v53  }
0x53: {  	v3 =	vor.u32 v3, v4  }
0x54: {  	v4 =	vperm.xlane v3, v0;
	_ =	sdelay $0x1  }
0x55: {  	v4 =	vadd.s32 v1, v4;
	_ =	sdelay $0x4  }
0x56: {  	[tilespmem:s24], [sflag:$0x1] =	stream.indirect_vreg.gather [hbm4b:s2+s3], $0x80, v4, vm0, $0xb8;
	[tilespmem:$0x18200] =	vst v63  }
0x57: {  	v3 =	vperm.xlane v3, v2  }
0x58: {  	[tilespmem:s25], [sflag:$0x1] =	stream.indirect_vreg.gather [hbm4b:s4+s3], $0x80, v4, vm0, $0xb8;
	[tilespmem:$0x18200] =	vst v63  }
0x59: {  	v3 =	vadd.s32 v1, v3  }
0x5a: {  	[tilespmem:s26], [sflag:$0x1] =	stream.indirect_vreg.gather [hbm4b:s5+s3], $0x80, v4, vm0, $0xb8;
	[tilespmem:$0x18200] =	vst v63  }
0x5b: {  	_ = 	snop  }
0x5c: {  	[tilespmem:s28], [sflag:$0x1] =	stream.indirect_vreg.gather [hbm4b:s6+s3], $0x80, v4, vm0, $0xb8;
	[tilespmem:$0x18200] =	vst v63  }
0x5d: {  	_ = 	snop  }
0x5e: {  	[tilespmem:s29], [sflag:$0x1] =	stream.indirect_vreg.gather [hbm4b:s2+s3], $0x80, v3, vm0, $0xb8;
	[tilespmem:$0x18200] =	vst v63  }
0x5f: {  	_ = 	snop  }
0x60: {  	[tilespmem:s30], [sflag:$0x1] =	stream.indirect_vreg.gather [hbm4b:s4+s3], $0x80, v3, vm0, $0xb8;
	[tilespmem:$0x18200] =	vst v63  }
0x61: {  	_ = 	snop  }
0x62: {  	[tilespmem:s31], [sflag:$0x1] =	stream.indirect_vreg.gather [hbm4b:s5+s3], $0x80, v3, vm0, $0xb8;
	[tilespmem:$0x18200] =	vst v63  }
0x63: {  	s0 =	simm.s32 $0x7A00  }
0x64: {  	[tilespmem:s0], [sflag:$0x1] =	stream.indirect_vreg.gather [hbm4b:s6+s3], $0x80, v3, vm0, $0xb8;
	[tilespmem:$0x18200] =	vst v63  }
0x65: {  	v3 =	vld [tilespmem:$0x20];
	_ =	sdelay $0x4  }
0x66: {  	v54 =	vshll.u32 v3, $0x3  }
0x67: {  	v3 =	vand.u32 $0x7, v3;
	v4 =	vand.u32 $0xFFFFFFC0, v54  }
0x68: {  	v3 =	vor.u32 v3, v4  }
0x69: {  	v4 =	vperm.xlane v3, v0;
	_ =	sdelay $0x1  }
0x6a: {  	v4 =	vadd.s32 v1, v4;
	_ =	sdelay $0x3  }
0x6b: {  	s12 =	simm.s32 $0x8200  }
0x6c: {  	[tilespmem:s12], [sflag:$0x1] =	stream.indirect_vreg.gather [hbm4b:s2+s3], $0x80, v4, vm0, $0xb8;
	[tilespmem:$0x18200] =	vst v63  }
0x6d: {  	v3 =	vperm.xlane v3, v2;
	s12 =	simm.s32 $0x8A00  }
0x6e: {  	[tilespmem:s12], [sflag:$0x1] =	stream.indirect_vreg.gather [hbm4b:s4+s3], $0x80, v4, vm0, $0xb8;
	[tilespmem:$0x18200] =	vst v63  }
0x6f: {  	v3 =	vadd.s32 v1, v3  }
0x70: {  	[tilespmem:s13], [sflag:$0x1] =	stream.indirect_vreg.gather [hbm4b:s5+s3], $0x80, v4, vm0, $0xb8;
	[tilespmem:$0x18200] =	vst v63  }
0x71: {  	s16 =	simm.s32 $0x9A00  }
0x72: {  	[tilespmem:s16], [sflag:$0x1] =	stream.indirect_vreg.gather [hbm4b:s6+s3], $0x80, v4, vm0, $0xb8;
	[tilespmem:$0x18200] =	vst v63  }
0x73: {  	s10 =	simm.s32 $0xA200  }
0x74: {  	[tilespmem:s10], [sflag:$0x1] =	stream.indirect_vreg.gather [hbm4b:s2+s3], $0x80, v3, vm0, $0xb8;
	[tilespmem:$0x18200] =	vst v63  }
0x75: {  	_ = 	snop  }
0x76: {  	[tilespmem:s14], [sflag:$0x1] =	stream.indirect_vreg.gather [hbm4b:s4+s3], $0x80, v3, vm0, $0xb8;
	[tilespmem:$0x18200] =	vst v63  }
0x77: {  	s1 =	simm.s32 $0xB200  }
0x78: {  	[tilespmem:s1], [sflag:$0x1] =	stream.indirect_vreg.gather [hbm4b:s5+s3], $0x80, v3, vm0, $0xb8;
	[tilespmem:$0x18200] =	vst v63  }
0x79: {  	s0 =	simm.s32 $0x1;
	s16 =	simm.s32 $0xBA00  }
0x7a: {  	[tilespmem:s16], [sflag:$0x1] =	stream.indirect_vreg.gather [hbm4b:s6+s3], $0x80, v3, vm0, $0xb8;
	[tilespmem:$0x18200] =	vst v63  }
0x7b: {  	_ =	swait.ge [sflag:s0], $0xC000  }
0x7c: {  	[sflag:s0] =	ssyncset.done $0x0  }
0x7d: {  	s1 =	rddreg [dreg:$0x8];
	[sflag:s0] =	ssyncadd.s32 $0xFFFF4000  }
0x7e: {  	[hbm4b:s1+s3] =	stream.linear.scatter [tilespmem:s11], [sflag:$0x3], $0xC000, $0x38;
	[tilespmem:$0x18200] =	vst v63  }
0x7f: {  	v3 =	vld [tilespmem:$0x80];
	_ =	sdelay $0x4  }
0x80: {  	v55 =	vshll.u32 v3, $0x3  }
0x81: {  	v3 =	vand.u32 $0x7, v3;
	v4 =	vand.u32 $0xFFFFFFC0, v55  }
0x82: {  	v3 =	vor.u32 v3, v4  }
0x83: {  	v4 =	vperm.xlane v3, v0;
	_ =	sdelay $0x1  }
0x84: {  	v4 =	vadd.s32 v1, v4;
	_ =	sdelay $0x4  }
0x85: {  	[tilespmem:s9], [sflag:$0x2] =	stream.indirect_vreg.gather [hbm4b:s2+s3], $0x80, v4, vm0, $0xb8;
	[tilespmem:$0x18200] =	vst v63  }
0x86: {  	s1 =	simm.s32 $0xCA00;
	v3 =	vperm.xlane v3, v2  }
0x87: {  	[tilespmem:s1], [sflag:$0x2] =	stream.indirect_vreg.gather [hbm4b:s4+s3], $0x80, v4, vm0, $0xb8;
	[tilespmem:$0x18200] =	vst v63  }
0x88: {  	s16 =	simm.s32 $0xD200;
	v3 =	vadd.s32 v1, v3  }
0x89: {  	[tilespmem:s16], [sflag:$0x2] =	stream.indirect_vreg.gather [hbm4b:s5+s3], $0x80, v4, vm0, $0xb8;
	[tilespmem:$0x18200] =	vst v63  }
0x8a: {  	s16 =	simm.s32 $0xDA00  }
0x8b: {  	[tilespmem:s16], [sflag:$0x2] =	stream.indirect_vreg.gather [hbm4b:s6+s3], $0x80, v4, vm0, $0xb8;
	[tilespmem:$0x18200] =	vst v63  }
0x8c: {  	s16 =	simm.s32 $0xE200  }
0x8d: {  	[tilespmem:s16], [sflag:$0x2] =	stream.indirect_vreg.gather [hbm4b:s2+s3], $0x80, v3, vm0, $0xb8;
	[tilespmem:$0x18200] =	vst v63  }
0x8e: {  	s16 =	simm.s32 $0xEA00  }
0x8f: {  	[tilespmem:s16], [sflag:$0x2] =	stream.indirect_vreg.gather [hbm4b:s4+s3], $0x80, v3, vm0, $0xb8;
	[tilespmem:$0x18200] =	vst v63  }
0x90: {  	s16 =	simm.s32 $0xF200  }
0x91: {  	[tilespmem:s16], [sflag:$0x2] =	stream.indirect_vreg.gather [hbm4b:s5+s3], $0x80, v3, vm0, $0xb8;
	[tilespmem:$0x18200] =	vst v63  }
0x92: {  	s16 =	simm.s32 $0xFA00  }
0x93: {  	[tilespmem:s16], [sflag:$0x2] =	stream.indirect_vreg.gather [hbm4b:s6+s3], $0x80, v3, vm0, $0xb8;
	[tilespmem:$0x18200] =	vst v63  }
0x94: {  	v3 =	vld [tilespmem:$0x90];
	_ =	sdelay $0x4  }
0x95: {  	v56 =	vshll.u32 v3, $0x3  }
0x96: {  	v3 =	vand.u32 $0x7, v3;
	v4 =	vand.u32 $0xFFFFFFC0, v56  }
0x97: {  	v3 =	vor.u32 v3, v4  }
0x98: {  	v4 =	vperm.xlane v3, v0;
	_ =	sdelay $0x1  }
0x99: {  	v4 =	vadd.s32 v1, v4;
	_ =	sdelay $0x3  }
0x9a: {  	s16 =	simm.s32 $0x10200  }
0x9b: {  	[tilespmem:s16], [sflag:$0x2] =	stream.indirect_vreg.gather [hbm4b:s2+s3], $0x80, v4, vm0, $0xb8;
	[tilespmem:$0x18200] =	vst v63  }
0x9c: {  	v3 =	vperm.xlane v3, v2;
	s16 =	simm.s32 $0x10A00  }
0x9d: {  	[tilespmem:s16], [sflag:$0x2] =	stream.indirect_vreg.gather [hbm4b:s4+s3], $0x80, v4, vm0, $0xb8;
	[tilespmem:$0x18200] =	vst v63  }
0x9e: {  	v3 =	vadd.s32 v1, v3;
	s16 =	simm.s32 $0x11200  }
0x9f: {  	[tilespmem:s16], [sflag:$0x2] =	stream.indirect_vreg.gather [hbm4b:s5+s3], $0x80, v4, vm0, $0xb8;
	[tilespmem:$0x18200] =	vst v63  }
0xa0: {  	s16 =	simm.s32 $0x11A00  }
0xa1: {  	[tilespmem:s16], [sflag:$0x2] =	stream.indirect_vreg.gather [hbm4b:s6+s3], $0x80, v4, vm0, $0xb8;
	[tilespmem:$0x18200] =	vst v63  }
0xa2: {  	s16 =	simm.s32 $0x12200  }
0xa3: {  	[tilespmem:s16], [sflag:$0x2] =	stream.indirect_vreg.gather [hbm4b:s2+s3], $0x80, v3, vm0, $0xb8;
	[tilespmem:$0x18200] =	vst v63  }
0xa4: {  	s16 =	simm.s32 $0x12A00  }
0xa5: {  	[tilespmem:s16], [sflag:$0x2] =	stream.indirect_vreg.gather [hbm4b:s4+s3], $0x80, v3, vm0, $0xb8;
	[tilespmem:$0x18200] =	vst v63  }
0xa6: {  	s16 =	simm.s32 $0x13200  }
0xa7: {  	[tilespmem:s16], [sflag:$0x2] =	stream.indirect_vreg.gather [hbm4b:s5+s3], $0x80, v3, vm0, $0xb8;
	[tilespmem:$0x18200] =	vst v63  }
0xa8: {  	s16 =	simm.s32 $0x13A00  }
0xa9: {  	[tilespmem:s16], [sflag:$0x2] =	stream.indirect_vreg.gather [hbm4b:s6+s3], $0x80, v3, vm0, $0xb8;
	[tilespmem:$0x18200] =	vst v63  }
0xaa: {  	v3 =	vld [tilespmem:$0xA0];
	_ =	sdelay $0x4  }
0xab: {  	v57 =	vshll.u32 v3, $0x3  }
0xac: {  	v3 =	vand.u32 $0x7, v3;
	v4 =	vand.u32 $0xFFFFFFC0, v57  }
0xad: {  	v3 =	vor.u32 v3, v4  }
0xae: {  	v4 =	vperm.xlane v3, v0;
	_ =	sdelay $0x1  }
0xaf: {  	v4 =	vadd.s32 v1, v4;
	_ =	sdelay $0x3  }
0xb0: {  	s16 =	simm.s32 $0x14200  }
0xb1: {  	[tilespmem:s16], [sflag:$0x2] =	stream.indirect_vreg.gather [hbm4b:s2+s3], $0x80, v4, vm0, $0xb8;
	[tilespmem:$0x18200] =	vst v63  }
0xb2: {  	v3 =	vperm.xlane v3, v2;
	s16 =	simm.s32 $0x14A00  }
0xb3: {  	[tilespmem:s16], [sflag:$0x2] =	stream.indirect_vreg.gather [hbm4b:s4+s3], $0x80, v4, vm0, $0xb8;
	[tilespmem:$0x18200] =	vst v63  }
0xb4: {  	v3 =	vadd.s32 v1, v3;
	s16 =	simm.s32 $0x15200  }
0xb5: {  	[tilespmem:s16], [sflag:$0x2] =	stream.indirect_vreg.gather [hbm4b:s5+s3], $0x80, v4, vm0, $0xb8;
	[tilespmem:$0x18200] =	vst v63  }
0xb6: {  	s16 =	simm.s32 $0x15A00  }
0xb7: {  	[tilespmem:s16], [sflag:$0x2] =	stream.indirect_vreg.gather [hbm4b:s6+s3], $0x80, v4, vm0, $0xb8;
	[tilespmem:$0x18200] =	vst v63  }
0xb8: {  	s16 =	simm.s32 $0x16200  }
0xb9: {  	[tilespmem:s16], [sflag:$0x2] =	stream.indirect_vreg.gather [hbm4b:s2+s3], $0x80, v3, vm0, $0xb8;
	[tilespmem:$0x18200] =	vst v63  }
0xba: {  	s16 =	simm.s32 $0x16A00  }
0xbb: {  	[tilespmem:s16], [sflag:$0x2] =	stream.indirect_vreg.gather [hbm4b:s4+s3], $0x80, v3, vm0, $0xb8;
	[tilespmem:$0x18200] =	vst v63  }
0xbc: {  	s16 =	simm.s32 $0x17200  }
0xbd: {  	[tilespmem:s16], [sflag:$0x2] =	stream.indirect_vreg.gather [hbm4b:s5+s3], $0x80, v3, vm0, $0xb8;
	[tilespmem:$0x18200] =	vst v63  }
0xbe: {  	s1 =	simm.s32 $0x2;
	s16 =	simm.s32 $0x17A00  }
0xbf: {  	[tilespmem:s16], [sflag:$0x2] =	stream.indirect_vreg.gather [hbm4b:s6+s3], $0x80, v3, vm0, $0xb8;
	[tilespmem:$0x18200] =	vst v63  }
0xc0: {  	_ =	swait.ge [sflag:s1], $0xC000  }
0xc1: {  	[sflag:s1] =	ssyncset.done $0x0  }
0xc2: {  	s16 =	rddreg [dreg:$0x9];
	[sflag:s1] =	ssyncadd.s32 $0xFFFF4000  }
0xc3: {  	[hbm4b:s16+s3] =	stream.linear.scatter [tilespmem:s9], [sflag:$0x3], $0xC000, $0x38;
	[tilespmem:$0x18200] =	vst v63  }
0xc4: {  	_ =	swait.ge [sflag:s15], $0xC000  }
0xc5: {  	[sflag:s15] =	ssyncset.done $0x0  }
0xc6: {  	[sflag:s15] =	ssyncadd.s32 $0xFFFF4000  }
0xc7: {  	v3 =	vld [tilespmem:$0x100];
	_ =	sdelay $0x4  }
0xc8: {  	v58 =	vshll.u32 v3, $0x3  }
0xc9: {  	v3 =	vand.u32 $0x7, v3;
	v4 =	vand.u32 $0xFFFFFFC0, v58  }
0xca: {  	v3 =	vor.u32 v3, v4  }
0xcb: {  	v4 =	vperm.xlane v3, v0;
	_ =	sdelay $0x1  }
0xcc: {  	v4 =	vadd.s32 v1, v4;
	_ =	sdelay $0x4  }
0xcd: {  	[tilespmem:s11], [sflag:$0x1] =	stream.indirect_vreg.gather [hbm4b:s2+s3], $0x80, v4, vm0, $0xb8;
	[tilespmem:$0x18200] =	vst v63  }
0xce: {  	v3 =	vperm.xlane v3, v2  }
0xcf: {  	[tilespmem:s17], [sflag:$0x1] =	stream.indirect_vreg.gather [hbm4b:s4+s3], $0x80, v4, vm0, $0xb8;
	[tilespmem:$0x18200] =	vst v63  }
0xd0: {  	v3 =	vadd.s32 v1, v3  }
0xd1: {  	[tilespmem:s18], [sflag:$0x1] =	stream.indirect_vreg.gather [hbm4b:s5+s3], $0x80, v4, vm0, $0xb8;
	[tilespmem:$0x18200] =	vst v63  }
0xd2: {  	_ = 	snop  }
0xd3: {  	[tilespmem:s19], [sflag:$0x1] =	stream.indirect_vreg.gather [hbm4b:s6+s3], $0x80, v4, vm0, $0xb8;
	[tilespmem:$0x18200] =	vst v63  }
0xd4: {  	_ = 	snop  }
0xd5: {  	[tilespmem:s20], [sflag:$0x1] =	stream.indirect_vreg.gather [hbm4b:s2+s3], $0x80, v3, vm0, $0xb8;
	[tilespmem:$0x18200] =	vst v63  }
0xd6: {  	_ = 	snop  }
0xd7: {  	[tilespmem:s21], [sflag:$0x1] =	stream.indirect_vreg.gather [hbm4b:s4+s3], $0x80, v3, vm0, $0xb8;
	[tilespmem:$0x18200] =	vst v63  }
0xd8: {  	_ = 	snop  }
0xd9: {  	[tilespmem:s22], [sflag:$0x1] =	stream.indirect_vreg.gather [hbm4b:s5+s3], $0x80, v3, vm0, $0xb8;
	[tilespmem:$0x18200] =	vst v63  }
0xda: {  	_ = 	snop  }
0xdb: {  	[tilespmem:s23], [sflag:$0x1] =	stream.indirect_vreg.gather [hbm4b:s6+s3], $0x80, v3, vm0, $0xb8;
	[tilespmem:$0x18200] =	vst v63  }
0xdc: {  	v3 =	vld [tilespmem:$0x110];
	_ =	sdelay $0x4  }
0xdd: {  	v59 =	vshll.u32 v3, $0x3  }
0xde: {  	v3 =	vand.u32 $0x7, v3;
	v4 =	vand.u32 $0xFFFFFFC0, v59  }
0xdf: {  	v3 =	vor.u32 v3, v4  }
0xe0: {  	v4 =	vperm.xlane v3, v0;
	_ =	sdelay $0x1  }
0xe1: {  	v4 =	vadd.s32 v1, v4;
	_ =	sdelay $0x4  }
0xe2: {  	[tilespmem:s24], [sflag:$0x1] =	stream.indirect_vreg.gather [hbm4b:s2+s3], $0x80, v4, vm0, $0xb8;
	[tilespmem:$0x18200] =	vst v63  }
0xe3: {  	v3 =	vperm.xlane v3, v2  }
0xe4: {  	[tilespmem:s25], [sflag:$0x1] =	stream.indirect_vreg.gather [hbm4b:s4+s3], $0x80, v4, vm0, $0xb8;
	[tilespmem:$0x18200] =	vst v63  }
0xe5: {  	v3 =	vadd.s32 v1, v3  }
0xe6: {  	[tilespmem:s26], [sflag:$0x1] =	stream.indirect_vreg.gather [hbm4b:s5+s3], $0x80, v4, vm0, $0xb8;
	[tilespmem:$0x18200] =	vst v63  }
0xe7: {  	_ = 	snop  }
0xe8: {  	[tilespmem:s28], [sflag:$0x1] =	stream.indirect_vreg.gather [hbm4b:s6+s3], $0x80, v4, vm0, $0xb8;
	[tilespmem:$0x18200] =	vst v63  }
0xe9: {  	_ = 	snop  }
0xea: {  	[tilespmem:s29], [sflag:$0x1] =	stream.indirect_vreg.gather [hbm4b:s2+s3], $0x80, v3, vm0, $0xb8;
	[tilespmem:$0x18200] =	vst v63  }
0xeb: {  	_ = 	snop  }
0xec: {  	[tilespmem:s30], [sflag:$0x1] =	stream.indirect_vreg.gather [hbm4b:s4+s3], $0x80, v3, vm0, $0xb8;
	[tilespmem:$0x18200] =	vst v63  }
0xed: {  	_ = 	snop  }
0xee: {  	[tilespmem:s31], [sflag:$0x1] =	stream.indirect_vreg.gather [hbm4b:s5+s3], $0x80, v3, vm0, $0xb8;
	[tilespmem:$0x18200] =	vst v63  }
0xef: {  	s17 =	simm.s32 $0x7A00  }
0xf0: {  	[tilespmem:s17], [sflag:$0x1] =	stream.indirect_vreg.gather [hbm4b:s6+s3], $0x80, v3, vm0, $0xb8;
	[tilespmem:$0x18200] =	vst v63  }
0xf1: {  	v3 =	vld [tilespmem:$0x120];
	_ =	sdelay $0x4  }
0xf2: {  	v60 =	vshll.u32 v3, $0x3  }
0xf3: {  	v3 =	vand.u32 $0x7, v3;
	v4 =	vand.u32 $0xFFFFFFC0, v60  }
0xf4: {  	v3 =	vor.u32 v3, v4  }
0xf5: {  	v4 =	vperm.xlane v3, v0;
	_ =	sdelay $0x1  }
0xf6: {  	v4 =	vadd.s32 v1, v4;
	_ =	sdelay $0x3  }
0xf7: {  	s17 =	simm.s32 $0x8200  }
0xf8: {  	[tilespmem:s17], [sflag:$0x1] =	stream.indirect_vreg.gather [hbm4b:s2+s3], $0x80, v4, vm0, $0xb8;
	[tilespmem:$0x18200] =	vst v63  }
0xf9: {  	v3 =	vperm.xlane v3, v2  }
0xfa: {  	[tilespmem:s12], [sflag:$0x1] =	stream.indirect_vreg.gather [hbm4b:s4+s3], $0x80, v4, vm0, $0xb8;
	[tilespmem:$0x18200] =	vst v63  }
0xfb: {  	v3 =	vadd.s32 v1, v3  }
0xfc: {  	[tilespmem:s13], [sflag:$0x1] =	stream.indirect_vreg.gather [hbm4b:s5+s3], $0x80, v4, vm0, $0xb8;
	[tilespmem:$0x18200] =	vst v63  }
0xfd: {  	s17 =	simm.s32 $0x9A00  }
0xfe: {  	[tilespmem:s17], [sflag:$0x1] =	stream.indirect_vreg.gather [hbm4b:s6+s3], $0x80, v4, vm0, $0xb8;
	[tilespmem:$0x18200] =	vst v63  }
0xff: {  	_ = 	snop  }
0x100: {  	[tilespmem:s10], [sflag:$0x1] =	stream.indirect_vreg.gather [hbm4b:s2+s3], $0x80, v3, vm0, $0xb8;
	[tilespmem:$0x18200] =	vst v63  }
0x101: {  	_ = 	snop  }
0x102: {  	[tilespmem:s14], [sflag:$0x1] =	stream.indirect_vreg.gather [hbm4b:s4+s3], $0x80, v3, vm0, $0xb8;
	[tilespmem:$0x18200] =	vst v63  }
0x103: {  	s12 =	simm.s32 $0xB200  }
0x104: {  	[tilespmem:s12], [sflag:$0x1] =	stream.indirect_vreg.gather [hbm4b:s5+s3], $0x80, v3, vm0, $0xb8;
	[tilespmem:$0x18200] =	vst v63  }
0x105: {  	s16 =	simm.s32 $0xBA00  }
0x106: {  	[tilespmem:s16], [sflag:$0x1] =	stream.indirect_vreg.gather [hbm4b:s6+s3], $0x80, v3, vm0, $0xb8;
	[tilespmem:$0x18200] =	vst v63  }
0x107: {  	_ =	swait.ge [sflag:s0], $0xC000  }
0x108: {  	[sflag:s0] =	ssyncset.done $0x0  }
0x109: {  	s17 =	rddreg [dreg:$0xa];
	[sflag:s0] =	ssyncadd.s32 $0xFFFF4000  }
0x10a: {  	[hbm4b:s17+s3] =	stream.linear.scatter [tilespmem:s11], [sflag:$0x3], $0xC000, $0x38;
	[tilespmem:$0x18200] =	vst v63  }
0x10b: {  	_ =	swait.ge [sflag:s15], $0xC000  }
0x10c: {  	[sflag:s15] =	ssyncset.done $0x0  }
0x10d: {  	[sflag:s15] =	ssyncadd.s32 $0xFFFF4000  }
0x10e: {  	v3 =	vld [tilespmem:$0x180];
	_ =	sdelay $0x4  }
0x10f: {  	v61 =	vshll.u32 v3, $0x3  }
0x110: {  	v3 =	vand.u32 $0x7, v3;
	v4 =	vand.u32 $0xFFFFFFC0, v61  }
0x111: {  	v3 =	vor.u32 v3, v4  }
0x112: {  	v4 =	vperm.xlane v3, v0;
	_ =	sdelay $0x1  }
0x113: {  	v4 =	vadd.s32 v1, v4;
	_ =	sdelay $0x4  }
0x114: {  	[tilespmem:s9], [sflag:$0x2] =	stream.indirect_vreg.gather [hbm4b:s2+s3], $0x80, v4, vm0, $0xb8;
	[tilespmem:$0x18200] =	vst v63  }
0x115: {  	s10 =	simm.s32 $0xCA00;
	v3 =	vperm.xlane v3, v2  }
0x116: {  	[tilespmem:s10], [sflag:$0x2] =	stream.indirect_vreg.gather [hbm4b:s4+s3], $0x80, v4, vm0, $0xb8;
	[tilespmem:$0x18200] =	vst v63  }
0x117: {  	s12 =	simm.s32 $0xD200;
	v3 =	vadd.s32 v1, v3  }
0x118: {  	[tilespmem:s12], [sflag:$0x2] =	stream.indirect_vreg.gather [hbm4b:s5+s3], $0x80, v4, vm0, $0xb8;
	[tilespmem:$0x18200] =	vst v63  }
0x119: {  	s16 =	simm.s32 $0xDA00  }
0x11a: {  	[tilespmem:s16], [sflag:$0x2] =	stream.indirect_vreg.gather [hbm4b:s6+s3], $0x80, v4, vm0, $0xb8;
	[tilespmem:$0x18200] =	vst v63  }
0x11b: {  	s17 =	simm.s32 $0xE200  }
0x11c: {  	[tilespmem:s17], [sflag:$0x2] =	stream.indirect_vreg.gather [hbm4b:s2+s3], $0x80, v3, vm0, $0xb8;
	[tilespmem:$0x18200] =	vst v63  }
0x11d: {  	s10 =	simm.s32 $0xEA00  }
0x11e: {  	[tilespmem:s10], [sflag:$0x2] =	stream.indirect_vreg.gather [hbm4b:s4+s3], $0x80, v3, vm0, $0xb8;
	[tilespmem:$0x18200] =	vst v63  }
0x11f: {  	s12 =	simm.s32 $0xF200  }
0x120: {  	[tilespmem:s12], [sflag:$0x2] =	stream.indirect_vreg.gather [hbm4b:s5+s3], $0x80, v3, vm0, $0xb8;
	[tilespmem:$0x18200] =	vst v63  }
0x121: {  	s16 =	simm.s32 $0xFA00  }
0x122: {  	[tilespmem:s16], [sflag:$0x2] =	stream.indirect_vreg.gather [hbm4b:s6+s3], $0x80, v3, vm0, $0xb8;
	[tilespmem:$0x18200] =	vst v63  }
0x123: {  	v3 =	vld [tilespmem:$0x190];
	_ =	sdelay $0x4  }
0x124: {  	v62 =	vshll.u32 v3, $0x3  }
0x125: {  	v3 =	vand.u32 $0x7, v3;
	v4 =	vand.u32 $0xFFFFFFC0, v62  }
0x126: {  	v3 =	vor.u32 v3, v4  }
0x127: {  	v4 =	vperm.xlane v3, v0;
	_ =	sdelay $0x1  }
0x128: {  	v4 =	vadd.s32 v1, v4;
	_ =	sdelay $0x3  }
0x129: {  	s17 =	simm.s32 $0x10200  }
0x12a: {  	[tilespmem:s17], [sflag:$0x2] =	stream.indirect_vreg.gather [hbm4b:s2+s3], $0x80, v4, vm0, $0xb8;
	[tilespmem:$0x18200] =	vst v63  }
0x12b: {  	s10 =	simm.s32 $0x10A00;
	v3 =	vperm.xlane v3, v2  }
0x12c: {  	[tilespmem:s10], [sflag:$0x2] =	stream.indirect_vreg.gather [hbm4b:s4+s3], $0x80, v4, vm0, $0xb8;
	[tilespmem:$0x18200] =	vst v63  }
0x12d: {  	s12 =	simm.s32 $0x11200;
	v3 =	vadd.s32 v1, v3  }
0x12e: {  	[tilespmem:s12], [sflag:$0x2] =	stream.indirect_vreg.gather [hbm4b:s5+s3], $0x80, v4, vm0, $0xb8;
	[tilespmem:$0x18200] =	vst v63  }
0x12f: {  	s16 =	simm.s32 $0x11A00  }
0x130: {  	[tilespmem:s16], [sflag:$0x2] =	stream.indirect_vreg.gather [hbm4b:s6+s3], $0x80, v4, vm0, $0xb8;
	[tilespmem:$0x18200] =	vst v63  }
0x131: {  	s17 =	simm.s32 $0x12200  }
0x132: {  	[tilespmem:s17], [sflag:$0x2] =	stream.indirect_vreg.gather [hbm4b:s2+s3], $0x80, v3, vm0, $0xb8;
	[tilespmem:$0x18200] =	vst v63  }
0x133: {  	s10 =	simm.s32 $0x12A00  }
0x134: {  	[tilespmem:s10], [sflag:$0x2] =	stream.indirect_vreg.gather [hbm4b:s4+s3], $0x80, v3, vm0, $0xb8;
	[tilespmem:$0x18200] =	vst v63  }
0x135: {  	s12 =	simm.s32 $0x13200  }
0x136: {  	[tilespmem:s12], [sflag:$0x2] =	stream.indirect_vreg.gather [hbm4b:s5+s3], $0x80, v3, vm0, $0xb8;
	[tilespmem:$0x18200] =	vst v63  }
0x137: {  	s16 =	simm.s32 $0x13A00  }
0x138: {  	[tilespmem:s16], [sflag:$0x2] =	stream.indirect_vreg.gather [hbm4b:s6+s3], $0x80, v3, vm0, $0xb8;
	[tilespmem:$0x18200] =	vst v63  }
0x139: {  	v3 =	vld [tilespmem:$0x1A0];
	_ =	sdelay $0x4  }
0x13a: {  	v63 =	vshll.u32 v3, $0x3  }
0x13b: {  	v3 =	vand.u32 $0x7, v3;
	v4 =	vand.u32 $0xFFFFFFC0, v63  }
0x13c: {  	v3 =	vor.u32 v3, v4  }
0x13d: {  	v4 =	vperm.xlane v3, v0;
	_ =	sdelay $0x1  }
0x13e: {  	v4 =	vadd.s32 v1, v4;
	_ =	sdelay $0x3  }
0x13f: {  	s17 =	simm.s32 $0x14200  }
0x140: {  	[tilespmem:s17], [sflag:$0x2] =	stream.indirect_vreg.gather [hbm4b:s2+s3], $0x80, v4, vm0, $0xb8;
	[tilespmem:$0x18200] =	vst v63  }
0x141: {  	s10 =	simm.s32 $0x14A00;
	v3 =	vperm.xlane v3, v2  }
0x142: {  	[tilespmem:s10], [sflag:$0x2] =	stream.indirect_vreg.gather [hbm4b:s4+s3], $0x80, v4, vm0, $0xb8;
	[tilespmem:$0x18200] =	vst v63  }
0x143: {  	s12 =	simm.s32 $0x15200;
	v3 =	vadd.s32 v1, v3  }
0x144: {  	[tilespmem:s12], [sflag:$0x2] =	stream.indirect_vreg.gather [hbm4b:s5+s3], $0x80, v4, vm0, $0xb8;
	[tilespmem:$0x18200] =	vst v63  }
0x145: {  	s16 =	simm.s32 $0x15A00  }
0x146: {  	[tilespmem:s16], [sflag:$0x2] =	stream.indirect_vreg.gather [hbm4b:s6+s3], $0x80, v4, vm0, $0xb8;
	[tilespmem:$0x18200] =	vst v63  }
0x147: {  	s17 =	simm.s32 $0x16200  }
0x148: {  	[tilespmem:s17], [sflag:$0x2] =	stream.indirect_vreg.gather [hbm4b:s2+s3], $0x80, v3, vm0, $0xb8;
	[tilespmem:$0x18200] =	vst v63  }
0x149: {  	s10 =	simm.s32 $0x16A00  }
0x14a: {  	[tilespmem:s10], [sflag:$0x2] =	stream.indirect_vreg.gather [hbm4b:s4+s3], $0x80, v3, vm0, $0xb8;
	[tilespmem:$0x18200] =	vst v63  }
0x14b: {  	s12 =	simm.s32 $0x17200  }
0x14c: {  	[tilespmem:s12], [sflag:$0x2] =	stream.indirect_vreg.gather [hbm4b:s5+s3], $0x80, v3, vm0, $0xb8;
	[tilespmem:$0x18200] =	vst v63  }
0x14d: {  	s16 =	simm.s32 $0x17A00  }
0x14e: {  	[tilespmem:s16], [sflag:$0x2] =	stream.indirect_vreg.gather [hbm4b:s6+s3], $0x80, v3, vm0, $0xb8;
	[tilespmem:$0x18200] =	vst v63  }
0x14f: {  	_ =	swait.ge [sflag:s1], $0xC000  }
0x150: {  	[sflag:s1] =	ssyncset.done $0x0  }
0x151: {  	s17 =	rddreg [dreg:$0xb];
	[sflag:s1] =	ssyncadd.s32 $0xFFFF4000  }
0x152: {  	[hbm4b:s17+s3] =	stream.linear.scatter [tilespmem:s9], [sflag:$0x3], $0xC000, $0x38;
	[tilespmem:$0x18200] =	vst v63  }
0x153: {  	p0 =	sne.s32 s7, $0x1;
	_ =	swait.ge [sflag:s15], $0xC000  }
.Ltmp0:
0x154: {  	[sflag:s15] =	ssyncset.done $0x0;
	(pc) =	sbr.rel @p0 .LBB2_1-.Ltmp0, $4  }
0x155: {  	[sflag:s15] =	ssyncadd.s32 $0xFFFF4000  }
0x156: {  	_ =	swait.ge [sflag:s15], $0xC000  }
0x157: {  	[sflag:s15] =	ssyncset.done $0x0  }
0x158: {  	s7 =	sadd.s32 $0xFFFFFFFF, s7;
	[sflag:s15] =	ssyncadd.s32 $0xFFFF4000  }
0x159: {  	_ =	sfence.sel $0x180000  }
0x15a: {  	[bflag:$0x0] =	sbarrier.arrive $0xFFFF  }
0x15b: {  	_ =	strace $0x9000004A  }
0x15c: {  	s0 =	stileid.u32;
	[bflag:$0x2] =	sbarrier.arrive $0xFFFF  }
0x15d: {  	p0 =	sne.s32 s0, $0x0;
	s0 =	rddreg [dreg:$0x3]  }
0x15e: {  	s0 =	sadd.s32 @!p0 $0x100000, s0  }
0x15f: {  	[sflag:s0] =	ssyncadd.tile.s32 @!p0 $0x1;
	_ =	shalt  }
.Lfunc_end2:
_tile_overlayer_lowered:
.L_overlay_start_2:
0x160: {  	(tag) =	ssettag $0x2  }
0x161: {  	s0 =	rddreg [dreg:$0x0];
	s2 =	stileid.u32  }
0x162: {  	s1 =	rddreg [dreg:$0x1];
	p0 =	sne.s32 s2, $0x0  }
0x163: {  	s3 =	rddreg [dreg:$0x2];
	[bflag:$0x3] =	sbarrier.arrive $0xFFFF;
	s2 =	simm.s32 @!p0 $0x1C04  }
0x164: {  	[timem:s3], [sflag:s2] =	dma.local @!p0 [hbm:s0], s1  }
0x165: {  	s0 =	simm.s32 @!p0 $0x4  }
0x166: {  	_ =	swait.ge @!p0 [sflag:s0], s1  }
0x167: {  	s1 =	ssub.s32 @!p0 $0x0, s1;
	[sflag:s0] =	ssyncset.done @!p0 $0x0  }
0x168: {  	[sflag:s0] =	ssyncadd.s32 @!p0 s1  }
0x169: {  	[bflag:$0x3] =	sbarrier.arrive $0xFFFF  }
0x16a: {  	_ =	shalt  }

// kernel: kernel.13.cloned.1.call-start
scs
__scs_entry_jumppad:
0x0: {  	(pc) =	sbr.rel $0x88, $3  }
0x1: {  	(tag) =	ssettag $0x0;
	lr =	simm.s32 $0x1  }
0x2: {  	[smem:$0x3F9C] =	sst lr;
	_ =	strace $0xD0000000  }
0x3: {  	_ = 	snop  }
0x4: {  	_ = 	snop  }
0x5: {  	_ = 	snop  }
0x6: {  	_ = 	snop  }
0x7: {  	_ = 	snop  }
__scs_overlays_trampoline_lowered:
0x8: {  	[smem:$0x3FAB] =	sst s0  }
0x9: {  	[smem:$0x3FAC] =	sst s1  }
0xa: {  	[smem:$0x3FAD] =	sst s2  }
0xb: {  	[smem:$0x3FAE] =	sst s3  }
0xc: {  	[smem:$0x3FAF] =	sst s4  }
0xd: {  	[smem:$0x3FB0] =	sst s5  }
0xe: {  	[smem:$0x3FB1] =	sst s6  }
0xf: {  	[smem:$0x3FB2] =	sst s7  }
0x10: {  	[smem:$0x3FB3] =	sst s8  }
0x11: {  	[smem:$0x3FB4] =	sst s9;
	s0 =	simm.s32 @!p0 $0x0  }
0x12: {  	s1 =	sld [smem:$0x3F9A];
	s0 =	simm.s32 @p0 $0x1  }
0x13: {  	[smem:$0x3FB5] =	sst s0;
	s0 =	simm.s32 @!p1 $0x0  }
0x14: {  	s2 =	sld [smem:$0x3F99];
	s0 =	simm.s32 @p1 $0x1  }
0x15: {  	[smem:$0x3FB6] =	sst s0;
	s0 =	simm.s32 @!p2 $0x0  }
0x16: {  	s3 =	sld [smem:$0x3FDB];
	s0 =	simm.s32 @p2 $0x1  }
0x17: {  	s4 =	simm.s32 $0x1BF5;
	[smem:$0x3FB8] =	sst s0  }
0x18: {  	s0 =	sld [smem:$0x3F9B];
	_ =	swait.ge [sflag:s4], $0x0  }
0x19: {  	s7 =	sld [smem:$0x3F9C]  }
0x1a: {  	s8 =	sadd.s32 $0xFFFFE003, lr  }
0x1b: {  	s9 =	sadd.s32 $0xFFFFFEF7, lr;
	s5 =	simm.s32 $0xFFFFFFFF;
	p2 =	slt.u32 s8, $0xFFFFF086  }
0x1c: {  	p1 =	slt.u32 s9, $0xF7A;
	s5 =	simm.s32 @!p2 $0x0  }
0x1d: {  	s5 =	simm.s32 @p1 $0x1;
	p0 =	seq.s32 s7, s2  }
0x1e: {  	s7 =	smul.u32 @!p0 $0xF7A, s2;
	p2 =	seq.s32 @!p0 s5, $0x0  }
0x1f: {  	s9 =	smul.u32 $0xF7A, s1;
	s8 =	simm.s32 @!p0 $0x1BF5;
	p2 =	por !p2, p0  }
0x20: {  	[sflag:s8] =	ssyncset.s32 @!p0 $0xFFFFF086;
	s6 =	sadd.s32 @!p0 s3, s7;
	s7 =	simm.s32 @!p0 $0x108  }
0x21: {  	s3 =	sadd.s32 s3, s9;
	s6 =	sadd.s32 @!p0 $0x88, s6;
	s7 =	simm.s32 @p2 $0x1082  }
0x22: {  	[simem:s7], [sflag:s8] =	dma.local @!p0 [hbm:s6], $0xF7A  }
0x23: {  	s9 =	sor.u32 $0xD0000000, s2;
	s6 =	simm.s32 $0x108;
	_ =	swait.ge @!p0 [sflag:s8], $0x0  }
0x24: {  	s3 =	sadd.s32 $0x88, s3;
	s6 =	simm.s32 @!p1 $0x1082;
	[sflag:s4] =	ssyncset.s32 $0xFFFFF086  }
0x25: {  	[simem:s6], [sflag:s4] =	dma.local [hbm:s3], $0xF7A  }
0x26: {  	[smem:$0x3F9C] =	sst s1;
	(tag) =	ssettag s2;
	_ =	strace s9  }
0x27: {  	s1 =	sld [smem:$0x3FAC]  }
0x28: {  	s2 =	sld [smem:$0x3FAD]  }
0x29: {  	s4 =	sld [smem:$0x3FAF]  }
0x2a: {  	p0 =	seq.s32 s5, $0x0;
	s5 =	sld [smem:$0x3FB0]  }
0x2b: {  	s6 =	sld [smem:$0x3FB1]  }
0x2c: {  	s7 =	sld [smem:$0x3FB2]  }
0x2d: {  	s3 =	simm.s32 $0x108;
	s8 =	sld [smem:$0x3FB3]  }
0x2e: {  	s3 =	simm.s32 @!p0 $0x1082;
	s9 =	sld [smem:$0x3FB4]  }
0x2f: {  	lr =	sadd.s32 s0, s3;
	s0 =	sld [smem:$0x3FAB]  }
0x30: {  	s3 =	sld [smem:$0x3FAE]  }
0x31: {  	[smem:$0x3FB7] =	sst s10  }
0x32: {  	s10 =	sld [smem:$0x3FB5];
	_ =	sdelay $0x3  }
0x33: {  	p0 =	seq.s32 s10, $0x1;
	s10 =	sld [smem:$0x3FB7];
	_ =	sdelay $0x3  }
0x34: {  	[smem:$0x3FB7] =	sst s10  }
0x35: {  	s10 =	sld [smem:$0x3FB6];
	_ =	sdelay $0x3  }
0x36: {  	p1 =	seq.s32 s10, $0x1;
	s10 =	sld [smem:$0x3FB7];
	_ =	sdelay $0x3  }
0x37: {  	[smem:$0x3FB7] =	sst s10  }
0x38: {  	s10 =	sld [smem:$0x3FB8]  }
0x39: {  	_ = 	snop;
	(pc) =	sbr.ind lr, $3  }
0x3a: {  	_ = 	snop  }
0x3b: {  	_ = 	snop  }
0x3c: {  	p2 =	seq.s32 s10, $0x1;
	s10 =	sld [smem:$0x3FB7]  }
0x3d: {  	_ =	shalt  }
0x3e: {  	_ =	shalt  }
0x3f: {  	_ =	shalt  }
0x40: {  	_ =	shalt  }
0x41: {  	_ =	shalt  }
0x42: {  	_ =	shalt  }
0x43: {  	_ =	shalt  }
0x44: {  	_ =	shalt  }
0x45: {  	_ =	shalt  }
0x46: {  	_ =	shalt  }
0x47: {  	_ =	shalt  }
0x48: {  	_ =	shalt  }
0x49: {  	_ =	shalt  }
0x4a: {  	_ =	shalt  }
0x4b: {  	_ =	shalt  }
0x4c: {  	_ =	shalt  }
0x4d: {  	_ =	shalt  }
0x4e: {  	_ =	shalt  }
0x4f: {  	_ =	shalt  }
0x50: {  	_ =	shalt  }
0x51: {  	_ =	shalt  }
0x52: {  	_ =	shalt  }
0x53: {  	_ =	shalt  }
0x54: {  	_ =	shalt  }
0x55: {  	_ =	shalt  }
0x56: {  	_ =	shalt  }
0x57: {  	_ =	shalt  }
0x58: {  	_ =	shalt  }
0x59: {  	_ =	shalt  }
0x5a: {  	_ =	shalt  }
0x5b: {  	_ =	shalt  }
0x5c: {  	_ =	shalt  }
0x5d: {  	_ =	shalt  }
0x5e: {  	_ =	shalt  }
0x5f: {  	_ =	shalt  }
0x60: {  	_ =	shalt  }
0x61: {  	_ =	shalt  }
0x62: {  	_ =	shalt  }
0x63: {  	_ =	shalt  }
0x64: {  	_ =	shalt  }
0x65: {  	_ =	shalt  }
0x66: {  	_ =	shalt  }
0x67: {  	_ =	shalt  }
0x68: {  	_ =	shalt  }
0x69: {  	_ =	shalt  }
0x6a: {  	_ =	shalt  }
0x6b: {  	_ =	shalt  }
0x6c: {  	_ =	shalt  }
0x6d: {  	_ =	shalt  }
0x6e: {  	_ =	shalt  }
0x6f: {  	_ =	shalt  }
0x70: {  	_ =	shalt  }
0x71: {  	_ =	shalt  }
0x72: {  	_ =	shalt  }
0x73: {  	_ =	shalt  }
0x74: {  	_ =	shalt  }
0x75: {  	_ =	shalt  }
0x76: {  	_ =	shalt  }
0x77: {  	_ =	shalt  }
0x78: {  	_ =	shalt  }
0x79: {  	_ =	shalt  }
0x7a: {  	_ =	shalt  }
0x7b: {  	_ =	shalt  }
0x7c: {  	_ =	shalt  }
0x7d: {  	_ =	shalt  }
0x7e: {  	_ =	shalt  }
0x7f: {  	_ =	shalt  }
0x80: {  	_ =	shalt  }
0x81: {  	_ =	shalt  }
0x82: {  	_ =	shalt  }
0x83: {  	_ =	shalt  }
0x84: {  	_ =	shalt  }
0x85: {  	_ =	shalt  }
0x86: {  	_ =	shalt  }
0x87: {  	_ =	shalt  }
.Lfunc_end0:
.L_simem_size_0:
called_computation.2_lowered:
.L_overlay_start_0:
0x88: {  	s2 =	sld [smem:$0x3FD9]  }
0x89: {  	s3 =	sld [smem:$0x3FFE];
	_ =	sdelay $0x1  }
0x8a: {  	s1 =	srdreg.scid  }
0x8b: {  	s0 =	sand.u32 $0x1, s1  }
0x8c: {  	s17 =	sshll.u32 s0, $0xA;
	s2 =	sadd.s32 s3, s2  }
0x8d: {  	s2 =	sadd.s32 s2, s17  }
0x8e: {  	[smem:$0x3FC3] =	sst s2  }
0x8f: {  	_ = 	snop  }
0x90: {  	s2 =	sld [smem:$0x3FD0];
	(tm) =	ssettm $0x1  }
0x91: {  	s18 =	sld [smem:$0x3FFB];
	_ =	sdelay $0x3  }
0x92: {  	_ =	strace s18  }
0x93: {  	s3 =	sld [smem:$0x3FFC];
	_ =	sdelay $0x3  }
0x94: {  	_ =	strace s3  }
0x95: {  	s3 =	sld [smem:$0x3FFD];
	_ =	sdelay $0x3  }
0x96: {  	_ =	strace s3  }
0x97: {  	_ =	strace $0x8FFFFFFF  }
0x98: {  	s19 =	sld [smem:$0x3FDB];
	_ =	sdelay $0x1  }
0x99: {  	s4 =	simm.s32 $_scs_section_size  }
0x9a: {  	s5 =	simm.s32 $_size__tile_overlayer_lowered;
	s6 =	simm.s32 $_tile_overlayer_lowered  }
0x9b: {  	s22 =	simm.s32 $0x1BFF;
	s21 =	sshll.u32 s6, $0x1;
	s3 =	sadd.s32 s4, s19  }
0x9c: {  	s7 =	simm.s32 $0x0;
	s20 =	sshll.u32 s5, $0x1;
	s5 =	sadd.s32 s21, s3  }
0x9d: {  	[timem:s7], [sflag:s22] =	dma.local [hbm:s5], s20  }
0x9e: {  	_ =	swait.ge [sflag:s22], s20  }
0x9f: {  	s4 =	ssub.s32 $0x0, s20;
	[sflag:s22] =	ssyncset.done $0x0  }
0xa0: {  	[sflag:s22] =	ssyncadd.s32 s4;
	_ =	sdelay $0x1  }
0xa1: {  	s23 =	simm.s32 $0x1B8B  }
0xa2: {  	_ =	swait.ge [sflag:s23], $0x1  }
0xa3: {  	[sflag:s23] =	ssyncset.done $0x0  }
0xa4: {  	s25 =	simm.s32 $0x1B8E;
	s24 =	sld [smem:$0x3FFE];
	[sflag:s23] =	ssyncadd.s32 $0xFFFFFFFF  }
0xa5: {  	s26 =	simm.s32 $execute0_lowered;
	[smem:$0x3FD2] =	sst s25  }
0xa6: {  	s5 =	sshll.u32 s26, $0x1;
	_ =	strace $0x8000004C;
	[dreg:$0x1] =	wrdreg $0xFFFFFFFF  }
0xa7: {  	s28 =	simm.s32 $_size_execute0_lowered;
	s3 =	sadd.s32 s3, s5;
	[dreg:$0x0] =	wrdreg $0x0  }
0xa8: {  	s5 =	sshll.u32 s28, $0x1;
	[dreg:$0x2] =	wrdreg s3  }
0xa9: {  	[dreg:$0x3] =	wrdreg s5  }
0xaa: {  	[dreg:$0x4] =	wrdreg $0xC0  }
0xab: {  	_ =	task [dreg:s7], $0x5FFFF  }
0xac: {  	[dreg:$0x1] =	wrdreg $0xFFFFFFFF  }
0xad: {  	[dreg:$0x0] =	wrdreg $0x60  }
0xae: {  	[dreg:$0x2] =	wrdreg s24  }
0xaf: {  	[dreg:$0x3] =	wrdreg s2  }
0xb0: {  	[dreg:$0x4] =	wrdreg $0x9  }
0xb1: {  	_ =	task.clear_ibuf [dreg:s7], $0x5FFFF;
	_ =	strace $0x9000004C  }
0xb2: {  	s29 =	simm.s32 $0x9;
	_ =	strace $0x8000004E  }
0xb3: {  	_ =	swait.ge [sflag:s29], $0x1  }
0xb4: {  	[sflag:s29] =	ssyncadd.s32 $0xFFFFFFFF  }
0xb5: {  	_ =	strace $0x9000004E  }
0xb6: {  	_ =	sfence  }
0xb7: {  	s30 =	sld [smem:$0x0];
	_ =	sdelay $0x2  }
0xb8: {  	s31 =	sshll.u32 s1, $0xD;
	s1 =	sshrl.u32 s1, $0x2  }
0xb9: {  	s3 =	sand.u32 $0x4000, s31;
	s1 =	sadd.s32 s1, s30  }
0xba: {  	s0 =	sor.u32 s3, s0;
	s1 =	sshll.u32 s1, $0x11  }
0xbb: {  	s0 =	sor.u32 s1, s0  }
0xbc: {  	s0 =	sadd.s32 $0x8F2B, s0  }
0xbd: {  	[sflag:s0] =	ssyncadd.remote.s32 $0x1  }
0xbe: {  	_ =	sfence.sel $0xFFFF  }
0xbf: {  	[dreg:$0x0] =	wrdreg $0xFFFFFFFF;
	(pc) =	sbr.abs _section_cstart, $3  }
0xc0: {  	[dreg:$0x1] =	wrdreg $0xFFFFFFFF  }
0xc1: {  	_ =	task.clear_ibuf [dreg:s7], $0x2FFFF;
	_ =	strace $0x9FFFFFFF  }
0xc2: {  	(tm) =	ssettm $0x7FFFFFFF  }
0xc3: {  	_ =	shalt  }
tec
execute0_lowered:
.L_overlay_start_1:
0x0: {  	(tag) =	ssettag $0x1  }
0x1: {  	s0 =	rddreg [dreg:$0x0]  }
0x2: {  	s1 =	rddreg [dreg:$0x1]  }
0x3: {  	s2 =	simm.s32 $0x0;
	s3 =	srdreg.scid;
	s4 =	stileid.u32  }
0x4: {  	s14 =	simm.s32 $0x3;
	s15 =	simm.s32 $0x9900;
	s16 =	simm.s32 $0xA100  }
0x5: {  	s17 =	simm.s32 $0xA900;
	s18 =	simm.s32 $0xB100;
	s19 =	simm.s32 $0xB900  }
0x6: {  	s20 =	simm.s32 $0xC900;
	s21 =	simm.s32 $0xD100;
	s22 =	simm.s32 $0xD900  }
0x7: {  	s23 =	simm.s32 $0xE900;
	s11 =	simm.s32 $0xF100;
	s12 =	simm.s32 $0x1  }
0x8: {  	s13 =	simm.s32 $0x10100;
	[smem:$0x7FF] =	sst s2;
	s3 =	sand.u32 $0x1, s3  }
0x9: {  	s4 =	sshll.u32 s4, $0x7;
	s9 =	sadd.s32 $0x1200, s0;
	s24 =	sadd.s32 $0x1000, s0  }
0xa: {  	_ =	strace $0x8000004D;
	s5 =	sshll.u32 s3, $0x6;
	s6 =	ssub.s32 $0x2, s3  }
0xb: {  	s3 =	sadd.s32 $0xC1800, s0;
	s4 =	sor.u32 s5, s4;
	s7 =	sshrl.u32 s6, $0x1  }
0xc: {  	s5 =	simm.s32 $0x9100;
	s8 =	sshrl.u32 s4, $0x3;
	s10 =	ssub.s32 s6, s7  }
0xd: {  	s6 =	sadd.s32 $0xC1900, s0;
	s7 =	sadd.s32 $0xC1A00, s0;
	s28 =	sshll.u32 s4, $0x7  }
0xe: {  	s4 =	sor.u32 $0x20, s4;
	s25 =	sadd.s32 s9, s8;
	s26 =	sadd.s32 s24, s8  }
0xf: {  	s8 =	sadd.s32 $0xC1B00, s0;
	s0 =	sadd.s32 s1, s28;
	[dreg:$0x3] =	wrdreg s25  }
0x10: {  	s29 =	sshrl.u32 s4, $0x3;
	s4 =	sshll.u32 s4, $0x7;
	[dreg:$0x4] =	wrdreg s26  }
0x11: {  	s31 =	smax.u32 s10, $0x1;
	s10 =	simm.s32 $0xE100;
	[dreg:$0x5] =	wrdreg s0  }
0x12: {  	s9 =	sadd.s32 s9, s29;
	s0 =	sadd.s32 s24, s29;
	[dreg:$0x9] =	wrdreg s31  }
0x13: {  	v2 =	vlaneseq.u32;
	s30 =	sadd.s32 s1, s4;
	s4 =	simm.s32 $0x8900;
	[dreg:$0x6] =	wrdreg s9  }
0x14: {  	vm0 =	vmmov $0xffff;
	v1 =	vshrl.u32 v2, $0x3;
	s24 =	simm.s32 $0xF900;
	s25 =	simm.s32 $0x2;
	[dreg:$0x7] =	wrdreg s0  }
0x15: {  	v0 =	vand.u32 $0x7, v2;
	v2 =	vor.u32 $0x8, v2;
	v1 =	vmul.u32 $0x8, v1;
	s26 =	simm.s32 $0x0;
	[dreg:$0x8] =	wrdreg s30;
	s9 =	simm.s32 $0xC100  }
.LBB2_1:
0x16: {  	s0 =	rddreg [dreg:$0x3]  }
0x17: {  	[tilespmem:s2], [sflag:$0x3] =	stream.linear.gather [hbm4b:s0+s2], $0x20, $0x38;
	[tilespmem:$0x18100] =	vst v63  }
0x18: {  	_ =	swait.ge [sflag:s14], $0x20  }
0x19: {  	[sflag:s14] =	ssyncset.done $0x0  }
0x1a: {  	s1 =	simm.s32 $0x80;
	s0 =	rddreg [dreg:$0x4];
	[sflag:s14] =	ssyncadd.s32 $0xFFFFFFE0  }
0x1b: {  	[tilespmem:s1], [sflag:$0x3] =	stream.linear.gather [hbm4b:s0+s2], $0x20, $0x38;
	[tilespmem:$0x18100] =	vst v63  }
0x1c: {  	_ =	swait.ge [sflag:s14], $0x20  }
0x1d: {  	[sflag:s14] =	ssyncset.done $0x0  }
0x1e: {  	[sflag:s14] =	ssyncadd.s32 $0xFFFFFFE0  }
0x1f: {  	v3 =	vld [tilespmem:$0x0];
	_ =	sdelay $0x4  }
0x20: {  	v4 =	vshll.u32 v3, $0x3  }
0x21: {  	v3 =	vand.u32 $0x7, v3;
	v4 =	vand.u32 $0xFFFFFFC0, v4  }
0x22: {  	v3 =	vor.u32 v3, v4  }
0x23: {  	v4 =	vperm.xlane v3, v0;
	_ =	sdelay $0x1  }
0x24: {  	v4 =	vadd.s32 v1, v4;
	_ =	sdelay $0x3  }
0x25: {  	s1 =	simm.s32 $0x100  }
0x26: {  	[tilespmem:s1], [sflag:$0x1] =	stream.indirect_vreg.gather [hbm4b:s3+s2], $0x80, v4, vm0, $0xb8;
	[tilespmem:$0x18100] =	vst v63  }
0x27: {  	v3 =	vperm.xlane v3, v2;
	s1 =	simm.s32 $0x900  }
0x28: {  	[tilespmem:s1], [sflag:$0x1] =	stream.indirect_vreg.gather [hbm4b:s6+s2], $0x80, v4, vm0, $0xb8;
	[tilespmem:$0x18100] =	vst v63  }
0x29: {  	v3 =	vadd.s32 v1, v3;
	s1 =	simm.s32 $0x1100  }
0x2a: {  	[tilespmem:s1], [sflag:$0x1] =	stream.indirect_vreg.gather [hbm4b:s7+s2], $0x80, v4, vm0, $0xb8;
	[tilespmem:$0x18100] =	vst v63  }
0x2b: {  	s1 =	simm.s32 $0x1900  }
0x2c: {  	[tilespmem:s1], [sflag:$0x1] =	stream.indirect_vreg.gather [hbm4b:s8+s2], $0x80, v4, vm0, $0xb8;
	[tilespmem:$0x18100] =	vst v63  }
0x2d: {  	s1 =	simm.s32 $0x2100  }
0x2e: {  	[tilespmem:s1], [sflag:$0x1] =	stream.indirect_vreg.gather [hbm4b:s3+s2], $0x80, v3, vm0, $0xb8;
	[tilespmem:$0x18100] =	vst v63  }
0x2f: {  	s1 =	simm.s32 $0x2900  }
0x30: {  	[tilespmem:s1], [sflag:$0x1] =	stream.indirect_vreg.gather [hbm4b:s6+s2], $0x80, v3, vm0, $0xb8;
	[tilespmem:$0x18100] =	vst v63  }
0x31: {  	s1 =	simm.s32 $0x3100  }
0x32: {  	[tilespmem:s1], [sflag:$0x1] =	stream.indirect_vreg.gather [hbm4b:s7+s2], $0x80, v3, vm0, $0xb8;
	[tilespmem:$0x18100] =	vst v63  }
0x33: {  	s1 =	simm.s32 $0x3900  }
0x34: {  	[tilespmem:s1], [sflag:$0x1] =	stream.indirect_vreg.gather [hbm4b:s8+s2], $0x80, v3, vm0, $0xb8;
	[tilespmem:$0x18100] =	vst v63  }
0x35: {  	v3 =	vld [tilespmem:$0x10];
	_ =	sdelay $0x4  }
0x36: {  	v61 =	vshll.u32 v3, $0x3  }
0x37: {  	v3 =	vand.u32 $0x7, v3;
	v4 =	vand.u32 $0xFFFFFFC0, v61  }
0x38: {  	v3 =	vor.u32 v3, v4  }
0x39: {  	v4 =	vperm.xlane v3, v0;
	_ =	sdelay $0x1  }
0x3a: {  	v4 =	vadd.s32 v1, v4;
	_ =	sdelay $0x3  }
0x3b: {  	s1 =	simm.s32 $0x4100  }
0x3c: {  	[tilespmem:s1], [sflag:$0x1] =	stream.indirect_vreg.gather [hbm4b:s3+s2], $0x80, v4, vm0, $0xb8;
	[tilespmem:$0x18100] =	vst v63  }
0x3d: {  	v3 =	vperm.xlane v3, v2;
	s1 =	simm.s32 $0x4900  }
0x3e: {  	[tilespmem:s1], [sflag:$0x1] =	stream.indirect_vreg.gather [hbm4b:s6+s2], $0x80, v4, vm0, $0xb8;
	[tilespmem:$0x18100] =	vst v63  }
0x3f: {  	v3 =	vadd.s32 v1, v3;
	s1 =	simm.s32 $0x5100  }
0x40: {  	[tilespmem:s1], [sflag:$0x1] =	stream.indirect_vreg.gather [hbm4b:s7+s2], $0x80, v4, vm0, $0xb8;
	[tilespmem:$0x18100] =	vst v63  }
0x41: {  	s1 =	simm.s32 $0x5900  }
0x42: {  	[tilespmem:s1], [sflag:$0x1] =	stream.indirect_vreg.gather [hbm4b:s8+s2], $0x80, v4, vm0, $0xb8;
	[tilespmem:$0x18100] =	vst v63  }
0x43: {  	s1 =	simm.s32 $0x6100  }
0x44: {  	[tilespmem:s1], [sflag:$0x1] =	stream.indirect_vreg.gather [hbm4b:s3+s2], $0x80, v3, vm0, $0xb8;
	[tilespmem:$0x18100] =	vst v63  }
0x45: {  	s1 =	simm.s32 $0x6900  }
0x46: {  	[tilespmem:s1], [sflag:$0x1] =	stream.indirect_vreg.gather [hbm4b:s6+s2], $0x80, v3, vm0, $0xb8;
	[tilespmem:$0x18100] =	vst v63  }
0x47: {  	s1 =	simm.s32 $0x7100  }
0x48: {  	[tilespmem:s1], [sflag:$0x1] =	stream.indirect_vreg.gather [hbm4b:s7+s2], $0x80, v3, vm0, $0xb8;
	[tilespmem:$0x18100] =	vst v63  }
0x49: {  	s1 =	simm.s32 $0x7900  }
0x4a: {  	[tilespmem:s1], [sflag:$0x1] =	stream.indirect_vreg.gather [hbm4b:s8+s2], $0x80, v3, vm0, $0xb8;
	[tilespmem:$0x18100] =	vst v63  }
0x4b: {  	v3 =	vld [tilespmem:$0x80];
	_ =	sdelay $0x4  }
0x4c: {  	v62 =	vshll.u32 v3, $0x3  }
0x4d: {  	v3 =	vand.u32 $0x7, v3;
	v4 =	vand.u32 $0xFFFFFFC0, v62  }
0x4e: {  	v3 =	vor.u32 v3, v4  }
0x4f: {  	v4 =	vperm.xlane v3, v0;
	_ =	sdelay $0x1  }
0x50: {  	v4 =	vadd.s32 v1, v4;
	_ =	sdelay $0x3  }
0x51: {  	s1 =	simm.s32 $0x8100  }
0x52: {  	[tilespmem:s1], [sflag:$0x2] =	stream.indirect_vreg.gather [hbm4b:s3+s2], $0x80, v4, vm0, $0xb8;
	[tilespmem:$0x18100] =	vst v63  }
0x53: {  	v3 =	vperm.xlane v3, v2  }
0x54: {  	[tilespmem:s4], [sflag:$0x2] =	stream.indirect_vreg.gather [hbm4b:s6+s2], $0x80, v4, vm0, $0xb8;
	[tilespmem:$0x18100] =	vst v63  }
0x55: {  	v3 =	vadd.s32 v1, v3  }
0x56: {  	[tilespmem:s5], [sflag:$0x2] =	stream.indirect_vreg.gather [hbm4b:s7+s2], $0x80, v4, vm0, $0xb8;
	[tilespmem:$0x18100] =	vst v63  }
0x57: {  	_ = 	snop  }
0x58: {  	[tilespmem:s15], [sflag:$0x2] =	stream.indirect_vreg.gather [hbm4b:s8+s2], $0x80, v4, vm0, $0xb8;
	[tilespmem:$0x18100] =	vst v63  }
0x59: {  	_ = 	snop  }
0x5a: {  	[tilespmem:s16], [sflag:$0x2] =	stream.indirect_vreg.gather [hbm4b:s3+s2], $0x80, v3, vm0, $0xb8;
	[tilespmem:$0x18100] =	vst v63  }
0x5b: {  	_ = 	snop  }
0x5c: {  	[tilespmem:s17], [sflag:$0x2] =	stream.indirect_vreg.gather [hbm4b:s6+s2], $0x80, v3, vm0, $0xb8;
	[tilespmem:$0x18100] =	vst v63  }
0x5d: {  	_ = 	snop  }
0x5e: {  	[tilespmem:s18], [sflag:$0x2] =	stream.indirect_vreg.gather [hbm4b:s7+s2], $0x80, v3, vm0, $0xb8;
	[tilespmem:$0x18100] =	vst v63  }
0x5f: {  	_ = 	snop  }
0x60: {  	[tilespmem:s19], [sflag:$0x2] =	stream.indirect_vreg.gather [hbm4b:s8+s2], $0x80, v3, vm0, $0xb8;
	[tilespmem:$0x18100] =	vst v63  }
0x61: {  	v3 =	vld [tilespmem:$0x90];
	_ =	sdelay $0x4  }
0x62: {  	v63 =	vshll.u32 v3, $0x3  }
0x63: {  	v3 =	vand.u32 $0x7, v3;
	v4 =	vand.u32 $0xFFFFFFC0, v63  }
0x64: {  	v3 =	vor.u32 v3, v4  }
0x65: {  	v4 =	vperm.xlane v3, v0;
	_ =	sdelay $0x1  }
0x66: {  	v4 =	vadd.s32 v1, v4;
	_ =	sdelay $0x4  }
0x67: {  	[tilespmem:s9], [sflag:$0x2] =	stream.indirect_vreg.gather [hbm4b:s3+s2], $0x80, v4, vm0, $0xb8;
	[tilespmem:$0x18100] =	vst v63  }
0x68: {  	v3 =	vperm.xlane v3, v2  }
0x69: {  	[tilespmem:s20], [sflag:$0x2] =	stream.indirect_vreg.gather [hbm4b:s6+s2], $0x80, v4, vm0, $0xb8;
	[tilespmem:$0x18100] =	vst v63  }
0x6a: {  	v3 =	vadd.s32 v1, v3  }
0x6b: {  	[tilespmem:s21], [sflag:$0x2] =	stream.indirect_vreg.gather [hbm4b:s7+s2], $0x80, v4, vm0, $0xb8;
	[tilespmem:$0x18100] =	vst v63  }
0x6c: {  	_ = 	snop  }
0x6d: {  	[tilespmem:s22], [sflag:$0x2] =	stream.indirect_vreg.gather [hbm4b:s8+s2], $0x80, v4, vm0, $0xb8;
	[tilespmem:$0x18100] =	vst v63  }
0x6e: {  	_ = 	snop  }
0x6f: {  	[tilespmem:s10], [sflag:$0x2] =	stream.indirect_vreg.gather [hbm4b:s3+s2], $0x80, v3, vm0, $0xb8;
	[tilespmem:$0x18100] =	vst v63  }
0x70: {  	_ = 	snop  }
0x71: {  	[tilespmem:s23], [sflag:$0x2] =	stream.indirect_vreg.gather [hbm4b:s6+s2], $0x80, v3, vm0, $0xb8;
	[tilespmem:$0x18100] =	vst v63  }
0x72: {  	_ = 	snop  }
0x73: {  	[tilespmem:s11], [sflag:$0x2] =	stream.indirect_vreg.gather [hbm4b:s7+s2], $0x80, v3, vm0, $0xb8;
	[tilespmem:$0x18100] =	vst v63  }
0x74: {  	_ = 	snop  }
0x75: {  	[tilespmem:s24], [sflag:$0x2] =	stream.indirect_vreg.gather [hbm4b:s8+s2], $0x80, v3, vm0, $0xb8;
	[tilespmem:$0x18100] =	vst v63  }
0x76: {  	_ =	swait.ge [sflag:s12], $0x8000  }
0x77: {  	[sflag:s12] =	ssyncset.done $0x0  }
0x78: {  	[sflag:s12] =	ssyncadd.s32 $0xFFFF8000  }
0x79: {  	_ =	swait.ge [sflag:s25], $0x8000  }
0x7a: {  	s28 =	simm.s32 $0xFFFF8000;
	s29 =	simm.s32 $0x0;
	[sflag:s25] =	ssyncset.done $0x0  }
0x7b: {  	s30 =	simm.s32 $0x0;
	s31 =	simm.s32 $0x0;
	[sflag:s25] =	ssyncadd.s32 $0xFFFF8000  }
.LBB2_2:
0x7c: {  	s0 =	sadd.s32 $0x8000, s28  }
0x7d: {  	s1 =	sand.u32 $0x380, s31;
	s0 =	sand.u32 $0x6000, s0  }
0x7e: {  	s0 =	sor.u32 s1, s0  }
0x7f: {  	v3 =	vld [tilespmem:s0+$0x100]  }
0x80: {  	v4 =	vld [tilespmem:s0+$0x8100]  }
0x81: {  	v5 =	vld [tilespmem:s0+$0x110]  }
0x82: {  	v6 =	vld [tilespmem:s0+$0x8110]  }
0x83: {  	v7 =	vld [tilespmem:s0+$0x120]  }
0x84: {  	v8 =	vld [tilespmem:s0+$0x8120]  }
0x85: {  	v9 =	vld [tilespmem:s0+$0x130]  }
0x86: {  	v10 =	vld [tilespmem:s0+$0x8130]  }
0x87: {  	v11 =	vld [tilespmem:s0+$0x140]  }
0x88: {  	v12 =	vld [tilespmem:s0+$0x8140]  }
0x89: {  	v13 =	vld [tilespmem:s0+$0x150]  }
0x8a: {  	v14 =	vld [tilespmem:s0+$0x8150]  }
0x8b: {  	v15 =	vld [tilespmem:s0+$0x160]  }
0x8c: {  	v16 =	vld [tilespmem:s0+$0x8160]  }
0x8d: {  	v17 =	vld [tilespmem:s0+$0x170]  }
0x8e: {  	v18 =	vld [tilespmem:s0+$0x8170]  }
0x8f: {  	v19 =	vld [tilespmem:s0+$0x500]  }
0x90: {  	v20 =	vld [tilespmem:s0+$0x8500]  }
0x91: {  	v21 =	vld [tilespmem:s0+$0x510]  }
0x92: {  	v22 =	vld [tilespmem:s0+$0x8510]  }
0x93: {  	v23 =	vld [tilespmem:s0+$0x520]  }
0x94: {  	v24 =	vld [tilespmem:s0+$0x8520]  }
0x95: {  	v25 =	vld [tilespmem:s0+$0x530]  }
0x96: {  	v26 =	vld [tilespmem:s0+$0x8530]  }
0x97: {  	v27 =	vld [tilespmem:s0+$0x540]  }
0x98: {  	v28 =	vld [tilespmem:s0+$0x8540]  }
0x99: {  	v29 =	vld [tilespmem:s0+$0x550]  }
0x9a: {  	v30 =	vld [tilespmem:s0+$0x8550]  }
0x9b: {  	v31 =	vld [tilespmem:s0+$0x560]  }
0x9c: {  	v32 =	vld [tilespmem:s0+$0x8560]  }
0x9d: {  	v33 =	vld [tilespmem:s0+$0x570]  }
0x9e: {  	v34 =	vld [tilespmem:s0+$0x8570]  }
0x9f: {  	v35 =	vld [tilespmem:s0+$0x900]  }
0xa0: {  	v36 =	vld [tilespmem:s0+$0x8900]  }
0xa1: {  	v37 =	vld [tilespmem:s0+$0x910]  }
0xa2: {  	v38 =	vld [tilespmem:s0+$0x8910]  }
0xa3: {  	v39 =	vld [tilespmem:s0+$0x920]  }
0xa4: {  	v40 =	vld [tilespmem:s0+$0x8920]  }
0xa5: {  	v41 =	vld [tilespmem:s0+$0x930]  }
0xa6: {  	v42 =	vld [tilespmem:s0+$0x8930]  }
0xa7: {  	v43 =	vld [tilespmem:s0+$0x940]  }
0xa8: {  	v44 =	vld [tilespmem:s0+$0x8940]  }
0xa9: {  	v45 =	vld [tilespmem:s0+$0x950]  }
0xaa: {  	v46 =	vld [tilespmem:s0+$0x8950]  }
0xab: {  	v47 =	vld [tilespmem:s0+$0x960]  }
0xac: {  	v48 =	vld [tilespmem:s0+$0x8960]  }
0xad: {  	v49 =	vld [tilespmem:s0+$0x970]  }
0xae: {  	v50 =	vld [tilespmem:s0+$0x8970]  }
0xaf: {  	v51 =	vld [tilespmem:s0+$0xD00]  }
0xb0: {  	v52 =	vld [tilespmem:s0+$0x8D00]  }
0xb1: {  	v53 =	vld [tilespmem:s0+$0xD10]  }
0xb2: {  	v54 =	vld [tilespmem:s0+$0x8D10]  }
0xb3: {  	v55 =	vld [tilespmem:s0+$0xD20]  }
0xb4: {  	v56 =	vld [tilespmem:s0+$0x8D20]  }
0xb5: {  	v57 =	vld [tilespmem:s0+$0xD30]  }
0xb6: {  	v58 =	vld [tilespmem:s0+$0x8D30]  }
0xb7: {  	v59 =	vld [tilespmem:s0+$0xD40]  }
0xb8: {  	v60 =	vld [tilespmem:s0+$0x8D40]  }
0xb9: {  	v61 =	vld [tilespmem:s0+$0xD50]  }
0xba: {  	v62 =	vld [tilespmem:s0+$0x8D50]  }
0xbb: {  	v63 =	vld [tilespmem:s0+$0xD60]  }
0xbc: {  	v3 =	vadd.f32 v4, v3;
	v4 =	vld [tilespmem:s0+$0x8D60]  }
0xbd: {  	v5 =	vadd.f32 v6, v5;
	v6 =	vld [tilespmem:s0+$0xD70]  }
0xbe: {  	v14 =	vadd.f32 v14, v13;
	v13 =	vld [tilespmem:s0+$0x9120];
	[tilespmem:s0+$0x10100] =	vst v3  }
0xbf: {  	v18 =	vadd.f32 v18, v17;
	v17 =	vld [tilespmem:s0+$0x9140];
	v3 =	vadd.f32 v8, v7;
	[tilespmem:s0+$0x10110] =	vst v5  }
0xc0: {  	v22 =	vadd.f32 v22, v21;
	v21 =	vld [tilespmem:s0+$0x9160];
	[tilespmem:s0+$0x10150] =	vst v14  }
0xc1: {  	v7 =	vld [tilespmem:s0+$0x8D70];
	[tilespmem:s0+$0x10120] =	vst v3;
	v3 =	vadd.f32 v12, v11  }
0xc2: {  	v8 =	vld [tilespmem:s0+$0x1100];
	[tilespmem:s0+$0x10170] =	vst v18  }
0xc3: {  	v5 =	vadd.f32 v10, v9;
	v9 =	vld [tilespmem:s0+$0x9100];
	[tilespmem:s0+$0x10140] =	vst v3;
	v3 =	vadd.f32 v16, v15  }
0xc4: {  	v26 =	vadd.f32 v26, v25;
	v10 =	vld [tilespmem:s0+$0x1110];
	[tilespmem:s0+$0x10510] =	vst v22  }
0xc5: {  	v14 =	vld [tilespmem:s0+$0x1130];
	[tilespmem:s0+$0x10160] =	vst v3;
	v3 =	vadd.f32 v20, v19  }
0xc6: {  	v30 =	vadd.f32 v30, v29;
	[tilespmem:s0+$0x10530] =	vst v26;
	v18 =	vld [tilespmem:s0+$0x1150]  }
0xc7: {  	v19 =	vld [tilespmem:s0+$0x9150];
	[tilespmem:s0+$0x10500] =	vst v3;
	v3 =	vadd.f32 v24, v23  }
0xc8: {  	v34 =	vadd.f32 v34, v33;
	[tilespmem:s0+$0x10550] =	vst v30;
	v22 =	vld [tilespmem:s0+$0x1170]  }
0xc9: {  	v11 =	vld [tilespmem:s0+$0x9110];
	[tilespmem:s0+$0x10520] =	vst v3;
	v3 =	vadd.f32 v28, v27  }
0xca: {  	[tilespmem:s0+$0x10570] =	vst v34;
	v12 =	vld [tilespmem:s0+$0x1120]  }
0xcb: {  	v15 =	vld [tilespmem:s0+$0x9130];
	[tilespmem:s0+$0x10540] =	vst v3;
	v3 =	vadd.f32 v32, v31  }
0xcc: {  	[tilespmem:s0+$0x10130] =	vst v5;
	v16 =	vld [tilespmem:s0+$0x1140];
	v19 =	vadd.f32 v19, v18  }
0xcd: {  	v20 =	vld [tilespmem:s0+$0x1160];
	[tilespmem:s0+$0x10560] =	vst v3;
	v3 =	vadd.f32 v36, v35  }
0xce: {  	v24 =	vld [tilespmem:s0+$0x1500];
	[tilespmem:s0+$0x11150] =	vst v19;
	v36 =	vadd.f32 v38, v37  }
0xcf: {  	v37 =	vld [tilespmem:s0+$0x9170];
	[tilespmem:s0+$0x10900] =	vst v3;
	v3 =	vadd.f32 v40, v39  }
0xd0: {  	v38 =	vadd.f32 v42, v41;
	v41 =	vld [tilespmem:s0+$0x1510];
	[tilespmem:s0+$0x10910] =	vst v36  }
0xd1: {  	v42 =	vld [tilespmem:s0+$0x9510];
	[tilespmem:s0+$0x10920] =	vst v3;
	v3 =	vadd.f32 v44, v43  }
0xd2: {  	v35 =	vld [tilespmem:s0+$0x1910];
	[tilespmem:s0+$0x10930] =	vst v38;
	v40 =	vadd.f32 v46, v45  }
0xd3: {  	v39 =	vld [tilespmem:s0+$0x9500];
	[tilespmem:s0+$0x10940] =	vst v3;
	v3 =	vadd.f32 v48, v47  }
0xd4: {  	v45 =	vld [tilespmem:s0+$0x9520];
	v46 =	vadd.f32 v54, v53;
	[tilespmem:s0+$0x10950] =	vst v40  }
0xd5: {  	v53 =	vld [tilespmem:s0+$0x1550];
	[tilespmem:s0+$0x10960] =	vst v3;
	v3 =	vadd.f32 v52, v51  }
0xd6: {  	v54 =	vld [tilespmem:s0+$0x9550];
	v43 =	vadd.f32 v50, v49;
	[tilespmem:s0+$0x10D10] =	vst v46  }
0xd7: {  	v36 =	vld [tilespmem:s0+$0x9910];
	[tilespmem:s0+$0x10D00] =	vst v3;
	v3 =	vadd.f32 v56, v55  }
0xd8: {  	v38 =	vld [tilespmem:s0+$0x1920];
	v49 =	vadd.f32 v58, v57;
	[tilespmem:s0+$0x10970] =	vst v43  }
0xd9: {  	v44 =	vld [tilespmem:s0+$0x1520];
	[tilespmem:s0+$0x10D20] =	vst v3;
	v3 =	vadd.f32 v60, v59  }
0xda: {  	v50 =	vld [tilespmem:s0+$0x1540];
	v58 =	vadd.f32 v11, v10;
	[tilespmem:s0+$0x10D30] =	vst v49  }
0xdb: {  	v57 =	vld [tilespmem:s0+$0x9560];
	[tilespmem:s0+$0x10D40] =	vst v3;
	v3 =	vadd.f32 v4, v63  }
0xdc: {  	v46 =	vld [tilespmem:s0+$0x1950];
	v37 =	vadd.f32 v37, v22;
	[tilespmem:s0+$0x11110] =	vst v58  }
0xdd: {  	v40 =	vadd.f32 v42, v41;
	v41 =	vld [tilespmem:s0+$0x1930];
	[tilespmem:s0+$0x10D60] =	vst v3;
	v3 =	vadd.f32 v9, v8  }
0xde: {  	v42 =	vld [tilespmem:s0+$0x9930];
	[tilespmem:s0+$0x11170] =	vst v37  }
0xdf: {  	v47 =	vld [tilespmem:s0+$0x1530];
	[tilespmem:s0+$0x11100] =	vst v3;
	v3 =	vadd.f32 v13, v12  }
0xe0: {  	v48 =	vld [tilespmem:s0+$0x9530];
	[tilespmem:s0+$0x11510] =	vst v40;
	v52 =	vadd.f32 v62, v61  }
0xe1: {  	v49 =	vld [tilespmem:s0+$0x1960];
	[tilespmem:s0+$0x11120] =	vst v3;
	v3 =	vadd.f32 v17, v16  }
0xe2: {  	v51 =	vld [tilespmem:s0+$0x9540];
	v61 =	vadd.f32 v15, v14;
	[tilespmem:s0+$0x10D50] =	vst v52  }
0xe3: {  	v62 =	vld [tilespmem:s0+$0x1900];
	[tilespmem:s0+$0x11140] =	vst v3;
	v3 =	vadd.f32 v21, v20  }
0xe4: {  	v55 =	vadd.f32 v7, v6;
	v56 =	vld [tilespmem:s0+$0x1560];
	[tilespmem:s0+$0x11130] =	vst v61  }
0xe5: {  	v52 =	vld [tilespmem:s0+$0x1970];
	[tilespmem:s0+$0x11160] =	vst v3;
	v3 =	vadd.f32 v39, v24  }
0xe6: {  	v43 =	vadd.f32 v48, v47;
	v47 =	vld [tilespmem:s0+$0x9950];
	[tilespmem:s0+$0x10D70] =	vst v55  }
0xe7: {  	v59 =	vld [tilespmem:s0+$0x1570];
	[tilespmem:s0+$0x11500] =	vst v3;
	v3 =	vadd.f32 v45, v44  }
0xe8: {  	[tilespmem:s0+$0x11530] =	vst v43;
	v63 =	vld [tilespmem:s0+$0x9900];
	v4 =	vadd.f32 v54, v53  }
0xe9: {  	v60 =	vld [tilespmem:s0+$0x9570];
	[tilespmem:s0+$0x11520] =	vst v3;
	v3 =	vadd.f32 v51, v50  }
0xea: {  	v54 =	vadd.f32 v42, v41;
	[tilespmem:s0+$0x11550] =	vst v4;
	v39 =	vld [tilespmem:s0+$0x9920]  }
0xeb: {  	v44 =	vld [tilespmem:s0+$0x1940];
	[tilespmem:s0+$0x11540] =	vst v3;
	v3 =	vadd.f32 v57, v56  }
0xec: {  	[tilespmem:s0+$0x11930] =	vst v54;
	v55 =	vadd.f32 v47, v46;
	v45 =	vld [tilespmem:s0+$0x9940]  }
0xed: {  	v53 =	vld [tilespmem:s0+$0x9970];
	[tilespmem:s0+$0x11560] =	vst v3;
	v3 =	vadd.f32 v63, v62  }
0xee: {  	v48 =	vadd.f32 v60, v59;
	[tilespmem:s0+$0x11950] =	vst v55;
	v50 =	vld [tilespmem:s0+$0x9960]  }
0xef: {  	[tilespmem:s0+$0x11900] =	vst v3;
	v3 =	vadd.f32 v39, v38  }
0xf0: {  	[tilespmem:s0+$0x11570] =	vst v48;
	v51 =	vadd.f32 v36, v35  }
0xf1: {  	[tilespmem:s0+$0x11920] =	vst v3;
	v3 =	vadd.f32 v45, v44  }
0xf2: {  	s1 =	sand.u32 $0x7, s29;
	[tilespmem:s0+$0x11910] =	vst v51;
	v56 =	vadd.f32 v53, v52  }
0xf3: {  	s1 =	sshll.u32 s1, $0x7;
	[tilespmem:s0+$0x11940] =	vst v3;
	v3 =	vadd.f32 v50, v49  }
0xf4: {  	s1 =	sadd.s32 s1, s30;
	[tilespmem:s0+$0x11970] =	vst v56  }
0xf5: {  	[tilespmem:s0+$0x11960] =	vst v3;
	s0 =	sor.u32 $0x1C00, s1  }
0xf6: {  	v3 =	vld [tilespmem:s0+$0x100]  }
0xf7: {  	v4 =	vld [tilespmem:s0+$0x8100];
	_ =	sdelay $0x4  }
0xf8: {  	v3 =	vadd.f32 v4, v3;
	_ =	sdelay $0x1  }
0xf9: {  	[tilespmem:s0+$0x10100] =	vst v3;
	s0 =	sor.u32 $0x1C10, s1  }
0xfa: {  	v3 =	vld [tilespmem:s0+$0x100]  }
0xfb: {  	v57 =	vld [tilespmem:s0+$0x8100];
	_ =	sdelay $0x4  }
0xfc: {  	v3 =	vadd.f32 v57, v3;
	_ =	sdelay $0x1  }
0xfd: {  	[tilespmem:s0+$0x10100] =	vst v3;
	s0 =	sor.u32 $0x1C20, s1  }
0xfe: {  	v3 =	vld [tilespmem:s0+$0x100]  }
0xff: {  	v58 =	vld [tilespmem:s0+$0x8100];
	_ =	sdelay $0x4  }
0x100: {  	v3 =	vadd.f32 v58, v3;
	_ =	sdelay $0x1  }
0x101: {  	[tilespmem:s0+$0x10100] =	vst v3;
	s0 =	sor.u32 $0x1C30, s1  }
0x102: {  	v3 =	vld [tilespmem:s0+$0x100]  }
0x103: {  	v59 =	vld [tilespmem:s0+$0x8100];
	_ =	sdelay $0x4  }
0x104: {  	v3 =	vadd.f32 v59, v3;
	_ =	sdelay $0x1  }
0x105: {  	[tilespmem:s0+$0x10100] =	vst v3;
	s0 =	sor.u32 $0x1C40, s1  }
0x106: {  	v3 =	vld [tilespmem:s0+$0x100]  }
0x107: {  	v60 =	vld [tilespmem:s0+$0x8100];
	_ =	sdelay $0x4  }
0x108: {  	v3 =	vadd.f32 v60, v3;
	_ =	sdelay $0x1  }
0x109: {  	[tilespmem:s0+$0x10100] =	vst v3;
	s0 =	sor.u32 $0x1C50, s1  }
0x10a: {  	v3 =	vld [tilespmem:s0+$0x100]  }
0x10b: {  	v61 =	vld [tilespmem:s0+$0x8100];
	_ =	sdelay $0x4  }
0x10c: {  	v3 =	vadd.f32 v61, v3;
	_ =	sdelay $0x1  }
0x10d: {  	[tilespmem:s0+$0x10100] =	vst v3;
	s0 =	sor.u32 $0x1C60, s1  }
0x10e: {  	v3 =	vld [tilespmem:s0+$0x100]  }
0x10f: {  	v62 =	vld [tilespmem:s0+$0x8100];
	_ =	sdelay $0x4  }
0x110: {  	v3 =	vadd.f32 v62, v3;
	_ =	sdelay $0x1  }
0x111: {  	s1 =	sor.u32 $0x1C70, s1;
	[tilespmem:s0+$0x10100] =	vst v3  }
0x112: {  	v3 =	vld [tilespmem:s1+$0x100]  }
0x113: {  	v63 =	vld [tilespmem:s1+$0x8100];
	_ =	sdelay $0x1  }
0x114: {  	p0 =	sne.s32 s31, $0xF80  }
.Ltmp0:
0x115: {  	_ = 	snop;
	(pc) =	sbr.rel @p0 .LBB2_2-.Ltmp0, $4  }
0x116: {  	_ = 	snop  }
0x117: {  	v3 =	vadd.f32 v63, v3  }
0x118: {  	s28 =	sadd.s32 $0x400, s28  }
0x119: {  	s31 =	sadd.s32 $0x80, s31;
	s29 =	sadd.s32 $0x1, s29;
	s30 =	sadd.s32 $0x400, s30;
	[tilespmem:s1+$0x10100] =	vst v3  }
0x11a: {  	s28 =	simm.s32 $0x0;
	s0 =	rddreg [dreg:$0x5]  }
0x11b: {  	[hbm4b:s0+s28] =	stream.linear.scatter [tilespmem:s13], [sflag:$0x3], $0x8000, $0x38;
	[tilespmem:$0x18100] =	vst v63  }
0x11c: {  	_ =	swait.ge [sflag:s14], $0x8000  }
0x11d: {  	[sflag:s14] =	ssyncset.done $0x0  }
0x11e: {  	s1 =	rddreg [dreg:$0x6];
	[sflag:s14] =	ssyncadd.s32 $0xFFFF8000  }
0x11f: {  	[tilespmem:s28], [sflag:$0x3] =	stream.linear.gather [hbm4b:s1+s28], $0x20, $0x38;
	[tilespmem:$0x18100] =	vst v63  }
0x120: {  	_ =	swait.ge [sflag:s14], $0x20  }
0x121: {  	[sflag:s14] =	ssyncset.done $0x0  }
0x122: {  	s1 =	simm.s32 $0x80;
	s0 =	rddreg [dreg:$0x7];
	[sflag:s14] =	ssyncadd.s32 $0xFFFFFFE0  }
0x123: {  	[tilespmem:s1], [sflag:$0x3] =	stream.linear.gather [hbm4b:s0+s28], $0x20, $0x38;
	[tilespmem:$0x18100] =	vst v63  }
0x124: {  	_ =	swait.ge [sflag:s14], $0x20  }
0x125: {  	[sflag:s14] =	ssyncset.done $0x0  }
0x126: {  	[sflag:s14] =	ssyncadd.s32 $0xFFFFFFE0  }
0x127: {  	v3 =	vld [tilespmem:$0x0];
	_ =	sdelay $0x4  }
0x128: {  	v4 =	vshll.u32 v3, $0x3  }
0x129: {  	v3 =	vand.u32 $0x7, v3;
	v4 =	vand.u32 $0xFFFFFFC0, v4  }
0x12a: {  	v3 =	vor.u32 v3, v4  }
0x12b: {  	v4 =	vperm.xlane v3, v0;
	_ =	sdelay $0x1  }
0x12c: {  	v4 =	vadd.s32 v1, v4;
	_ =	sdelay $0x3  }
0x12d: {  	s1 =	simm.s32 $0x100  }
0x12e: {  	[tilespmem:s1], [sflag:$0x1] =	stream.indirect_vreg.gather [hbm4b:s3+s28], $0x80, v4, vm0, $0xb8;
	[tilespmem:$0x18100] =	vst v63  }
0x12f: {  	v3 =	vperm.xlane v3, v2;
	s1 =	simm.s32 $0x900  }
0x130: {  	[tilespmem:s1], [sflag:$0x1] =	stream.indirect_vreg.gather [hbm4b:s6+s28], $0x80, v4, vm0, $0xb8;
	[tilespmem:$0x18100] =	vst v63  }
0x131: {  	v3 =	vadd.s32 v1, v3;
	s1 =	simm.s32 $0x1100  }
0x132: {  	[tilespmem:s1], [sflag:$0x1] =	stream.indirect_vreg.gather [hbm4b:s7+s28], $0x80, v4, vm0, $0xb8;
	[tilespmem:$0x18100] =	vst v63  }
0x133: {  	s1 =	simm.s32 $0x1900  }
0x134: {  	[tilespmem:s1], [sflag:$0x1] =	stream.indirect_vreg.gather [hbm4b:s8+s28], $0x80, v4, vm0, $0xb8;
	[tilespmem:$0x18100] =	vst v63  }
0x135: {  	s1 =	simm.s32 $0x2100  }
0x136: {  	[tilespmem:s1], [sflag:$0x1] =	stream.indirect_vreg.gather [hbm4b:s3+s28], $0x80, v3, vm0, $0xb8;
	[tilespmem:$0x18100] =	vst v63  }
0x137: {  	s1 =	simm.s32 $0x2900  }
0x138: {  	[tilespmem:s1], [sflag:$0x1] =	stream.indirect_vreg.gather [hbm4b:s6+s28], $0x80, v3, vm0, $0xb8;
	[tilespmem:$0x18100] =	vst v63  }
0x139: {  	s1 =	simm.s32 $0x3100  }
0x13a: {  	[tilespmem:s1], [sflag:$0x1] =	stream.indirect_vreg.gather [hbm4b:s7+s28], $0x80, v3, vm0, $0xb8;
	[tilespmem:$0x18100] =	vst v63  }
0x13b: {  	s1 =	simm.s32 $0x3900  }
0x13c: {  	[tilespmem:s1], [sflag:$0x1] =	stream.indirect_vreg.gather [hbm4b:s8+s28], $0x80, v3, vm0, $0xb8;
	[tilespmem:$0x18100] =	vst v63  }
0x13d: {  	v3 =	vld [tilespmem:$0x10];
	_ =	sdelay $0x4  }
0x13e: {  	v61 =	vshll.u32 v3, $0x3  }
0x13f: {  	v3 =	vand.u32 $0x7, v3;
	v4 =	vand.u32 $0xFFFFFFC0, v61  }
0x140: {  	v3 =	vor.u32 v3, v4  }
0x141: {  	v4 =	vperm.xlane v3, v0;
	_ =	sdelay $0x1  }
0x142: {  	v4 =	vadd.s32 v1, v4;
	_ =	sdelay $0x3  }
0x143: {  	s1 =	simm.s32 $0x4100  }
0x144: {  	[tilespmem:s1], [sflag:$0x1] =	stream.indirect_vreg.gather [hbm4b:s3+s28], $0x80, v4, vm0, $0xb8;
	[tilespmem:$0x18100] =	vst v63  }
0x145: {  	v3 =	vperm.xlane v3, v2;
	s1 =	simm.s32 $0x4900  }
0x146: {  	[tilespmem:s1], [sflag:$0x1] =	stream.indirect_vreg.gather [hbm4b:s6+s28], $0x80, v4, vm0, $0xb8;
	[tilespmem:$0x18100] =	vst v63  }
0x147: {  	v3 =	vadd.s32 v1, v3;
	s1 =	simm.s32 $0x5100  }
0x148: {  	[tilespmem:s1], [sflag:$0x1] =	stream.indirect_vreg.gather [hbm4b:s7+s28], $0x80, v4, vm0, $0xb8;
	[tilespmem:$0x18100] =	vst v63  }
0x149: {  	s1 =	simm.s32 $0x5900  }
0x14a: {  	[tilespmem:s1], [sflag:$0x1] =	stream.indirect_vreg.gather [hbm4b:s8+s28], $0x80, v4, vm0, $0xb8;
	[tilespmem:$0x18100] =	vst v63  }
0x14b: {  	s1 =	simm.s32 $0x6100  }
0x14c: {  	[tilespmem:s1], [sflag:$0x1] =	stream.indirect_vreg.gather [hbm4b:s3+s28], $0x80, v3, vm0, $0xb8;
	[tilespmem:$0x18100] =	vst v63  }
0x14d: {  	s1 =	simm.s32 $0x6900  }
0x14e: {  	[tilespmem:s1], [sflag:$0x1] =	stream.indirect_vreg.gather [hbm4b:s6+s28], $0x80, v3, vm0, $0xb8;
	[tilespmem:$0x18100] =	vst v63  }
0x14f: {  	s1 =	simm.s32 $0x7100  }
0x150: {  	[tilespmem:s1], [sflag:$0x1] =	stream.indirect_vreg.gather [hbm4b:s7+s28], $0x80, v3, vm0, $0xb8;
	[tilespmem:$0x18100] =	vst v63  }
0x151: {  	s1 =	simm.s32 $0x7900  }
0x152: {  	[tilespmem:s1], [sflag:$0x1] =	stream.indirect_vreg.gather [hbm4b:s8+s28], $0x80, v3, vm0, $0xb8;
	[tilespmem:$0x18100] =	vst v63  }
0x153: {  	v3 =	vld [tilespmem:$0x80];
	_ =	sdelay $0x4  }
0x154: {  	v62 =	vshll.u32 v3, $0x3  }
0x155: {  	v3 =	vand.u32 $0x7, v3;
	v4 =	vand.u32 $0xFFFFFFC0, v62  }
0x156: {  	v3 =	vor.u32 v3, v4  }
0x157: {  	v4 =	vperm.xlane v3, v0;
	_ =	sdelay $0x1  }
0x158: {  	v4 =	vadd.s32 v1, v4;
	_ =	sdelay $0x3  }
0x159: {  	s1 =	simm.s32 $0x8100  }
0x15a: {  	[tilespmem:s1], [sflag:$0x2] =	stream.indirect_vreg.gather [hbm4b:s3+s28], $0x80, v4, vm0, $0xb8;
	[tilespmem:$0x18100] =	vst v63  }
0x15b: {  	v3 =	vperm.xlane v3, v2  }
0x15c: {  	[tilespmem:s4], [sflag:$0x2] =	stream.indirect_vreg.gather [hbm4b:s6+s28], $0x80, v4, vm0, $0xb8;
	[tilespmem:$0x18100] =	vst v63  }
0x15d: {  	v3 =	vadd.s32 v1, v3  }
0x15e: {  	[tilespmem:s5], [sflag:$0x2] =	stream.indirect_vreg.gather [hbm4b:s7+s28], $0x80, v4, vm0, $0xb8;
	[tilespmem:$0x18100] =	vst v63  }
0x15f: {  	_ = 	snop  }
0x160: {  	[tilespmem:s15], [sflag:$0x2] =	stream.indirect_vreg.gather [hbm4b:s8+s28], $0x80, v4, vm0, $0xb8;
	[tilespmem:$0x18100] =	vst v63  }
0x161: {  	_ = 	snop  }
0x162: {  	[tilespmem:s16], [sflag:$0x2] =	stream.indirect_vreg.gather [hbm4b:s3+s28], $0x80, v3, vm0, $0xb8;
	[tilespmem:$0x18100] =	vst v63  }
0x163: {  	_ = 	snop  }
0x164: {  	[tilespmem:s17], [sflag:$0x2] =	stream.indirect_vreg.gather [hbm4b:s6+s28], $0x80, v3, vm0, $0xb8;
	[tilespmem:$0x18100] =	vst v63  }
0x165: {  	_ = 	snop  }
0x166: {  	[tilespmem:s18], [sflag:$0x2] =	stream.indirect_vreg.gather [hbm4b:s7+s28], $0x80, v3, vm0, $0xb8;
	[tilespmem:$0x18100] =	vst v63  }
0x167: {  	_ = 	snop  }
0x168: {  	[tilespmem:s19], [sflag:$0x2] =	stream.indirect_vreg.gather [hbm4b:s8+s28], $0x80, v3, vm0, $0xb8;
	[tilespmem:$0x18100] =	vst v63  }
0x169: {  	v3 =	vld [tilespmem:$0x90];
	_ =	sdelay $0x4  }
0x16a: {  	v63 =	vshll.u32 v3, $0x3  }
0x16b: {  	v3 =	vand.u32 $0x7, v3;
	v4 =	vand.u32 $0xFFFFFFC0, v63  }
0x16c: {  	v3 =	vor.u32 v3, v4  }
0x16d: {  	v4 =	vperm.xlane v3, v0;
	_ =	sdelay $0x1  }
0x16e: {  	v4 =	vadd.s32 v1, v4;
	_ =	sdelay $0x4  }
0x16f: {  	[tilespmem:s9], [sflag:$0x2] =	stream.indirect_vreg.gather [hbm4b:s3+s28], $0x80, v4, vm0, $0xb8;
	[tilespmem:$0x18100] =	vst v63  }
0x170: {  	v3 =	vperm.xlane v3, v2  }
0x171: {  	[tilespmem:s20], [sflag:$0x2] =	stream.indirect_vreg.gather [hbm4b:s6+s28], $0x80, v4, vm0, $0xb8;
	[tilespmem:$0x18100] =	vst v63  }
0x172: {  	v3 =	vadd.s32 v1, v3  }
0x173: {  	[tilespmem:s21], [sflag:$0x2] =	stream.indirect_vreg.gather [hbm4b:s7+s28], $0x80, v4, vm0, $0xb8;
	[tilespmem:$0x18100] =	vst v63  }
0x174: {  	_ = 	snop  }
0x175: {  	[tilespmem:s22], [sflag:$0x2] =	stream.indirect_vreg.gather [hbm4b:s8+s28], $0x80, v4, vm0, $0xb8;
	[tilespmem:$0x18100] =	vst v63  }
0x176: {  	_ = 	snop  }
0x177: {  	[tilespmem:s10], [sflag:$0x2] =	stream.indirect_vreg.gather [hbm4b:s3+s28], $0x80, v3, vm0, $0xb8;
	[tilespmem:$0x18100] =	vst v63  }
0x178: {  	_ = 	snop  }
0x179: {  	[tilespmem:s23], [sflag:$0x2] =	stream.indirect_vreg.gather [hbm4b:s6+s28], $0x80, v3, vm0, $0xb8;
	[tilespmem:$0x18100] =	vst v63  }
0x17a: {  	_ = 	snop  }
0x17b: {  	[tilespmem:s11], [sflag:$0x2] =	stream.indirect_vreg.gather [hbm4b:s7+s28], $0x80, v3, vm0, $0xb8;
	[tilespmem:$0x18100] =	vst v63  }
0x17c: {  	_ = 	snop  }
0x17d: {  	[tilespmem:s24], [sflag:$0x2] =	stream.indirect_vreg.gather [hbm4b:s8+s28], $0x80, v3, vm0, $0xb8;
	[tilespmem:$0x18100] =	vst v63  }
0x17e: {  	_ =	swait.ge [sflag:s12], $0x8000  }
0x17f: {  	[sflag:s12] =	ssyncset.done $0x0  }
0x180: {  	[sflag:s12] =	ssyncadd.s32 $0xFFFF8000  }
0x181: {  	_ =	swait.ge [sflag:s25], $0x8000  }
0x182: {  	s29 =	simm.s32 $0xFFFF8000;
	[sflag:s25] =	ssyncset.done $0x0  }
0x183: {  	s30 =	simm.s32 $0x0;
	s31 =	simm.s32 $0x0;
	[sflag:s25] =	ssyncadd.s32 $0xFFFF8000  }
.LBB2_4:
0x184: {  	s0 =	sadd.s32 $0x8000, s29  }
0x185: {  	s1 =	sand.u32 $0x380, s31;
	s0 =	sand.u32 $0x6000, s0  }
0x186: {  	s0 =	sor.u32 s1, s0  }
0x187: {  	v3 =	vld [tilespmem:s0+$0x100]  }
0x188: {  	v4 =	vld [tilespmem:s0+$0x8100]  }
0x189: {  	v5 =	vld [tilespmem:s0+$0x110]  }
0x18a: {  	v6 =	vld [tilespmem:s0+$0x8110]  }
0x18b: {  	v7 =	vld [tilespmem:s0+$0x120]  }
0x18c: {  	v8 =	vld [tilespmem:s0+$0x8120]  }
0x18d: {  	v9 =	vld [tilespmem:s0+$0x130]  }
0x18e: {  	v10 =	vld [tilespmem:s0+$0x8130]  }
0x18f: {  	v11 =	vld [tilespmem:s0+$0x140]  }
0x190: {  	v12 =	vld [tilespmem:s0+$0x8140]  }
0x191: {  	v13 =	vld [tilespmem:s0+$0x150]  }
0x192: {  	v14 =	vld [tilespmem:s0+$0x8150]  }
0x193: {  	v15 =	vld [tilespmem:s0+$0x160]  }
0x194: {  	v16 =	vld [tilespmem:s0+$0x8160]  }
0x195: {  	v17 =	vld [tilespmem:s0+$0x170]  }
0x196: {  	v18 =	vld [tilespmem:s0+$0x8170]  }
0x197: {  	v19 =	vld [tilespmem:s0+$0x500]  }
0x198: {  	v20 =	vld [tilespmem:s0+$0x8500]  }
0x199: {  	v21 =	vld [tilespmem:s0+$0x510]  }
0x19a: {  	v22 =	vld [tilespmem:s0+$0x8510]  }
0x19b: {  	v23 =	vld [tilespmem:s0+$0x520]  }
0x19c: {  	v24 =	vld [tilespmem:s0+$0x8520]  }
0x19d: {  	v25 =	vld [tilespmem:s0+$0x530]  }
0x19e: {  	v26 =	vld [tilespmem:s0+$0x8530]  }
0x19f: {  	v27 =	vld [tilespmem:s0+$0x540]  }
0x1a0: {  	v28 =	vld [tilespmem:s0+$0x8540]  }
0x1a1: {  	v29 =	vld [tilespmem:s0+$0x550]  }
0x1a2: {  	v30 =	vld [tilespmem:s0+$0x8550]  }
0x1a3: {  	v31 =	vld [tilespmem:s0+$0x560]  }
0x1a4: {  	v32 =	vld [tilespmem:s0+$0x8560]  }
0x1a5: {  	v33 =	vld [tilespmem:s0+$0x570]  }
0x1a6: {  	v34 =	vld [tilespmem:s0+$0x8570]  }
0x1a7: {  	v35 =	vld [tilespmem:s0+$0x900]  }
0x1a8: {  	v36 =	vld [tilespmem:s0+$0x8900]  }
0x1a9: {  	v37 =	vld [tilespmem:s0+$0x910]  }
0x1aa: {  	v38 =	vld [tilespmem:s0+$0x8910]  }
0x1ab: {  	v39 =	vld [tilespmem:s0+$0x920]  }
0x1ac: {  	v40 =	vld [tilespmem:s0+$0x8920]  }
0x1ad: {  	v41 =	vld [tilespmem:s0+$0x930]  }
0x1ae: {  	v42 =	vld [tilespmem:s0+$0x8930]  }
0x1af: {  	v43 =	vld [tilespmem:s0+$0x940]  }
0x1b0: {  	v44 =	vld [tilespmem:s0+$0x8940]  }
0x1b1: {  	v45 =	vld [tilespmem:s0+$0x950]  }
0x1b2: {  	v46 =	vld [tilespmem:s0+$0x8950]  }
0x1b3: {  	v47 =	vld [tilespmem:s0+$0x960]  }
0x1b4: {  	v48 =	vld [tilespmem:s0+$0x8960]  }
0x1b5: {  	v49 =	vld [tilespmem:s0+$0x970]  }
0x1b6: {  	v50 =	vld [tilespmem:s0+$0x8970]  }
0x1b7: {  	v51 =	vld [tilespmem:s0+$0xD00]  }
0x1b8: {  	v52 =	vld [tilespmem:s0+$0x8D00]  }
0x1b9: {  	v53 =	vld [tilespmem:s0+$0xD10]  }
0x1ba: {  	v54 =	vld [tilespmem:s0+$0x8D10]  }
0x1bb: {  	v55 =	vld [tilespmem:s0+$0xD20]  }
0x1bc: {  	v56 =	vld [tilespmem:s0+$0x8D20]  }
0x1bd: {  	v57 =	vld [tilespmem:s0+$0xD30]  }
0x1be: {  	v58 =	vld [tilespmem:s0+$0x8D30]  }
0x1bf: {  	v59 =	vld [tilespmem:s0+$0xD40]  }
0x1c0: {  	v60 =	vld [tilespmem:s0+$0x8D40]  }
0x1c1: {  	v61 =	vld [tilespmem:s0+$0xD50]  }
0x1c2: {  	v62 =	vld [tilespmem:s0+$0x8D50]  }
0x1c3: {  	v63 =	vld [tilespmem:s0+$0xD60]  }
0x1c4: {  	v3 =	vadd.f32 v4, v3;
	v4 =	vld [tilespmem:s0+$0x8D60]  }
0x1c5: {  	v5 =	vadd.f32 v6, v5;
	v6 =	vld [tilespmem:s0+$0xD70]  }
0x1c6: {  	v14 =	vadd.f32 v14, v13;
	v13 =	vld [tilespmem:s0+$0x9120];
	[tilespmem:s0+$0x10100] =	vst v3  }
0x1c7: {  	v18 =	vadd.f32 v18, v17;
	v17 =	vld [tilespmem:s0+$0x9140];
	v3 =	vadd.f32 v8, v7;
	[tilespmem:s0+$0x10110] =	vst v5  }
0x1c8: {  	v22 =	vadd.f32 v22, v21;
	v21 =	vld [tilespmem:s0+$0x9160];
	[tilespmem:s0+$0x10150] =	vst v14  }
0x1c9: {  	v7 =	vld [tilespmem:s0+$0x8D70];
	[tilespmem:s0+$0x10120] =	vst v3;
	v3 =	vadd.f32 v12, v11  }
0x1ca: {  	v8 =	vld [tilespmem:s0+$0x1100];
	[tilespmem:s0+$0x10170] =	vst v18  }
0x1cb: {  	v5 =	vadd.f32 v10, v9;
	v9 =	vld [tilespmem:s0+$0x9100];
	[tilespmem:s0+$0x10140] =	vst v3;
	v3 =	vadd.f32 v16, v15  }
0x1cc: {  	v26 =	vadd.f32 v26, v25;
	v10 =	vld [tilespmem:s0+$0x1110];
	[tilespmem:s0+$0x10510] =	vst v22  }
0x1cd: {  	v14 =	vld [tilespmem:s0+$0x1130];
	[tilespmem:s0+$0x10160] =	vst v3;
	v3 =	vadd.f32 v20, v19  }
0x1ce: {  	v30 =	vadd.f32 v30, v29;
	[tilespmem:s0+$0x10530] =	vst v26;
	v18 =	vld [tilespmem:s0+$0x1150]  }
0x1cf: {  	v19 =	vld [tilespmem:s0+$0x9150];
	[tilespmem:s0+$0x10500] =	vst v3;
	v3 =	vadd.f32 v24, v23  }
0x1d0: {  	v34 =	vadd.f32 v34, v33;
	[tilespmem:s0+$0x10550] =	vst v30;
	v22 =	vld [tilespmem:s0+$0x1170]  }
0x1d1: {  	v11 =	vld [tilespmem:s0+$0x9110];
	[tilespmem:s0+$0x10520] =	vst v3;
	v3 =	vadd.f32 v28, v27  }
0x1d2: {  	[tilespmem:s0+$0x10570] =	vst v34;
	v12 =	vld [tilespmem:s0+$0x1120]  }
0x1d3: {  	v15 =	vld [tilespmem:s0+$0x9130];
	[tilespmem:s0+$0x10540] =	vst v3;
	v3 =	vadd.f32 v32, v31  }
0x1d4: {  	[tilespmem:s0+$0x10130] =	vst v5;
	v16 =	vld [tilespmem:s0+$0x1140];
	v19 =	vadd.f32 v19, v18  }
0x1d5: {  	v20 =	vld [tilespmem:s0+$0x1160];
	[tilespmem:s0+$0x10560] =	vst v3;
	v3 =	vadd.f32 v36, v35  }
0x1d6: {  	v24 =	vld [tilespmem:s0+$0x1500];
	[tilespmem:s0+$0x11150] =	vst v19;
	v36 =	vadd.f32 v38, v37  }
0x1d7: {  	v37 =	vld [tilespmem:s0+$0x9170];
	[tilespmem:s0+$0x10900] =	vst v3;
	v3 =	vadd.f32 v40, v39  }
0x1d8: {  	v38 =	vadd.f32 v42, v41;
	v41 =	vld [tilespmem:s0+$0x1510];
	[tilespmem:s0+$0x10910] =	vst v36  }
0x1d9: {  	v42 =	vld [tilespmem:s0+$0x9510];
	[tilespmem:s0+$0x10920] =	vst v3;
	v3 =	vadd.f32 v44, v43  }
0x1da: {  	v35 =	vld [tilespmem:s0+$0x1910];
	[tilespmem:s0+$0x10930] =	vst v38;
	v40 =	vadd.f32 v46, v45  }
0x1db: {  	v39 =	vld [tilespmem:s0+$0x9500];
	[tilespmem:s0+$0x10940] =	vst v3;
	v3 =	vadd.f32 v48, v47  }
0x1dc: {  	v45 =	vld [tilespmem:s0+$0x9520];
	v46 =	vadd.f32 v54, v53;
	[tilespmem:s0+$0x10950] =	vst v40  }
0x1dd: {  	v53 =	vld [tilespmem:s0+$0x1550];
	[tilespmem:s0+$0x10960] =	vst v3;
	v3 =	vadd.f32 v52, v51  }
0x1de: {  	v54 =	vld [tilespmem:s0+$0x9550];
	v43 =	vadd.f32 v50, v49;
	[tilespmem:s0+$0x10D10] =	vst v46  }
0x1df: {  	v36 =	vld [tilespmem:s0+$0x9910];
	[tilespmem:s0+$0x10D00] =	vst v3;
	v3 =	vadd.f32 v56, v55  }
0x1e0: {  	v38 =	vld [tilespmem:s0+$0x1920];
	v49 =	vadd.f32 v58, v57;
	[tilespmem:s0+$0x10970] =	vst v43  }
0x1e1: {  	v44 =	vld [tilespmem:s0+$0x1520];
	[tilespmem:s0+$0x10D20] =	vst v3;
	v3 =	vadd.f32 v60, v59  }
0x1e2: {  	v50 =	vld [tilespmem:s0+$0x1540];
	v58 =	vadd.f32 v11, v10;
	[tilespmem:s0+$0x10D30] =	vst v49  }
0x1e3: {  	v57 =	vld [tilespmem:s0+$0x9560];
	[tilespmem:s0+$0x10D40] =	vst v3;
	v3 =	vadd.f32 v4, v63  }
0x1e4: {  	v46 =	vld [tilespmem:s0+$0x1950];
	v37 =	vadd.f32 v37, v22;
	[tilespmem:s0+$0x11110] =	vst v58  }
0x1e5: {  	v40 =	vadd.f32 v42, v41;
	v41 =	vld [tilespmem:s0+$0x1930];
	[tilespmem:s0+$0x10D60] =	vst v3;
	v3 =	vadd.f32 v9, v8  }
0x1e6: {  	v42 =	vld [tilespmem:s0+$0x9930];
	[tilespmem:s0+$0x11170] =	vst v37  }
0x1e7: {  	v47 =	vld [tilespmem:s0+$0x1530];
	[tilespmem:s0+$0x11100] =	vst v3;
	v3 =	vadd.f32 v13, v12  }
0x1e8: {  	v48 =	vld [tilespmem:s0+$0x9530];
	[tilespmem:s0+$0x11510] =	vst v40;
	v52 =	vadd.f32 v62, v61  }
0x1e9: {  	v49 =	vld [tilespmem:s0+$0x1960];
	[tilespmem:s0+$0x11120] =	vst v3;
	v3 =	vadd.f32 v17, v16  }
0x1ea: {  	v51 =	vld [tilespmem:s0+$0x9540];
	v61 =	vadd.f32 v15, v14;
	[tilespmem:s0+$0x10D50] =	vst v52  }
0x1eb: {  	v62 =	vld [tilespmem:s0+$0x1900];
	[tilespmem:s0+$0x11140] =	vst v3;
	v3 =	vadd.f32 v21, v20  }
0x1ec: {  	v55 =	vadd.f32 v7, v6;
	v56 =	vld [tilespmem:s0+$0x1560];
	[tilespmem:s0+$0x11130] =	vst v61  }
0x1ed: {  	v52 =	vld [tilespmem:s0+$0x1970];
	[tilespmem:s0+$0x11160] =	vst v3;
	v3 =	vadd.f32 v39, v24  }
0x1ee: {  	v43 =	vadd.f32 v48, v47;
	v47 =	vld [tilespmem:s0+$0x9950];
	[tilespmem:s0+$0x10D70] =	vst v55  }
0x1ef: {  	v59 =	vld [tilespmem:s0+$0x1570];
	[tilespmem:s0+$0x11500] =	vst v3;
	v3 =	vadd.f32 v45, v44  }
0x1f0: {  	[tilespmem:s0+$0x11530] =	vst v43;
	v63 =	vld [tilespmem:s0+$0x9900];
	v4 =	vadd.f32 v54, v53  }
0x1f1: {  	v60 =	vld [tilespmem:s0+$0x9570];
	[tilespmem:s0+$0x11520] =	vst v3;
	v3 =	vadd.f32 v51, v50  }
0x1f2: {  	v54 =	vadd.f32 v42, v41;
	[tilespmem:s0+$0x11550] =	vst v4;
	v39 =	vld [tilespmem:s0+$0x9920]  }
0x1f3: {  	v44 =	vld [tilespmem:s0+$0x1940];
	[tilespmem:s0+$0x11540] =	vst v3;
	v3 =	vadd.f32 v57, v56  }
0x1f4: {  	[tilespmem:s0+$0x11930] =	vst v54;
	v55 =	vadd.f32 v47, v46;
	v45 =	vld [tilespmem:s0+$0x9940]  }
0x1f5: {  	v53 =	vld [tilespmem:s0+$0x9970];
	[tilespmem:s0+$0x11560] =	vst v3;
	v3 =	vadd.f32 v63, v62  }
0x1f6: {  	v48 =	vadd.f32 v60, v59;
	[tilespmem:s0+$0x11950] =	vst v55;
	v50 =	vld [tilespmem:s0+$0x9960]  }
0x1f7: {  	[tilespmem:s0+$0x11900] =	vst v3;
	v3 =	vadd.f32 v39, v38  }
0x1f8: {  	[tilespmem:s0+$0x11570] =	vst v48;
	v51 =	vadd.f32 v36, v35  }
0x1f9: {  	[tilespmem:s0+$0x11920] =	vst v3;
	v3 =	vadd.f32 v45, v44  }
0x1fa: {  	s1 =	sand.u32 $0x7, s28;
	[tilespmem:s0+$0x11910] =	vst v51;
	v56 =	vadd.f32 v53, v52  }
0x1fb: {  	s1 =	sshll.u32 s1, $0x7;
	[tilespmem:s0+$0x11940] =	vst v3;
	v3 =	vadd.f32 v50, v49  }
0x1fc: {  	s1 =	sadd.s32 s1, s30;
	[tilespmem:s0+$0x11970] =	vst v56  }
0x1fd: {  	[tilespmem:s0+$0x11960] =	vst v3;
	s0 =	sor.u32 $0x1C00, s1  }
0x1fe: {  	v3 =	vld [tilespmem:s0+$0x100]  }
0x1ff: {  	v4 =	vld [tilespmem:s0+$0x8100];
	_ =	sdelay $0x4  }
0x200: {  	v3 =	vadd.f32 v4, v3;
	_ =	sdelay $0x1  }
0x201: {  	[tilespmem:s0+$0x10100] =	vst v3;
	s0 =	sor.u32 $0x1C10, s1  }
0x202: {  	v3 =	vld [tilespmem:s0+$0x100]  }
0x203: {  	v57 =	vld [tilespmem:s0+$0x8100];
	_ =	sdelay $0x4  }
0x204: {  	v3 =	vadd.f32 v57, v3;
	_ =	sdelay $0x1  }
0x205: {  	[tilespmem:s0+$0x10100] =	vst v3;
	s0 =	sor.u32 $0x1C20, s1  }
0x206: {  	v3 =	vld [tilespmem:s0+$0x100]  }
0x207: {  	v58 =	vld [tilespmem:s0+$0x8100];
	_ =	sdelay $0x4  }
0x208: {  	v3 =	vadd.f32 v58, v3;
	_ =	sdelay $0x1  }
0x209: {  	[tilespmem:s0+$0x10100] =	vst v3;
	s0 =	sor.u32 $0x1C30, s1  }
0x20a: {  	v3 =	vld [tilespmem:s0+$0x100]  }
0x20b: {  	v59 =	vld [tilespmem:s0+$0x8100];
	_ =	sdelay $0x4  }
0x20c: {  	v3 =	vadd.f32 v59, v3;
	_ =	sdelay $0x1  }
0x20d: {  	[tilespmem:s0+$0x10100] =	vst v3;
	s0 =	sor.u32 $0x1C40, s1  }
0x20e: {  	v3 =	vld [tilespmem:s0+$0x100]  }
0x20f: {  	v60 =	vld [tilespmem:s0+$0x8100];
	_ =	sdelay $0x4  }
0x210: {  	v3 =	vadd.f32 v60, v3;
	_ =	sdelay $0x1  }
0x211: {  	[tilespmem:s0+$0x10100] =	vst v3;
	s0 =	sor.u32 $0x1C50, s1  }
0x212: {  	v3 =	vld [tilespmem:s0+$0x100]  }
0x213: {  	v61 =	vld [tilespmem:s0+$0x8100];
	_ =	sdelay $0x4  }
0x214: {  	v3 =	vadd.f32 v61, v3;
	_ =	sdelay $0x1  }
0x215: {  	[tilespmem:s0+$0x10100] =	vst v3;
	s0 =	sor.u32 $0x1C60, s1  }
0x216: {  	v3 =	vld [tilespmem:s0+$0x100]  }
0x217: {  	v62 =	vld [tilespmem:s0+$0x8100];
	_ =	sdelay $0x4  }
0x218: {  	v3 =	vadd.f32 v62, v3;
	_ =	sdelay $0x1  }
0x219: {  	s1 =	sor.u32 $0x1C70, s1;
	[tilespmem:s0+$0x10100] =	vst v3  }
0x21a: {  	v3 =	vld [tilespmem:s1+$0x100]  }
0x21b: {  	v63 =	vld [tilespmem:s1+$0x8100];
	_ =	sdelay $0x1  }
0x21c: {  	p0 =	sne.s32 s31, $0xF80  }
.Ltmp1:
0x21d: {  	_ = 	snop;
	(pc) =	sbr.rel @p0 .LBB2_4-.Ltmp1, $4  }
0x21e: {  	_ = 	snop  }
0x21f: {  	v3 =	vadd.f32 v63, v3  }
0x220: {  	s29 =	sadd.s32 $0x400, s29  }
0x221: {  	s31 =	sadd.s32 $0x80, s31;
	s28 =	sadd.s32 $0x1, s28;
	s30 =	sadd.s32 $0x400, s30;
	[tilespmem:s1+$0x10100] =	vst v3  }
0x222: {  	s0 =	rddreg [dreg:$0x8]  }
0x223: {  	[hbm4b:s0+s2] =	stream.linear.scatter [tilespmem:s13], [sflag:$0x3], $0x8000, $0x38;
	[tilespmem:$0x18100] =	vst v63  }
0x224: {  	_ =	swait.ge [sflag:s14], $0x8000  }
0x225: {  	s26 =	sadd.s32 $0x1, s26;
	s31 =	rddreg [dreg:$0x9]  }
0x226: {  	p0 =	sne.s32 s26, s31  }
.Ltmp2:
0x227: {  	_ = 	snop;
	(pc) =	sbr.rel @p0 .LBB2_1-.Ltmp2, $3  }
0x228: {  	_ =	sdelay $0x1  }
0x229: {  	[sflag:s14] =	ssyncset.done $0x0  }
0x22a: {  	[sflag:s14] =	ssyncadd.s32 $0xFFFF8000  }
0x22b: {  	_ =	sfence.sel $0x180000  }
0x22c: {  	[bflag:$0x0] =	sbarrier.arrive $0xFFFF  }
0x22d: {  	_ =	strace $0x9000004D  }
0x22e: {  	s0 =	stileid.u32;
	[bflag:$0x2] =	sbarrier.arrive $0xFFFF  }
0x22f: {  	p0 =	sne.s32 s0, $0x0;
	s0 =	rddreg [dreg:$0x2]  }
0x230: {  	s0 =	sadd.s32 @!p0 $0x100000, s0  }
0x231: {  	[sflag:s0] =	ssyncadd.tile.s32 @!p0 $0x1;
	_ =	shalt  }
.Lfunc_end2:
_tile_overlayer_lowered:
.L_overlay_start_2:
0x232: {  	(tag) =	ssettag $0x2  }
0x233: {  	s0 =	rddreg [dreg:$0x0];
	s2 =	stileid.u32  }
0x234: {  	s1 =	rddreg [dreg:$0x1];
	p0 =	sne.s32 s2, $0x0  }
0x235: {  	s3 =	rddreg [dreg:$0x2];
	[bflag:$0x3] =	sbarrier.arrive $0xFFFF;
	s2 =	simm.s32 @!p0 $0x1C03  }
0x236: {  	[timem:s3], [sflag:s2] =	dma.local @!p0 [hbm:s0], s1  }
0x237: {  	s0 =	simm.s32 @!p0 $0x3  }
0x238: {  	_ =	swait.ge @!p0 [sflag:s0], s1  }
0x239: {  	s1 =	ssub.s32 @!p0 $0x0, s1;
	[sflag:s0] =	ssyncset.done @!p0 $0x0  }
0x23a: {  	[sflag:s0] =	ssyncadd.s32 @!p0 s1  }
0x23b: {  	[bflag:$0x3] =	sbarrier.arrive $0xFFFF  }
0x23c: {  	_ =	shalt  }

// kernel: kernel.7.cloned.1.call-start
scs
__scs_entry_jumppad:
0x0: {  	(pc) =	sbr.rel $0x88, $3  }
0x1: {  	(tag) =	ssettag $0x0;
	lr =	simm.s32 $0x1  }
0x2: {  	[smem:$0x3F9C] =	sst lr;
	_ =	strace $0xD0000000  }
0x3: {  	_ = 	snop  }
0x4: {  	_ = 	snop  }
0x5: {  	_ = 	snop  }
0x6: {  	_ = 	snop  }
0x7: {  	_ = 	snop  }
__scs_overlays_trampoline_lowered:
0x8: {  	[smem:$0x3FAB] =	sst s0  }
0x9: {  	[smem:$0x3FAC] =	sst s1  }
0xa: {  	[smem:$0x3FAD] =	sst s2  }
0xb: {  	[smem:$0x3FAE] =	sst s3  }
0xc: {  	[smem:$0x3FAF] =	sst s4  }
0xd: {  	[smem:$0x3FB0] =	sst s5  }
0xe: {  	[smem:$0x3FB1] =	sst s6  }
0xf: {  	[smem:$0x3FB2] =	sst s7  }
0x10: {  	[smem:$0x3FB3] =	sst s8  }
0x11: {  	[smem:$0x3FB4] =	sst s9;
	s0 =	simm.s32 @!p0 $0x0  }
0x12: {  	s1 =	sld [smem:$0x3F9A];
	s0 =	simm.s32 @p0 $0x1  }
0x13: {  	[smem:$0x3FB5] =	sst s0;
	s0 =	simm.s32 @!p1 $0x0  }
0x14: {  	s2 =	sld [smem:$0x3F99];
	s0 =	simm.s32 @p1 $0x1  }
0x15: {  	[smem:$0x3FB6] =	sst s0;
	s0 =	simm.s32 @!p2 $0x0  }
0x16: {  	s3 =	sld [smem:$0x3FDB];
	s0 =	simm.s32 @p2 $0x1  }
0x17: {  	s4 =	simm.s32 $0x1BF5;
	[smem:$0x3FB8] =	sst s0  }
0x18: {  	s0 =	sld [smem:$0x3F9B];
	_ =	swait.ge [sflag:s4], $0x0  }
0x19: {  	s7 =	sld [smem:$0x3F9C]  }
0x1a: {  	s8 =	sadd.s32 $0xFFFFE003, lr  }
0x1b: {  	s9 =	sadd.s32 $0xFFFFFEF7, lr;
	s5 =	simm.s32 $0xFFFFFFFF;
	p2 =	slt.u32 s8, $0xFFFFF086  }
0x1c: {  	p1 =	slt.u32 s9, $0xF7A;
	s5 =	simm.s32 @!p2 $0x0  }
0x1d: {  	s5 =	simm.s32 @p1 $0x1;
	p0 =	seq.s32 s7, s2  }
0x1e: {  	s7 =	smul.u32 @!p0 $0xF7A, s2;
	p2 =	seq.s32 @!p0 s5, $0x0  }
0x1f: {  	s9 =	smul.u32 $0xF7A, s1;
	s8 =	simm.s32 @!p0 $0x1BF5;
	p2 =	por !p2, p0  }
0x20: {  	[sflag:s8] =	ssyncset.s32 @!p0 $0xFFFFF086;
	s6 =	sadd.s32 @!p0 s3, s7;
	s7 =	simm.s32 @!p0 $0x108  }
0x21: {  	s3 =	sadd.s32 s3, s9;
	s6 =	sadd.s32 @!p0 $0x88, s6;
	s7 =	simm.s32 @p2 $0x1082  }
0x22: {  	[simem:s7], [sflag:s8] =	dma.local @!p0 [hbm:s6], $0xF7A  }
0x23: {  	s9 =	sor.u32 $0xD0000000, s2;
	s6 =	simm.s32 $0x108;
	_ =	swait.ge @!p0 [sflag:s8], $0x0  }
0x24: {  	s3 =	sadd.s32 $0x88, s3;
	s6 =	simm.s32 @!p1 $0x1082;
	[sflag:s4] =	ssyncset.s32 $0xFFFFF086  }
0x25: {  	[simem:s6], [sflag:s4] =	dma.local [hbm:s3], $0xF7A  }
0x26: {  	[smem:$0x3F9C] =	sst s1;
	(tag) =	ssettag s2;
	_ =	strace s9  }
0x27: {  	s1 =	sld [smem:$0x3FAC]  }
0x28: {  	s2 =	sld [smem:$0x3FAD]  }
0x29: {  	s4 =	sld [smem:$0x3FAF]  }
0x2a: {  	p0 =	seq.s32 s5, $0x0;
	s5 =	sld [smem:$0x3FB0]  }
0x2b: {  	s6 =	sld [smem:$0x3FB1]  }
0x2c: {  	s7 =	sld [smem:$0x3FB2]  }
0x2d: {  	s3 =	simm.s32 $0x108;
	s8 =	sld [smem:$0x3FB3]  }
0x2e: {  	s3 =	simm.s32 @!p0 $0x1082;
	s9 =	sld [smem:$0x3FB4]  }
0x2f: {  	lr =	sadd.s32 s0, s3;
	s0 =	sld [smem:$0x3FAB]  }
0x30: {  	s3 =	sld [smem:$0x3FAE]  }
0x31: {  	[smem:$0x3FB7] =	sst s10  }
0x32: {  	s10 =	sld [smem:$0x3FB5];
	_ =	sdelay $0x3  }
0x33: {  	p0 =	seq.s32 s10, $0x1;
	s10 =	sld [smem:$0x3FB7];
	_ =	sdelay $0x3  }
0x34: {  	[smem:$0x3FB7] =	sst s10  }
0x35: {  	s10 =	sld [smem:$0x3FB6];
	_ =	sdelay $0x3  }
0x36: {  	p1 =	seq.s32 s10, $0x1;
	s10 =	sld [smem:$0x3FB7];
	_ =	sdelay $0x3  }
0x37: {  	[smem:$0x3FB7] =	sst s10  }
0x38: {  	s10 =	sld [smem:$0x3FB8]  }
0x39: {  	_ = 	snop;
	(pc) =	sbr.ind lr, $3  }
0x3a: {  	_ = 	snop  }
0x3b: {  	_ = 	snop  }
0x3c: {  	p2 =	seq.s32 s10, $0x1;
	s10 =	sld [smem:$0x3FB7]  }
0x3d: {  	_ =	shalt  }
0x3e: {  	_ =	shalt  }
0x3f: {  	_ =	shalt  }
0x40: {  	_ =	shalt  }
0x41: {  	_ =	shalt  }
0x42: {  	_ =	shalt  }
0x43: {  	_ =	shalt  }
0x44: {  	_ =	shalt  }
0x45: {  	_ =	shalt  }
0x46: {  	_ =	shalt  }
0x47: {  	_ =	shalt  }
0x48: {  	_ =	shalt  }
0x49: {  	_ =	shalt  }
0x4a: {  	_ =	shalt  }
0x4b: {  	_ =	shalt  }
0x4c: {  	_ =	shalt  }
0x4d: {  	_ =	shalt  }
0x4e: {  	_ =	shalt  }
0x4f: {  	_ =	shalt  }
0x50: {  	_ =	shalt  }
0x51: {  	_ =	shalt  }
0x52: {  	_ =	shalt  }
0x53: {  	_ =	shalt  }
0x54: {  	_ =	shalt  }
0x55: {  	_ =	shalt  }
0x56: {  	_ =	shalt  }
0x57: {  	_ =	shalt  }
0x58: {  	_ =	shalt  }
0x59: {  	_ =	shalt  }
0x5a: {  	_ =	shalt  }
0x5b: {  	_ =	shalt  }
0x5c: {  	_ =	shalt  }
0x5d: {  	_ =	shalt  }
0x5e: {  	_ =	shalt  }
0x5f: {  	_ =	shalt  }
0x60: {  	_ =	shalt  }
0x61: {  	_ =	shalt  }
0x62: {  	_ =	shalt  }
0x63: {  	_ =	shalt  }
0x64: {  	_ =	shalt  }
0x65: {  	_ =	shalt  }
0x66: {  	_ =	shalt  }
0x67: {  	_ =	shalt  }
0x68: {  	_ =	shalt  }
0x69: {  	_ =	shalt  }
0x6a: {  	_ =	shalt  }
0x6b: {  	_ =	shalt  }
0x6c: {  	_ =	shalt  }
0x6d: {  	_ =	shalt  }
0x6e: {  	_ =	shalt  }
0x6f: {  	_ =	shalt  }
0x70: {  	_ =	shalt  }
0x71: {  	_ =	shalt  }
0x72: {  	_ =	shalt  }
0x73: {  	_ =	shalt  }
0x74: {  	_ =	shalt  }
0x75: {  	_ =	shalt  }
0x76: {  	_ =	shalt  }
0x77: {  	_ =	shalt  }
0x78: {  	_ =	shalt  }
0x79: {  	_ =	shalt  }
0x7a: {  	_ =	shalt  }
0x7b: {  	_ =	shalt  }
0x7c: {  	_ =	shalt  }
0x7d: {  	_ =	shalt  }
0x7e: {  	_ =	shalt  }
0x7f: {  	_ =	shalt  }
0x80: {  	_ =	shalt  }
0x81: {  	_ =	shalt  }
0x82: {  	_ =	shalt  }
0x83: {  	_ =	shalt  }
0x84: {  	_ =	shalt  }
0x85: {  	_ =	shalt  }
0x86: {  	_ =	shalt  }
0x87: {  	_ =	shalt  }
.Lfunc_end0:
.L_simem_size_0:
called_computation_lowered:
.L_overlay_start_0:
0x88: {  	s2 =	sld [smem:$0x3FD9]  }
0x89: {  	s3 =	sld [smem:$0x3FFE];
	_ =	sdelay $0x1  }
0x8a: {  	s1 =	srdreg.scid  }
0x8b: {  	s0 =	sand.u32 $0x1, s1  }
0x8c: {  	s17 =	sshll.u32 s0, $0xA;
	s2 =	sadd.s32 s3, s2  }
0x8d: {  	s2 =	sadd.s32 s2, s17  }
0x8e: {  	[smem:$0x3FC3] =	sst s2  }
0x8f: {  	_ = 	snop  }
0x90: {  	s2 =	sld [smem:$0x3FD0];
	(tm) =	ssettm $0x1  }
0x91: {  	s18 =	sld [smem:$0x3FFB];
	_ =	sdelay $0x3  }
0x92: {  	_ =	strace s18  }
0x93: {  	s3 =	sld [smem:$0x3FFC];
	_ =	sdelay $0x3  }
0x94: {  	_ =	strace s3  }
0x95: {  	s3 =	sld [smem:$0x3FFD];
	_ =	sdelay $0x3  }
0x96: {  	_ =	strace s3  }
0x97: {  	_ =	strace $0x8FFFFFFF  }
0x98: {  	s19 =	sld [smem:$0x3FDB];
	_ =	sdelay $0x1  }
0x99: {  	s4 =	simm.s32 $_scs_section_size  }
0x9a: {  	s5 =	simm.s32 $_size__tile_overlayer_lowered;
	s6 =	simm.s32 $_tile_overlayer_lowered  }
0x9b: {  	s22 =	simm.s32 $0x1BFF;
	s21 =	sshll.u32 s6, $0x1;
	s3 =	sadd.s32 s4, s19  }
0x9c: {  	s7 =	simm.s32 $0x0;
	s20 =	sshll.u32 s5, $0x1;
	s5 =	sadd.s32 s21, s3  }
0x9d: {  	[timem:s7], [sflag:s22] =	dma.local [hbm:s5], s20  }
0x9e: {  	_ =	swait.ge [sflag:s22], s20  }
0x9f: {  	s4 =	ssub.s32 $0x0, s20;
	[sflag:s22] =	ssyncset.done $0x0  }
0xa0: {  	[sflag:s22] =	ssyncadd.s32 s4;
	_ =	sdelay $0x1  }
0xa1: {  	s23 =	simm.s32 $0x1B8B  }
0xa2: {  	_ =	swait.ge [sflag:s23], $0x1  }
0xa3: {  	[sflag:s23] =	ssyncset.done $0x0  }
0xa4: {  	s25 =	simm.s32 $0x1B8E;
	s24 =	sld [smem:$0x3FFE];
	[sflag:s23] =	ssyncadd.s32 $0xFFFFFFFF  }
0xa5: {  	s26 =	simm.s32 $execute0_lowered;
	[smem:$0x3FD2] =	sst s25  }
0xa6: {  	s5 =	sshll.u32 s26, $0x1;
	_ =	strace $0x80000046;
	[dreg:$0x1] =	wrdreg $0xFFFFFFFF  }
0xa7: {  	s28 =	simm.s32 $_size_execute0_lowered;
	s3 =	sadd.s32 s3, s5;
	[dreg:$0x0] =	wrdreg $0x0  }
0xa8: {  	s5 =	sshll.u32 s28, $0x1;
	[dreg:$0x2] =	wrdreg s3  }
0xa9: {  	[dreg:$0x3] =	wrdreg s5  }
0xaa: {  	[dreg:$0x4] =	wrdreg $0xC0  }
0xab: {  	_ =	task [dreg:s7], $0x5FFFF  }
0xac: {  	[dreg:$0x1] =	wrdreg $0xFFFFFFFF  }
0xad: {  	[dreg:$0x0] =	wrdreg $0x60  }
0xae: {  	[dreg:$0x2] =	wrdreg s24  }
0xaf: {  	[dreg:$0x3] =	wrdreg s2  }
0xb0: {  	[dreg:$0x4] =	wrdreg $0x9  }
0xb1: {  	_ =	task.clear_ibuf [dreg:s7], $0x5FFFF;
	_ =	strace $0x90000046  }
0xb2: {  	s29 =	simm.s32 $0x9;
	_ =	strace $0x80000048  }
0xb3: {  	_ =	swait.ge [sflag:s29], $0x1  }
0xb4: {  	[sflag:s29] =	ssyncadd.s32 $0xFFFFFFFF  }
0xb5: {  	_ =	strace $0x90000048  }
0xb6: {  	_ =	sfence  }
0xb7: {  	s30 =	sld [smem:$0x0];
	_ =	sdelay $0x2  }
0xb8: {  	s31 =	sshll.u32 s1, $0xD;
	s1 =	sshrl.u32 s1, $0x2  }
0xb9: {  	s3 =	sand.u32 $0x4000, s31;
	s1 =	sadd.s32 s1, s30  }
0xba: {  	s0 =	sor.u32 s3, s0;
	s1 =	sshll.u32 s1, $0x11  }
0xbb: {  	s0 =	sor.u32 s1, s0  }
0xbc: {  	s0 =	sadd.s32 $0x8F2B, s0  }
0xbd: {  	[sflag:s0] =	ssyncadd.remote.s32 $0x1  }
0xbe: {  	_ =	sfence.sel $0xFFFF  }
0xbf: {  	[dreg:$0x0] =	wrdreg $0xFFFFFFFF;
	(pc) =	sbr.abs _section_cstart, $3  }
0xc0: {  	[dreg:$0x1] =	wrdreg $0xFFFFFFFF  }
0xc1: {  	_ =	task.clear_ibuf [dreg:s7], $0x2FFFF;
	_ =	strace $0x9FFFFFFF  }
0xc2: {  	(tm) =	ssettm $0x7FFFFFFF  }
0xc3: {  	_ =	shalt  }
tec
execute0_lowered:
.L_overlay_start_1:
0x0: {  	(tag) =	ssettag $0x1  }
0x1: {  	s1 =	srdreg.scid  }
0x2: {  	s0 =	stileid.u32;
	s8 =	sand.u32 $0x1, s1  }
0x3: {  	s9 =	rddreg [dreg:$0x0];
	s23 =	sshll.u32 s0, $0x8;
	s2 =	sshll.u32 s8, $0x7  }
0x4: {  	s3 =	rddreg [dreg:$0x1];
	s10 =	sor.u32 s2, s23  }
0x5: {  	s1 =	rddreg [dreg:$0x2];
	s2 =	simm.s32 $0x0;
	s4 =	sshrl.u32 s10, $0x3  }
0x6: {  	[smem:$0x7FF] =	sst s2;
	s6 =	sadd.s32 s4, s9  }
0x7: {  	_ =	strace $0x80000047;
	s4 =	simm.s32 $0x1;
	s5 =	sadd.s32 $0x1200, s6  }
0x8: {  	[tilespmem:s2], [sflag:$0x1] =	stream.linear.gather [hbm4b:s5+s2], $0x80, $0x38;
	[tilespmem:$0x180] =	vst v63  }
0x9: {  	_ =	swait.ge [sflag:s4], $0x80  }
0xa: {  	[sflag:s4] =	ssyncset.done $0x0  }
0xb: {  	s7 =	sadd.s32 $0x1000, s6;
	s6 =	simm.s32 $0x80;
	[sflag:s4] =	ssyncadd.s32 $0xFFFFFF80  }
0xc: {  	[tilespmem:s6], [sflag:$0x1] =	stream.linear.gather [hbm4b:s7+s2], $0x80, $0x38;
	[tilespmem:$0x180] =	vst v63  }
0xd: {  	v7 =	vlaneseq.u32;
	s11 =	sor.u32 $0x70, s10;
	_ =	swait.ge [sflag:s4], $0x80  }
0xe: {  	s8 =	ssub.s32 $0x2, s8;
	s24 =	sor.u32 $0x60, s10;
	v0 =	vor.u32 s11, v7;
	[sflag:s4] =	ssyncset.done $0x0  }
0xf: {  	s30 =	sshrl.u32 s8, $0x1;
	s25 =	sor.u32 $0x50, s10;
	v1 =	vor.u32 s24, v7;
	v0 =	vshrl.u32 v0, $0x1;
	[sflag:s4] =	ssyncadd.s32 $0xFFFFFF80  }
0x10: {  	s26 =	sor.u32 $0x40, s10;
	s8 =	ssub.s32 s8, s30;
	v2 =	vor.u32 s25, v7;
	v1 =	vshrl.u32 v1, $0x1;
	[tilespmem:$0x170] =	vst v0  }
0x11: {  	s28 =	sor.u32 $0x30, s10;
	v3 =	vor.u32 s26, v7;
	s31 =	smax.u32 s8, $0x1;
	v2 =	vshrl.u32 v2, $0x1;
	[tilespmem:$0x160] =	vst v1  }
0x12: {  	s29 =	sor.u32 $0x20, s10;
	v4 =	vor.u32 s28, v7;
	v3 =	vshrl.u32 v3, $0x1;
	p0 =	sne.s32 s31, $0x1;
	[tilespmem:$0x150] =	vst v2  }
.Ltmp0:
0x13: {  	v5 =	vor.u32 s29, v7;
	v4 =	vshrl.u32 v4, $0x1;
	[tilespmem:$0x140] =	vst v3;
	(pc) =	sbr.rel @!p0 .LBB2_2-.Ltmp0, $4  }
0x14: {  	v6 =	vor.u32 s10, v7;
	s10 =	sor.u32 $0x10, s10;
	v5 =	vshrl.u32 v5, $0x1;
	[tilespmem:$0x130] =	vst v4  }
0x15: {  	v6 =	vshrl.u32 v6, $0x1;
	v7 =	vor.u32 s10, v7;
	[tilespmem:$0x120] =	vst v5  }
0x16: {  	v7 =	vshrl.u32 v7, $0x1;
	[tilespmem:$0x100] =	vst v6  }
0x17: {  	s8 =	sadd.s32 $0x1400, s9;
	s9 =	simm.s32 $0x100;
	s10 =	sadd.s32 $0xFFFFFFFF, s31;
	[tilespmem:$0x110] =	vst v7  }
.LBB2_1:
0x18: {  	[hbm4b:s3+s6] =	stream.indirect.scatter [tilespmem:s9], [sflag:$0x1], $0x1, s2, s6, $0xb8;
	[tilespmem:$0x180] =	vst v63  }
0x19: {  	p0 =	sne.s32 s10, $0x1;
	s10 =	sadd.s32 $0xFFFFFFFF, s10;
	_ =	swait.ge [sflag:s4], $0x80  }
0x1a: {  	[sflag:s4] =	ssyncset.done $0x0  }
0x1b: {  	[sflag:s4] =	ssyncadd.s32 $0xFFFFFF80  }
0x1c: {  	[hbm4b:s8+s6] =	stream.indirect.scatter [tilespmem:s6], [sflag:$0x1], $0x1, s2, s6, $0xb8;
	[tilespmem:$0x180] =	vst v63  }
0x1d: {  	_ =	swait.ge [sflag:s4], $0x80  }
0x1e: {  	[sflag:s4] =	ssyncset.done $0x0  }
0x1f: {  	[sflag:s4] =	ssyncadd.s32 $0xFFFFFF80  }
0x20: {  	[tilespmem:s2], [sflag:$0x1] =	stream.linear.gather [hbm4b:s5+s2], $0x80, $0x38;
	[tilespmem:$0x180] =	vst v63  }
0x21: {  	_ =	swait.ge [sflag:s4], $0x80  }
0x22: {  	[sflag:s4] =	ssyncset.done $0x0  }
0x23: {  	[sflag:s4] =	ssyncadd.s32 $0xFFFFFF80  }
0x24: {  	[tilespmem:s6], [sflag:$0x1] =	stream.linear.gather [hbm4b:s7+s2], $0x80, $0x38;
	[tilespmem:$0x180] =	vst v63  }
0x25: {  	_ =	swait.ge [sflag:s4], $0x80  }
0x26: {  	[sflag:s4] =	ssyncset.done $0x0  }
0x27: {  	[sflag:s4] =	ssyncadd.s32 $0xFFFFFF80  }
0x28: {  	[tilespmem:$0x170] =	vst v0  }
0x29: {  	[tilespmem:$0x160] =	vst v1  }
0x2a: {  	[tilespmem:$0x150] =	vst v2  }
.Ltmp1:
0x2b: {  	[tilespmem:$0x140] =	vst v3;
	(pc) =	sbr.rel @p0 .LBB2_1-.Ltmp1, $4  }
0x2c: {  	[tilespmem:$0x130] =	vst v4  }
0x2d: {  	[tilespmem:$0x120] =	vst v5  }
0x2e: {  	[tilespmem:$0x100] =	vst v6  }
0x2f: {  	[tilespmem:$0x110] =	vst v7  }
.LBB2_2:
0x30: {  	[hbm4b:s3+s6] =	stream.indirect.scatter [tilespmem:s9], [sflag:$0x1], $0x1, s2, s6, $0xb8;
	[tilespmem:$0x180] =	vst v63  }
0x31: {  	_ =	swait.ge [sflag:s4], $0x80  }
0x32: {  	[sflag:s4] =	ssyncset.done $0x0  }
0x33: {  	[sflag:s4] =	ssyncadd.s32 $0xFFFFFF80  }
0x34: {  	[hbm4b:s8+s6] =	stream.indirect.scatter [tilespmem:s6], [sflag:$0x1], $0x1, s2, s6, $0xb8;
	[tilespmem:$0x180] =	vst v63  }
0x35: {  	_ =	swait.ge [sflag:s4], $0x80  }
0x36: {  	[sflag:s4] =	ssyncset.done $0x0  }
0x37: {  	[sflag:s4] =	ssyncadd.s32 $0xFFFFFF80  }
0x38: {  	_ =	sfence.sel $0x180000  }
0x39: {  	[bflag:$0x0] =	sbarrier.arrive $0xFFFF  }
0x3a: {  	p0 =	sne.s32 s0, $0x0;
	_ =	strace $0x90000047  }
0x3b: {  	s0 =	sadd.s32 @!p0 $0x100000, s1;
	[bflag:$0x2] =	sbarrier.arrive $0xFFFF  }
0x3c: {  	[sflag:s0] =	ssyncadd.tile.s32 @!p0 $0x1;
	_ =	shalt  }
.Lfunc_end2:
_tile_overlayer_lowered:
.L_overlay_start_2:
0x3d: {  	(tag) =	ssettag $0x2  }
0x3e: {  	s0 =	rddreg [dreg:$0x0];
	s2 =	stileid.u32  }
0x3f: {  	s1 =	rddreg [dreg:$0x1];
	p0 =	sne.s32 s2, $0x0  }
0x40: {  	s3 =	rddreg [dreg:$0x2];
	[bflag:$0x3] =	sbarrier.arrive $0xFFFF;
	s2 =	simm.s32 @!p0 $0x1C01  }
0x41: {  	[timem:s3], [sflag:s2] =	dma.local @!p0 [hbm:s0], s1  }
0x42: {  	s0 =	simm.s32 @!p0 $0x1  }
0x43: {  	_ =	swait.ge @!p0 [sflag:s0], s1  }
0x44: {  	s1 =	ssub.s32 @!p0 $0x0, s1;
	[sflag:s0] =	ssyncset.done @!p0 $0x0  }
0x45: {  	[sflag:s0] =	ssyncadd.s32 @!p0 s1  }
0x46: {  	[bflag:$0x3] =	sbarrier.arrive $0xFFFF  }
0x47: {  	_ =	shalt  }

</sc_bundles>
